<compile_context>
chip_gen: v7x
topology: tpu7x:2x2x1
jax: 0.10.2.dev20260603
libtpu: 0.0.44.dev20260713+nightly
codegen_flags: <defaults>
</compile_context>

<pallas_src>
import functools

import jax
import jax.numpy as jnp
from jax import lax
from jax.experimental import pallas as pl
from jax.experimental.pallas import tpu as pltpu
from jax.experimental.pallas import tpu_sc as plsc

N = 10000
NPAD = 10240
E = 320000
EPAD = 327680
EB = 128
PE = 160000
PEPAD = 163840
NC, NS = 2, 16
F32 = jnp.float32
I32 = jnp.int32

_SC_PARAMS = dict(
    mesh=plsc.VectorSubcoreMesh(core_axis_name="c", subcore_axis_name="s"),
    compiler_params=pltpu.CompilerParams(needs_layout_passes=False),
)


def _zero_fill(ref, n16):
    zeros = jnp.zeros((16,), F32)

    def body(i, _):
        ref[i // 8, pl.ds((i % 8) * 16, 16)] = zeros
        return 0

    lax.fori_loop(0, n16, body, 0)


def _deg_body(dst_hbm, iden_hbm, deg_hbm, idx_v, hist_v, iden_v, acc_sh):
    c = lax.axis_index("c")
    s = lax.axis_index("s")
    half = NPAD // NC
    lo = c * half
    nrows = EPAD // EB // NS
    pltpu.sync_copy(dst_hbm.at[pl.ds(s * nrows, nrows)], idx_v)
    _zero_fill(hist_v, half // 16)

    @pl.when(s == 0)
    def _():
        pltpu.sync_copy(hist_v, acc_sh)

    pltpu.sync_copy(iden_hbm, iden_v)
    ones = jnp.ones((16,), F32)

    def ebody(i, _):
        idx = idx_v[i // 8, pl.ds((i % 8) * 16, 16)]
        il = idx - lo
        m = (il >= 0) & (il < half)
        ilc = jnp.where(m, il, 0)
        r = lax.shift_right_logical(ilc, 7)
        col = lax.bitwise_and(ilc, 127)
        plsc.addupdate_scatter(hist_v, [r, col], ones, mask=m)
        return 0

    lax.fori_loop(0, nrows * 8, ebody, 0)
    plsc.subcore_barrier()
    pltpu.sync_copy(hist_v, acc_sh.at[iden_v], add=True)
    plsc.subcore_barrier()

    @pl.when(s == 0)
    def _():
        pltpu.sync_copy(acc_sh, deg_hbm.at[c])


@functools.partial(
    pl.kernel,
    out_type=jax.ShapeDtypeStruct((NC, NPAD // NC // 128, 128), F32),
    scratch_types=[
        pltpu.VMEM((EPAD // EB // NS, EB), I32),
        pltpu.VMEM((NPAD // NC // 128, 128), F32),
        pltpu.VMEM((NPAD // NC // 128,), I32),
        pltpu.VMEM_SHARED((NPAD // NC // 128, 128), F32),
    ],
    **_SC_PARAMS,
)
def _deg(dst_hbm, iden_hbm, deg_hbm, idx_v, hist_v, iden_v, acc_sh):
    _deg_body(dst_hbm, iden_hbm, deg_hbm, idx_v, hist_v, iden_v, acc_sh)


def _mm1_body(deg_ref, x_ref, w1_ref, hs_ref, dis_ref):
    dis = lax.rsqrt(deg_ref[...] + 1.0)
    h = jnp.dot(x_ref[...], w1_ref[...], preferred_element_type=F32)
    hs = h * dis
    hs_ref[0] = hs[:, :128]
    hs_ref[1] = hs[:, 128:]
    dis_ref[...] = dis


def _mm1(deg, xp, w1):
    R = 1024
    g = NPAD // R
    return pl.pallas_call(
        _mm1_body,
        grid=(g,),
        in_specs=[
            pl.BlockSpec((R, 1), lambda i: (i, 0)),
            pl.BlockSpec((R, 128), lambda i: (i, 0)),
            pl.BlockSpec((128, 256), lambda i: (0, 0)),
        ],
        out_specs=[
            pl.BlockSpec((2, R, 128), lambda i: (0, i, 0)),
            pl.BlockSpec((R, 1), lambda i: (i, 0)),
        ],
        out_shape=[
            jax.ShapeDtypeStruct((2, NPAD, 128), F32),
            jax.ShapeDtypeStruct((NPAD, 1), F32),
        ],
    )(deg, xp, w1)


def _agg_pipeline(src_hbm, dst_hbm, tab_hbm, src_v, dst_v, buf0, buf1,
                  acc_sh, g0, g1, s0, s1, base, nb, ch, off):

    def chunk(q, _):
        pltpu.sync_copy(src_hbm.at[pl.ds(base + q * ch, ch)], src_v)
        pltpu.sync_copy(dst_hbm.at[pl.ds(base + q * ch, ch)], dst_v)

        if off is not None:
            def obody(i, _):
                sl = (i // 8, pl.ds((i % 8) * 16, 16))
                src_v[sl] = src_v[sl] + off
                return 0

            lax.fori_loop(0, ch * 8, obody, 0)

        pltpu.async_copy(tab_hbm.at[src_v.at[0]], buf0, g0)
        pltpu.async_copy(tab_hbm.at[src_v.at[1]], buf1, g1)

        def body(j2, _):
            j = 2 * j2
            pltpu.make_async_copy(tab_hbm.at[src_v.at[j]], buf0, g0).wait()
            pltpu.async_copy(buf0, acc_sh.at[dst_v.at[j]], s0, add=True)
            pltpu.make_async_copy(tab_hbm.at[src_v.at[j + 1]], buf1, g1).wait()
            pltpu.async_copy(buf1, acc_sh.at[dst_v.at[j + 1]], s1, add=True)
            pltpu.make_async_copy(buf0, acc_sh.at[dst_v.at[j]], s0).wait()

            @pl.when(j + 2 < ch)
            def _():
                pltpu.async_copy(tab_hbm.at[src_v.at[j + 2]], buf0, g0)

            pltpu.make_async_copy(buf1, acc_sh.at[dst_v.at[j + 1]], s1).wait()

            @pl.when(j + 3 < ch)
            def _():
                pltpu.async_copy(tab_hbm.at[src_v.at[j + 3]], buf1, g1)

            return 0

        lax.fori_loop(0, ch // 2, body, 0)
        return 0

    lax.fori_loop(0, nb // ch, chunk, 0)


def _agg_cols_body(src_hbm, dst_hbm, tab_hbm, out_hbm,
                   src_v, dst_v, buf0, buf1, zbuf_v, acc_sh, g0, g1, s0, s1):
    c = lax.axis_index("c")
    s = lax.axis_index("s")
    nb = EPAD // EB // NS
    rows = NPAD // NS
    _zero_fill(zbuf_v, 256)

    def zcopy(k, _):
        pltpu.sync_copy(zbuf_v, acc_sh.at[pl.ds(s * rows + k * 32, 32)])
        return 0

    lax.fori_loop(0, rows // 32, zcopy, 0)
    plsc.subcore_barrier()
    _agg_pipeline(src_hbm, dst_hbm, tab_hbm, src_v, dst_v, buf0, buf1,
                  acc_sh, g0, g1, s0, s1, s * nb, nb, 32, c * NPAD)
    plsc.subcore_barrier()
    pltpu.sync_copy(acc_sh.at[pl.ds(s * rows, rows)],
                    out_hbm.at[c, pl.ds(s * rows, rows)])


@functools.partial(
    pl.kernel,
    out_type=jax.ShapeDtypeStruct((2, NPAD, 128), F32),
    scratch_types=[
        pltpu.VMEM((32, EB), I32),
        pltpu.VMEM((32, EB), I32),
        pltpu.VMEM((EB, 128), F32),
        pltpu.VMEM((EB, 128), F32),
        pltpu.VMEM((32, 128), F32),
        pltpu.VMEM_SHARED((NPAD, 128), F32),
        pltpu.SemaphoreType.DMA,
        pltpu.SemaphoreType.DMA,
        pltpu.SemaphoreType.DMA,
        pltpu.SemaphoreType.DMA,
    ],
    **_SC_PARAMS,
)
def _agg_cols(src_hbm, dst_hbm, tab_hbm, out_hbm,
              src_v, dst_v, buf0, buf1, zbuf_v, acc_sh, g0, g1, s0, s1):
    _agg_cols_body(src_hbm, dst_hbm, tab_hbm, out_hbm,
                   src_v, dst_v, buf0, buf1, zbuf_v, acc_sh, g0, g1, s0, s1)


def _mm2_body(dis_ref, alo_ref, ahi_ref, hlo_ref, hhi_ref, b1_ref, w2_ref,
              out_ref):
    dis = dis_ref[...]
    b1 = b1_ref[...]
    zlo = jnp.maximum((alo_ref[0] + hlo_ref[0]) * dis + b1[:, :128], 0.0)
    zhi = jnp.maximum((ahi_ref[0] + hhi_ref[0]) * dis + b1[:, 128:], 0.0)
    h2 = (jnp.dot(zlo, w2_ref[...][:128], preferred_element_type=F32)
          + jnp.dot(zhi, w2_ref[...][128:], preferred_element_type=F32))
    out_ref[...] = h2 * dis


def _mm2(dis, agg3, hs3, b1, w2):
    R = 1024
    g = NPAD // R
    return pl.pallas_call(
        _mm2_body,
        grid=(g,),
        in_specs=[
            pl.BlockSpec((R, 1), lambda i: (i, 0)),
            pl.BlockSpec((1, R, 128), lambda i: (0, i, 0)),
            pl.BlockSpec((1, R, 128), lambda i: (1, i, 0)),
            pl.BlockSpec((1, R, 128), lambda i: (0, i, 0)),
            pl.BlockSpec((1, R, 128), lambda i: (1, i, 0)),
            pl.BlockSpec((1, 256), lambda i: (0, 0)),
            pl.BlockSpec((256, 128), lambda i: (0, 0)),
        ],
        out_specs=pl.BlockSpec((R, 128), lambda i: (i, 0)),
        out_shape=jax.ShapeDtypeStruct((NPAD, 128), F32),
    )(dis, agg3, agg3, hs3, hs3, b1, w2)


def _agg_rows_body(src_hbm, dst_hbm, tab_hbm, out_hbm,
                   src_v, dst_v, buf0, buf1, zbuf_v, acc_sh, g0, g1, s0, s1):
    c = lax.axis_index("c")
    s = lax.axis_index("s")
    nb = EPAD // EB // (NC * NS)
    rows = NPAD // NS
    _zero_fill(zbuf_v, 256)

    def zcopy(k, _):
        pltpu.sync_copy(zbuf_v, acc_sh.at[pl.ds(s * rows + k * 32, 32)])
        return 0

    lax.fori_loop(0, rows // 32, zcopy, 0)
    plsc.subcore_barrier()
    _agg_pipeline(src_hbm, dst_hbm, tab_hbm, src_v, dst_v, buf0, buf1,
                  acc_sh, g0, g1, s0, s1, (c * NS + s) * nb, nb, 16, None)
    plsc.subcore_barrier()
    pltpu.sync_copy(acc_sh.at[pl.ds(s * rows, rows)],
                    out_hbm.at[c, pl.ds(s * rows, rows)])


@functools.partial(
    pl.kernel,
    out_type=jax.ShapeDtypeStruct((2, NPAD, 128), F32),
    scratch_types=[
        pltpu.VMEM((16, EB), I32),
        pltpu.VMEM((16, EB), I32),
        pltpu.VMEM((EB, 128), F32),
        pltpu.VMEM((EB, 128), F32),
        pltpu.VMEM((32, 128), F32),
        pltpu.VMEM_SHARED((NPAD, 128), F32),
        pltpu.SemaphoreType.DMA,
        pltpu.SemaphoreType.DMA,
        pltpu.SemaphoreType.DMA,
        pltpu.SemaphoreType.DMA,
    ],
    **_SC_PARAMS,
)
def _agg_rows(src_hbm, dst_hbm, tab_hbm, out_hbm,
              src_v, dst_v, buf0, buf1, zbuf_v, acc_sh, g0, g1, s0, s1):
    _agg_rows_body(src_hbm, dst_hbm, tab_hbm, out_hbm,
                   src_v, dst_v, buf0, buf1, zbuf_v, acc_sh, g0, g1, s0, s1)


def _mm3_body(dis_ref, p0_ref, p1_ref, h2_ref, b2_ref, wt_ref, wb_ref, bl1_ref,
              z_ref, a_ref, bb_ref):
    dis = dis_ref[...]
    z = (p0_ref[0] + p1_ref[0] + h2_ref[...]) * dis + b2_ref[...]
    z_ref[...] = z
    a_ref[...] = jnp.dot(
        z, wt_ref[...], preferred_element_type=F32).astype(jnp.bfloat16)
    bb_ref[...] = (jnp.dot(z, wb_ref[...], preferred_element_type=F32)
                   + bl1_ref[...]).astype(jnp.bfloat16)


def _mm3(dis, p3, h2, b2, wt, wb, bl1):
    R = 1024
    g = NPAD // R
    return pl.pallas_call(
        _mm3_body,
        grid=(g,),
        in_specs=[
            pl.BlockSpec((R, 1), lambda i: (i, 0)),
            pl.BlockSpec((1, R, 128), lambda i: (0, i, 0)),
            pl.BlockSpec((1, R, 128), lambda i: (1, i, 0)),
            pl.BlockSpec((R, 128), lambda i: (i, 0)),
            pl.BlockSpec((1, 128), lambda i: (0, 0)),
            pl.BlockSpec((128, 256), lambda i: (0, 0)),
            pl.BlockSpec((128, 256), lambda i: (0, 0)),
            pl.BlockSpec((1, 256), lambda i: (0, 0)),
        ],
        out_specs=[
            pl.BlockSpec((R, 128), lambda i: (i, 0)),
            pl.BlockSpec((R, 256), lambda i: (i, 0)),
            pl.BlockSpec((R, 256), lambda i: (i, 0)),
        ],
        out_shape=[
            jax.ShapeDtypeStruct((NPAD, 128), F32),
            jax.ShapeDtypeStruct((NPAD, 256), jnp.bfloat16),
            jax.ShapeDtypeStruct((NPAD, 256), jnp.bfloat16),
        ],
    )(dis, p3, p3, h2, b2, wt, wb, bl1)


DB = 128
DNB = 2 * PEPAD // DB // (NC * NS)
BF16 = jnp.bfloat16


def _decode_body(sv_hbm, dv_hbm, a_hbm, b_hbm, wb_hbm, bl2_hbm,
                 out_hbm, sv, dv, bufa0, bufb0, bufa1, bufb1, wbv, bl2v_ref,
                 score_v, sa0, sb0, sa1, sb1):
    c = lax.axis_index("c")
    s = lax.axis_index("s")
    wid = c * NS + s
    pltpu.sync_copy(wb_hbm, wbv)
    pltpu.sync_copy(bl2_hbm, bl2v_ref)
    pltpu.sync_copy(sv_hbm.at[pl.ds(wid * DNB, DNB)], sv)
    pltpu.sync_copy(dv_hbm.at[pl.ds(wid * DNB, DNB)], dv)
    bl2v = bl2v_ref[0]
    lane = lax.iota(I32, 16)
    zero = jnp.zeros((16,), F32)
    wev = [wbv[2 * wc] for wc in range(8)]
    wod = [wbv[2 * wc + 1] for wc in range(8)]

    def compute(j, bufa, bufb):
        def dot1(e):
            acc_e = zero
            acc_o = zero
            for wc in range(8):
                wa = bufa[e, pl.ds(wc * 16, 16)]
                wb = bufb[e, pl.ds(wc * 16, 16)]
                u = jnp.maximum(plsc.bitcast(wa, BF16)
                                + plsc.bitcast(wb, BF16), 0.0)
                m = plsc.bitcast(u, I32)
                ue = plsc.bitcast(lax.shift_left(m, 16), F32)
                uo = plsc.bitcast(m & jnp.int32(-65536), F32)
                acc_e = acc_e + ue * wev[wc]
                acc_o = acc_o + uo * wod[wc]
            return jnp.sum(acc_e + acc_o)

        def ebody(e2, svec):
            e = 4 * e2
            for q in range(4):
                sq = dot1(e + q)
                svec = jnp.where(lane == ((e + q) & 15), sq, svec)

            @pl.when(((e + 3) & 15) == 15)
            def _():
                gidx = lax.shift_left(lax.shift_right_logical(e, 4), 4)
                score_v[j & 15, pl.ds(gidx, 16)] = (
                    1.0 / (1.0 + jnp.exp(-(svec + bl2v))))

            return svec

        lax.fori_loop(0, DB // 4, ebody, zero)

    pltpu.async_copy(a_hbm.at[sv.at[0]], bufa0, sa0)
    pltpu.async_copy(b_hbm.at[dv.at[0]], bufb0, sb0)

    def body(j2, _):
        j = 2 * j2
        pltpu.async_copy(a_hbm.at[sv.at[j + 1]], bufa1, sa1)
        pltpu.async_copy(b_hbm.at[dv.at[j + 1]], bufb1, sb1)
        pltpu.make_async_copy(a_hbm.at[sv.at[j]], bufa0, sa0).wait()
        pltpu.make_async_copy(b_hbm.at[dv.at[j]], bufb0, sb0).wait()
        compute(j, bufa0, bufb0)

        @pl.when(j + 2 < DNB)
        def _():
            pltpu.async_copy(a_hbm.at[sv.at[j + 2]], bufa0, sa0)
            pltpu.async_copy(b_hbm.at[dv.at[j + 2]], bufb0, sb0)

        pltpu.make_async_copy(a_hbm.at[sv.at[j + 1]], bufa1, sa1).wait()
        pltpu.make_async_copy(b_hbm.at[dv.at[j + 1]], bufb1, sb1).wait()
        compute(j + 1, bufa1, bufb1)

        @pl.when((j2 & 7) == 7)
        def _():
            start = pl.multiple_of(wid * DNB + 2 * j2 - 14, 8)
            pltpu.sync_copy(score_v, out_hbm.at[pl.ds(start, 16)])

        return 0

    lax.fori_loop(0, DNB // 2, body, 0)


@functools.partial(
    pl.kernel,
    out_type=jax.ShapeDtypeStruct((2 * PEPAD // DB, DB), F32),
    scratch_types=[
        pltpu.VMEM((DNB, DB), I32),
        pltpu.VMEM((DNB, DB), I32),
        pltpu.VMEM((DB, 128), I32),
        pltpu.VMEM((DB, 128), I32),
        pltpu.VMEM((DB, 128), I32),
        pltpu.VMEM((DB, 128), I32),
        pltpu.VMEM((16, 16), F32),
        pltpu.VMEM((1, 16), F32),
        pltpu.VMEM((16, DB), F32),
        pltpu.SemaphoreType.DMA,
        pltpu.SemaphoreType.DMA,
        pltpu.SemaphoreType.DMA,
        pltpu.SemaphoreType.DMA,
    ],
    **_SC_PARAMS,
)
def _decode(sv_hbm, dv_hbm, a_hbm, b_hbm, wb_hbm, bl2_hbm,
            out_hbm, sv, dv, bufa0, bufb0, bufa1, bufb1, wbv, bl2v_ref,
            score_v, sa0, sb0, sa1, sb1):
    _decode_body(sv_hbm, dv_hbm, a_hbm, b_hbm, wb_hbm, bl2_hbm,
                 out_hbm, sv, dv, bufa0, bufb0, bufa1, bufb1, wbv, bl2v_ref,
                 score_v, sa0, sb0, sa1, sb1)


def kernel(x, edge_index, pos_edge_index, neg_edge_index,
           W1, b1, W2, b2, Wl1, bl1, Wl2, bl2):
    epad = jnp.full((EPAD - E,), N, I32)
    src2 = jnp.concatenate([edge_index[0], epad]).reshape(EPAD // EB, EB)
    dst2 = jnp.concatenate([edge_index[1], epad]).reshape(EPAD // EB, EB)
    xp = jnp.pad(x, ((0, NPAD - N), (0, 0)))

    iden = jnp.arange(NPAD // NC // 128, dtype=I32)
    deg = _deg(dst2, iden).reshape(NPAD, 1)
    hs3, dis = _mm1(deg, xp, W1)
    agg3 = _agg_cols(src2, dst2, hs3.reshape(2 * NPAD, 128))
    h2 = _mm2(dis, agg3, hs3, b1.reshape(1, 256), W2)
    p3 = _agg_rows(src2, dst2, h2)
    z, A, Bb = _mm3(dis, p3, h2, b2.reshape(1, 128), Wl1[:128], Wl1[128:],
                    bl1.reshape(1, 256))

    ppad = jnp.zeros((PEPAD - PE,), I32)
    sv2 = jnp.concatenate([pos_edge_index[0], ppad, neg_edge_index[0], ppad]
                          ).reshape(2 * PEPAD // DB, DB)
    dv2 = jnp.concatenate([pos_edge_index[1], ppad, neg_edge_index[1], ppad]
                          ).reshape(2 * PEPAD // DB, DB)
    apk = lax.bitcast_convert_type(A.reshape(NPAD, 128, 2), I32)
    bpk = lax.bitcast_convert_type(Bb.reshape(NPAD, 128, 2), I32)
    wbc = Wl2[:, 0].reshape(8, 16, 2).transpose(0, 2, 1).reshape(16, 16)
    bl2v = jnp.broadcast_to(bl2, (1, 16))

    scores = _decode(sv2, dv2, apk, bpk, wbc, bl2v).reshape(-1)
    return (z[:N], scores[:PE], scores[PEPAD:PEPAD + PE])

# --- scband reference (transcript-rebuilt; emitter-appended) ---
"""Pipeline reference for scband-base-gnn-10050223473233 (READ-ONLY COPY).

The authoritative reference and input builder live on the scoring server;
editing this copy changes nothing except your own understanding.
"""

import jax, jax.numpy as jnp
import numpy as np

N_NODES = 10000

def gcn_conv(x, edge_index, W, b):
    num_nodes = x.shape[0]
    loop = jnp.arange(num_nodes, dtype=edge_index.dtype)
    src = jnp.concatenate([edge_index[0], loop])
    dst = jnp.concatenate([edge_index[1], loop])
    deg = jax.ops.segment_sum(jnp.ones(src.shape, dtype=x.dtype), dst, num_segments=num_nodes)
    dis = jnp.where(deg > 0, 1.0 / jnp.sqrt(jnp.maximum(deg, 1e-12)), 0.0)
    norm = dis[src] * dis[dst]
    h = x @ W
    out = jax.ops.segment_sum(h[src] * norm[:, None], dst, num_segments=num_nodes)
    return out + b

def decode(z, ei, Wl1, bl1, Wl2, bl2):
    ef = jnp.concatenate([z[ei[0]], z[ei[1]]], axis=-1)
    ef = jax.nn.relu(ef @ Wl1 + bl1)
    s = jax.nn.sigmoid(ef @ Wl2 + bl2)
    return jnp.squeeze(s, axis=-1)

def setup_inputs(seed: int = 0):
    key = jax.random.key(seed)
    ks = jax.random.split(key, 12)
    x = jax.random.normal(ks[0], (N_NODES, 128), dtype=jnp.float32)
    edge_index = jax.random.randint(ks[1], (2, 320000), 0, N_NODES, dtype=jnp.int32)
    pos_edge_index = jax.random.randint(ks[2], (2, 160000), 0, N_NODES, dtype=jnp.int32)
    neg_edge_index = jax.random.randint(ks[3], (2, 160000), 0, N_NODES, dtype=jnp.int32)
    W1 = jax.random.normal(ks[4], (128, 256), dtype=jnp.float32) * (1.0 / np.sqrt(128))
    b1 = jnp.zeros((256,), dtype=jnp.float32)
    W2 = jax.random.normal(ks[5], (256, 128), dtype=jnp.float32) * (1.0 / np.sqrt(256))
    b2 = jnp.zeros((128,), dtype=jnp.float32)
    Wl1 = jax.random.normal(ks[6], (256, 256), dtype=jnp.float32) * (1.0 / np.sqrt(256))
    bl1 = jnp.zeros((256,), dtype=jnp.float32)
    Wl2 = jax.random.normal(ks[7], (256, 1), dtype=jnp.float32) * (1.0 / np.sqrt(256))
    bl2 = jnp.zeros((1,), dtype=jnp.float32)
    return {"x": x, "edge_index": edge_index, "pos_edge_index": pos_edge_index,
            "neg_edge_index": neg_edge_index, "W1": W1, "b1": b1, "W2": W2, "b2": b2,
            "Wl1": Wl1, "bl1": bl1, "Wl2": Wl2, "bl2": bl2}

def reference(x, edge_index, pos_edge_index, neg_edge_index, W1, b1, W2, b2, Wl1, bl1, Wl2, bl2):
    # encode (eval mode: dropout is identity)
    z = gcn_conv(x, edge_index, W1, b1)
    z = jax.nn.relu(z)
    z = gcn_conv(z, edge_index, W2, b2)
    # decode pos/neg edge scores
    pos_scores = decode(z, pos_edge_index, Wl1, bl1, Wl2, bl2)
    neg_scores = decode(z, neg_edge_index, Wl1, bl1, Wl2, bl2)
    return (z, pos_scores, neg_scores)

if __name__ == "__main__":
    import jax
    _d = setup_inputs()
    print(jax.jit(kernel)(*tuple(_d.values())))

</pallas_src>

<mosaic_0001>
#map = affine_map<(d0, d1) -> (0, 0)>
#map1 = affine_map<(d0, d1) -> (0)>
#map2 = affine_map<(d0, d1) -> (0, 0, 0)>
module attributes {stable_mosaic.version = 14 : i64} {
  func.func @_deg(%arg0: i32, %arg1: i32, %arg2: memref<2560x128xi32, #tpu.memory_space<hbm>>, %arg3: memref<40xi32, #tpu.memory_space<hbm>>, %arg4: memref<2x40x128xf32, #tpu.memory_space<hbm>>, %arg5: memref<160x128xi32, #tpu.memory_space<vmem>>, %arg6: memref<40x128xf32, #tpu.memory_space<vmem>>, %arg7: memref<40xi32, #tpu.memory_space<vmem>>, %arg8: memref<40x128xf32, #tpu.memory_space<vmem_shared>>) attributes {dimension_semantics = [#tpu.dimension_semantics<core_parallel>, #tpu.dimension_semantics<subcore_parallel>], iteration_bounds = array<i64: 2, 16>, scalar_prefetch = 0 : i64, scratch_operands = 4 : i64, tpu.core_type = #tpu.core_type<sc_vector_subcore>, window_params = [{transform_indices = #map}, {transform_indices = #map1}, {transform_indices = #map2}]} {
    %mul3A = arith.constant 5120 : i32
    %mul3A_0 = arith.muli %arg0, %mul3A : i32
    %mul3A_1 = arith.constant 160 : i32
    %mul3A_2 = arith.muli %arg1, %mul3A_1 : i32
    "tpu.region"() ({
      %run_scoped3A = tpu.sem_alloc : memref<!tpu.dma_semaphore, #tpu.memory_space<semaphore_mem>>
      %dma_start3A = arith.constant 0 : i32
      %dma_start3A_27 = tpu.memref_slice %arg2[%mul3A_2, %dma_start3A] : memref<2560x128xi32, #tpu.memory_space<hbm>> -> memref<160x128xi32, #tpu.memory_space<hbm>>
      %dma_start3A_28 = arith.constant 0 : i32
      %dma_start3A_29 = tpu.memref_slice %arg2[%mul3A_2, %dma_start3A_28] : memref<2560x128xi32, #tpu.memory_space<hbm>> -> memref<160x128xi32, #tpu.memory_space<hbm>>
      tpu.enqueue_dma source(%dma_start3A_29 : memref<160x128xi32, #tpu.memory_space<hbm>>) target(%arg5 : memref<160x128xi32, #tpu.memory_space<vmem>>) target_semaphore(%run_scoped3A : memref<!tpu.dma_semaphore, #tpu.memory_space<semaphore_mem>>)
      %dma_wait3A = arith.constant 0 : i32
      %dma_wait3A_30 = tpu.memref_slice %arg2[%mul3A_2, %dma_wait3A] : memref<2560x128xi32, #tpu.memory_space<hbm>> -> memref<160x128xi32, #tpu.memory_space<hbm>>
      %dma_wait3A_31 = arith.constant 0 : i32
      %dma_wait3A_32 = tpu.memref_slice %arg2[%mul3A_2, %dma_wait3A_31] : memref<2560x128xi32, #tpu.memory_space<hbm>> -> memref<160x128xi32, #tpu.memory_space<hbm>>
      tpu.wait_dma2 semaphore(%run_scoped3A : memref<!tpu.dma_semaphore, #tpu.memory_space<semaphore_mem>>) src(%dma_wait3A_32 : memref<160x128xi32, #tpu.memory_space<hbm>>) dst(%arg5 : memref<160x128xi32, #tpu.memory_space<vmem>>)
      tpu.yield
    }) : () -> ()
    %broadcast_in_dim3A = arith.constant 0.000000e+00 : f32
    %broadcast_in_dim3A_3 = vector.broadcast %broadcast_in_dim3A : f32 to vector<16xf32>
    %scan3A = arith.constant 0 : i32
    %scan3A_4 = arith.constant 0 : i32
    %scan3A_5 = arith.constant 320 : i32
    %scan3A_6 = arith.addi %scan3A_4, %scan3A_5 : i32
    %scan3A_7 = arith.constant 1 : i32
    %scan3A_8 = scf.for %scan3A_27 = %scan3A_4 to %scan3A_6 step %scan3A_7 iter_args(%scan3A_28 = %scan3A) -> (i32)  : i32 {
      %jit3A = arith.constant 8 : i32
      %div3A = arith.divsi %scan3A_27, %jit3A : i32
      %sign3A = arith.constant 0 : i32
      %sign3A_29 = arith.cmpi sgt, %scan3A_27, %sign3A : i32
      %sign3A_30 = arith.extui %sign3A_29 : i1 to i32
      %sign3A_31 = arith.constant 0 : i32
      %sign3A_32 = arith.cmpi slt, %scan3A_27, %sign3A_31 : i32
      %sign3A_33 = arith.extui %sign3A_32 : i1 to i32
      %sign3A_34 = arith.subi %sign3A_30, %sign3A_33 : i32
      %sign3A_35 = arith.constant 0 : i32
      %sign3A_36 = arith.cmpi sgt, %jit3A, %sign3A_35 : i32
      %sign3A_37 = arith.extui %sign3A_36 : i1 to i32
      %sign3A_38 = arith.constant 0 : i32
      %sign3A_39 = arith.cmpi slt, %jit3A, %sign3A_38 : i32
      %sign3A_40 = arith.extui %sign3A_39 : i1 to i32
      %sign3A_41 = arith.subi %sign3A_37, %sign3A_40 : i32
      %ne3A = arith.cmpi ne, %sign3A_34, %sign3A_41 : i32
      %rem3A = arith.remsi %scan3A_27, %jit3A : i32
      %ne3A_42 = arith.constant 0 : i32
      %ne3A_43 = arith.cmpi ne, %rem3A, %ne3A_42 : i32
      %and3A = arith.andi %ne3A, %ne3A_43 : i1
      %sub3A = arith.constant 1 : i32
      %sub3A_44 = arith.subi %div3A, %sub3A : i32
      %select_n3A = arith.select %and3A, %sub3A_44, %div3A : i32
      %jit3A_45 = arith.constant 8 : i32
      %eq3A_46 = arith.constant 0 : i32
      %eq3A_47 = arith.cmpi eq, %jit3A_45, %eq3A_46 : i32
      %jit3A_48 = arith.constant 1 : i32
      %select_n3A_49 = arith.select %eq3A_47, %jit3A_48, %jit3A_45 : i32
      %rem3A_50 = arith.remsi %scan3A_27, %select_n3A_49 : i32
      %ne3A_51 = arith.constant 0 : i32
      %ne3A_52 = arith.cmpi ne, %rem3A_50, %ne3A_51 : i32
      %lt3A = arith.constant 0 : i32
      %lt3A_53 = arith.cmpi slt, %rem3A_50, %lt3A : i32
      %lt3A_54 = arith.constant 0 : i32
      %lt3A_55 = arith.cmpi slt, %select_n3A_49, %lt3A_54 : i32
      %ne3A_56 = arith.xori %lt3A_53, %lt3A_55 : i1
      %and3A_57 = arith.andi %ne3A_56, %ne3A_52 : i1
      %add3A = arith.addi %rem3A_50, %select_n3A_49 : i32
      %select_n3A_58 = arith.select %and3A_57, %add3A, %rem3A_50 : i32
      %mul3A_59 = arith.constant 16 : i32
      %mul3A_60 = arith.muli %select_n3A_58, %mul3A_59 : i32
      %swap3A = arith.index_cast %select_n3A : i32 to index
      %swap3A_61 = arith.index_cast %mul3A_60 : i32 to index
      %swap3A_62 = tpu.vector_load %arg6[%swap3A, %swap3A_61] {strides = array<i32>} : memref<40x128xf32, #tpu.memory_space<vmem>>, vector<16xf32>,
      tpu.vector_store %arg6[%swap3A, %swap3A_61], %broadcast_in_dim3A_3 {strides = array<i32>} : memref<40x128xf32, #tpu.memory_space<vmem>>, vector<16xf32>,
      %scan3A_63 = arith.constant 0 : i32
      scf.yield %scan3A_63 : i32
    }
    %scan3A_9 = arith.constant 320 : i32
    %eq3A = arith.constant 0 : i32
    %eq3A_10 = arith.cmpi eq, %arg1, %eq3A : i32
    %convert_element_type3A = arith.extui %eq3A_10 : i1 to i32
    %cond3A = arith.constant 0 : i32
    %cond3A_11 = arith.cmpi ne, %convert_element_type3A, %cond3A : i32
    scf.if %cond3A_11 {
      "tpu.region"() ({
        %run_scoped3A = tpu.sem_alloc : memref<!tpu.dma_semaphore, #tpu.memory_space<semaphore_mem>>
        tpu.enqueue_dma source(%arg6 : memref<40x128xf32, #tpu.memory_space<vmem>>) target(%arg8 : memref<40x128xf32, #tpu.memory_space<vmem_shared>>) target_semaphore(%run_scoped3A : memref<!tpu.dma_semaphore, #tpu.memory_space<semaphore_mem>>)
        tpu.wait_dma2 semaphore(%run_scoped3A : memref<!tpu.dma_semaphore, #tpu.memory_space<semaphore_mem>>) src(%arg6 : memref<40x128xf32, #tpu.memory_space<vmem>>) dst(%arg8 : memref<40x128xf32, #tpu.memory_space<vmem_shared>>)
        tpu.yield
      }) : () -> ()
    } else {
    }
    "tpu.region"() ({
      %run_scoped3A = tpu.sem_alloc : memref<!tpu.dma_semaphore, #tpu.memory_space<semaphore_mem>>
      tpu.enqueue_dma source(%arg3 : memref<40xi32, #tpu.memory_space<hbm>>) target(%arg7 : memref<40xi32, #tpu.memory_space<vmem>>) target_semaphore(%run_scoped3A : memref<!tpu.dma_semaphore, #tpu.memory_space<semaphore_mem>>)
      tpu.wait_dma2 semaphore(%run_scoped3A : memref<!tpu.dma_semaphore, #tpu.memory_space<semaphore_mem>>) src(%arg3 : memref<40xi32, #tpu.memory_space<hbm>>) dst(%arg7 : memref<40xi32, #tpu.memory_space<vmem>>)
      tpu.yield
    }) : () -> ()
    %broadcast_in_dim3A_12 = arith.constant 1.000000e+00 : f32
    %broadcast_in_dim3A_13 = vector.broadcast %broadcast_in_dim3A_12 : f32 to vector<16xf32>
    %scan3A_14 = arith.constant 0 : i32
    %scan3A_15 = arith.constant 0 : i32
    %scan3A_16 = arith.constant 1280 : i32
    %scan3A_17 = arith.addi %scan3A_15, %scan3A_16 : i32
    %scan3A_18 = arith.constant 1 : i32
    %scan3A_19 = scf.for %scan3A_27 = %scan3A_15 to %scan3A_17 step %scan3A_18 iter_args(%scan3A_28 = %scan3A_14) -> (i32)  : i32 {
      %jit3A = arith.constant 8 : i32
      %div3A = arith.divsi %scan3A_27, %jit3A : i32
      %sign3A = arith.constant 0 : i32
      %sign3A_29 = arith.cmpi sgt, %scan3A_27, %sign3A : i32
      %sign3A_30 = arith.extui %sign3A_29 : i1 to i32
      %sign3A_31 = arith.constant 0 : i32
      %sign3A_32 = arith.cmpi slt, %scan3A_27, %sign3A_31 : i32
      %sign3A_33 = arith.extui %sign3A_32 : i1 to i32
      %sign3A_34 = arith.subi %sign3A_30, %sign3A_33 : i32
      %sign3A_35 = arith.constant 0 : i32
      %sign3A_36 = arith.cmpi sgt, %jit3A, %sign3A_35 : i32
      %sign3A_37 = arith.extui %sign3A_36 : i1 to i32
      %sign3A_38 = arith.constant 0 : i32
      %sign3A_39 = arith.cmpi slt, %jit3A, %sign3A_38 : i32
      %sign3A_40 = arith.extui %sign3A_39 : i1 to i32
      %sign3A_41 = arith.subi %sign3A_37, %sign3A_40 : i32
      %ne3A = arith.cmpi ne, %sign3A_34, %sign3A_41 : i32
      %rem3A = arith.remsi %scan3A_27, %jit3A : i32
      %ne3A_42 = arith.constant 0 : i32
      %ne3A_43 = arith.cmpi ne, %rem3A, %ne3A_42 : i32
      %and3A = arith.andi %ne3A, %ne3A_43 : i1
      %sub3A = arith.constant 1 : i32
      %sub3A_44 = arith.subi %div3A, %sub3A : i32
      %select_n3A = arith.select %and3A, %sub3A_44, %div3A : i32
      %jit3A_45 = arith.constant 8 : i32
      %eq3A_46 = arith.constant 0 : i32
      %eq3A_47 = arith.cmpi eq, %jit3A_45, %eq3A_46 : i32
      %jit3A_48 = arith.constant 1 : i32
      %select_n3A_49 = arith.select %eq3A_47, %jit3A_48, %jit3A_45 : i32
      %rem3A_50 = arith.remsi %scan3A_27, %select_n3A_49 : i32
      %ne3A_51 = arith.constant 0 : i32
      %ne3A_52 = arith.cmpi ne, %rem3A_50, %ne3A_51 : i32
      %lt3A = arith.constant 0 : i32
      %lt3A_53 = arith.cmpi slt, %rem3A_50, %lt3A : i32
      %lt3A_54 = arith.constant 0 : i32
      %lt3A_55 = arith.cmpi slt, %select_n3A_49, %lt3A_54 : i32
      %ne3A_56 = arith.xori %lt3A_53, %lt3A_55 : i1
      %and3A_57 = arith.andi %ne3A_56, %ne3A_52 : i1
      %add3A = arith.addi %rem3A_50, %select_n3A_49 : i32
      %select_n3A_58 = arith.select %and3A_57, %add3A, %rem3A_50 : i32
      %mul3A_59 = arith.constant 16 : i32
      %mul3A_60 = arith.muli %select_n3A_58, %mul3A_59 : i32
      %get3A = arith.index_cast %select_n3A : i32 to index
      %get3A_61 = arith.index_cast %mul3A_60 : i32 to index
      %get3A_62 = tpu.vector_load %arg5[%get3A, %get3A_61] {strides = array<i32>} : memref<160x128xi32, #tpu.memory_space<vmem>>, vector<16xi32>,
      %sub3A_63 = vector.broadcast %mul3A_0 : i32 to vector<16xi32>
      %sub3A_64 = arith.subi %get3A_62, %sub3A_63 : vector<16xi32>
      %ge3A = arith.constant 0 : i32
      %ge3A_65 = vector.broadcast %ge3A : i32 to vector<16xi32>
      %ge3A_66 = arith.cmpi sge, %sub3A_64, %ge3A_65 : vector<16xi32>
      %lt3A_67 = arith.constant 5120 : i32
      %lt3A_68 = vector.broadcast %lt3A_67 : i32 to vector<16xi32>
      %lt3A_69 = arith.cmpi slt, %sub3A_64, %lt3A_68 : vector<16xi32>
      %and3A_70 = arith.andi %ge3A_66, %lt3A_69 : vector<16xi1>
      %jit3A_71 = arith.constant 0 : i32
      %broadcast_in_dim3A_72 = vector.broadcast %jit3A_71 : i32 to vector<16xi32>
      %select_n3A_73 = arith.select %and3A_70, %sub3A_64, %broadcast_in_dim3A_72 : vector<16xi1>, vector<16xi32>
      %shift_right_logical3A = arith.constant 7 : i32
      %shift_right_logical3A_74 = vector.broadcast %shift_right_logical3A : i32 to vector<16xi32>
      %shift_right_logical3A_75 = arith.shrui %select_n3A_73, %shift_right_logical3A_74 : vector<16xi32>
      %and3A_76 = arith.constant 127 : i32
      %and3A_77 = vector.broadcast %and3A_76 : i32 to vector<16xi32>
      %and3A_78 = arith.andi %select_n3A_73, %and3A_77 : vector<16xi32>
      tpu.vector_store_idx %arg6[%shift_right_logical3A_75, %and3A_78], %broadcast_in_dim3A_13 masked %and3A_70 {add = true} : memref<40x128xf32, #tpu.memory_space<vmem>>[vector<16xi32>, vector<16xi32>], vector<16xf32>, vector<16xi1>
      %scan3A_79 = arith.constant 0 : i32
      scf.yield %scan3A_79 : i32
    }
    %scan3A_20 = arith.constant 1280 : i32
    %barrier3A = arith.constant 0 : index
    tpu.barrier barrier_id(%barrier3A)
    "tpu.region"() ({
      %run_scoped3A = tpu.sem_alloc : memref<!tpu.dma_semaphore, #tpu.memory_space<semaphore_mem>>
      %dma_start3A = arith.constant 0 : i32
      %dma_start3A_27 = arith.constant 0 : i32
      %dma_start3A_28 = tpu.memref_slice %arg8[%dma_start3A, %dma_start3A_27] : memref<40x128xf32, #tpu.memory_space<vmem_shared>> -> memref<40x128xf32, #tpu.memory_space<vmem_shared>>
      tpu.enqueue_indirect_dma source(%arg6 : memref<40x128xf32, #tpu.memory_space<vmem>>) target(%dma_start3A_28 : memref<40x128xf32, #tpu.memory_space<vmem_shared>>) offsets(%arg7 : memref<40xi32, #tpu.memory_space<vmem>>) semaphore(%run_scoped3A : memref<!tpu.dma_semaphore, #tpu.memory_space<semaphore_mem>>) {add = true}
      %dma_wait3A = arith.constant 0 : i32
      %dma_wait3A_29 = arith.constant 0 : i32
      %dma_wait3A_30 = tpu.memref_slice %arg8[%dma_wait3A, %dma_wait3A_29] : memref<40x128xf32, #tpu.memory_space<vmem_shared>> -> memref<40x128xf32, #tpu.memory_space<vmem_shared>>
      tpu.wait_indirect_dma semaphore(%run_scoped3A : memref<!tpu.dma_semaphore, #tpu.memory_space<semaphore_mem>>) src(%arg6 : memref<40x128xf32, #tpu.memory_space<vmem>>) dst(%dma_wait3A_30 : memref<40x128xf32, #tpu.memory_space<vmem_shared>>)
      tpu.yield
    }) : () -> ()
    %barrier3A_21 = arith.constant 0 : index
    tpu.barrier barrier_id(%barrier3A_21)
    %eq3A_22 = arith.constant 0 : i32
    %eq3A_23 = arith.cmpi eq, %arg1, %eq3A_22 : i32
    %convert_element_type3A_24 = arith.extui %eq3A_23 : i1 to i32
    %cond3A_25 = arith.constant 0 : i32
    %cond3A_26 = arith.cmpi ne, %convert_element_type3A_24, %cond3A_25 : i32
    scf.if %cond3A_26 {
      "tpu.region"() ({
        %run_scoped3A = tpu.sem_alloc : memref<!tpu.dma_semaphore, #tpu.memory_space<semaphore_mem>>
        %dma_start3A = arith.constant 0 : i32
        %dma_start3A_27 = arith.constant 0 : i32
        %dma_start3A_28 = tpu.memref_slice %arg4[%arg0, %dma_start3A, %dma_start3A_27] : memref<2x40x128xf32, #tpu.memory_space<hbm>> -> memref<1x40x128xf32, #tpu.memory_space<hbm>>
        %dma_start3A_29 = tpu.memref_squeeze %dma_start3A_28 : memref<1x40x128xf32, #tpu.memory_space<hbm>> -> memref<40x128xf32, #tpu.memory_space<hbm>>
        tpu.enqueue_dma source(%arg8 : memref<40x128xf32, #tpu.memory_space<vmem_shared>>) target(%dma_start3A_29 : memref<40x128xf32, #tpu.memory_space<hbm>>) target_semaphore(%run_scoped3A : memref<!tpu.dma_semaphore, #tpu.memory_space<semaphore_mem>>)
        %dma_wait3A = arith.constant 0 : i32
        %dma_wait3A_30 = arith.constant 0 : i32
        %dma_wait3A_31 = tpu.memref_slice %arg4[%arg0, %dma_wait3A, %dma_wait3A_30] : memref<2x40x128xf32, #tpu.memory_space<hbm>> -> memref<1x40x128xf32, #tpu.memory_space<hbm>>
        %dma_wait3A_32 = tpu.memref_squeeze %dma_wait3A_31 : memref<1x40x128xf32, #tpu.memory_space<hbm>> -> memref<40x128xf32, #tpu.memory_space<hbm>>
        tpu.wait_dma2 semaphore(%run_scoped3A : memref<!tpu.dma_semaphore, #tpu.memory_space<semaphore_mem>>) src(%arg8 : memref<40x128xf32, #tpu.memory_space<vmem_shared>>) dst(%dma_wait3A_32 : memref<40x128xf32, #tpu.memory_space<hbm>>)
        tpu.yield
      }) : () -> ()
    } else {
    }
    return
  }
}

#map = affine_map<(d0, d1) -> (0, 0)>
module attributes {stable_mosaic.version = 14 : i64} {
  func.func @_decode(%arg0: i32, %arg1: i32, %arg2: memref<2560x128xi32, #tpu.memory_space<hbm>>, %arg3: memref<2560x128xi32, #tpu.memory_space<hbm>>, %arg4: memref<10240x128xi32, #tpu.memory_space<hbm>>, %arg5: memref<10240x128xi32, #tpu.memory_space<hbm>>, %arg6: memref<16x16xf32, #tpu.memory_space<hbm>>, %arg7: memref<1x16xf32, #tpu.memory_space<hbm>>, %arg8: memref<2560x128xf32, #tpu.memory_space<hbm>>, %arg9: memref<80x128xi32, #tpu.memory_space<vmem>>, %arg10: memref<80x128xi32, #tpu.memory_space<vmem>>, %arg11: memref<128x128xi32, #tpu.memory_space<vmem>>, %arg12: memref<128x128xi32, #tpu.memory_space<vmem>>, %arg13: memref<128x128xi32, #tpu.memory_space<vmem>>, %arg14: memref<128x128xi32, #tpu.memory_space<vmem>>, %arg15: memref<16x16xf32, #tpu.memory_space<vmem>>, %arg16: memref<1x16xf32, #tpu.memory_space<vmem>>, %arg17: memref<16x128xf32, #tpu.memory_space<vmem>>, %arg18: memref<!tpu.dma_semaphore, #tpu.memory_space<semaphore_mem>>, %arg19: memref<!tpu.dma_semaphore, #tpu.memory_space<semaphore_mem>>, %arg20: memref<!tpu.dma_semaphore, #tpu.memory_space<semaphore_mem>>, %arg21: memref<!tpu.dma_semaphore, #tpu.memory_space<semaphore_mem>>) attributes {dimension_semantics = [#tpu.dimension_semantics<core_parallel>, #tpu.dimension_semantics<subcore_parallel>], iteration_bounds = array<i64: 2, 16>, scalar_prefetch = 0 : i64, scratch_operands = 13 : i64, tpu.core_type = #tpu.core_type<sc_vector_subcore>, window_params = [{transform_indices = #map}, {transform_indices = #map}, {transform_indices = #map}, {transform_indices = #map}, {transform_indices = #map}, {transform_indices = #map}, {transform_indices = #map}]} {
    %mul3A = arith.constant 16 : i32
    %mul3A_0 = arith.muli %arg0, %mul3A : i32
    %add3A = arith.addi %mul3A_0, %arg1 : i32
    "tpu.region"() ({
      %run_scoped3A = tpu.sem_alloc : memref<!tpu.dma_semaphore, #tpu.memory_space<semaphore_mem>>
      tpu.enqueue_dma source(%arg6 : memref<16x16xf32, #tpu.memory_space<hbm>>) target(%arg15 : memref<16x16xf32, #tpu.memory_space<vmem>>) target_semaphore(%run_scoped3A : memref<!tpu.dma_semaphore, #tpu.memory_space<semaphore_mem>>)
      tpu.wait_dma2 semaphore(%run_scoped3A : memref<!tpu.dma_semaphore, #tpu.memory_space<semaphore_mem>>) src(%arg6 : memref<16x16xf32, #tpu.memory_space<hbm>>) dst(%arg15 : memref<16x16xf32, #tpu.memory_space<vmem>>)
      tpu.yield
    }) : () -> ()
    "tpu.region"() ({
      %run_scoped3A = tpu.sem_alloc : memref<!tpu.dma_semaphore, #tpu.memory_space<semaphore_mem>>
      tpu.enqueue_dma source(%arg7 : memref<1x16xf32, #tpu.memory_space<hbm>>) target(%arg16 : memref<1x16xf32, #tpu.memory_space<vmem>>) target_semaphore(%run_scoped3A : memref<!tpu.dma_semaphore, #tpu.memory_space<semaphore_mem>>)
      tpu.wait_dma2 semaphore(%run_scoped3A : memref<!tpu.dma_semaphore, #tpu.memory_space<semaphore_mem>>) src(%arg7 : memref<1x16xf32, #tpu.memory_space<hbm>>) dst(%arg16 : memref<1x16xf32, #tpu.memory_space<vmem>>)
      tpu.yield
    }) : () -> ()
    %mul3A_1 = arith.constant 80 : i32
    %mul3A_2 = arith.muli %add3A, %mul3A_1 : i32
    "tpu.region"() ({
      %run_scoped3A = tpu.sem_alloc : memref<!tpu.dma_semaphore, #tpu.memory_space<semaphore_mem>>
      %dma_start3A_92 = arith.constant 0 : i32
      %dma_start3A_93 = tpu.memref_slice %arg2[%mul3A_2, %dma_start3A_92] : memref<2560x128xi32, #tpu.memory_space<hbm>> -> memref<80x128xi32, #tpu.memory_space<hbm>>
      %dma_start3A_94 = arith.constant 0 : i32
      %dma_start3A_95 = tpu.memref_slice %arg2[%mul3A_2, %dma_start3A_94] : memref<2560x128xi32, #tpu.memory_space<hbm>> -> memref<80x128xi32, #tpu.memory_space<hbm>>
      tpu.enqueue_dma source(%dma_start3A_95 : memref<80x128xi32, #tpu.memory_space<hbm>>) target(%arg9 : memref<80x128xi32, #tpu.memory_space<vmem>>) target_semaphore(%run_scoped3A : memref<!tpu.dma_semaphore, #tpu.memory_space<semaphore_mem>>)
      %dma_wait3A = arith.constant 0 : i32
      %dma_wait3A_96 = tpu.memref_slice %arg2[%mul3A_2, %dma_wait3A] : memref<2560x128xi32, #tpu.memory_space<hbm>> -> memref<80x128xi32, #tpu.memory_space<hbm>>
      %dma_wait3A_97 = arith.constant 0 : i32
      %dma_wait3A_98 = tpu.memref_slice %arg2[%mul3A_2, %dma_wait3A_97] : memref<2560x128xi32, #tpu.memory_space<hbm>> -> memref<80x128xi32, #tpu.memory_space<hbm>>
      tpu.wait_dma2 semaphore(%run_scoped3A : memref<!tpu.dma_semaphore, #tpu.memory_space<semaphore_mem>>) src(%dma_wait3A_98 : memref<80x128xi32, #tpu.memory_space<hbm>>) dst(%arg9 : memref<80x128xi32, #tpu.memory_space<vmem>>)
      tpu.yield
    }) : () -> ()
    %mul3A_3 = arith.constant 80 : i32
    %mul3A_4 = arith.muli %add3A, %mul3A_3 : i32
    "tpu.region"() ({
      %run_scoped3A = tpu.sem_alloc : memref<!tpu.dma_semaphore, #tpu.memory_space<semaphore_mem>>
      %dma_start3A_92 = arith.constant 0 : i32
      %dma_start3A_93 = tpu.memref_slice %arg3[%mul3A_4, %dma_start3A_92] : memref<2560x128xi32, #tpu.memory_space<hbm>> -> memref<80x128xi32, #tpu.memory_space<hbm>>
      %dma_start3A_94 = arith.constant 0 : i32
      %dma_start3A_95 = tpu.memref_slice %arg3[%mul3A_4, %dma_start3A_94] : memref<2560x128xi32, #tpu.memory_space<hbm>> -> memref<80x128xi32, #tpu.memory_space<hbm>>
      tpu.enqueue_dma source(%dma_start3A_95 : memref<80x128xi32, #tpu.memory_space<hbm>>) target(%arg10 : memref<80x128xi32, #tpu.memory_space<vmem>>) target_semaphore(%run_scoped3A : memref<!tpu.dma_semaphore, #tpu.memory_space<semaphore_mem>>)
      %dma_wait3A = arith.constant 0 : i32
      %dma_wait3A_96 = tpu.memref_slice %arg3[%mul3A_4, %dma_wait3A] : memref<2560x128xi32, #tpu.memory_space<hbm>> -> memref<80x128xi32, #tpu.memory_space<hbm>>
      %dma_wait3A_97 = arith.constant 0 : i32
      %dma_wait3A_98 = tpu.memref_slice %arg3[%mul3A_4, %dma_wait3A_97] : memref<2560x128xi32, #tpu.memory_space<hbm>> -> memref<80x128xi32, #tpu.memory_space<hbm>>
      tpu.wait_dma2 semaphore(%run_scoped3A : memref<!tpu.dma_semaphore, #tpu.memory_space<semaphore_mem>>) src(%dma_wait3A_98 : memref<80x128xi32, #tpu.memory_space<hbm>>) dst(%arg10 : memref<80x128xi32, #tpu.memory_space<vmem>>)
      tpu.yield
    }) : () -> ()
    %get3A = arith.constant 0 : i32
    %get3A_5 = arith.index_cast %get3A : i32 to index
    %get3A_6 = arith.constant 0 : index
    %get3A_7 = tpu.vector_load %arg16[%get3A_5, %get3A_6] {strides = array<i32>} : memref<1x16xf32, #tpu.memory_space<vmem>>, vector<16xf32>,
    %iota3A = tpu.iota {dimensions = array<i32: 0>} : vector<16xi32>
    %broadcast_in_dim3A = arith.constant 0.000000e+00 : f32
    %broadcast_in_dim3A_8 = vector.broadcast %broadcast_in_dim3A : f32 to vector<16xf32>
    %get3A_9 = arith.constant 0 : i32
    %get3A_10 = arith.index_cast %get3A_9 : i32 to index
    %get3A_11 = arith.constant 0 : index
    %get3A_12 = tpu.vector_load %arg15[%get3A_10, %get3A_11] {strides = array<i32>} : memref<16x16xf32, #tpu.memory_space<vmem>>, vector<16xf32>,
    %get3A_13 = arith.constant 2 : i32
    %get3A_14 = arith.index_cast %get3A_13 : i32 to index
    %get3A_15 = arith.constant 0 : index
    %get3A_16 = tpu.vector_load %arg15[%get3A_14, %get3A_15] {strides = array<i32>} : memref<16x16xf32, #tpu.memory_space<vmem>>, vector<16xf32>,
    %get3A_17 = arith.constant 4 : i32
    %get3A_18 = arith.index_cast %get3A_17 : i32 to index
    %get3A_19 = arith.constant 0 : index
    %get3A_20 = tpu.vector_load %arg15[%get3A_18, %get3A_19] {strides = array<i32>} : memref<16x16xf32, #tpu.memory_space<vmem>>, vector<16xf32>,
    %get3A_21 = arith.constant 6 : i32
    %get3A_22 = arith.index_cast %get3A_21 : i32 to index
    %get3A_23 = arith.constant 0 : index
    %get3A_24 = tpu.vector_load %arg15[%get3A_22, %get3A_23] {strides = array<i32>} : memref<16x16xf32, #tpu.memory_space<vmem>>, vector<16xf32>,
    %get3A_25 = arith.constant 8 : i32
    %get3A_26 = arith.index_cast %get3A_25 : i32 to index
    %get3A_27 = arith.constant 0 : index
    %get3A_28 = tpu.vector_load %arg15[%get3A_26, %get3A_27] {strides = array<i32>} : memref<16x16xf32, #tpu.memory_space<vmem>>, vector<16xf32>,
    %get3A_29 = arith.constant 10 : i32
    %get3A_30 = arith.index_cast %get3A_29 : i32 to index
    %get3A_31 = arith.constant 0 : index
    %get3A_32 = tpu.vector_load %arg15[%get3A_30, %get3A_31] {strides = array<i32>} : memref<16x16xf32, #tpu.memory_space<vmem>>, vector<16xf32>,
    %get3A_33 = arith.constant 12 : i32
    %get3A_34 = arith.index_cast %get3A_33 : i32 to index
    %get3A_35 = arith.constant 0 : index
    %get3A_36 = tpu.vector_load %arg15[%get3A_34, %get3A_35] {strides = array<i32>} : memref<16x16xf32, #tpu.memory_space<vmem>>, vector<16xf32>,
    %get3A_37 = arith.constant 14 : i32
    %get3A_38 = arith.index_cast %get3A_37 : i32 to index
    %get3A_39 = arith.constant 0 : index
    %get3A_40 = tpu.vector_load %arg15[%get3A_38, %get3A_39] {strides = array<i32>} : memref<16x16xf32, #tpu.memory_space<vmem>>, vector<16xf32>,
    %get3A_41 = arith.constant 1 : i32
    %get3A_42 = arith.index_cast %get3A_41 : i32 to index
    %get3A_43 = arith.constant 0 : index
    %get3A_44 = tpu.vector_load %arg15[%get3A_42, %get3A_43] {strides = array<i32>} : memref<16x16xf32, #tpu.memory_space<vmem>>, vector<16xf32>,
    %get3A_45 = arith.constant 3 : i32
    %get3A_46 = arith.index_cast %get3A_45 : i32 to index
    %get3A_47 = arith.constant 0 : index
    %get3A_48 = tpu.vector_load %arg15[%get3A_46, %get3A_47] {strides = array<i32>} : memref<16x16xf32, #tpu.memory_space<vmem>>, vector<16xf32>,
    %get3A_49 = arith.constant 5 : i32
    %get3A_50 = arith.index_cast %get3A_49 : i32 to index
    %get3A_51 = arith.constant 0 : index
    %get3A_52 = tpu.vector_load %arg15[%get3A_50, %get3A_51] {strides = array<i32>} : memref<16x16xf32, #tpu.memory_space<vmem>>, vector<16xf32>,
    %get3A_53 = arith.constant 7 : i32
    %get3A_54 = arith.index_cast %get3A_53 : i32 to index
    %get3A_55 = arith.constant 0 : index
    %get3A_56 = tpu.vector_load %arg15[%get3A_54, %get3A_55] {strides = array<i32>} : memref<16x16xf32, #tpu.memory_space<vmem>>, vector<16xf32>,
    %get3A_57 = arith.constant 9 : i32
    %get3A_58 = arith.index_cast %get3A_57 : i32 to index
    %get3A_59 = arith.constant 0 : index
    %get3A_60 = tpu.vector_load %arg15[%get3A_58, %get3A_59] {strides = array<i32>} : memref<16x16xf32, #tpu.memory_space<vmem>>, vector<16xf32>,
    %get3A_61 = arith.constant 11 : i32
    %get3A_62 = arith.index_cast %get3A_61 : i32 to index
    %get3A_63 = arith.constant 0 : index
    %get3A_64 = tpu.vector_load %arg15[%get3A_62, %get3A_63] {strides = array<i32>} : memref<16x16xf32, #tpu.memory_space<vmem>>, vector<16xf32>,
    %get3A_65 = arith.constant 13 : i32
    %get3A_66 = arith.index_cast %get3A_65 : i32 to index
    %get3A_67 = arith.constant 0 : index
    %get3A_68 = tpu.vector_load %arg15[%get3A_66, %get3A_67] {strides = array<i32>} : memref<16x16xf32, #tpu.memory_space<vmem>>, vector<16xf32>,
    %get3A_69 = arith.constant 15 : i32
    %get3A_70 = arith.index_cast %get3A_69 : i32 to index
    %get3A_71 = arith.constant 0 : index
    %get3A_72 = tpu.vector_load %arg15[%get3A_70, %get3A_71] {strides = array<i32>} : memref<16x16xf32, #tpu.memory_space<vmem>>, vector<16xf32>,
    %dma_start3A = arith.constant 0 : i32
    %dma_start3A_73 = arith.constant 0 : i32
    %dma_start3A_74 = tpu.memref_slice %arg9[%dma_start3A, %dma_start3A_73] : memref<80x128xi32, #tpu.memory_space<vmem>> -> memref<1x128xi32, #tpu.memory_space<vmem>>
    %dma_start3A_75 = tpu.memref_squeeze %dma_start3A_74 : memref<1x128xi32, #tpu.memory_space<vmem>> -> memref<128xi32, #tpu.memory_space<vmem>>
    %dma_start3A_76 = arith.constant 0 : i32
    %dma_start3A_77 = arith.constant 0 : i32
    %dma_start3A_78 = tpu.memref_slice %arg4[%dma_start3A_76, %dma_start3A_77] : memref<10240x128xi32, #tpu.memory_space<hbm>> -> memref<10240x128xi32, #tpu.memory_space<hbm>>
    tpu.enqueue_indirect_dma source(%dma_start3A_78 : memref<10240x128xi32, #tpu.memory_space<hbm>>) target(%arg11 : memref<128x128xi32, #tpu.memory_space<vmem>>) offsets(%dma_start3A_75 : memref<128xi32, #tpu.memory_space<vmem>>) semaphore(%arg18 : memref<!tpu.dma_semaphore, #tpu.memory_space<semaphore_mem>>)
    %dma_start3A_79 = arith.constant 0 : i32
    %dma_start3A_80 = arith.constant 0 : i32
    %dma_start3A_81 = tpu.memref_slice %arg10[%dma_start3A_79, %dma_start3A_80] : memref<80x128xi32, #tpu.memory_space<vmem>> -> memref<1x128xi32, #tpu.memory_space<vmem>>
    %dma_start3A_82 = tpu.memref_squeeze %dma_start3A_81 : memref<1x128xi32, #tpu.memory_space<vmem>> -> memref<128xi32, #tpu.memory_space<vmem>>
    %dma_start3A_83 = arith.constant 0 : i32
    %dma_start3A_84 = arith.constant 0 : i32
    %dma_start3A_85 = tpu.memref_slice %arg5[%dma_start3A_83, %dma_start3A_84] : memref<10240x128xi32, #tpu.memory_space<hbm>> -> memref<10240x128xi32, #tpu.memory_space<hbm>>
    tpu.enqueue_indirect_dma source(%dma_start3A_85 : memref<10240x128xi32, #tpu.memory_space<hbm>>) target(%arg12 : memref<128x128xi32, #tpu.memory_space<vmem>>) offsets(%dma_start3A_82 : memref<128xi32, #tpu.memory_space<vmem>>) semaphore(%arg19 : memref<!tpu.dma_semaphore, #tpu.memory_space<semaphore_mem>>)
    %scan3A = arith.constant 0 : i32
    %scan3A_86 = arith.constant 0 : i32
    %scan3A_87 = arith.constant 40 : i32
    %scan3A_88 = arith.addi %scan3A_86, %scan3A_87 : i32
    %scan3A_89 = arith.constant 1 : i32
    %scan3A_90 = scf.for %scan3A_92 = %scan3A_86 to %scan3A_88 step %scan3A_89 iter_args(%scan3A_93 = %scan3A) -> (i32)  : i32 {
      %mul3A_94 = arith.constant 2 : i32
      %mul3A_95 = arith.muli %mul3A_94, %scan3A_92 : i32
      %add3A_96 = arith.constant 1 : i32
      %add3A_97 = arith.addi %mul3A_95, %add3A_96 : i32
      %dma_start3A_98 = arith.constant 0 : i32
      %dma_start3A_99 = tpu.memref_slice %arg9[%add3A_97, %dma_start3A_98] : memref<80x128xi32, #tpu.memory_space<vmem>> -> memref<1x128xi32, #tpu.memory_space<vmem>>
      %dma_start3A_100 = tpu.memref_squeeze %dma_start3A_99 : memref<1x128xi32, #tpu.memory_space<vmem>> -> memref<128xi32, #tpu.memory_space<vmem>>
      %dma_start3A_101 = arith.constant 0 : i32
      %dma_start3A_102 = arith.constant 0 : i32
      %dma_start3A_103 = tpu.memref_slice %arg4[%dma_start3A_101, %dma_start3A_102] : memref<10240x128xi32, #tpu.memory_space<hbm>> -> memref<10240x128xi32, #tpu.memory_space<hbm>>
      tpu.enqueue_indirect_dma source(%dma_start3A_103 : memref<10240x128xi32, #tpu.memory_space<hbm>>) target(%arg13 : memref<128x128xi32, #tpu.memory_space<vmem>>) offsets(%dma_start3A_100 : memref<128xi32, #tpu.memory_space<vmem>>) semaphore(%arg20 : memref<!tpu.dma_semaphore, #tpu.memory_space<semaphore_mem>>)
      %add3A_104 = arith.constant 1 : i32
      %add3A_105 = arith.addi %mul3A_95, %add3A_104 : i32
      %dma_start3A_106 = arith.constant 0 : i32
      %dma_start3A_107 = tpu.memref_slice %arg10[%add3A_105, %dma_start3A_106] : memref<80x128xi32, #tpu.memory_space<vmem>> -> memref<1x128xi32, #tpu.memory_space<vmem>>
      %dma_start3A_108 = tpu.memref_squeeze %dma_start3A_107 : memref<1x128xi32, #tpu.memory_space<vmem>> -> memref<128xi32, #tpu.memory_space<vmem>>
      %dma_start3A_109 = arith.constant 0 : i32
      %dma_start3A_110 = arith.constant 0 : i32
      %dma_start3A_111 = tpu.memref_slice %arg5[%dma_start3A_109, %dma_start3A_110] : memref<10240x128xi32, #tpu.memory_space<hbm>> -> memref<10240x128xi32, #tpu.memory_space<hbm>>
      tpu.enqueue_indirect_dma source(%dma_start3A_111 : memref<10240x128xi32, #tpu.memory_space<hbm>>) target(%arg14 : memref<128x128xi32, #tpu.memory_space<vmem>>) offsets(%dma_start3A_108 : memref<128xi32, #tpu.memory_space<vmem>>) semaphore(%arg21 : memref<!tpu.dma_semaphore, #tpu.memory_space<semaphore_mem>>)
      %dma_wait3A = arith.constant 0 : i32
      %dma_wait3A_112 = tpu.memref_slice %arg9[%mul3A_95, %dma_wait3A] : memref<80x128xi32, #tpu.memory_space<vmem>> -> memref<1x128xi32, #tpu.memory_space<vmem>>
      %dma_wait3A_113 = tpu.memref_squeeze %dma_wait3A_112 : memref<1x128xi32, #tpu.memory_space<vmem>> -> memref<128xi32, #tpu.memory_space<vmem>>
      %dma_wait3A_114 = arith.constant 0 : i32
      %dma_wait3A_115 = arith.constant 0 : i32
      %dma_wait3A_116 = tpu.memref_slice %arg4[%dma_wait3A_114, %dma_wait3A_115] : memref<10240x128xi32, #tpu.memory_space<hbm>> -> memref<10240x128xi32, #tpu.memory_space<hbm>>
      tpu.wait_indirect_dma semaphore(%arg18 : memref<!tpu.dma_semaphore, #tpu.memory_space<semaphore_mem>>) src(%dma_wait3A_116 : memref<10240x128xi32, #tpu.memory_space<hbm>>) dst(%arg11 : memref<128x128xi32, #tpu.memory_space<vmem>>)
      %dma_wait3A_117 = arith.constant 0 : i32
      %dma_wait3A_118 = tpu.memref_slice %arg10[%mul3A_95, %dma_wait3A_117] : memref<80x128xi32, #tpu.memory_space<vmem>> -> memref<1x128xi32, #tpu.memory_space<vmem>>
      %dma_wait3A_119 = tpu.memref_squeeze %dma_wait3A_118 : memref<1x128xi32, #tpu.memory_space<vmem>> -> memref<128xi32, #tpu.memory_space<vmem>>
      %dma_wait3A_120 = arith.constant 0 : i32
      %dma_wait3A_121 = arith.constant 0 : i32
      %dma_wait3A_122 = tpu.memref_slice %arg5[%dma_wait3A_120, %dma_wait3A_121] : memref<10240x128xi32, #tpu.memory_space<hbm>> -> memref<10240x128xi32, #tpu.memory_space<hbm>>
      tpu.wait_indirect_dma semaphore(%arg19 : memref<!tpu.dma_semaphore, #tpu.memory_space<semaphore_mem>>) src(%dma_wait3A_122 : memref<10240x128xi32, #tpu.memory_space<hbm>>) dst(%arg12 : memref<128x128xi32, #tpu.memory_space<vmem>>)
      %scan3A_123 = arith.constant 0 : i32
      %scan3A_124 = arith.constant 32 : i32
      %scan3A_125 = arith.addi %scan3A_123, %scan3A_124 : i32
      %scan3A_126 = arith.constant 1 : i32
      %scan3A_127 = scf.for %scan3A_163 = %scan3A_123 to %scan3A_125 step %scan3A_126 iter_args(%scan3A_164 = %broadcast_in_dim3A_8) -> (vector<16xf32>)  : i32 {
        %mul3A_165 = arith.constant 4 : i32
        %mul3A_166 = arith.muli %mul3A_165, %scan3A_163 : i32
        %add3A_167 = arith.constant 0 : i32
        %add3A_168 = arith.addi %mul3A_166, %add3A_167 : i32
        %get3A_169 = arith.index_cast %add3A_168 : i32 to index
        %get3A_170 = arith.constant 0 : index
        %get3A_171 = tpu.vector_load %arg11[%get3A_169, %get3A_170] {strides = array<i32>} : memref<128x128xi32, #tpu.memory_space<vmem>>, vector<16xi32>,
        %get3A_172 = arith.index_cast %add3A_168 : i32 to index
        %get3A_173 = arith.constant 0 : index
        %get3A_174 = tpu.vector_load %arg12[%get3A_172, %get3A_173] {strides = array<i32>} : memref<128x128xi32, #tpu.memory_space<vmem>>, vector<16xi32>,
        %bitcast3A = vector.bitcast %get3A_171 : vector<16xi32> to vector<32xbf16>
        %bitcast3A_175 = vector.bitcast %get3A_174 : vector<16xi32> to vector<32xbf16>
        %add3A_176 = arith.addf %bitcast3A, %bitcast3A_175 : vector<32xbf16>
        %max3A = arith.constant 0.000000e+00 : bf16
        %max3A_177 = vector.broadcast %max3A : bf16 to vector<32xbf16>
        %max3A_178 = arith.maximumf %add3A_176, %max3A_177 : vector<32xbf16>
        %bitcast3A_179 = vector.bitcast %max3A_178 : vector<32xbf16> to vector<16xi32>
        %shift_left3A = arith.constant 16 : i32
        %shift_left3A_180 = vector.broadcast %shift_left3A : i32 to vector<16xi32>
        %shift_left3A_181 = arith.shli %bitcast3A_179, %shift_left3A_180 : vector<16xi32>
        %bitcast3A_182 = vector.bitcast %shift_left3A_181 : vector<16xi32> to vector<16xf32>
        %and3A_183 = arith.constant -65536 : i32
        %and3A_184 = vector.broadcast %and3A_183 : i32 to vector<16xi32>
        %and3A_185 = arith.andi %bitcast3A_179, %and3A_184 : vector<16xi32>
        %bitcast3A_186 = vector.bitcast %and3A_185 : vector<16xi32> to vector<16xf32>
        %mul3A_187 = arith.mulf %bitcast3A_182, %get3A_12 : vector<16xf32>
        %add3A_188 = arith.addf %broadcast_in_dim3A_8, %mul3A_187 : vector<16xf32>
        %mul3A_189 = arith.mulf %bitcast3A_186, %get3A_44 : vector<16xf32>
        %add3A_190 = arith.addf %broadcast_in_dim3A_8, %mul3A_189 : vector<16xf32>
        %get3A_191 = arith.index_cast %add3A_168 : i32 to index
        %get3A_192 = arith.constant 16 : index
        %get3A_193 = tpu.vector_load %arg11[%get3A_191, %get3A_192] {strides = array<i32>} : memref<128x128xi32, #tpu.memory_space<vmem>>, vector<16xi32>,
        %get3A_194 = arith.index_cast %add3A_168 : i32 to index
        %get3A_195 = arith.constant 16 : index
        %get3A_196 = tpu.vector_load %arg12[%get3A_194, %get3A_195] {strides = array<i32>} : memref<128x128xi32, #tpu.memory_space<vmem>>, vector<16xi32>,
        %bitcast3A_197 = vector.bitcast %get3A_193 : vector<16xi32> to vector<32xbf16>
        %bitcast3A_198 = vector.bitcast %get3A_196 : vector<16xi32> to vector<32xbf16>
        %add3A_199 = arith.addf %bitcast3A_197, %bitcast3A_198 : vector<32xbf16>
        %max3A_200 = arith.constant 0.000000e+00 : bf16
        %max3A_201 = vector.broadcast %max3A_200 : bf16 to vector<32xbf16>
        %max3A_202 = arith.maximumf %add3A_199, %max3A_201 : vector<32xbf16>
        %bitcast3A_203 = vector.bitcast %max3A_202 : vector<32xbf16> to vector<16xi32>
        %shift_left3A_204 = arith.constant 16 : i32
        %shift_left3A_205 = vector.broadcast %shift_left3A_204 : i32 to vector<16xi32>
        %shift_left3A_206 = arith.shli %bitcast3A_203, %shift_left3A_205 : vector<16xi32>
        %bitcast3A_207 = vector.bitcast %shift_left3A_206 : vector<16xi32> to vector<16xf32>
        %and3A_208 = arith.constant -65536 : i32
        %and3A_209 = vector.broadcast %and3A_208 : i32 to vector<16xi32>
        %and3A_210 = arith.andi %bitcast3A_203, %and3A_209 : vector<16xi32>
        %bitcast3A_211 = vector.bitcast %and3A_210 : vector<16xi32> to vector<16xf32>
        %mul3A_212 = arith.mulf %bitcast3A_207, %get3A_16 : vector<16xf32>
        %add3A_213 = arith.addf %add3A_188, %mul3A_212 : vector<16xf32>
        %mul3A_214 = arith.mulf %bitcast3A_211, %get3A_48 : vector<16xf32>
        %add3A_215 = arith.addf %add3A_190, %mul3A_214 : vector<16xf32>
        %get3A_216 = arith.index_cast %add3A_168 : i32 to index
        %get3A_217 = arith.constant 32 : index
        %get3A_218 = tpu.vector_load %arg11[%get3A_216, %get3A_217] {strides = array<i32>} : memref<128x128xi32, #tpu.memory_space<vmem>>, vector<16xi32>,
        %get3A_219 = arith.index_cast %add3A_168 : i32 to index
        %get3A_220 = arith.constant 32 : index
        %get3A_221 = tpu.vector_load %arg12[%get3A_219, %get3A_220] {strides = array<i32>} : memref<128x128xi32, #tpu.memory_space<vmem>>, vector<16xi32>,
        %bitcast3A_222 = vector.bitcast %get3A_218 : vector<16xi32> to vector<32xbf16>
        %bitcast3A_223 = vector.bitcast %get3A_221 : vector<16xi32> to vector<32xbf16>
        %add3A_224 = arith.addf %bitcast3A_222, %bitcast3A_223 : vector<32xbf16>
        %max3A_225 = arith.constant 0.000000e+00 : bf16
        %max3A_226 = vector.broadcast %max3A_225 : bf16 to vector<32xbf16>
        %max3A_227 = arith.maximumf %add3A_224, %max3A_226 : vector<32xbf16>
        %bitcast3A_228 = vector.bitcast %max3A_227 : vector<32xbf16> to vector<16xi32>
        %shift_left3A_229 = arith.constant 16 : i32
        %shift_left3A_230 = vector.broadcast %shift_left3A_229 : i32 to vector<16xi32>
        %shift_left3A_231 = arith.shli %bitcast3A_228, %shift_left3A_230 : vector<16xi32>
        %bitcast3A_232 = vector.bitcast %shift_left3A_231 : vector<16xi32> to vector<16xf32>
        %and3A_233 = arith.constant -65536 : i32
        %and3A_234 = vector.broadcast %and3A_233 : i32 to vector<16xi32>
        %and3A_235 = arith.andi %bitcast3A_228, %and3A_234 : vector<16xi32>
        %bitcast3A_236 = vector.bitcast %and3A_235 : vector<16xi32> to vector<16xf32>
        %mul3A_237 = arith.mulf %bitcast3A_232, %get3A_20 : vector<16xf32>
        %add3A_238 = arith.addf %add3A_213, %mul3A_237 : vector<16xf32>
        %mul3A_239 = arith.mulf %bitcast3A_236, %get3A_52 : vector<16xf32>
        %add3A_240 = arith.addf %add3A_215, %mul3A_239 : vector<16xf32>
        %get3A_241 = arith.index_cast %add3A_168 : i32 to index
        %get3A_242 = arith.constant 48 : index
        %get3A_243 = tpu.vector_load %arg11[%get3A_241, %get3A_242] {strides = array<i32>} : memref<128x128xi32, #tpu.memory_space<vmem>>, vector<16xi32>,
        %get3A_244 = arith.index_cast %add3A_168 : i32 to index
        %get3A_245 = arith.constant 48 : index
        %get3A_246 = tpu.vector_load %arg12[%get3A_244, %get3A_245] {strides = array<i32>} : memref<128x128xi32, #tpu.memory_space<vmem>>, vector<16xi32>,
        %bitcast3A_247 = vector.bitcast %get3A_243 : vector<16xi32> to vector<32xbf16>
        %bitcast3A_248 = vector.bitcast %get3A_246 : vector<16xi32> to vector<32xbf16>
        %add3A_249 = arith.addf %bitcast3A_247, %bitcast3A_248 : vector<32xbf16>
        %max3A_250 = arith.constant 0.000000e+00 : bf16
        %max3A_251 = vector.broadcast %max3A_250 : bf16 to vector<32xbf16>
        %max3A_252 = arith.maximumf %add3A_249, %max3A_251 : vector<32xbf16>
        %bitcast3A_253 = vector.bitcast %max3A_252 : vector<32xbf16> to vector<16xi32>
        %shift_left3A_254 = arith.constant 16 : i32
        %shift_left3A_255 = vector.broadcast %shift_left3A_254 : i32 to vector<16xi32>
        %shift_left3A_256 = arith.shli %bitcast3A_253, %shift_left3A_255 : vector<16xi32>
        %bitcast3A_257 = vector.bitcast %shift_left3A_256 : vector<16xi32> to vector<16xf32>
        %and3A_258 = arith.constant -65536 : i32
        %and3A_259 = vector.broadcast %and3A_258 : i32 to vector<16xi32>
        %and3A_260 = arith.andi %bitcast3A_253, %and3A_259 : vector<16xi32>
        %bitcast3A_261 = vector.bitcast %and3A_260 : vector<16xi32> to vector<16xf32>
        %mul3A_262 = arith.mulf %bitcast3A_257, %get3A_24 : vector<16xf32>
        %add3A_263 = arith.addf %add3A_238, %mul3A_262 : vector<16xf32>
        %mul3A_264 = arith.mulf %bitcast3A_261, %get3A_56 : vector<16xf32>
        %add3A_265 = arith.addf %add3A_240, %mul3A_264 : vector<16xf32>
        %get3A_266 = arith.index_cast %add3A_168 : i32 to index
        %get3A_267 = arith.constant 64 : index
        %get3A_268 = tpu.vector_load %arg11[%get3A_266, %get3A_267] {strides = array<i32>} : memref<128x128xi32, #tpu.memory_space<vmem>>, vector<16xi32>,
        %get3A_269 = arith.index_cast %add3A_168 : i32 to index
        %get3A_270 = arith.constant 64 : index
        %get3A_271 = tpu.vector_load %arg12[%get3A_269, %get3A_270] {strides = array<i32>} : memref<128x128xi32, #tpu.memory_space<vmem>>, vector<16xi32>,
        %bitcast3A_272 = vector.bitcast %get3A_268 : vector<16xi32> to vector<32xbf16>
        %bitcast3A_273 = vector.bitcast %get3A_271 : vector<16xi32> to vector<32xbf16>
        %add3A_274 = arith.addf %bitcast3A_272, %bitcast3A_273 : vector<32xbf16>
        %max3A_275 = arith.constant 0.000000e+00 : bf16
        %max3A_276 = vector.broadcast %max3A_275 : bf16 to vector<32xbf16>
        %max3A_277 = arith.maximumf %add3A_274, %max3A_276 : vector<32xbf16>
        %bitcast3A_278 = vector.bitcast %max3A_277 : vector<32xbf16> to vector<16xi32>
        %shift_left3A_279 = arith.constant 16 : i32
        %shift_left3A_280 = vector.broadcast %shift_left3A_279 : i32 to vector<16xi32>
        %shift_left3A_281 = arith.shli %bitcast3A_278, %shift_left3A_280 : vector<16xi32>
        %bitcast3A_282 = vector.bitcast %shift_left3A_281 : vector<16xi32> to vector<16xf32>
        %and3A_283 = arith.constant -65536 : i32
        %and3A_284 = vector.broadcast %and3A_283 : i32 to vector<16xi32>
        %and3A_285 = arith.andi %bitcast3A_278, %and3A_284 : vector<16xi32>
        %bitcast3A_286 = vector.bitcast %and3A_285 : vector<16xi32> to vector<16xf32>
        %mul3A_287 = arith.mulf %bitcast3A_282, %get3A_28 : vector<16xf32>
        %add3A_288 = arith.addf %add3A_263, %mul3A_287 : vector<16xf32>
        %mul3A_289 = arith.mulf %bitcast3A_286, %get3A_60 : vector<16xf32>
        %add3A_290 = arith.addf %add3A_265, %mul3A_289 : vector<16xf32>
        %get3A_291 = arith.index_cast %add3A_168 : i32 to index
        %get3A_292 = arith.constant 80 : index
        %get3A_293 = tpu.vector_load %arg11[%get3A_291, %get3A_292] {strides = array<i32>} : memref<128x128xi32, #tpu.memory_space<vmem>>, vector<16xi32>,
        %get3A_294 = arith.index_cast %add3A_168 : i32 to index
        %get3A_295 = arith.constant 80 : index
        %get3A_296 = tpu.vector_load %arg12[%get3A_294, %get3A_295] {strides = array<i32>} : memref<128x128xi32, #tpu.memory_space<vmem>>, vector<16xi32>,
        %bitcast3A_297 = vector.bitcast %get3A_293 : vector<16xi32> to vector<32xbf16>
        %bitcast3A_298 = vector.bitcast %get3A_296 : vector<16xi32> to vector<32xbf16>
        %add3A_299 = arith.addf %bitcast3A_297, %bitcast3A_298 : vector<32xbf16>
        %max3A_300 = arith.constant 0.000000e+00 : bf16
        %max3A_301 = vector.broadcast %max3A_300 : bf16 to vector<32xbf16>
        %max3A_302 = arith.maximumf %add3A_299, %max3A_301 : vector<32xbf16>
        %bitcast3A_303 = vector.bitcast %max3A_302 : vector<32xbf16> to vector<16xi32>
        %shift_left3A_304 = arith.constant 16 : i32
        %shift_left3A_305 = vector.broadcast %shift_left3A_304 : i32 to vector<16xi32>
        %shift_left3A_306 = arith.shli %bitcast3A_303, %shift_left3A_305 : vector<16xi32>
        %bitcast3A_307 = vector.bitcast %shift_left3A_306 : vector<16xi32> to vector<16xf32>
        %and3A_308 = arith.constant -65536 : i32
        %and3A_309 = vector.broadcast %and3A_308 : i32 to vector<16xi32>
        %and3A_310 = arith.andi %bitcast3A_303, %and3A_309 : vector<16xi32>
        %bitcast3A_311 = vector.bitcast %and3A_310 : vector<16xi32> to vector<16xf32>
        %mul3A_312 = arith.mulf %bitcast3A_307, %get3A_32 : vector<16xf32>
        %add3A_313 = arith.addf %add3A_288, %mul3A_312 : vector<16xf32>
        %mul3A_314 = arith.mulf %bitcast3A_311, %get3A_64 : vector<16xf32>
        %add3A_315 = arith.addf %add3A_290, %mul3A_314 : vector<16xf32>
        %get3A_316 = arith.index_cast %add3A_168 : i32 to index
        %get3A_317 = arith.constant 96 : index
        %get3A_318 = tpu.vector_load %arg11[%get3A_316, %get3A_317] {strides = array<i32>} : memref<128x128xi32, #tpu.memory_space<vmem>>, vector<16xi32>,
        %get3A_319 = arith.index_cast %add3A_168 : i32 to index
        %get3A_320 = arith.constant 96 : index
        %get3A_321 = tpu.vector_load %arg12[%get3A_319, %get3A_320] {strides = array<i32>} : memref<128x128xi32, #tpu.memory_space<vmem>>, vector<16xi32>,
        %bitcast3A_322 = vector.bitcast %get3A_318 : vector<16xi32> to vector<32xbf16>
        %bitcast3A_323 = vector.bitcast %get3A_321 : vector<16xi32> to vector<32xbf16>
        %add3A_324 = arith.addf %bitcast3A_322, %bitcast3A_323 : vector<32xbf16>
        %max3A_325 = arith.constant 0.000000e+00 : bf16
        %max3A_326 = vector.broadcast %max3A_325 : bf16 to vector<32xbf16>
        %max3A_327 = arith.maximumf %add3A_324, %max3A_326 : vector<32xbf16>
        %bitcast3A_328 = vector.bitcast %max3A_327 : vector<32xbf16> to vector<16xi32>
        %shift_left3A_329 = arith.constant 16 : i32
        %shift_left3A_330 = vector.broadcast %shift_left3A_329 : i32 to vector<16xi32>
        %shift_left3A_331 = arith.shli %bitcast3A_328, %shift_left3A_330 : vector<16xi32>
        %bitcast3A_332 = vector.bitcast %shift_left3A_331 : vector<16xi32> to vector<16xf32>
        %and3A_333 = arith.constant -65536 : i32
        %and3A_334 = vector.broadcast %and3A_333 : i32 to vector<16xi32>
        %and3A_335 = arith.andi %bitcast3A_328, %and3A_334 : vector<16xi32>
        %bitcast3A_336 = vector.bitcast %and3A_335 : vector<16xi32> to vector<16xf32>
        %mul3A_337 = arith.mulf %bitcast3A_332, %get3A_36 : vector<16xf32>
        %add3A_338 = arith.addf %add3A_313, %mul3A_337 : vector<16xf32>
        %mul3A_339 = arith.mulf %bitcast3A_336, %get3A_68 : vector<16xf32>
        %add3A_340 = arith.addf %add3A_315, %mul3A_339 : vector<16xf32>
        %get3A_341 = arith.index_cast %add3A_168 : i32 to index
        %get3A_342 = arith.constant 112 : index
        %get3A_343 = tpu.vector_load %arg11[%get3A_341, %get3A_342] {strides = array<i32>} : memref<128x128xi32, #tpu.memory_space<vmem>>, vector<16xi32>,
        %get3A_344 = arith.index_cast %add3A_168 : i32 to index
        %get3A_345 = arith.constant 112 : index
        %get3A_346 = tpu.vector_load %arg12[%get3A_344, %get3A_345] {strides = array<i32>} : memref<128x128xi32, #tpu.memory_space<vmem>>, vector<16xi32>,
        %bitcast3A_347 = vector.bitcast %get3A_343 : vector<16xi32> to vector<32xbf16>
        %bitcast3A_348 = vector.bitcast %get3A_346 : vector<16xi32> to vector<32xbf16>
        %add3A_349 = arith.addf %bitcast3A_347, %bitcast3A_348 : vector<32xbf16>
        %max3A_350 = arith.constant 0.000000e+00 : bf16
        %max3A_351 = vector.broadcast %max3A_350 : bf16 to vector<32xbf16>
        %max3A_352 = arith.maximumf %add3A_349, %max3A_351 : vector<32xbf16>
        %bitcast3A_353 = vector.bitcast %max3A_352 : vector<32xbf16> to vector<16xi32>
        %shift_left3A_354 = arith.constant 16 : i32
        %shift_left3A_355 = vector.broadcast %shift_left3A_354 : i32 to vector<16xi32>
        %shift_left3A_356 = arith.shli %bitcast3A_353, %shift_left3A_355 : vector<16xi32>
        %bitcast3A_357 = vector.bitcast %shift_left3A_356 : vector<16xi32> to vector<16xf32>
        %and3A_358 = arith.constant -65536 : i32
        %and3A_359 = vector.broadcast %and3A_358 : i32 to vector<16xi32>
        %and3A_360 = arith.andi %bitcast3A_353, %and3A_359 : vector<16xi32>
        %bitcast3A_361 = vector.bitcast %and3A_360 : vector<16xi32> to vector<16xf32>
        %mul3A_362 = arith.mulf %bitcast3A_357, %get3A_40 : vector<16xf32>
        %add3A_363 = arith.addf %add3A_338, %mul3A_362 : vector<16xf32>
        %mul3A_364 = arith.mulf %bitcast3A_361, %get3A_72 : vector<16xf32>
        %add3A_365 = arith.addf %add3A_340, %mul3A_364 : vector<16xf32>
        %add3A_366 = arith.addf %add3A_363, %add3A_365 : vector<16xf32>
        %reduce_sum3A = arith.constant true
        %reduce_sum3A_367 = vector.broadcast %reduce_sum3A : i1 to vector<16xi1>
        %reduce_sum3A_368 = tpu.scan <sum>, %add3A_366 masked %reduce_sum3A_367 : vector<16xf32>, vector<16xi1> -> vector<16xf32>
        %reduce_sum3A_369 = vector.extract %reduce_sum3A_368[15] : f32 from vector<16xf32>
        %add3A_370 = arith.constant 0 : i32
        %add3A_371 = arith.addi %mul3A_166, %add3A_370 : i32
        %and3A_372 = arith.constant 15 : i32
        %and3A_373 = arith.andi %add3A_371, %and3A_372 : i32
        %eq3A_374 = vector.broadcast %and3A_373 : i32 to vector<16xi32>
        %eq3A_375 = arith.cmpi eq, %iota3A, %eq3A_374 : vector<16xi32>
        %broadcast_in_dim3A_376 = vector.broadcast %reduce_sum3A_369 : f32 to vector<16xf32>
        %select_n3A = arith.select %eq3A_375, %broadcast_in_dim3A_376, %scan3A_164 : vector<16xi1>, vector<16xf32>
        %add3A_377 = arith.constant 1 : i32
        %add3A_378 = arith.addi %mul3A_166, %add3A_377 : i32
        %get3A_379 = arith.index_cast %add3A_378 : i32 to index
        %get3A_380 = arith.constant 0 : index
        %get3A_381 = tpu.vector_load %arg11[%get3A_379, %get3A_380] {strides = array<i32>} : memref<128x128xi32, #tpu.memory_space<vmem>>, vector<16xi32>,
        %get3A_382 = arith.index_cast %add3A_378 : i32 to index
        %get3A_383 = arith.constant 0 : index
        %get3A_384 = tpu.vector_load %arg12[%get3A_382, %get3A_383] {strides = array<i32>} : memref<128x128xi32, #tpu.memory_space<vmem>>, vector<16xi32>,
        %bitcast3A_385 = vector.bitcast %get3A_381 : vector<16xi32> to vector<32xbf16>
        %bitcast3A_386 = vector.bitcast %get3A_384 : vector<16xi32> to vector<32xbf16>
        %add3A_387 = arith.addf %bitcast3A_385, %bitcast3A_386 : vector<32xbf16>
        %max3A_388 = arith.constant 0.000000e+00 : bf16
        %max3A_389 = vector.broadcast %max3A_388 : bf16 to vector<32xbf16>
        %max3A_390 = arith.maximumf %add3A_387, %max3A_389 : vector<32xbf16>
        %bitcast3A_391 = vector.bitcast %max3A_390 : vector<32xbf16> to vector<16xi32>
        %shift_left3A_392 = arith.constant 16 : i32
        %shift_left3A_393 = vector.broadcast %shift_left3A_392 : i32 to vector<16xi32>
        %shift_left3A_394 = arith.shli %bitcast3A_391, %shift_left3A_393 : vector<16xi32>
        %bitcast3A_395 = vector.bitcast %shift_left3A_394 : vector<16xi32> to vector<16xf32>
        %and3A_396 = arith.constant -65536 : i32
        %and3A_397 = vector.broadcast %and3A_396 : i32 to vector<16xi32>
        %and3A_398 = arith.andi %bitcast3A_391, %and3A_397 : vector<16xi32>
        %bitcast3A_399 = vector.bitcast %and3A_398 : vector<16xi32> to vector<16xf32>
        %mul3A_400 = arith.mulf %bitcast3A_395, %get3A_12 : vector<16xf32>
        %add3A_401 = arith.addf %broadcast_in_dim3A_8, %mul3A_400 : vector<16xf32>
        %mul3A_402 = arith.mulf %bitcast3A_399, %get3A_44 : vector<16xf32>
        %add3A_403 = arith.addf %broadcast_in_dim3A_8, %mul3A_402 : vector<16xf32>
        %get3A_404 = arith.index_cast %add3A_378 : i32 to index
        %get3A_405 = arith.constant 16 : index
        %get3A_406 = tpu.vector_load %arg11[%get3A_404, %get3A_405] {strides = array<i32>} : memref<128x128xi32, #tpu.memory_space<vmem>>, vector<16xi32>,
        %get3A_407 = arith.index_cast %add3A_378 : i32 to index
        %get3A_408 = arith.constant 16 : index
        %get3A_409 = tpu.vector_load %arg12[%get3A_407, %get3A_408] {strides = array<i32>} : memref<128x128xi32, #tpu.memory_space<vmem>>, vector<16xi32>,
        %bitcast3A_410 = vector.bitcast %get3A_406 : vector<16xi32> to vector<32xbf16>
        %bitcast3A_411 = vector.bitcast %get3A_409 : vector<16xi32> to vector<32xbf16>
        %add3A_412 = arith.addf %bitcast3A_410, %bitcast3A_411 : vector<32xbf16>
        %max3A_413 = arith.constant 0.000000e+00 : bf16
        %max3A_414 = vector.broadcast %max3A_413 : bf16 to vector<32xbf16>
        %max3A_415 = arith.maximumf %add3A_412, %max3A_414 : vector<32xbf16>
        %bitcast3A_416 = vector.bitcast %max3A_415 : vector<32xbf16> to vector<16xi32>
        %shift_left3A_417 = arith.constant 16 : i32
        %shift_left3A_418 = vector.broadcast %shift_left3A_417 : i32 to vector<16xi32>
        %shift_left3A_419 = arith.shli %bitcast3A_416, %shift_left3A_418 : vector<16xi32>
        %bitcast3A_420 = vector.bitcast %shift_left3A_419 : vector<16xi32> to vector<16xf32>
        %and3A_421 = arith.constant -65536 : i32
        %and3A_422 = vector.broadcast %and3A_421 : i32 to vector<16xi32>
        %and3A_423 = arith.andi %bitcast3A_416, %and3A_422 : vector<16xi32>
        %bitcast3A_424 = vector.bitcast %and3A_423 : vector<16xi32> to vector<16xf32>
        %mul3A_425 = arith.mulf %bitcast3A_420, %get3A_16 : vector<16xf32>
        %add3A_426 = arith.addf %add3A_401, %mul3A_425 : vector<16xf32>
        %mul3A_427 = arith.mulf %bitcast3A_424, %get3A_48 : vector<16xf32>
        %add3A_428 = arith.addf %add3A_403, %mul3A_427 : vector<16xf32>
        %get3A_429 = arith.index_cast %add3A_378 : i32 to index
        %get3A_430 = arith.constant 32 : index
        %get3A_431 = tpu.vector_load %arg11[%get3A_429, %get3A_430] {strides = array<i32>} : memref<128x128xi32, #tpu.memory_space<vmem>>, vector<16xi32>,
        %get3A_432 = arith.index_cast %add3A_378 : i32 to index
        %get3A_433 = arith.constant 32 : index
        %get3A_434 = tpu.vector_load %arg12[%get3A_432, %get3A_433] {strides = array<i32>} : memref<128x128xi32, #tpu.memory_space<vmem>>, vector<16xi32>,
        %bitcast3A_435 = vector.bitcast %get3A_431 : vector<16xi32> to vector<32xbf16>
        %bitcast3A_436 = vector.bitcast %get3A_434 : vector<16xi32> to vector<32xbf16>
        %add3A_437 = arith.addf %bitcast3A_435, %bitcast3A_436 : vector<32xbf16>
        %max3A_438 = arith.constant 0.000000e+00 : bf16
        %max3A_439 = vector.broadcast %max3A_438 : bf16 to vector<32xbf16>
        %max3A_440 = arith.maximumf %add3A_437, %max3A_439 : vector<32xbf16>
        %bitcast3A_441 = vector.bitcast %max3A_440 : vector<32xbf16> to vector<16xi32>
        %shift_left3A_442 = arith.constant 16 : i32
        %shift_left3A_443 = vector.broadcast %shift_left3A_442 : i32 to vector<16xi32>
        %shift_left3A_444 = arith.shli %bitcast3A_441, %shift_left3A_443 : vector<16xi32>
        %bitcast3A_445 = vector.bitcast %shift_left3A_444 : vector<16xi32> to vector<16xf32>
        %and3A_446 = arith.constant -65536 : i32
        %and3A_447 = vector.broadcast %and3A_446 : i32 to vector<16xi32>
        %and3A_448 = arith.andi %bitcast3A_441, %and3A_447 : vector<16xi32>
        %bitcast3A_449 = vector.bitcast %and3A_448 : vector<16xi32> to vector<16xf32>
        %mul3A_450 = arith.mulf %bitcast3A_445, %get3A_20 : vector<16xf32>
        %add3A_451 = arith.addf %add3A_426, %mul3A_450 : vector<16xf32>
        %mul3A_452 = arith.mulf %bitcast3A_449, %get3A_52 : vector<16xf32>
        %add3A_453 = arith.addf %add3A_428, %mul3A_452 : vector<16xf32>
        %get3A_454 = arith.index_cast %add3A_378 : i32 to index
        %get3A_455 = arith.constant 48 : index
        %get3A_456 = tpu.vector_load %arg11[%get3A_454, %get3A_455] {strides = array<i32>} : memref<128x128xi32, #tpu.memory_space<vmem>>, vector<16xi32>,
        %get3A_457 = arith.index_cast %add3A_378 : i32 to index
        %get3A_458 = arith.constant 48 : index
        %get3A_459 = tpu.vector_load %arg12[%get3A_457, %get3A_458] {strides = array<i32>} : memref<128x128xi32, #tpu.memory_space<vmem>>, vector<16xi32>,
        %bitcast3A_460 = vector.bitcast %get3A_456 : vector<16xi32> to vector<32xbf16>
        %bitcast3A_461 = vector.bitcast %get3A_459 : vector<16xi32> to vector<32xbf16>
        %add3A_462 = arith.addf %bitcast3A_460, %bitcast3A_461 : vector<32xbf16>
        %max3A_463 = arith.constant 0.000000e+00 : bf16
        %max3A_464 = vector.broadcast %max3A_463 : bf16 to vector<32xbf16>
        %max3A_465 = arith.maximumf %add3A_462, %max3A_464 : vector<32xbf16>
        %bitcast3A_466 = vector.bitcast %max3A_465 : vector<32xbf16> to vector<16xi32>
        %shift_left3A_467 = arith.constant 16 : i32
        %shift_left3A_468 = vector.broadcast %shift_left3A_467 : i32 to vector<16xi32>
        %shift_left3A_469 = arith.shli %bitcast3A_466, %shift_left3A_468 : vector<16xi32>
        %bitcast3A_470 = vector.bitcast %shift_left3A_469 : vector<16xi32> to vector<16xf32>
        %and3A_471 = arith.constant -65536 : i32
        %and3A_472 = vector.broadcast %and3A_471 : i32 to vector<16xi32>
        %and3A_473 = arith.andi %bitcast3A_466, %and3A_472 : vector<16xi32>
        %bitcast3A_474 = vector.bitcast %and3A_473 : vector<16xi32> to vector<16xf32>
        %mul3A_475 = arith.mulf %bitcast3A_470, %get3A_24 : vector<16xf32>
        %add3A_476 = arith.addf %add3A_451, %mul3A_475 : vector<16xf32>
        %mul3A_477 = arith.mulf %bitcast3A_474, %get3A_56 : vector<16xf32>
        %add3A_478 = arith.addf %add3A_453, %mul3A_477 : vector<16xf32>
        %get3A_479 = arith.index_cast %add3A_378 : i32 to index
        %get3A_480 = arith.constant 64 : index
        %get3A_481 = tpu.vector_load %arg11[%get3A_479, %get3A_480] {strides = array<i32>} : memref<128x128xi32, #tpu.memory_space<vmem>>, vector<16xi32>,
        %get3A_482 = arith.index_cast %add3A_378 : i32 to index
        %get3A_483 = arith.constant 64 : index
        %get3A_484 = tpu.vector_load %arg12[%get3A_482, %get3A_483] {strides = array<i32>} : memref<128x128xi32, #tpu.memory_space<vmem>>, vector<16xi32>,
        %bitcast3A_485 = vector.bitcast %get3A_481 : vector<16xi32> to vector<32xbf16>
        %bitcast3A_486 = vector.bitcast %get3A_484 : vector<16xi32> to vector<32xbf16>
        %add3A_487 = arith.addf %bitcast3A_485, %bitcast3A_486 : vector<32xbf16>
        %max3A_488 = arith.constant 0.000000e+00 : bf16
        %max3A_489 = vector.broadcast %max3A_488 : bf16 to vector<32xbf16>
        %max3A_490 = arith.maximumf %add3A_487, %max3A_489 : vector<32xbf16>
        %bitcast3A_491 = vector.bitcast %max3A_490 : vector<32xbf16> to vector<16xi32>
        %shift_left3A_492 = arith.constant 16 : i32
        %shift_left3A_493 = vector.broadcast %shift_left3A_492 : i32 to vector<16xi32>
        %shift_left3A_494 = arith.shli %bitcast3A_491, %shift_left3A_493 : vector<16xi32>
        %bitcast3A_495 = vector.bitcast %shift_left3A_494 : vector<16xi32> to vector<16xf32>
        %and3A_496 = arith.constant -65536 : i32
        %and3A_497 = vector.broadcast %and3A_496 : i32 to vector<16xi32>
        %and3A_498 = arith.andi %bitcast3A_491, %and3A_497 : vector<16xi32>
        %bitcast3A_499 = vector.bitcast %and3A_498 : vector<16xi32> to vector<16xf32>
        %mul3A_500 = arith.mulf %bitcast3A_495, %get3A_28 : vector<16xf32>
        %add3A_501 = arith.addf %add3A_476, %mul3A_500 : vector<16xf32>
        %mul3A_502 = arith.mulf %bitcast3A_499, %get3A_60 : vector<16xf32>
        %add3A_503 = arith.addf %add3A_478, %mul3A_502 : vector<16xf32>
        %get3A_504 = arith.index_cast %add3A_378 : i32 to index
        %get3A_505 = arith.constant 80 : index
        %get3A_506 = tpu.vector_load %arg11[%get3A_504, %get3A_505] {strides = array<i32>} : memref<128x128xi32, #tpu.memory_space<vmem>>, vector<16xi32>,
        %get3A_507 = arith.index_cast %add3A_378 : i32 to index
        %get3A_508 = arith.constant 80 : index
        %get3A_509 = tpu.vector_load %arg12[%get3A_507, %get3A_508] {strides = array<i32>} : memref<128x128xi32, #tpu.memory_space<vmem>>, vector<16xi32>,
        %bitcast3A_510 = vector.bitcast %get3A_506 : vector<16xi32> to vector<32xbf16>
        %bitcast3A_511 = vector.bitcast %get3A_509 : vector<16xi32> to vector<32xbf16>
        %add3A_512 = arith.addf %bitcast3A_510, %bitcast3A_511 : vector<32xbf16>
        %max3A_513 = arith.constant 0.000000e+00 : bf16
        %max3A_514 = vector.broadcast %max3A_513 : bf16 to vector<32xbf16>
        %max3A_515 = arith.maximumf %add3A_512, %max3A_514 : vector<32xbf16>
        %bitcast3A_516 = vector.bitcast %max3A_515 : vector<32xbf16> to vector<16xi32>
        %shift_left3A_517 = arith.constant 16 : i32
        %shift_left3A_518 = vector.broadcast %shift_left3A_517 : i32 to vector<16xi32>
        %shift_left3A_519 = arith.shli %bitcast3A_516, %shift_left3A_518 : vector<16xi32>
        %bitcast3A_520 = vector.bitcast %shift_left3A_519 : vector<16xi32> to vector<16xf32>
        %and3A_521 = arith.constant -65536 : i32
        %and3A_522 = vector.broadcast %and3A_521 : i32 to vector<16xi32>
        %and3A_523 = arith.andi %bitcast3A_516, %and3A_522 : vector<16xi32>
        %bitcast3A_524 = vector.bitcast %and3A_523 : vector<16xi32> to vector<16xf32>
        %mul3A_525 = arith.mulf %bitcast3A_520, %get3A_32 : vector<16xf32>
        %add3A_526 = arith.addf %add3A_501, %mul3A_525 : vector<16xf32>
        %mul3A_527 = arith.mulf %bitcast3A_524, %get3A_64 : vector<16xf32>
        %add3A_528 = arith.addf %add3A_503, %mul3A_527 : vector<16xf32>
        %get3A_529 = arith.index_cast %add3A_378 : i32 to index
        %get3A_530 = arith.constant 96 : index
        %get3A_531 = tpu.vector_load %arg11[%get3A_529, %get3A_530] {strides = array<i32>} : memref<128x128xi32, #tpu.memory_space<vmem>>, vector<16xi32>,
        %get3A_532 = arith.index_cast %add3A_378 : i32 to index
        %get3A_533 = arith.constant 96 : index
        %get3A_534 = tpu.vector_load %arg12[%get3A_532, %get3A_533] {strides = array<i32>} : memref<128x128xi32, #tpu.memory_space<vmem>>, vector<16xi32>,
        %bitcast3A_535 = vector.bitcast %get3A_531 : vector<16xi32> to vector<32xbf16>
        %bitcast3A_536 = vector.bitcast %get3A_534 : vector<16xi32> to vector<32xbf16>
        %add3A_537 = arith.addf %bitcast3A_535, %bitcast3A_536 : vector<32xbf16>
        %max3A_538 = arith.constant 0.000000e+00 : bf16
        %max3A_539 = vector.broadcast %max3A_538 : bf16 to vector<32xbf16>
        %max3A_540 = arith.maximumf %add3A_537, %max3A_539 : vector<32xbf16>
        %bitcast3A_541 = vector.bitcast %max3A_540 : vector<32xbf16> to vector<16xi32>
        %shift_left3A_542 = arith.constant 16 : i32
        %shift_left3A_543 = vector.broadcast %shift_left3A_542 : i32 to vector<16xi32>
        %shift_left3A_544 = arith.shli %bitcast3A_541, %shift_left3A_543 : vector<16xi32>
        %bitcast3A_545 = vector.bitcast %shift_left3A_544 : vector<16xi32> to vector<16xf32>
        %and3A_546 = arith.constant -65536 : i32
        %and3A_547 = vector.broadcast %and3A_546 : i32 to vector<16xi32>
        %and3A_548 = arith.andi %bitcast3A_541, %and3A_547 : vector<16xi32>
        %bitcast3A_549 = vector.bitcast %and3A_548 : vector<16xi32> to vector<16xf32>
        %mul3A_550 = arith.mulf %bitcast3A_545, %get3A_36 : vector<16xf32>
        %add3A_551 = arith.addf %add3A_526, %mul3A_550 : vector<16xf32>
        %mul3A_552 = arith.mulf %bitcast3A_549, %get3A_68 : vector<16xf32>
        %add3A_553 = arith.addf %add3A_528, %mul3A_552 : vector<16xf32>
        %get3A_554 = arith.index_cast %add3A_378 : i32 to index
        %get3A_555 = arith.constant 112 : index
        %get3A_556 = tpu.vector_load %arg11[%get3A_554, %get3A_555] {strides = array<i32>} : memref<128x128xi32, #tpu.memory_space<vmem>>, vector<16xi32>,
        %get3A_557 = arith.index_cast %add3A_378 : i32 to index
        %get3A_558 = arith.constant 112 : index
        %get3A_559 = tpu.vector_load %arg12[%get3A_557, %get3A_558] {strides = array<i32>} : memref<128x128xi32, #tpu.memory_space<vmem>>, vector<16xi32>,
        %bitcast3A_560 = vector.bitcast %get3A_556 : vector<16xi32> to vector<32xbf16>
        %bitcast3A_561 = vector.bitcast %get3A_559 : vector<16xi32> to vector<32xbf16>
        %add3A_562 = arith.addf %bitcast3A_560, %bitcast3A_561 : vector<32xbf16>
        %max3A_563 = arith.constant 0.000000e+00 : bf16
        %max3A_564 = vector.broadcast %max3A_563 : bf16 to vector<32xbf16>
        %max3A_565 = arith.maximumf %add3A_562, %max3A_564 : vector<32xbf16>
        %bitcast3A_566 = vector.bitcast %max3A_565 : vector<32xbf16> to vector<16xi32>
        %shift_left3A_567 = arith.constant 16 : i32
        %shift_left3A_568 = vector.broadcast %shift_left3A_567 : i32 to vector<16xi32>
        %shift_left3A_569 = arith.shli %bitcast3A_566, %shift_left3A_568 : vector<16xi32>
        %bitcast3A_570 = vector.bitcast %shift_left3A_569 : vector<16xi32> to vector<16xf32>
        %and3A_571 = arith.constant -65536 : i32
        %and3A_572 = vector.broadcast %and3A_571 : i32 to vector<16xi32>
        %and3A_573 = arith.andi %bitcast3A_566, %and3A_572 : vector<16xi32>
        %bitcast3A_574 = vector.bitcast %and3A_573 : vector<16xi32> to vector<16xf32>
        %mul3A_575 = arith.mulf %bitcast3A_570, %get3A_40 : vector<16xf32>
        %add3A_576 = arith.addf %add3A_551, %mul3A_575 : vector<16xf32>
        %mul3A_577 = arith.mulf %bitcast3A_574, %get3A_72 : vector<16xf32>
        %add3A_578 = arith.addf %add3A_553, %mul3A_577 : vector<16xf32>
        %add3A_579 = arith.addf %add3A_576, %add3A_578 : vector<16xf32>
        %reduce_sum3A_580 = arith.constant true
        %reduce_sum3A_581 = vector.broadcast %reduce_sum3A_580 : i1 to vector<16xi1>
        %reduce_sum3A_582 = tpu.scan <sum>, %add3A_579 masked %reduce_sum3A_581 : vector<16xf32>, vector<16xi1> -> vector<16xf32>
        %reduce_sum3A_583 = vector.extract %reduce_sum3A_582[15] : f32 from vector<16xf32>
        %add3A_584 = arith.constant 1 : i32
        %add3A_585 = arith.addi %mul3A_166, %add3A_584 : i32
        %and3A_586 = arith.constant 15 : i32
        %and3A_587 = arith.andi %add3A_585, %and3A_586 : i32
        %eq3A_588 = vector.broadcast %and3A_587 : i32 to vector<16xi32>
        %eq3A_589 = arith.cmpi eq, %iota3A, %eq3A_588 : vector<16xi32>
        %broadcast_in_dim3A_590 = vector.broadcast %reduce_sum3A_583 : f32 to vector<16xf32>
        %select_n3A_591 = arith.select %eq3A_589, %broadcast_in_dim3A_590, %select_n3A : vector<16xi1>, vector<16xf32>
        %add3A_592 = arith.constant 2 : i32
        %add3A_593 = arith.addi %mul3A_166, %add3A_592 : i32
        %get3A_594 = arith.index_cast %add3A_593 : i32 to index
        %get3A_595 = arith.constant 0 : index
        %get3A_596 = tpu.vector_load %arg11[%get3A_594, %get3A_595] {strides = array<i32>} : memref<128x128xi32, #tpu.memory_space<vmem>>, vector<16xi32>,
        %get3A_597 = arith.index_cast %add3A_593 : i32 to index
        %get3A_598 = arith.constant 0 : index
        %get3A_599 = tpu.vector_load %arg12[%get3A_597, %get3A_598] {strides = array<i32>} : memref<128x128xi32, #tpu.memory_space<vmem>>, vector<16xi32>,
        %bitcast3A_600 = vector.bitcast %get3A_596 : vector<16xi32> to vector<32xbf16>
        %bitcast3A_601 = vector.bitcast %get3A_599 : vector<16xi32> to vector<32xbf16>
        %add3A_602 = arith.addf %bitcast3A_600, %bitcast3A_601 : vector<32xbf16>
        %max3A_603 = arith.constant 0.000000e+00 : bf16
        %max3A_604 = vector.broadcast %max3A_603 : bf16 to vector<32xbf16>
        %max3A_605 = arith.maximumf %add3A_602, %max3A_604 : vector<32xbf16>
        %bitcast3A_606 = vector.bitcast %max3A_605 : vector<32xbf16> to vector<16xi32>
        %shift_left3A_607 = arith.constant 16 : i32
        %shift_left3A_608 = vector.broadcast %shift_left3A_607 : i32 to vector<16xi32>
        %shift_left3A_609 = arith.shli %bitcast3A_606, %shift_left3A_608 : vector<16xi32>
        %bitcast3A_610 = vector.bitcast %shift_left3A_609 : vector<16xi32> to vector<16xf32>
        %and3A_611 = arith.constant -65536 : i32
        %and3A_612 = vector.broadcast %and3A_611 : i32 to vector<16xi32>
        %and3A_613 = arith.andi %bitcast3A_606, %and3A_612 : vector<16xi32>
        %bitcast3A_614 = vector.bitcast %and3A_613 : vector<16xi32> to vector<16xf32>
        %mul3A_615 = arith.mulf %bitcast3A_610, %get3A_12 : vector<16xf32>
        %add3A_616 = arith.addf %broadcast_in_dim3A_8, %mul3A_615 : vector<16xf32>
        %mul3A_617 = arith.mulf %bitcast3A_614, %get3A_44 : vector<16xf32>
        %add3A_618 = arith.addf %broadcast_in_dim3A_8, %mul3A_617 : vector<16xf32>
        %get3A_619 = arith.index_cast %add3A_593 : i32 to index
        %get3A_620 = arith.constant 16 : index
        %get3A_621 = tpu.vector_load %arg11[%get3A_619, %get3A_620] {strides = array<i32>} : memref<128x128xi32, #tpu.memory_space<vmem>>, vector<16xi32>,
        %get3A_622 = arith.index_cast %add3A_593 : i32 to index
        %get3A_623 = arith.constant 16 : index
        %get3A_624 = tpu.vector_load %arg12[%get3A_622, %get3A_623] {strides = array<i32>} : memref<128x128xi32, #tpu.memory_space<vmem>>, vector<16xi32>,
        %bitcast3A_625 = vector.bitcast %get3A_621 : vector<16xi32> to vector<32xbf16>
        %bitcast3A_626 = vector.bitcast %get3A_624 : vector<16xi32> to vector<32xbf16>
        %add3A_627 = arith.addf %bitcast3A_625, %bitcast3A_626 : vector<32xbf16>
        %max3A_628 = arith.constant 0.000000e+00 : bf16
        %max3A_629 = vector.broadcast %max3A_628 : bf16 to vector<32xbf16>
        %max3A_630 = arith.maximumf %add3A_627, %max3A_629 : vector<32xbf16>
        %bitcast3A_631 = vector.bitcast %max3A_630 : vector<32xbf16> to vector<16xi32>
        %shift_left3A_632 = arith.constant 16 : i32
        %shift_left3A_633 = vector.broadcast %shift_left3A_632 : i32 to vector<16xi32>
        %shift_left3A_634 = arith.shli %bitcast3A_631, %shift_left3A_633 : vector<16xi32>
        %bitcast3A_635 = vector.bitcast %shift_left3A_634 : vector<16xi32> to vector<16xf32>
        %and3A_636 = arith.constant -65536 : i32
        %and3A_637 = vector.broadcast %and3A_636 : i32 to vector<16xi32>
        %and3A_638 = arith.andi %bitcast3A_631, %and3A_637 : vector<16xi32>
        %bitcast3A_639 = vector.bitcast %and3A_638 : vector<16xi32> to vector<16xf32>
        %mul3A_640 = arith.mulf %bitcast3A_635, %get3A_16 : vector<16xf32>
        %add3A_641 = arith.addf %add3A_616, %mul3A_640 : vector<16xf32>
        %mul3A_642 = arith.mulf %bitcast3A_639, %get3A_48 : vector<16xf32>
        %add3A_643 = arith.addf %add3A_618, %mul3A_642 : vector<16xf32>
        %get3A_644 = arith.index_cast %add3A_593 : i32 to index
        %get3A_645 = arith.constant 32 : index
        %get3A_646 = tpu.vector_load %arg11[%get3A_644, %get3A_645] {strides = array<i32>} : memref<128x128xi32, #tpu.memory_space<vmem>>, vector<16xi32>,
        %get3A_647 = arith.index_cast %add3A_593 : i32 to index
        %get3A_648 = arith.constant 32 : index
        %get3A_649 = tpu.vector_load %arg12[%get3A_647, %get3A_648] {strides = array<i32>} : memref<128x128xi32, #tpu.memory_space<vmem>>, vector<16xi32>,
        %bitcast3A_650 = vector.bitcast %get3A_646 : vector<16xi32> to vector<32xbf16>
        %bitcast3A_651 = vector.bitcast %get3A_649 : vector<16xi32> to vector<32xbf16>
        %add3A_652 = arith.addf %bitcast3A_650, %bitcast3A_651 : vector<32xbf16>
        %max3A_653 = arith.constant 0.000000e+00 : bf16
        %max3A_654 = vector.broadcast %max3A_653 : bf16 to vector<32xbf16>
        %max3A_655 = arith.maximumf %add3A_652, %max3A_654 : vector<32xbf16>
        %bitcast3A_656 = vector.bitcast %max3A_655 : vector<32xbf16> to vector<16xi32>
        %shift_left3A_657 = arith.constant 16 : i32
        %shift_left3A_658 = vector.broadcast %shift_left3A_657 : i32 to vector<16xi32>
        %shift_left3A_659 = arith.shli %bitcast3A_656, %shift_left3A_658 : vector<16xi32>
        %bitcast3A_660 = vector.bitcast %shift_left3A_659 : vector<16xi32> to vector<16xf32>
        %and3A_661 = arith.constant -65536 : i32
        %and3A_662 = vector.broadcast %and3A_661 : i32 to vector<16xi32>
        %and3A_663 = arith.andi %bitcast3A_656, %and3A_662 : vector<16xi32>
        %bitcast3A_664 = vector.bitcast %and3A_663 : vector<16xi32> to vector<16xf32>
        %mul3A_665 = arith.mulf %bitcast3A_660, %get3A_20 : vector<16xf32>
        %add3A_666 = arith.addf %add3A_641, %mul3A_665 : vector<16xf32>
        %mul3A_667 = arith.mulf %bitcast3A_664, %get3A_52 : vector<16xf32>
        %add3A_668 = arith.addf %add3A_643, %mul3A_667 : vector<16xf32>
        %get3A_669 = arith.index_cast %add3A_593 : i32 to index
        %get3A_670 = arith.constant 48 : index
        %get3A_671 = tpu.vector_load %arg11[%get3A_669, %get3A_670] {strides = array<i32>} : memref<128x128xi32, #tpu.memory_space<vmem>>, vector<16xi32>,
        %get3A_672 = arith.index_cast %add3A_593 : i32 to index
        %get3A_673 = arith.constant 48 : index
        %get3A_674 = tpu.vector_load %arg12[%get3A_672, %get3A_673] {strides = array<i32>} : memref<128x128xi32, #tpu.memory_space<vmem>>, vector<16xi32>,
        %bitcast3A_675 = vector.bitcast %get3A_671 : vector<16xi32> to vector<32xbf16>
        %bitcast3A_676 = vector.bitcast %get3A_674 : vector<16xi32> to vector<32xbf16>
        %add3A_677 = arith.addf %bitcast3A_675, %bitcast3A_676 : vector<32xbf16>
        %max3A_678 = arith.constant 0.000000e+00 : bf16
        %max3A_679 = vector.broadcast %max3A_678 : bf16 to vector<32xbf16>
        %max3A_680 = arith.maximumf %add3A_677, %max3A_679 : vector<32xbf16>
        %bitcast3A_681 = vector.bitcast %max3A_680 : vector<32xbf16> to vector<16xi32>
        %shift_left3A_682 = arith.constant 16 : i32
        %shift_left3A_683 = vector.broadcast %shift_left3A_682 : i32 to vector<16xi32>
        %shift_left3A_684 = arith.shli %bitcast3A_681, %shift_left3A_683 : vector<16xi32>
        %bitcast3A_685 = vector.bitcast %shift_left3A_684 : vector<16xi32> to vector<16xf32>
        %and3A_686 = arith.constant -65536 : i32
        %and3A_687 = vector.broadcast %and3A_686 : i32 to vector<16xi32>
        %and3A_688 = arith.andi %bitcast3A_681, %and3A_687 : vector<16xi32>
        %bitcast3A_689 = vector.bitcast %and3A_688 : vector<16xi32> to vector<16xf32>
        %mul3A_690 = arith.mulf %bitcast3A_685, %get3A_24 : vector<16xf32>
        %add3A_691 = arith.addf %add3A_666, %mul3A_690 : vector<16xf32>
        %mul3A_692 = arith.mulf %bitcast3A_689, %get3A_56 : vector<16xf32>
        %add3A_693 = arith.addf %add3A_668, %mul3A_692 : vector<16xf32>
        %get3A_694 = arith.index_cast %add3A_593 : i32 to index
        %get3A_695 = arith.constant 64 : index
        %get3A_696 = tpu.vector_load %arg11[%get3A_694, %get3A_695] {strides = array<i32>} : memref<128x128xi32, #tpu.memory_space<vmem>>, vector<16xi32>,
        %get3A_697 = arith.index_cast %add3A_593 : i32 to index
        %get3A_698 = arith.constant 64 : index
        %get3A_699 = tpu.vector_load %arg12[%get3A_697, %get3A_698] {strides = array<i32>} : memref<128x128xi32, #tpu.memory_space<vmem>>, vector<16xi32>,
        %bitcast3A_700 = vector.bitcast %get3A_696 : vector<16xi32> to vector<32xbf16>
        %bitcast3A_701 = vector.bitcast %get3A_699 : vector<16xi32> to vector<32xbf16>
        %add3A_702 = arith.addf %bitcast3A_700, %bitcast3A_701 : vector<32xbf16>
        %max3A_703 = arith.constant 0.000000e+00 : bf16
        %max3A_704 = vector.broadcast %max3A_703 : bf16 to vector<32xbf16>
        %max3A_705 = arith.maximumf %add3A_702, %max3A_704 : vector<32xbf16>
        %bitcast3A_706 = vector.bitcast %max3A_705 : vector<32xbf16> to vector<16xi32>
        %shift_left3A_707 = arith.constant 16 : i32
        %shift_left3A_708 = vector.broadcast %shift_left3A_707 : i32 to vector<16xi32>
        %shift_left3A_709 = arith.shli %bitcast3A_706, %shift_left3A_708 : vector<16xi32>
        %bitcast3A_710 = vector.bitcast %shift_left3A_709 : vector<16xi32> to vector<16xf32>
        %and3A_711 = arith.constant -65536 : i32
        %and3A_712 = vector.broadcast %and3A_711 : i32 to vector<16xi32>
        %and3A_713 = arith.andi %bitcast3A_706, %and3A_712 : vector<16xi32>
        %bitcast3A_714 = vector.bitcast %and3A_713 : vector<16xi32> to vector<16xf32>
        %mul3A_715 = arith.mulf %bitcast3A_710, %get3A_28 : vector<16xf32>
        %add3A_716 = arith.addf %add3A_691, %mul3A_715 : vector<16xf32>
        %mul3A_717 = arith.mulf %bitcast3A_714, %get3A_60 : vector<16xf32>
        %add3A_718 = arith.addf %add3A_693, %mul3A_717 : vector<16xf32>
        %get3A_719 = arith.index_cast %add3A_593 : i32 to index
        %get3A_720 = arith.constant 80 : index
        %get3A_721 = tpu.vector_load %arg11[%get3A_719, %get3A_720] {strides = array<i32>} : memref<128x128xi32, #tpu.memory_space<vmem>>, vector<16xi32>,
        %get3A_722 = arith.index_cast %add3A_593 : i32 to index
        %get3A_723 = arith.constant 80 : index
        %get3A_724 = tpu.vector_load %arg12[%get3A_722, %get3A_723] {strides = array<i32>} : memref<128x128xi32, #tpu.memory_space<vmem>>, vector<16xi32>,
        %bitcast3A_725 = vector.bitcast %get3A_721 : vector<16xi32> to vector<32xbf16>
        %bitcast3A_726 = vector.bitcast %get3A_724 : vector<16xi32> to vector<32xbf16>
        %add3A_727 = arith.addf %bitcast3A_725, %bitcast3A_726 : vector<32xbf16>
        %max3A_728 = arith.constant 0.000000e+00 : bf16
        %max3A_729 = vector.broadcast %max3A_728 : bf16 to vector<32xbf16>
        %max3A_730 = arith.maximumf %add3A_727, %max3A_729 : vector<32xbf16>
        %bitcast3A_731 = vector.bitcast %max3A_730 : vector<32xbf16> to vector<16xi32>
        %shift_left3A_732 = arith.constant 16 : i32
        %shift_left3A_733 = vector.broadcast %shift_left3A_732 : i32 to vector<16xi32>
        %shift_left3A_734 = arith.shli %bitcast3A_731, %shift_left3A_733 : vector<16xi32>
        %bitcast3A_735 = vector.bitcast %shift_left3A_734 : vector<16xi32> to vector<16xf32>
        %and3A_736 = arith.constant -65536 : i32
        %and3A_737 = vector.broadcast %and3A_736 : i32 to vector<16xi32>
        %and3A_738 = arith.andi %bitcast3A_731, %and3A_737 : vector<16xi32>
        %bitcast3A_739 = vector.bitcast %and3A_738 : vector<16xi32> to vector<16xf32>
        %mul3A_740 = arith.mulf %bitcast3A_735, %get3A_32 : vector<16xf32>
        %add3A_741 = arith.addf %add3A_716, %mul3A_740 : vector<16xf32>
        %mul3A_742 = arith.mulf %bitcast3A_739, %get3A_64 : vector<16xf32>
        %add3A_743 = arith.addf %add3A_718, %mul3A_742 : vector<16xf32>
        %get3A_744 = arith.index_cast %add3A_593 : i32 to index
        %get3A_745 = arith.constant 96 : index
        %get3A_746 = tpu.vector_load %arg11[%get3A_744, %get3A_745] {strides = array<i32>} : memref<128x128xi32, #tpu.memory_space<vmem>>, vector<16xi32>,
        %get3A_747 = arith.index_cast %add3A_593 : i32 to index
        %get3A_748 = arith.constant 96 : index
        %get3A_749 = tpu.vector_load %arg12[%get3A_747, %get3A_748] {strides = array<i32>} : memref<128x128xi32, #tpu.memory_space<vmem>>, vector<16xi32>,
        %bitcast3A_750 = vector.bitcast %get3A_746 : vector<16xi32> to vector<32xbf16>
        %bitcast3A_751 = vector.bitcast %get3A_749 : vector<16xi32> to vector<32xbf16>
        %add3A_752 = arith.addf %bitcast3A_750, %bitcast3A_751 : vector<32xbf16>
        %max3A_753 = arith.constant 0.000000e+00 : bf16
        %max3A_754 = vector.broadcast %max3A_753 : bf16 to vector<32xbf16>
        %max3A_755 = arith.maximumf %add3A_752, %max3A_754 : vector<32xbf16>
        %bitcast3A_756 = vector.bitcast %max3A_755 : vector<32xbf16> to vector<16xi32>
        %shift_left3A_757 = arith.constant 16 : i32
        %shift_left3A_758 = vector.broadcast %shift_left3A_757 : i32 to vector<16xi32>
        %shift_left3A_759 = arith.shli %bitcast3A_756, %shift_left3A_758 : vector<16xi32>
        %bitcast3A_760 = vector.bitcast %shift_left3A_759 : vector<16xi32> to vector<16xf32>
        %and3A_761 = arith.constant -65536 : i32
        %and3A_762 = vector.broadcast %and3A_761 : i32 to vector<16xi32>
        %and3A_763 = arith.andi %bitcast3A_756, %and3A_762 : vector<16xi32>
        %bitcast3A_764 = vector.bitcast %and3A_763 : vector<16xi32> to vector<16xf32>
        %mul3A_765 = arith.mulf %bitcast3A_760, %get3A_36 : vector<16xf32>
        %add3A_766 = arith.addf %add3A_741, %mul3A_765 : vector<16xf32>
        %mul3A_767 = arith.mulf %bitcast3A_764, %get3A_68 : vector<16xf32>
        %add3A_768 = arith.addf %add3A_743, %mul3A_767 : vector<16xf32>
        %get3A_769 = arith.index_cast %add3A_593 : i32 to index
        %get3A_770 = arith.constant 112 : index
        %get3A_771 = tpu.vector_load %arg11[%get3A_769, %get3A_770] {strides = array<i32>} : memref<128x128xi32, #tpu.memory_space<vmem>>, vector<16xi32>,
        %get3A_772 = arith.index_cast %add3A_593 : i32 to index
        %get3A_773 = arith.constant 112 : index
        %get3A_774 = tpu.vector_load %arg12[%get3A_772, %get3A_773] {strides = array<i32>} : memref<128x128xi32, #tpu.memory_space<vmem>>, vector<16xi32>,
        %bitcast3A_775 = vector.bitcast %get3A_771 : vector<16xi32> to vector<32xbf16>
        %bitcast3A_776 = vector.bitcast %get3A_774 : vector<16xi32> to vector<32xbf16>
        %add3A_777 = arith.addf %bitcast3A_775, %bitcast3A_776 : vector<32xbf16>
        %max3A_778 = arith.constant 0.000000e+00 : bf16
        %max3A_779 = vector.broadcast %max3A_778 : bf16 to vector<32xbf16>
        %max3A_780 = arith.maximumf %add3A_777, %max3A_779 : vector<32xbf16>
        %bitcast3A_781 = vector.bitcast %max3A_780 : vector<32xbf16> to vector<16xi32>
        %shift_left3A_782 = arith.constant 16 : i32
        %shift_left3A_783 = vector.broadcast %shift_left3A_782 : i32 to vector<16xi32>
        %shift_left3A_784 = arith.shli %bitcast3A_781, %shift_left3A_783 : vector<16xi32>
        %bitcast3A_785 = vector.bitcast %shift_left3A_784 : vector<16xi32> to vector<16xf32>
        %and3A_786 = arith.constant -65536 : i32
        %and3A_787 = vector.broadcast %and3A_786 : i32 to vector<16xi32>
        %and3A_788 = arith.andi %bitcast3A_781, %and3A_787 : vector<16xi32>
        %bitcast3A_789 = vector.bitcast %and3A_788 : vector<16xi32> to vector<16xf32>
        %mul3A_790 = arith.mulf %bitcast3A_785, %get3A_40 : vector<16xf32>
        %add3A_791 = arith.addf %add3A_766, %mul3A_790 : vector<16xf32>
        %mul3A_792 = arith.mulf %bitcast3A_789, %get3A_72 : vector<16xf32>
        %add3A_793 = arith.addf %add3A_768, %mul3A_792 : vector<16xf32>
        %add3A_794 = arith.addf %add3A_791, %add3A_793 : vector<16xf32>
        %reduce_sum3A_795 = arith.constant true
        %reduce_sum3A_796 = vector.broadcast %reduce_sum3A_795 : i1 to vector<16xi1>
        %reduce_sum3A_797 = tpu.scan <sum>, %add3A_794 masked %reduce_sum3A_796 : vector<16xf32>, vector<16xi1> -> vector<16xf32>
        %reduce_sum3A_798 = vector.extract %reduce_sum3A_797[15] : f32 from vector<16xf32>
        %add3A_799 = arith.constant 2 : i32
        %add3A_800 = arith.addi %mul3A_166, %add3A_799 : i32
        %and3A_801 = arith.constant 15 : i32
        %and3A_802 = arith.andi %add3A_800, %and3A_801 : i32
        %eq3A_803 = vector.broadcast %and3A_802 : i32 to vector<16xi32>
        %eq3A_804 = arith.cmpi eq, %iota3A, %eq3A_803 : vector<16xi32>
        %broadcast_in_dim3A_805 = vector.broadcast %reduce_sum3A_798 : f32 to vector<16xf32>
        %select_n3A_806 = arith.select %eq3A_804, %broadcast_in_dim3A_805, %select_n3A_591 : vector<16xi1>, vector<16xf32>
        %add3A_807 = arith.constant 3 : i32
        %add3A_808 = arith.addi %mul3A_166, %add3A_807 : i32
        %get3A_809 = arith.index_cast %add3A_808 : i32 to index
        %get3A_810 = arith.constant 0 : index
        %get3A_811 = tpu.vector_load %arg11[%get3A_809, %get3A_810] {strides = array<i32>} : memref<128x128xi32, #tpu.memory_space<vmem>>, vector<16xi32>,
        %get3A_812 = arith.index_cast %add3A_808 : i32 to index
        %get3A_813 = arith.constant 0 : index
        %get3A_814 = tpu.vector_load %arg12[%get3A_812, %get3A_813] {strides = array<i32>} : memref<128x128xi32, #tpu.memory_space<vmem>>, vector<16xi32>,
        %bitcast3A_815 = vector.bitcast %get3A_811 : vector<16xi32> to vector<32xbf16>
        %bitcast3A_816 = vector.bitcast %get3A_814 : vector<16xi32> to vector<32xbf16>
        %add3A_817 = arith.addf %bitcast3A_815, %bitcast3A_816 : vector<32xbf16>
        %max3A_818 = arith.constant 0.000000e+00 : bf16
        %max3A_819 = vector.broadcast %max3A_818 : bf16 to vector<32xbf16>
        %max3A_820 = arith.maximumf %add3A_817, %max3A_819 : vector<32xbf16>
        %bitcast3A_821 = vector.bitcast %max3A_820 : vector<32xbf16> to vector<16xi32>
        %shift_left3A_822 = arith.constant 16 : i32
        %shift_left3A_823 = vector.broadcast %shift_left3A_822 : i32 to vector<16xi32>
        %shift_left3A_824 = arith.shli %bitcast3A_821, %shift_left3A_823 : vector<16xi32>
        %bitcast3A_825 = vector.bitcast %shift_left3A_824 : vector<16xi32> to vector<16xf32>
        %and3A_826 = arith.constant -65536 : i32
        %and3A_827 = vector.broadcast %and3A_826 : i32 to vector<16xi32>
        %and3A_828 = arith.andi %bitcast3A_821, %and3A_827 : vector<16xi32>
        %bitcast3A_829 = vector.bitcast %and3A_828 : vector<16xi32> to vector<16xf32>
        %mul3A_830 = arith.mulf %bitcast3A_825, %get3A_12 : vector<16xf32>
        %add3A_831 = arith.addf %broadcast_in_dim3A_8, %mul3A_830 : vector<16xf32>
        %mul3A_832 = arith.mulf %bitcast3A_829, %get3A_44 : vector<16xf32>
        %add3A_833 = arith.addf %broadcast_in_dim3A_8, %mul3A_832 : vector<16xf32>
        %get3A_834 = arith.index_cast %add3A_808 : i32 to index
        %get3A_835 = arith.constant 16 : index
        %get3A_836 = tpu.vector_load %arg11[%get3A_834, %get3A_835] {strides = array<i32>} : memref<128x128xi32, #tpu.memory_space<vmem>>, vector<16xi32>,
        %get3A_837 = arith.index_cast %add3A_808 : i32 to index
        %get3A_838 = arith.constant 16 : index
        %get3A_839 = tpu.vector_load %arg12[%get3A_837, %get3A_838] {strides = array<i32>} : memref<128x128xi32, #tpu.memory_space<vmem>>, vector<16xi32>,
        %bitcast3A_840 = vector.bitcast %get3A_836 : vector<16xi32> to vector<32xbf16>
        %bitcast3A_841 = vector.bitcast %get3A_839 : vector<16xi32> to vector<32xbf16>
        %add3A_842 = arith.addf %bitcast3A_840, %bitcast3A_841 : vector<32xbf16>
        %max3A_843 = arith.constant 0.000000e+00 : bf16
        %max3A_844 = vector.broadcast %max3A_843 : bf16 to vector<32xbf16>
        %max3A_845 = arith.maximumf %add3A_842, %max3A_844 : vector<32xbf16>
        %bitcast3A_846 = vector.bitcast %max3A_845 : vector<32xbf16> to vector<16xi32>
        %shift_left3A_847 = arith.constant 16 : i32
        %shift_left3A_848 = vector.broadcast %shift_left3A_847 : i32 to vector<16xi32>
        %shift_left3A_849 = arith.shli %bitcast3A_846, %shift_left3A_848 : vector<16xi32>
        %bitcast3A_850 = vector.bitcast %shift_left3A_849 : vector<16xi32> to vector<16xf32>
        %and3A_851 = arith.constant -65536 : i32
        %and3A_852 = vector.broadcast %and3A_851 : i32 to vector<16xi32>
        %and3A_853 = arith.andi %bitcast3A_846, %and3A_852 : vector<16xi32>
        %bitcast3A_854 = vector.bitcast %and3A_853 : vector<16xi32> to vector<16xf32>
        %mul3A_855 = arith.mulf %bitcast3A_850, %get3A_16 : vector<16xf32>
        %add3A_856 = arith.addf %add3A_831, %mul3A_855 : vector<16xf32>
        %mul3A_857 = arith.mulf %bitcast3A_854, %get3A_48 : vector<16xf32>
        %add3A_858 = arith.addf %add3A_833, %mul3A_857 : vector<16xf32>
        %get3A_859 = arith.index_cast %add3A_808 : i32 to index
        %get3A_860 = arith.constant 32 : index
        %get3A_861 = tpu.vector_load %arg11[%get3A_859, %get3A_860] {strides = array<i32>} : memref<128x128xi32, #tpu.memory_space<vmem>>, vector<16xi32>,
        %get3A_862 = arith.index_cast %add3A_808 : i32 to index
        %get3A_863 = arith.constant 32 : index
        %get3A_864 = tpu.vector_load %arg12[%get3A_862, %get3A_863] {strides = array<i32>} : memref<128x128xi32, #tpu.memory_space<vmem>>, vector<16xi32>,
        %bitcast3A_865 = vector.bitcast %get3A_861 : vector<16xi32> to vector<32xbf16>
        %bitcast3A_866 = vector.bitcast %get3A_864 : vector<16xi32> to vector<32xbf16>
        %add3A_867 = arith.addf %bitcast3A_865, %bitcast3A_866 : vector<32xbf16>
        %max3A_868 = arith.constant 0.000000e+00 : bf16
        %max3A_869 = vector.broadcast %max3A_868 : bf16 to vector<32xbf16>
        %max3A_870 = arith.maximumf %add3A_867, %max3A_869 : vector<32xbf16>
        %bitcast3A_871 = vector.bitcast %max3A_870 : vector<32xbf16> to vector<16xi32>
        %shift_left3A_872 = arith.constant 16 : i32
        %shift_left3A_873 = vector.broadcast %shift_left3A_872 : i32 to vector<16xi32>
        %shift_left3A_874 = arith.shli %bitcast3A_871, %shift_left3A_873 : vector<16xi32>
        %bitcast3A_875 = vector.bitcast %shift_left3A_874 : vector<16xi32> to vector<16xf32>
        %and3A_876 = arith.constant -65536 : i32
        %and3A_877 = vector.broadcast %and3A_876 : i32 to vector<16xi32>
        %and3A_878 = arith.andi %bitcast3A_871, %and3A_877 : vector<16xi32>
        %bitcast3A_879 = vector.bitcast %and3A_878 : vector<16xi32> to vector<16xf32>
        %mul3A_880 = arith.mulf %bitcast3A_875, %get3A_20 : vector<16xf32>
        %add3A_881 = arith.addf %add3A_856, %mul3A_880 : vector<16xf32>
        %mul3A_882 = arith.mulf %bitcast3A_879, %get3A_52 : vector<16xf32>
        %add3A_883 = arith.addf %add3A_858, %mul3A_882 : vector<16xf32>
        %get3A_884 = arith.index_cast %add3A_808 : i32 to index
        %get3A_885 = arith.constant 48 : index
        %get3A_886 = tpu.vector_load %arg11[%get3A_884, %get3A_885] {strides = array<i32>} : memref<128x128xi32, #tpu.memory_space<vmem>>, vector<16xi32>,
        %get3A_887 = arith.index_cast %add3A_808 : i32 to index
        %get3A_888 = arith.constant 48 : index
        %get3A_889 = tpu.vector_load %arg12[%get3A_887, %get3A_888] {strides = array<i32>} : memref<128x128xi32, #tpu.memory_space<vmem>>, vector<16xi32>,
        %bitcast3A_890 = vector.bitcast %get3A_886 : vector<16xi32> to vector<32xbf16>
        %bitcast3A_891 = vector.bitcast %get3A_889 : vector<16xi32> to vector<32xbf16>
        %add3A_892 = arith.addf %bitcast3A_890, %bitcast3A_891 : vector<32xbf16>
        %max3A_893 = arith.constant 0.000000e+00 : bf16
        %max3A_894 = vector.broadcast %max3A_893 : bf16 to vector<32xbf16>
        %max3A_895 = arith.maximumf %add3A_892, %max3A_894 : vector<32xbf16>
        %bitcast3A_896 = vector.bitcast %max3A_895 : vector<32xbf16> to vector<16xi32>
        %shift_left3A_897 = arith.constant 16 : i32
        %shift_left3A_898 = vector.broadcast %shift_left3A_897 : i32 to vector<16xi32>
        %shift_left3A_899 = arith.shli %bitcast3A_896, %shift_left3A_898 : vector<16xi32>
        %bitcast3A_900 = vector.bitcast %shift_left3A_899 : vector<16xi32> to vector<16xf32>
        %and3A_901 = arith.constant -65536 : i32
        %and3A_902 = vector.broadcast %and3A_901 : i32 to vector<16xi32>
        %and3A_903 = arith.andi %bitcast3A_896, %and3A_902 : vector<16xi32>
        %bitcast3A_904 = vector.bitcast %and3A_903 : vector<16xi32> to vector<16xf32>
        %mul3A_905 = arith.mulf %bitcast3A_900, %get3A_24 : vector<16xf32>
        %add3A_906 = arith.addf %add3A_881, %mul3A_905 : vector<16xf32>
        %mul3A_907 = arith.mulf %bitcast3A_904, %get3A_56 : vector<16xf32>
        %add3A_908 = arith.addf %add3A_883, %mul3A_907 : vector<16xf32>
        %get3A_909 = arith.index_cast %add3A_808 : i32 to index
        %get3A_910 = arith.constant 64 : index
        %get3A_911 = tpu.vector_load %arg11[%get3A_909, %get3A_910] {strides = array<i32>} : memref<128x128xi32, #tpu.memory_space<vmem>>, vector<16xi32>,
        %get3A_912 = arith.index_cast %add3A_808 : i32 to index
        %get3A_913 = arith.constant 64 : index
        %get3A_914 = tpu.vector_load %arg12[%get3A_912, %get3A_913] {strides = array<i32>} : memref<128x128xi32, #tpu.memory_space<vmem>>, vector<16xi32>,
        %bitcast3A_915 = vector.bitcast %get3A_911 : vector<16xi32> to vector<32xbf16>
        %bitcast3A_916 = vector.bitcast %get3A_914 : vector<16xi32> to vector<32xbf16>
        %add3A_917 = arith.addf %bitcast3A_915, %bitcast3A_916 : vector<32xbf16>
        %max3A_918 = arith.constant 0.000000e+00 : bf16
        %max3A_919 = vector.broadcast %max3A_918 : bf16 to vector<32xbf16>
        %max3A_920 = arith.maximumf %add3A_917, %max3A_919 : vector<32xbf16>
        %bitcast3A_921 = vector.bitcast %max3A_920 : vector<32xbf16> to vector<16xi32>
        %shift_left3A_922 = arith.constant 16 : i32
        %shift_left3A_923 = vector.broadcast %shift_left3A_922 : i32 to vector<16xi32>
        %shift_left3A_924 = arith.shli %bitcast3A_921, %shift_left3A_923 : vector<16xi32>
        %bitcast3A_925 = vector.bitcast %shift_left3A_924 : vector<16xi32> to vector<16xf32>
        %and3A_926 = arith.constant -65536 : i32
        %and3A_927 = vector.broadcast %and3A_926 : i32 to vector<16xi32>
        %and3A_928 = arith.andi %bitcast3A_921, %and3A_927 : vector<16xi32>
        %bitcast3A_929 = vector.bitcast %and3A_928 : vector<16xi32> to vector<16xf32>
        %mul3A_930 = arith.mulf %bitcast3A_925, %get3A_28 : vector<16xf32>
        %add3A_931 = arith.addf %add3A_906, %mul3A_930 : vector<16xf32>
        %mul3A_932 = arith.mulf %bitcast3A_929, %get3A_60 : vector<16xf32>
        %add3A_933 = arith.addf %add3A_908, %mul3A_932 : vector<16xf32>
        %get3A_934 = arith.index_cast %add3A_808 : i32 to index
        %get3A_935 = arith.constant 80 : index
        %get3A_936 = tpu.vector_load %arg11[%get3A_934, %get3A_935] {strides = array<i32>} : memref<128x128xi32, #tpu.memory_space<vmem>>, vector<16xi32>,
        %get3A_937 = arith.index_cast %add3A_808 : i32 to index
        %get3A_938 = arith.constant 80 : index
        %get3A_939 = tpu.vector_load %arg12[%get3A_937, %get3A_938] {strides = array<i32>} : memref<128x128xi32, #tpu.memory_space<vmem>>, vector<16xi32>,
        %bitcast3A_940 = vector.bitcast %get3A_936 : vector<16xi32> to vector<32xbf16>
        %bitcast3A_941 = vector.bitcast %get3A_939 : vector<16xi32> to vector<32xbf16>
        %add3A_942 = arith.addf %bitcast3A_940, %bitcast3A_941 : vector<32xbf16>
        %max3A_943 = arith.constant 0.000000e+00 : bf16
        %max3A_944 = vector.broadcast %max3A_943 : bf16 to vector<32xbf16>
        %max3A_945 = arith.maximumf %add3A_942, %max3A_944 : vector<32xbf16>
        %bitcast3A_946 = vector.bitcast %max3A_945 : vector<32xbf16> to vector<16xi32>
        %shift_left3A_947 = arith.constant 16 : i32
        %shift_left3A_948 = vector.broadcast %shift_left3A_947 : i32 to vector<16xi32>
        %shift_left3A_949 = arith.shli %bitcast3A_946, %shift_left3A_948 : vector<16xi32>
        %bitcast3A_950 = vector.bitcast %shift_left3A_949 : vector<16xi32> to vector<16xf32>
        %and3A_951 = arith.constant -65536 : i32
        %and3A_952 = vector.broadcast %and3A_951 : i32 to vector<16xi32>
        %and3A_953 = arith.andi %bitcast3A_946, %and3A_952 : vector<16xi32>
        %bitcast3A_954 = vector.bitcast %and3A_953 : vector<16xi32> to vector<16xf32>
        %mul3A_955 = arith.mulf %bitcast3A_950, %get3A_32 : vector<16xf32>
        %add3A_956 = arith.addf %add3A_931, %mul3A_955 : vector<16xf32>
        %mul3A_957 = arith.mulf %bitcast3A_954, %get3A_64 : vector<16xf32>
        %add3A_958 = arith.addf %add3A_933, %mul3A_957 : vector<16xf32>
        %get3A_959 = arith.index_cast %add3A_808 : i32 to index
        %get3A_960 = arith.constant 96 : index
        %get3A_961 = tpu.vector_load %arg11[%get3A_959, %get3A_960] {strides = array<i32>} : memref<128x128xi32, #tpu.memory_space<vmem>>, vector<16xi32>,
        %get3A_962 = arith.index_cast %add3A_808 : i32 to index
        %get3A_963 = arith.constant 96 : index
        %get3A_964 = tpu.vector_load %arg12[%get3A_962, %get3A_963] {strides = array<i32>} : memref<128x128xi32, #tpu.memory_space<vmem>>, vector<16xi32>,
        %bitcast3A_965 = vector.bitcast %get3A_961 : vector<16xi32> to vector<32xbf16>
        %bitcast3A_966 = vector.bitcast %get3A_964 : vector<16xi32> to vector<32xbf16>
        %add3A_967 = arith.addf %bitcast3A_965, %bitcast3A_966 : vector<32xbf16>
        %max3A_968 = arith.constant 0.000000e+00 : bf16
        %max3A_969 = vector.broadcast %max3A_968 : bf16 to vector<32xbf16>
        %max3A_970 = arith.maximumf %add3A_967, %max3A_969 : vector<32xbf16>
        %bitcast3A_971 = vector.bitcast %max3A_970 : vector<32xbf16> to vector<16xi32>
        %shift_left3A_972 = arith.constant 16 : i32
        %shift_left3A_973 = vector.broadcast %shift_left3A_972 : i32 to vector<16xi32>
        %shift_left3A_974 = arith.shli %bitcast3A_971, %shift_left3A_973 : vector<16xi32>
        %bitcast3A_975 = vector.bitcast %shift_left3A_974 : vector<16xi32> to vector<16xf32>
        %and3A_976 = arith.constant -65536 : i32
        %and3A_977 = vector.broadcast %and3A_976 : i32 to vector<16xi32>
        %and3A_978 = arith.andi %bitcast3A_971, %and3A_977 : vector<16xi32>
        %bitcast3A_979 = vector.bitcast %and3A_978 : vector<16xi32> to vector<16xf32>
        %mul3A_980 = arith.mulf %bitcast3A_975, %get3A_36 : vector<16xf32>
        %add3A_981 = arith.addf %add3A_956, %mul3A_980 : vector<16xf32>
        %mul3A_982 = arith.mulf %bitcast3A_979, %get3A_68 : vector<16xf32>
        %add3A_983 = arith.addf %add3A_958, %mul3A_982 : vector<16xf32>
        %get3A_984 = arith.index_cast %add3A_808 : i32 to index
        %get3A_985 = arith.constant 112 : index
        %get3A_986 = tpu.vector_load %arg11[%get3A_984, %get3A_985] {strides = array<i32>} : memref<128x128xi32, #tpu.memory_space<vmem>>, vector<16xi32>,
        %get3A_987 = arith.index_cast %add3A_808 : i32 to index
        %get3A_988 = arith.constant 112 : index
        %get3A_989 = tpu.vector_load %arg12[%get3A_987, %get3A_988] {strides = array<i32>} : memref<128x128xi32, #tpu.memory_space<vmem>>, vector<16xi32>,
        %bitcast3A_990 = vector.bitcast %get3A_986 : vector<16xi32> to vector<32xbf16>
        %bitcast3A_991 = vector.bitcast %get3A_989 : vector<16xi32> to vector<32xbf16>
        %add3A_992 = arith.addf %bitcast3A_990, %bitcast3A_991 : vector<32xbf16>
        %max3A_993 = arith.constant 0.000000e+00 : bf16
        %max3A_994 = vector.broadcast %max3A_993 : bf16 to vector<32xbf16>
        %max3A_995 = arith.maximumf %add3A_992, %max3A_994 : vector<32xbf16>
        %bitcast3A_996 = vector.bitcast %max3A_995 : vector<32xbf16> to vector<16xi32>
        %shift_left3A_997 = arith.constant 16 : i32
        %shift_left3A_998 = vector.broadcast %shift_left3A_997 : i32 to vector<16xi32>
        %shift_left3A_999 = arith.shli %bitcast3A_996, %shift_left3A_998 : vector<16xi32>
        %bitcast3A_1000 = vector.bitcast %shift_left3A_999 : vector<16xi32> to vector<16xf32>
        %and3A_1001 = arith.constant -65536 : i32
        %and3A_1002 = vector.broadcast %and3A_1001 : i32 to vector<16xi32>
        %and3A_1003 = arith.andi %bitcast3A_996, %and3A_1002 : vector<16xi32>
        %bitcast3A_1004 = vector.bitcast %and3A_1003 : vector<16xi32> to vector<16xf32>
        %mul3A_1005 = arith.mulf %bitcast3A_1000, %get3A_40 : vector<16xf32>
        %add3A_1006 = arith.addf %add3A_981, %mul3A_1005 : vector<16xf32>
        %mul3A_1007 = arith.mulf %bitcast3A_1004, %get3A_72 : vector<16xf32>
        %add3A_1008 = arith.addf %add3A_983, %mul3A_1007 : vector<16xf32>
        %add3A_1009 = arith.addf %add3A_1006, %add3A_1008 : vector<16xf32>
        %reduce_sum3A_1010 = arith.constant true
        %reduce_sum3A_1011 = vector.broadcast %reduce_sum3A_1010 : i1 to vector<16xi1>
        %reduce_sum3A_1012 = tpu.scan <sum>, %add3A_1009 masked %reduce_sum3A_1011 : vector<16xf32>, vector<16xi1> -> vector<16xf32>
        %reduce_sum3A_1013 = vector.extract %reduce_sum3A_1012[15] : f32 from vector<16xf32>
        %add3A_1014 = arith.constant 3 : i32
        %add3A_1015 = arith.addi %mul3A_166, %add3A_1014 : i32
        %and3A_1016 = arith.constant 15 : i32
        %and3A_1017 = arith.andi %add3A_1015, %and3A_1016 : i32
        %eq3A_1018 = vector.broadcast %and3A_1017 : i32 to vector<16xi32>
        %eq3A_1019 = arith.cmpi eq, %iota3A, %eq3A_1018 : vector<16xi32>
        %broadcast_in_dim3A_1020 = vector.broadcast %reduce_sum3A_1013 : f32 to vector<16xf32>
        %select_n3A_1021 = arith.select %eq3A_1019, %broadcast_in_dim3A_1020, %select_n3A_806 : vector<16xi1>, vector<16xf32>
        %add3A_1022 = arith.constant 3 : i32
        %add3A_1023 = arith.addi %mul3A_166, %add3A_1022 : i32
        %and3A_1024 = arith.constant 15 : i32
        %and3A_1025 = arith.andi %add3A_1023, %and3A_1024 : i32
        %eq3A_1026 = arith.constant 15 : i32
        %eq3A_1027 = arith.cmpi eq, %and3A_1025, %eq3A_1026 : i32
        %convert_element_type3A_1028 = arith.extui %eq3A_1027 : i1 to i32
        %cond3A_1029 = arith.constant 0 : i32
        %cond3A_1030 = arith.cmpi ne, %convert_element_type3A_1028, %cond3A_1029 : i32
        scf.if %cond3A_1030 {
          %shift_right_logical3A = arith.constant 4 : i32
          %shift_right_logical3A_1031 = arith.shrui %mul3A_166, %shift_right_logical3A : i32
          %shift_left3A_1032 = arith.constant 4 : i32
          %shift_left3A_1033 = arith.shli %shift_right_logical3A_1031, %shift_left3A_1032 : i32
          %add3A_1034 = arith.addf %select_n3A_1021, %get3A_7 : vector<16xf32>
          %neg3A = arith.constant 0.000000e+00 : f32
          %neg3A_1035 = vector.broadcast %neg3A : f32 to vector<16xf32>
          %neg3A_1036 = arith.subf %neg3A_1035, %add3A_1034 : vector<16xf32>
          %exp3A = math.exp %neg3A_1036 : vector<16xf32>
          %add3A_1037 = arith.constant 1.000000e+00 : f32
          %add3A_1038 = vector.broadcast %add3A_1037 : f32 to vector<16xf32>
          %add3A_1039 = arith.addf %add3A_1038, %exp3A : vector<16xf32>
          %div3A = arith.constant 1.000000e+00 : f32
          %div3A_1040 = vector.broadcast %div3A : f32 to vector<16xf32>
          %div3A_1041 = arith.divf %div3A_1040, %add3A_1039 : vector<16xf32>
          %and3A_1042 = arith.constant 15 : i32
          %and3A_1043 = arith.andi %mul3A_95, %and3A_1042 : i32
          %swap3A = arith.index_cast %and3A_1043 : i32 to index
          %swap3A_1044 = arith.index_cast %shift_left3A_1033 : i32 to index
          %swap3A_1045 = tpu.vector_load %arg17[%swap3A, %swap3A_1044] {strides = array<i32>} : memref<16x128xf32, #tpu.memory_space<vmem>>, vector<16xf32>,
          tpu.vector_store %arg17[%swap3A, %swap3A_1044], %div3A_1041 {strides = array<i32>} : memref<16x128xf32, #tpu.memory_space<vmem>>, vector<16xf32>,
        } else {
        }
        scf.yield %select_n3A_1021 : vector<16xf32>
      }
      %scan3A_128 = arith.constant 32 : i32
      %add3A_129 = arith.constant 2 : i32
      %add3A_130 = arith.addi %mul3A_95, %add3A_129 : i32
      %lt3A = arith.constant 80 : i32
      %lt3A_131 = arith.cmpi slt, %add3A_130, %lt3A : i32
      %convert_element_type3A = arith.extui %lt3A_131 : i1 to i32
      %cond3A = arith.constant 0 : i32
      %cond3A_132 = arith.cmpi ne, %convert_element_type3A, %cond3A : i32
      scf.if %cond3A_132 {
        %add3A_163 = arith.constant 2 : i32
        %add3A_164 = arith.addi %mul3A_95, %add3A_163 : i32
        %dma_start3A_165 = arith.constant 0 : i32
        %dma_start3A_166 = tpu.memref_slice %arg9[%add3A_164, %dma_start3A_165] : memref<80x128xi32, #tpu.memory_space<vmem>> -> memref<1x128xi32, #tpu.memory_space<vmem>>
        %dma_start3A_167 = tpu.memref_squeeze %dma_start3A_166 : memref<1x128xi32, #tpu.memory_space<vmem>> -> memref<128xi32, #tpu.memory_space<vmem>>
        %dma_start3A_168 = arith.constant 0 : i32
        %dma_start3A_169 = arith.constant 0 : i32
        %dma_start3A_170 = tpu.memref_slice %arg4[%dma_start3A_168, %dma_start3A_169] : memref<10240x128xi32, #tpu.memory_space<hbm>> -> memref<10240x128xi32, #tpu.memory_space<hbm>>
        tpu.enqueue_indirect_dma source(%dma_start3A_170 : memref<10240x128xi32, #tpu.memory_space<hbm>>) target(%arg11 : memref<128x128xi32, #tpu.memory_space<vmem>>) offsets(%dma_start3A_167 : memref<128xi32, #tpu.memory_space<vmem>>) semaphore(%arg18 : memref<!tpu.dma_semaphore, #tpu.memory_space<semaphore_mem>>)
        %add3A_171 = arith.constant 2 : i32
        %add3A_172 = arith.addi %mul3A_95, %add3A_171 : i32
        %dma_start3A_173 = arith.constant 0 : i32
        %dma_start3A_174 = tpu.memref_slice %arg10[%add3A_172, %dma_start3A_173] : memref<80x128xi32, #tpu.memory_space<vmem>> -> memref<1x128xi32, #tpu.memory_space<vmem>>
        %dma_start3A_175 = tpu.memref_squeeze %dma_start3A_174 : memref<1x128xi32, #tpu.memory_space<vmem>> -> memref<128xi32, #tpu.memory_space<vmem>>
        %dma_start3A_176 = arith.constant 0 : i32
        %dma_start3A_177 = arith.constant 0 : i32
        %dma_start3A_178 = tpu.memref_slice %arg5[%dma_start3A_176, %dma_start3A_177] : memref<10240x128xi32, #tpu.memory_space<hbm>> -> memref<10240x128xi32, #tpu.memory_space<hbm>>
        tpu.enqueue_indirect_dma source(%dma_start3A_178 : memref<10240x128xi32, #tpu.memory_space<hbm>>) target(%arg12 : memref<128x128xi32, #tpu.memory_space<vmem>>) offsets(%dma_start3A_175 : memref<128xi32, #tpu.memory_space<vmem>>) semaphore(%arg19 : memref<!tpu.dma_semaphore, #tpu.memory_space<semaphore_mem>>)
      } else {
      }
      %add3A_133 = arith.constant 1 : i32
      %add3A_134 = arith.addi %mul3A_95, %add3A_133 : i32
      %dma_wait3A_135 = arith.constant 0 : i32
      %dma_wait3A_136 = tpu.memref_slice %arg9[%add3A_134, %dma_wait3A_135] : memref<80x128xi32, #tpu.memory_space<vmem>> -> memref<1x128xi32, #tpu.memory_space<vmem>>
      %dma_wait3A_137 = tpu.memref_squeeze %dma_wait3A_136 : memref<1x128xi32, #tpu.memory_space<vmem>> -> memref<128xi32, #tpu.memory_space<vmem>>
      %dma_wait3A_138 = arith.constant 0 : i32
      %dma_wait3A_139 = arith.constant 0 : i32
      %dma_wait3A_140 = tpu.memref_slice %arg4[%dma_wait3A_138, %dma_wait3A_139] : memref<10240x128xi32, #tpu.memory_space<hbm>> -> memref<10240x128xi32, #tpu.memory_space<hbm>>
      tpu.wait_indirect_dma semaphore(%arg20 : memref<!tpu.dma_semaphore, #tpu.memory_space<semaphore_mem>>) src(%dma_wait3A_140 : memref<10240x128xi32, #tpu.memory_space<hbm>>) dst(%arg13 : memref<128x128xi32, #tpu.memory_space<vmem>>)
      %add3A_141 = arith.constant 1 : i32
      %add3A_142 = arith.addi %mul3A_95, %add3A_141 : i32
      %dma_wait3A_143 = arith.constant 0 : i32
      %dma_wait3A_144 = tpu.memref_slice %arg10[%add3A_142, %dma_wait3A_143] : memref<80x128xi32, #tpu.memory_space<vmem>> -> memref<1x128xi32, #tpu.memory_space<vmem>>
      %dma_wait3A_145 = tpu.memref_squeeze %dma_wait3A_144 : memref<1x128xi32, #tpu.memory_space<vmem>> -> memref<128xi32, #tpu.memory_space<vmem>>
      %dma_wait3A_146 = arith.constant 0 : i32
      %dma_wait3A_147 = arith.constant 0 : i32
      %dma_wait3A_148 = tpu.memref_slice %arg5[%dma_wait3A_146, %dma_wait3A_147] : memref<10240x128xi32, #tpu.memory_space<hbm>> -> memref<10240x128xi32, #tpu.memory_space<hbm>>
      tpu.wait_indirect_dma semaphore(%arg21 : memref<!tpu.dma_semaphore, #tpu.memory_space<semaphore_mem>>) src(%dma_wait3A_148 : memref<10240x128xi32, #tpu.memory_space<hbm>>) dst(%arg14 : memref<128x128xi32, #tpu.memory_space<vmem>>)
      %add3A_149 = arith.constant 1 : i32
      %add3A_150 = arith.addi %mul3A_95, %add3A_149 : i32
      %scan3A_151 = arith.constant 0 : i32
      %scan3A_152 = arith.constant 32 : i32
      %scan3A_153 = arith.addi %scan3A_151, %scan3A_152 : i32
      %scan3A_154 = arith.constant 1 : i32
      %scan3A_155 = scf.for %scan3A_163 = %scan3A_151 to %scan3A_153 step %scan3A_154 iter_args(%scan3A_164 = %broadcast_in_dim3A_8) -> (vector<16xf32>)  : i32 {
        %mul3A_165 = arith.constant 4 : i32
        %mul3A_166 = arith.muli %mul3A_165, %scan3A_163 : i32
        %add3A_167 = arith.constant 0 : i32
        %add3A_168 = arith.addi %mul3A_166, %add3A_167 : i32
        %get3A_169 = arith.index_cast %add3A_168 : i32 to index
        %get3A_170 = arith.constant 0 : index
        %get3A_171 = tpu.vector_load %arg13[%get3A_169, %get3A_170] {strides = array<i32>} : memref<128x128xi32, #tpu.memory_space<vmem>>, vector<16xi32>,
        %get3A_172 = arith.index_cast %add3A_168 : i32 to index
        %get3A_173 = arith.constant 0 : index
        %get3A_174 = tpu.vector_load %arg14[%get3A_172, %get3A_173] {strides = array<i32>} : memref<128x128xi32, #tpu.memory_space<vmem>>, vector<16xi32>,
        %bitcast3A = vector.bitcast %get3A_171 : vector<16xi32> to vector<32xbf16>
        %bitcast3A_175 = vector.bitcast %get3A_174 : vector<16xi32> to vector<32xbf16>
        %add3A_176 = arith.addf %bitcast3A, %bitcast3A_175 : vector<32xbf16>
        %max3A = arith.constant 0.000000e+00 : bf16
        %max3A_177 = vector.broadcast %max3A : bf16 to vector<32xbf16>
        %max3A_178 = arith.maximumf %add3A_176, %max3A_177 : vector<32xbf16>
        %bitcast3A_179 = vector.bitcast %max3A_178 : vector<32xbf16> to vector<16xi32>
        %shift_left3A = arith.constant 16 : i32
        %shift_left3A_180 = vector.broadcast %shift_left3A : i32 to vector<16xi32>
        %shift_left3A_181 = arith.shli %bitcast3A_179, %shift_left3A_180 : vector<16xi32>
        %bitcast3A_182 = vector.bitcast %shift_left3A_181 : vector<16xi32> to vector<16xf32>
        %and3A_183 = arith.constant -65536 : i32
        %and3A_184 = vector.broadcast %and3A_183 : i32 to vector<16xi32>
        %and3A_185 = arith.andi %bitcast3A_179, %and3A_184 : vector<16xi32>
        %bitcast3A_186 = vector.bitcast %and3A_185 : vector<16xi32> to vector<16xf32>
        %mul3A_187 = arith.mulf %bitcast3A_182, %get3A_12 : vector<16xf32>
        %add3A_188 = arith.addf %broadcast_in_dim3A_8, %mul3A_187 : vector<16xf32>
        %mul3A_189 = arith.mulf %bitcast3A_186, %get3A_44 : vector<16xf32>
        %add3A_190 = arith.addf %broadcast_in_dim3A_8, %mul3A_189 : vector<16xf32>
        %get3A_191 = arith.index_cast %add3A_168 : i32 to index
        %get3A_192 = arith.constant 16 : index
        %get3A_193 = tpu.vector_load %arg13[%get3A_191, %get3A_192] {strides = array<i32>} : memref<128x128xi32, #tpu.memory_space<vmem>>, vector<16xi32>,
        %get3A_194 = arith.index_cast %add3A_168 : i32 to index
        %get3A_195 = arith.constant 16 : index
        %get3A_196 = tpu.vector_load %arg14[%get3A_194, %get3A_195] {strides = array<i32>} : memref<128x128xi32, #tpu.memory_space<vmem>>, vector<16xi32>,
        %bitcast3A_197 = vector.bitcast %get3A_193 : vector<16xi32> to vector<32xbf16>
        %bitcast3A_198 = vector.bitcast %get3A_196 : vector<16xi32> to vector<32xbf16>
        %add3A_199 = arith.addf %bitcast3A_197, %bitcast3A_198 : vector<32xbf16>
        %max3A_200 = arith.constant 0.000000e+00 : bf16
        %max3A_201 = vector.broadcast %max3A_200 : bf16 to vector<32xbf16>
        %max3A_202 = arith.maximumf %add3A_199, %max3A_201 : vector<32xbf16>
        %bitcast3A_203 = vector.bitcast %max3A_202 : vector<32xbf16> to vector<16xi32>
        %shift_left3A_204 = arith.constant 16 : i32
        %shift_left3A_205 = vector.broadcast %shift_left3A_204 : i32 to vector<16xi32>
        %shift_left3A_206 = arith.shli %bitcast3A_203, %shift_left3A_205 : vector<16xi32>
        %bitcast3A_207 = vector.bitcast %shift_left3A_206 : vector<16xi32> to vector<16xf32>
        %and3A_208 = arith.constant -65536 : i32
        %and3A_209 = vector.broadcast %and3A_208 : i32 to vector<16xi32>
        %and3A_210 = arith.andi %bitcast3A_203, %and3A_209 : vector<16xi32>
        %bitcast3A_211 = vector.bitcast %and3A_210 : vector<16xi32> to vector<16xf32>
        %mul3A_212 = arith.mulf %bitcast3A_207, %get3A_16 : vector<16xf32>
        %add3A_213 = arith.addf %add3A_188, %mul3A_212 : vector<16xf32>
        %mul3A_214 = arith.mulf %bitcast3A_211, %get3A_48 : vector<16xf32>
        %add3A_215 = arith.addf %add3A_190, %mul3A_214 : vector<16xf32>
        %get3A_216 = arith.index_cast %add3A_168 : i32 to index
        %get3A_217 = arith.constant 32 : index
        %get3A_218 = tpu.vector_load %arg13[%get3A_216, %get3A_217] {strides = array<i32>} : memref<128x128xi32, #tpu.memory_space<vmem>>, vector<16xi32>,
        %get3A_219 = arith.index_cast %add3A_168 : i32 to index
        %get3A_220 = arith.constant 32 : index
        %get3A_221 = tpu.vector_load %arg14[%get3A_219, %get3A_220] {strides = array<i32>} : memref<128x128xi32, #tpu.memory_space<vmem>>, vector<16xi32>,
        %bitcast3A_222 = vector.bitcast %get3A_218 : vector<16xi32> to vector<32xbf16>
        %bitcast3A_223 = vector.bitcast %get3A_221 : vector<16xi32> to vector<32xbf16>
        %add3A_224 = arith.addf %bitcast3A_222, %bitcast3A_223 : vector<32xbf16>
        %max3A_225 = arith.constant 0.000000e+00 : bf16
        %max3A_226 = vector.broadcast %max3A_225 : bf16 to vector<32xbf16>
        %max3A_227 = arith.maximumf %add3A_224, %max3A_226 : vector<32xbf16>
        %bitcast3A_228 = vector.bitcast %max3A_227 : vector<32xbf16> to vector<16xi32>
        %shift_left3A_229 = arith.constant 16 : i32
        %shift_left3A_230 = vector.broadcast %shift_left3A_229 : i32 to vector<16xi32>
        %shift_left3A_231 = arith.shli %bitcast3A_228, %shift_left3A_230 : vector<16xi32>
        %bitcast3A_232 = vector.bitcast %shift_left3A_231 : vector<16xi32> to vector<16xf32>
        %and3A_233 = arith.constant -65536 : i32
        %and3A_234 = vector.broadcast %and3A_233 : i32 to vector<16xi32>
        %and3A_235 = arith.andi %bitcast3A_228, %and3A_234 : vector<16xi32>
        %bitcast3A_236 = vector.bitcast %and3A_235 : vector<16xi32> to vector<16xf32>
        %mul3A_237 = arith.mulf %bitcast3A_232, %get3A_20 : vector<16xf32>
        %add3A_238 = arith.addf %add3A_213, %mul3A_237 : vector<16xf32>
        %mul3A_239 = arith.mulf %bitcast3A_236, %get3A_52 : vector<16xf32>
        %add3A_240 = arith.addf %add3A_215, %mul3A_239 : vector<16xf32>
        %get3A_241 = arith.index_cast %add3A_168 : i32 to index
        %get3A_242 = arith.constant 48 : index
        %get3A_243 = tpu.vector_load %arg13[%get3A_241, %get3A_242] {strides = array<i32>} : memref<128x128xi32, #tpu.memory_space<vmem>>, vector<16xi32>,
        %get3A_244 = arith.index_cast %add3A_168 : i32 to index
        %get3A_245 = arith.constant 48 : index
        %get3A_246 = tpu.vector_load %arg14[%get3A_244, %get3A_245] {strides = array<i32>} : memref<128x128xi32, #tpu.memory_space<vmem>>, vector<16xi32>,
        %bitcast3A_247 = vector.bitcast %get3A_243 : vector<16xi32> to vector<32xbf16>
        %bitcast3A_248 = vector.bitcast %get3A_246 : vector<16xi32> to vector<32xbf16>
        %add3A_249 = arith.addf %bitcast3A_247, %bitcast3A_248 : vector<32xbf16>
        %max3A_250 = arith.constant 0.000000e+00 : bf16
        %max3A_251 = vector.broadcast %max3A_250 : bf16 to vector<32xbf16>
        %max3A_252 = arith.maximumf %add3A_249, %max3A_251 : vector<32xbf16>
        %bitcast3A_253 = vector.bitcast %max3A_252 : vector<32xbf16> to vector<16xi32>
        %shift_left3A_254 = arith.constant 16 : i32
        %shift_left3A_255 = vector.broadcast %shift_left3A_254 : i32 to vector<16xi32>
        %shift_left3A_256 = arith.shli %bitcast3A_253, %shift_left3A_255 : vector<16xi32>
        %bitcast3A_257 = vector.bitcast %shift_left3A_256 : vector<16xi32> to vector<16xf32>
        %and3A_258 = arith.constant -65536 : i32
        %and3A_259 = vector.broadcast %and3A_258 : i32 to vector<16xi32>
        %and3A_260 = arith.andi %bitcast3A_253, %and3A_259 : vector<16xi32>
        %bitcast3A_261 = vector.bitcast %and3A_260 : vector<16xi32> to vector<16xf32>
        %mul3A_262 = arith.mulf %bitcast3A_257, %get3A_24 : vector<16xf32>
        %add3A_263 = arith.addf %add3A_238, %mul3A_262 : vector<16xf32>
        %mul3A_264 = arith.mulf %bitcast3A_261, %get3A_56 : vector<16xf32>
        %add3A_265 = arith.addf %add3A_240, %mul3A_264 : vector<16xf32>
        %get3A_266 = arith.index_cast %add3A_168 : i32 to index
        %get3A_267 = arith.constant 64 : index
        %get3A_268 = tpu.vector_load %arg13[%get3A_266, %get3A_267] {strides = array<i32>} : memref<128x128xi32, #tpu.memory_space<vmem>>, vector<16xi32>,
        %get3A_269 = arith.index_cast %add3A_168 : i32 to index
        %get3A_270 = arith.constant 64 : index
        %get3A_271 = tpu.vector_load %arg14[%get3A_269, %get3A_270] {strides = array<i32>} : memref<128x128xi32, #tpu.memory_space<vmem>>, vector<16xi32>,
        %bitcast3A_272 = vector.bitcast %get3A_268 : vector<16xi32> to vector<32xbf16>
        %bitcast3A_273 = vector.bitcast %get3A_271 : vector<16xi32> to vector<32xbf16>
        %add3A_274 = arith.addf %bitcast3A_272, %bitcast3A_273 : vector<32xbf16>
        %max3A_275 = arith.constant 0.000000e+00 : bf16
        %max3A_276 = vector.broadcast %max3A_275 : bf16 to vector<32xbf16>
        %max3A_277 = arith.maximumf %add3A_274, %max3A_276 : vector<32xbf16>
        %bitcast3A_278 = vector.bitcast %max3A_277 : vector<32xbf16> to vector<16xi32>
        %shift_left3A_279 = arith.constant 16 : i32
        %shift_left3A_280 = vector.broadcast %shift_left3A_279 : i32 to vector<16xi32>
        %shift_left3A_281 = arith.shli %bitcast3A_278, %shift_left3A_280 : vector<16xi32>
        %bitcast3A_282 = vector.bitcast %shift_left3A_281 : vector<16xi32> to vector<16xf32>
        %and3A_283 = arith.constant -65536 : i32
        %and3A_284 = vector.broadcast %and3A_283 : i32 to vector<16xi32>
        %and3A_285 = arith.andi %bitcast3A_278, %and3A_284 : vector<16xi32>
        %bitcast3A_286 = vector.bitcast %and3A_285 : vector<16xi32> to vector<16xf32>
        %mul3A_287 = arith.mulf %bitcast3A_282, %get3A_28 : vector<16xf32>
        %add3A_288 = arith.addf %add3A_263, %mul3A_287 : vector<16xf32>
        %mul3A_289 = arith.mulf %bitcast3A_286, %get3A_60 : vector<16xf32>
        %add3A_290 = arith.addf %add3A_265, %mul3A_289 : vector<16xf32>
        %get3A_291 = arith.index_cast %add3A_168 : i32 to index
        %get3A_292 = arith.constant 80 : index
        %get3A_293 = tpu.vector_load %arg13[%get3A_291, %get3A_292] {strides = array<i32>} : memref<128x128xi32, #tpu.memory_space<vmem>>, vector<16xi32>,
        %get3A_294 = arith.index_cast %add3A_168 : i32 to index
        %get3A_295 = arith.constant 80 : index
        %get3A_296 = tpu.vector_load %arg14[%get3A_294, %get3A_295] {strides = array<i32>} : memref<128x128xi32, #tpu.memory_space<vmem>>, vector<16xi32>,
        %bitcast3A_297 = vector.bitcast %get3A_293 : vector<16xi32> to vector<32xbf16>
        %bitcast3A_298 = vector.bitcast %get3A_296 : vector<16xi32> to vector<32xbf16>
        %add3A_299 = arith.addf %bitcast3A_297, %bitcast3A_298 : vector<32xbf16>
        %max3A_300 = arith.constant 0.000000e+00 : bf16
        %max3A_301 = vector.broadcast %max3A_300 : bf16 to vector<32xbf16>
        %max3A_302 = arith.maximumf %add3A_299, %max3A_301 : vector<32xbf16>
        %bitcast3A_303 = vector.bitcast %max3A_302 : vector<32xbf16> to vector<16xi32>
        %shift_left3A_304 = arith.constant 16 : i32
        %shift_left3A_305 = vector.broadcast %shift_left3A_304 : i32 to vector<16xi32>
        %shift_left3A_306 = arith.shli %bitcast3A_303, %shift_left3A_305 : vector<16xi32>
        %bitcast3A_307 = vector.bitcast %shift_left3A_306 : vector<16xi32> to vector<16xf32>
        %and3A_308 = arith.constant -65536 : i32
        %and3A_309 = vector.broadcast %and3A_308 : i32 to vector<16xi32>
        %and3A_310 = arith.andi %bitcast3A_303, %and3A_309 : vector<16xi32>
        %bitcast3A_311 = vector.bitcast %and3A_310 : vector<16xi32> to vector<16xf32>
        %mul3A_312 = arith.mulf %bitcast3A_307, %get3A_32 : vector<16xf32>
        %add3A_313 = arith.addf %add3A_288, %mul3A_312 : vector<16xf32>
        %mul3A_314 = arith.mulf %bitcast3A_311, %get3A_64 : vector<16xf32>
        %add3A_315 = arith.addf %add3A_290, %mul3A_314 : vector<16xf32>
        %get3A_316 = arith.index_cast %add3A_168 : i32 to index
        %get3A_317 = arith.constant 96 : index
        %get3A_318 = tpu.vector_load %arg13[%get3A_316, %get3A_317] {strides = array<i32>} : memref<128x128xi32, #tpu.memory_space<vmem>>, vector<16xi32>,
        %get3A_319 = arith.index_cast %add3A_168 : i32 to index
        %get3A_320 = arith.constant 96 : index
        %get3A_321 = tpu.vector_load %arg14[%get3A_319, %get3A_320] {strides = array<i32>} : memref<128x128xi32, #tpu.memory_space<vmem>>, vector<16xi32>,
        %bitcast3A_322 = vector.bitcast %get3A_318 : vector<16xi32> to vector<32xbf16>
        %bitcast3A_323 = vector.bitcast %get3A_321 : vector<16xi32> to vector<32xbf16>
        %add3A_324 = arith.addf %bitcast3A_322, %bitcast3A_323 : vector<32xbf16>
        %max3A_325 = arith.constant 0.000000e+00 : bf16
        %max3A_326 = vector.broadcast %max3A_325 : bf16 to vector<32xbf16>
        %max3A_327 = arith.maximumf %add3A_324, %max3A_326 : vector<32xbf16>
        %bitcast3A_328 = vector.bitcast %max3A_327 : vector<32xbf16> to vector<16xi32>
        %shift_left3A_329 = arith.constant 16 : i32
        %shift_left3A_330 = vector.broadcast %shift_left3A_329 : i32 to vector<16xi32>
        %shift_left3A_331 = arith.shli %bitcast3A_328, %shift_left3A_330 : vector<16xi32>
        %bitcast3A_332 = vector.bitcast %shift_left3A_331 : vector<16xi32> to vector<16xf32>
        %and3A_333 = arith.constant -65536 : i32
        %and3A_334 = vector.broadcast %and3A_333 : i32 to vector<16xi32>
        %and3A_335 = arith.andi %bitcast3A_328, %and3A_334 : vector<16xi32>
        %bitcast3A_336 = vector.bitcast %and3A_335 : vector<16xi32> to vector<16xf32>
        %mul3A_337 = arith.mulf %bitcast3A_332, %get3A_36 : vector<16xf32>
        %add3A_338 = arith.addf %add3A_313, %mul3A_337 : vector<16xf32>
        %mul3A_339 = arith.mulf %bitcast3A_336, %get3A_68 : vector<16xf32>
        %add3A_340 = arith.addf %add3A_315, %mul3A_339 : vector<16xf32>
        %get3A_341 = arith.index_cast %add3A_168 : i32 to index
        %get3A_342 = arith.constant 112 : index
        %get3A_343 = tpu.vector_load %arg13[%get3A_341, %get3A_342] {strides = array<i32>} : memref<128x128xi32, #tpu.memory_space<vmem>>, vector<16xi32>,
        %get3A_344 = arith.index_cast %add3A_168 : i32 to index
        %get3A_345 = arith.constant 112 : index
        %get3A_346 = tpu.vector_load %arg14[%get3A_344, %get3A_345] {strides = array<i32>} : memref<128x128xi32, #tpu.memory_space<vmem>>, vector<16xi32>,
        %bitcast3A_347 = vector.bitcast %get3A_343 : vector<16xi32> to vector<32xbf16>
        %bitcast3A_348 = vector.bitcast %get3A_346 : vector<16xi32> to vector<32xbf16>
        %add3A_349 = arith.addf %bitcast3A_347, %bitcast3A_348 : vector<32xbf16>
        %max3A_350 = arith.constant 0.000000e+00 : bf16
        %max3A_351 = vector.broadcast %max3A_350 : bf16 to vector<32xbf16>
        %max3A_352 = arith.maximumf %add3A_349, %max3A_351 : vector<32xbf16>
        %bitcast3A_353 = vector.bitcast %max3A_352 : vector<32xbf16> to vector<16xi32>
        %shift_left3A_354 = arith.constant 16 : i32
        %shift_left3A_355 = vector.broadcast %shift_left3A_354 : i32 to vector<16xi32>
        %shift_left3A_356 = arith.shli %bitcast3A_353, %shift_left3A_355 : vector<16xi32>
        %bitcast3A_357 = vector.bitcast %shift_left3A_356 : vector<16xi32> to vector<16xf32>
        %and3A_358 = arith.constant -65536 : i32
        %and3A_359 = vector.broadcast %and3A_358 : i32 to vector<16xi32>
        %and3A_360 = arith.andi %bitcast3A_353, %and3A_359 : vector<16xi32>
        %bitcast3A_361 = vector.bitcast %and3A_360 : vector<16xi32> to vector<16xf32>
        %mul3A_362 = arith.mulf %bitcast3A_357, %get3A_40 : vector<16xf32>
        %add3A_363 = arith.addf %add3A_338, %mul3A_362 : vector<16xf32>
        %mul3A_364 = arith.mulf %bitcast3A_361, %get3A_72 : vector<16xf32>
        %add3A_365 = arith.addf %add3A_340, %mul3A_364 : vector<16xf32>
        %add3A_366 = arith.addf %add3A_363, %add3A_365 : vector<16xf32>
        %reduce_sum3A = arith.constant true
        %reduce_sum3A_367 = vector.broadcast %reduce_sum3A : i1 to vector<16xi1>
        %reduce_sum3A_368 = tpu.scan <sum>, %add3A_366 masked %reduce_sum3A_367 : vector<16xf32>, vector<16xi1> -> vector<16xf32>
        %reduce_sum3A_369 = vector.extract %reduce_sum3A_368[15] : f32 from vector<16xf32>
        %add3A_370 = arith.constant 0 : i32
        %add3A_371 = arith.addi %mul3A_166, %add3A_370 : i32
        %and3A_372 = arith.constant 15 : i32
        %and3A_373 = arith.andi %add3A_371, %and3A_372 : i32
        %eq3A_374 = vector.broadcast %and3A_373 : i32 to vector<16xi32>
        %eq3A_375 = arith.cmpi eq, %iota3A, %eq3A_374 : vector<16xi32>
        %broadcast_in_dim3A_376 = vector.broadcast %reduce_sum3A_369 : f32 to vector<16xf32>
        %select_n3A = arith.select %eq3A_375, %broadcast_in_dim3A_376, %scan3A_164 : vector<16xi1>, vector<16xf32>
        %add3A_377 = arith.constant 1 : i32
        %add3A_378 = arith.addi %mul3A_166, %add3A_377 : i32
        %get3A_379 = arith.index_cast %add3A_378 : i32 to index
        %get3A_380 = arith.constant 0 : index
        %get3A_381 = tpu.vector_load %arg13[%get3A_379, %get3A_380] {strides = array<i32>} : memref<128x128xi32, #tpu.memory_space<vmem>>, vector<16xi32>,
        %get3A_382 = arith.index_cast %add3A_378 : i32 to index
        %get3A_383 = arith.constant 0 : index
        %get3A_384 = tpu.vector_load %arg14[%get3A_382, %get3A_383] {strides = array<i32>} : memref<128x128xi32, #tpu.memory_space<vmem>>, vector<16xi32>,
        %bitcast3A_385 = vector.bitcast %get3A_381 : vector<16xi32> to vector<32xbf16>
        %bitcast3A_386 = vector.bitcast %get3A_384 : vector<16xi32> to vector<32xbf16>
        %add3A_387 = arith.addf %bitcast3A_385, %bitcast3A_386 : vector<32xbf16>
        %max3A_388 = arith.constant 0.000000e+00 : bf16
        %max3A_389 = vector.broadcast %max3A_388 : bf16 to vector<32xbf16>
        %max3A_390 = arith.maximumf %add3A_387, %max3A_389 : vector<32xbf16>
        %bitcast3A_391 = vector.bitcast %max3A_390 : vector<32xbf16> to vector<16xi32>
        %shift_left3A_392 = arith.constant 16 : i32
        %shift_left3A_393 = vector.broadcast %shift_left3A_392 : i32 to vector<16xi32>
        %shift_left3A_394 = arith.shli %bitcast3A_391, %shift_left3A_393 : vector<16xi32>
        %bitcast3A_395 = vector.bitcast %shift_left3A_394 : vector<16xi32> to vector<16xf32>
        %and3A_396 = arith.constant -65536 : i32
        %and3A_397 = vector.broadcast %and3A_396 : i32 to vector<16xi32>
        %and3A_398 = arith.andi %bitcast3A_391, %and3A_397 : vector<16xi32>
        %bitcast3A_399 = vector.bitcast %and3A_398 : vector<16xi32> to vector<16xf32>
        %mul3A_400 = arith.mulf %bitcast3A_395, %get3A_12 : vector<16xf32>
        %add3A_401 = arith.addf %broadcast_in_dim3A_8, %mul3A_400 : vector<16xf32>
        %mul3A_402 = arith.mulf %bitcast3A_399, %get3A_44 : vector<16xf32>
        %add3A_403 = arith.addf %broadcast_in_dim3A_8, %mul3A_402 : vector<16xf32>
        %get3A_404 = arith.index_cast %add3A_378 : i32 to index
        %get3A_405 = arith.constant 16 : index
        %get3A_406 = tpu.vector_load %arg13[%get3A_404, %get3A_405] {strides = array<i32>} : memref<128x128xi32, #tpu.memory_space<vmem>>, vector<16xi32>,
        %get3A_407 = arith.index_cast %add3A_378 : i32 to index
        %get3A_408 = arith.constant 16 : index
        %get3A_409 = tpu.vector_load %arg14[%get3A_407, %get3A_408] {strides = array<i32>} : memref<128x128xi32, #tpu.memory_space<vmem>>, vector<16xi32>,
        %bitcast3A_410 = vector.bitcast %get3A_406 : vector<16xi32> to vector<32xbf16>
        %bitcast3A_411 = vector.bitcast %get3A_409 : vector<16xi32> to vector<32xbf16>
        %add3A_412 = arith.addf %bitcast3A_410, %bitcast3A_411 : vector<32xbf16>
        %max3A_413 = arith.constant 0.000000e+00 : bf16
        %max3A_414 = vector.broadcast %max3A_413 : bf16 to vector<32xbf16>
        %max3A_415 = arith.maximumf %add3A_412, %max3A_414 : vector<32xbf16>
        %bitcast3A_416 = vector.bitcast %max3A_415 : vector<32xbf16> to vector<16xi32>
        %shift_left3A_417 = arith.constant 16 : i32
        %shift_left3A_418 = vector.broadcast %shift_left3A_417 : i32 to vector<16xi32>
        %shift_left3A_419 = arith.shli %bitcast3A_416, %shift_left3A_418 : vector<16xi32>
        %bitcast3A_420 = vector.bitcast %shift_left3A_419 : vector<16xi32> to vector<16xf32>
        %and3A_421 = arith.constant -65536 : i32
        %and3A_422 = vector.broadcast %and3A_421 : i32 to vector<16xi32>
        %and3A_423 = arith.andi %bitcast3A_416, %and3A_422 : vector<16xi32>
        %bitcast3A_424 = vector.bitcast %and3A_423 : vector<16xi32> to vector<16xf32>
        %mul3A_425 = arith.mulf %bitcast3A_420, %get3A_16 : vector<16xf32>
        %add3A_426 = arith.addf %add3A_401, %mul3A_425 : vector<16xf32>
        %mul3A_427 = arith.mulf %bitcast3A_424, %get3A_48 : vector<16xf32>
        %add3A_428 = arith.addf %add3A_403, %mul3A_427 : vector<16xf32>
        %get3A_429 = arith.index_cast %add3A_378 : i32 to index
        %get3A_430 = arith.constant 32 : index
        %get3A_431 = tpu.vector_load %arg13[%get3A_429, %get3A_430] {strides = array<i32>} : memref<128x128xi32, #tpu.memory_space<vmem>>, vector<16xi32>,
        %get3A_432 = arith.index_cast %add3A_378 : i32 to index
        %get3A_433 = arith.constant 32 : index
        %get3A_434 = tpu.vector_load %arg14[%get3A_432, %get3A_433] {strides = array<i32>} : memref<128x128xi32, #tpu.memory_space<vmem>>, vector<16xi32>,
        %bitcast3A_435 = vector.bitcast %get3A_431 : vector<16xi32> to vector<32xbf16>
        %bitcast3A_436 = vector.bitcast %get3A_434 : vector<16xi32> to vector<32xbf16>
        %add3A_437 = arith.addf %bitcast3A_435, %bitcast3A_436 : vector<32xbf16>
        %max3A_438 = arith.constant 0.000000e+00 : bf16
        %max3A_439 = vector.broadcast %max3A_438 : bf16 to vector<32xbf16>
        %max3A_440 = arith.maximumf %add3A_437, %max3A_439 : vector<32xbf16>
        %bitcast3A_441 = vector.bitcast %max3A_440 : vector<32xbf16> to vector<16xi32>
        %shift_left3A_442 = arith.constant 16 : i32
        %shift_left3A_443 = vector.broadcast %shift_left3A_442 : i32 to vector<16xi32>
        %shift_left3A_444 = arith.shli %bitcast3A_441, %shift_left3A_443 : vector<16xi32>
        %bitcast3A_445 = vector.bitcast %shift_left3A_444 : vector<16xi32> to vector<16xf32>
        %and3A_446 = arith.constant -65536 : i32
        %and3A_447 = vector.broadcast %and3A_446 : i32 to vector<16xi32>
        %and3A_448 = arith.andi %bitcast3A_441, %and3A_447 : vector<16xi32>
        %bitcast3A_449 = vector.bitcast %and3A_448 : vector<16xi32> to vector<16xf32>
        %mul3A_450 = arith.mulf %bitcast3A_445, %get3A_20 : vector<16xf32>
        %add3A_451 = arith.addf %add3A_426, %mul3A_450 : vector<16xf32>
        %mul3A_452 = arith.mulf %bitcast3A_449, %get3A_52 : vector<16xf32>
        %add3A_453 = arith.addf %add3A_428, %mul3A_452 : vector<16xf32>
        %get3A_454 = arith.index_cast %add3A_378 : i32 to index
        %get3A_455 = arith.constant 48 : index
        %get3A_456 = tpu.vector_load %arg13[%get3A_454, %get3A_455] {strides = array<i32>} : memref<128x128xi32, #tpu.memory_space<vmem>>, vector<16xi32>,
        %get3A_457 = arith.index_cast %add3A_378 : i32 to index
        %get3A_458 = arith.constant 48 : index
        %get3A_459 = tpu.vector_load %arg14[%get3A_457, %get3A_458] {strides = array<i32>} : memref<128x128xi32, #tpu.memory_space<vmem>>, vector<16xi32>,
        %bitcast3A_460 = vector.bitcast %get3A_456 : vector<16xi32> to vector<32xbf16>
        %bitcast3A_461 = vector.bitcast %get3A_459 : vector<16xi32> to vector<32xbf16>
        %add3A_462 = arith.addf %bitcast3A_460, %bitcast3A_461 : vector<32xbf16>
        %max3A_463 = arith.constant 0.000000e+00 : bf16
        %max3A_464 = vector.broadcast %max3A_463 : bf16 to vector<32xbf16>
        %max3A_465 = arith.maximumf %add3A_462, %max3A_464 : vector<32xbf16>
        %bitcast3A_466 = vector.bitcast %max3A_465 : vector<32xbf16> to vector<16xi32>
        %shift_left3A_467 = arith.constant 16 : i32
        %shift_left3A_468 = vector.broadcast %shift_left3A_467 : i32 to vector<16xi32>
        %shift_left3A_469 = arith.shli %bitcast3A_466, %shift_left3A_468 : vector<16xi32>
        %bitcast3A_470 = vector.bitcast %shift_left3A_469 : vector<16xi32> to vector<16xf32>
        %and3A_471 = arith.constant -65536 : i32
        %and3A_472 = vector.broadcast %and3A_471 : i32 to vector<16xi32>
        %and3A_473 = arith.andi %bitcast3A_466, %and3A_472 : vector<16xi32>
        %bitcast3A_474 = vector.bitcast %and3A_473 : vector<16xi32> to vector<16xf32>
        %mul3A_475 = arith.mulf %bitcast3A_470, %get3A_24 : vector<16xf32>
        %add3A_476 = arith.addf %add3A_451, %mul3A_475 : vector<16xf32>
        %mul3A_477 = arith.mulf %bitcast3A_474, %get3A_56 : vector<16xf32>
        %add3A_478 = arith.addf %add3A_453, %mul3A_477 : vector<16xf32>
        %get3A_479 = arith.index_cast %add3A_378 : i32 to index
        %get3A_480 = arith.constant 64 : index
        %get3A_481 = tpu.vector_load %arg13[%get3A_479, %get3A_480] {strides = array<i32>} : memref<128x128xi32, #tpu.memory_space<vmem>>, vector<16xi32>,
        %get3A_482 = arith.index_cast %add3A_378 : i32 to index
        %get3A_483 = arith.constant 64 : index
        %get3A_484 = tpu.vector_load %arg14[%get3A_482, %get3A_483] {strides = array<i32>} : memref<128x128xi32, #tpu.memory_space<vmem>>, vector<16xi32>,
        %bitcast3A_485 = vector.bitcast %get3A_481 : vector<16xi32> to vector<32xbf16>
        %bitcast3A_486 = vector.bitcast %get3A_484 : vector<16xi32> to vector<32xbf16>
        %add3A_487 = arith.addf %bitcast3A_485, %bitcast3A_486 : vector<32xbf16>
        %max3A_488 = arith.constant 0.000000e+00 : bf16
        %max3A_489 = vector.broadcast %max3A_488 : bf16 to vector<32xbf16>
        %max3A_490 = arith.maximumf %add3A_487, %max3A_489 : vector<32xbf16>
        %bitcast3A_491 = vector.bitcast %max3A_490 : vector<32xbf16> to vector<16xi32>
        %shift_left3A_492 = arith.constant 16 : i32
        %shift_left3A_493 = vector.broadcast %shift_left3A_492 : i32 to vector<16xi32>
        %shift_left3A_494 = arith.shli %bitcast3A_491, %shift_left3A_493 : vector<16xi32>
        %bitcast3A_495 = vector.bitcast %shift_left3A_494 : vector<16xi32> to vector<16xf32>
        %and3A_496 = arith.constant -65536 : i32
        %and3A_497 = vector.broadcast %and3A_496 : i32 to vector<16xi32>
        %and3A_498 = arith.andi %bitcast3A_491, %and3A_497 : vector<16xi32>
        %bitcast3A_499 = vector.bitcast %and3A_498 : vector<16xi32> to vector<16xf32>
        %mul3A_500 = arith.mulf %bitcast3A_495, %get3A_28 : vector<16xf32>
        %add3A_501 = arith.addf %add3A_476, %mul3A_500 : vector<16xf32>
        %mul3A_502 = arith.mulf %bitcast3A_499, %get3A_60 : vector<16xf32>
        %add3A_503 = arith.addf %add3A_478, %mul3A_502 : vector<16xf32>
        %get3A_504 = arith.index_cast %add3A_378 : i32 to index
        %get3A_505 = arith.constant 80 : index
        %get3A_506 = tpu.vector_load %arg13[%get3A_504, %get3A_505] {strides = array<i32>} : memref<128x128xi32, #tpu.memory_space<vmem>>, vector<16xi32>,
        %get3A_507 = arith.index_cast %add3A_378 : i32 to index
        %get3A_508 = arith.constant 80 : index
        %get3A_509 = tpu.vector_load %arg14[%get3A_507, %get3A_508] {strides = array<i32>} : memref<128x128xi32, #tpu.memory_space<vmem>>, vector<16xi32>,
        %bitcast3A_510 = vector.bitcast %get3A_506 : vector<16xi32> to vector<32xbf16>
        %bitcast3A_511 = vector.bitcast %get3A_509 : vector<16xi32> to vector<32xbf16>
        %add3A_512 = arith.addf %bitcast3A_510, %bitcast3A_511 : vector<32xbf16>
        %max3A_513 = arith.constant 0.000000e+00 : bf16
        %max3A_514 = vector.broadcast %max3A_513 : bf16 to vector<32xbf16>
        %max3A_515 = arith.maximumf %add3A_512, %max3A_514 : vector<32xbf16>
        %bitcast3A_516 = vector.bitcast %max3A_515 : vector<32xbf16> to vector<16xi32>
        %shift_left3A_517 = arith.constant 16 : i32
        %shift_left3A_518 = vector.broadcast %shift_left3A_517 : i32 to vector<16xi32>
        %shift_left3A_519 = arith.shli %bitcast3A_516, %shift_left3A_518 : vector<16xi32>
        %bitcast3A_520 = vector.bitcast %shift_left3A_519 : vector<16xi32> to vector<16xf32>
        %and3A_521 = arith.constant -65536 : i32
        %and3A_522 = vector.broadcast %and3A_521 : i32 to vector<16xi32>
        %and3A_523 = arith.andi %bitcast3A_516, %and3A_522 : vector<16xi32>
        %bitcast3A_524 = vector.bitcast %and3A_523 : vector<16xi32> to vector<16xf32>
        %mul3A_525 = arith.mulf %bitcast3A_520, %get3A_32 : vector<16xf32>
        %add3A_526 = arith.addf %add3A_501, %mul3A_525 : vector<16xf32>
        %mul3A_527 = arith.mulf %bitcast3A_524, %get3A_64 : vector<16xf32>
        %add3A_528 = arith.addf %add3A_503, %mul3A_527 : vector<16xf32>
        %get3A_529 = arith.index_cast %add3A_378 : i32 to index
        %get3A_530 = arith.constant 96 : index
        %get3A_531 = tpu.vector_load %arg13[%get3A_529, %get3A_530] {strides = array<i32>} : memref<128x128xi32, #tpu.memory_space<vmem>>, vector<16xi32>,
        %get3A_532 = arith.index_cast %add3A_378 : i32 to index
        %get3A_533 = arith.constant 96 : index
        %get3A_534 = tpu.vector_load %arg14[%get3A_532, %get3A_533] {strides = array<i32>} : memref<128x128xi32, #tpu.memory_space<vmem>>, vector<16xi32>,
        %bitcast3A_535 = vector.bitcast %get3A_531 : vector<16xi32> to vector<32xbf16>
        %bitcast3A_536 = vector.bitcast %get3A_534 : vector<16xi32> to vector<32xbf16>
        %add3A_537 = arith.addf %bitcast3A_535, %bitcast3A_536 : vector<32xbf16>
        %max3A_538 = arith.constant 0.000000e+00 : bf16
        %max3A_539 = vector.broadcast %max3A_538 : bf16 to vector<32xbf16>
        %max3A_540 = arith.maximumf %add3A_537, %max3A_539 : vector<32xbf16>
        %bitcast3A_541 = vector.bitcast %max3A_540 : vector<32xbf16> to vector<16xi32>
        %shift_left3A_542 = arith.constant 16 : i32
        %shift_left3A_543 = vector.broadcast %shift_left3A_542 : i32 to vector<16xi32>
        %shift_left3A_544 = arith.shli %bitcast3A_541, %shift_left3A_543 : vector<16xi32>
        %bitcast3A_545 = vector.bitcast %shift_left3A_544 : vector<16xi32> to vector<16xf32>
        %and3A_546 = arith.constant -65536 : i32
        %and3A_547 = vector.broadcast %and3A_546 : i32 to vector<16xi32>
        %and3A_548 = arith.andi %bitcast3A_541, %and3A_547 : vector<16xi32>
        %bitcast3A_549 = vector.bitcast %and3A_548 : vector<16xi32> to vector<16xf32>
        %mul3A_550 = arith.mulf %bitcast3A_545, %get3A_36 : vector<16xf32>
        %add3A_551 = arith.addf %add3A_526, %mul3A_550 : vector<16xf32>
        %mul3A_552 = arith.mulf %bitcast3A_549, %get3A_68 : vector<16xf32>
        %add3A_553 = arith.addf %add3A_528, %mul3A_552 : vector<16xf32>
        %get3A_554 = arith.index_cast %add3A_378 : i32 to index
        %get3A_555 = arith.constant 112 : index
        %get3A_556 = tpu.vector_load %arg13[%get3A_554, %get3A_555] {strides = array<i32>} : memref<128x128xi32, #tpu.memory_space<vmem>>, vector<16xi32>,
        %get3A_557 = arith.index_cast %add3A_378 : i32 to index
        %get3A_558 = arith.constant 112 : index
        %get3A_559 = tpu.vector_load %arg14[%get3A_557, %get3A_558] {strides = array<i32>} : memref<128x128xi32, #tpu.memory_space<vmem>>, vector<16xi32>,
        %bitcast3A_560 = vector.bitcast %get3A_556 : vector<16xi32> to vector<32xbf16>
        %bitcast3A_561 = vector.bitcast %get3A_559 : vector<16xi32> to vector<32xbf16>
        %add3A_562 = arith.addf %bitcast3A_560, %bitcast3A_561 : vector<32xbf16>
        %max3A_563 = arith.constant 0.000000e+00 : bf16
        %max3A_564 = vector.broadcast %max3A_563 : bf16 to vector<32xbf16>
        %max3A_565 = arith.maximumf %add3A_562, %max3A_564 : vector<32xbf16>
        %bitcast3A_566 = vector.bitcast %max3A_565 : vector<32xbf16> to vector<16xi32>
        %shift_left3A_567 = arith.constant 16 : i32
        %shift_left3A_568 = vector.broadcast %shift_left3A_567 : i32 to vector<16xi32>
        %shift_left3A_569 = arith.shli %bitcast3A_566, %shift_left3A_568 : vector<16xi32>
        %bitcast3A_570 = vector.bitcast %shift_left3A_569 : vector<16xi32> to vector<16xf32>
        %and3A_571 = arith.constant -65536 : i32
        %and3A_572 = vector.broadcast %and3A_571 : i32 to vector<16xi32>
        %and3A_573 = arith.andi %bitcast3A_566, %and3A_572 : vector<16xi32>
        %bitcast3A_574 = vector.bitcast %and3A_573 : vector<16xi32> to vector<16xf32>
        %mul3A_575 = arith.mulf %bitcast3A_570, %get3A_40 : vector<16xf32>
        %add3A_576 = arith.addf %add3A_551, %mul3A_575 : vector<16xf32>
        %mul3A_577 = arith.mulf %bitcast3A_574, %get3A_72 : vector<16xf32>
        %add3A_578 = arith.addf %add3A_553, %mul3A_577 : vector<16xf32>
        %add3A_579 = arith.addf %add3A_576, %add3A_578 : vector<16xf32>
        %reduce_sum3A_580 = arith.constant true
        %reduce_sum3A_581 = vector.broadcast %reduce_sum3A_580 : i1 to vector<16xi1>
        %reduce_sum3A_582 = tpu.scan <sum>, %add3A_579 masked %reduce_sum3A_581 : vector<16xf32>, vector<16xi1> -> vector<16xf32>
        %reduce_sum3A_583 = vector.extract %reduce_sum3A_582[15] : f32 from vector<16xf32>
        %add3A_584 = arith.constant 1 : i32
        %add3A_585 = arith.addi %mul3A_166, %add3A_584 : i32
        %and3A_586 = arith.constant 15 : i32
        %and3A_587 = arith.andi %add3A_585, %and3A_586 : i32
        %eq3A_588 = vector.broadcast %and3A_587 : i32 to vector<16xi32>
        %eq3A_589 = arith.cmpi eq, %iota3A, %eq3A_588 : vector<16xi32>
        %broadcast_in_dim3A_590 = vector.broadcast %reduce_sum3A_583 : f32 to vector<16xf32>
        %select_n3A_591 = arith.select %eq3A_589, %broadcast_in_dim3A_590, %select_n3A : vector<16xi1>, vector<16xf32>
        %add3A_592 = arith.constant 2 : i32
        %add3A_593 = arith.addi %mul3A_166, %add3A_592 : i32
        %get3A_594 = arith.index_cast %add3A_593 : i32 to index
        %get3A_595 = arith.constant 0 : index
        %get3A_596 = tpu.vector_load %arg13[%get3A_594, %get3A_595] {strides = array<i32>} : memref<128x128xi32, #tpu.memory_space<vmem>>, vector<16xi32>,
        %get3A_597 = arith.index_cast %add3A_593 : i32 to index
        %get3A_598 = arith.constant 0 : index
        %get3A_599 = tpu.vector_load %arg14[%get3A_597, %get3A_598] {strides = array<i32>} : memref<128x128xi32, #tpu.memory_space<vmem>>, vector<16xi32>,
        %bitcast3A_600 = vector.bitcast %get3A_596 : vector<16xi32> to vector<32xbf16>
        %bitcast3A_601 = vector.bitcast %get3A_599 : vector<16xi32> to vector<32xbf16>
        %add3A_602 = arith.addf %bitcast3A_600, %bitcast3A_601 : vector<32xbf16>
        %max3A_603 = arith.constant 0.000000e+00 : bf16
        %max3A_604 = vector.broadcast %max3A_603 : bf16 to vector<32xbf16>
        %max3A_605 = arith.maximumf %add3A_602, %max3A_604 : vector<32xbf16>
        %bitcast3A_606 = vector.bitcast %max3A_605 : vector<32xbf16> to vector<16xi32>
        %shift_left3A_607 = arith.constant 16 : i32
        %shift_left3A_608 = vector.broadcast %shift_left3A_607 : i32 to vector<16xi32>
        %shift_left3A_609 = arith.shli %bitcast3A_606, %shift_left3A_608 : vector<16xi32>
        %bitcast3A_610 = vector.bitcast %shift_left3A_609 : vector<16xi32> to vector<16xf32>
        %and3A_611 = arith.constant -65536 : i32
        %and3A_612 = vector.broadcast %and3A_611 : i32 to vector<16xi32>
        %and3A_613 = arith.andi %bitcast3A_606, %and3A_612 : vector<16xi32>
        %bitcast3A_614 = vector.bitcast %and3A_613 : vector<16xi32> to vector<16xf32>
        %mul3A_615 = arith.mulf %bitcast3A_610, %get3A_12 : vector<16xf32>
        %add3A_616 = arith.addf %broadcast_in_dim3A_8, %mul3A_615 : vector<16xf32>
        %mul3A_617 = arith.mulf %bitcast3A_614, %get3A_44 : vector<16xf32>
        %add3A_618 = arith.addf %broadcast_in_dim3A_8, %mul3A_617 : vector<16xf32>
        %get3A_619 = arith.index_cast %add3A_593 : i32 to index
        %get3A_620 = arith.constant 16 : index
        %get3A_621 = tpu.vector_load %arg13[%get3A_619, %get3A_620] {strides = array<i32>} : memref<128x128xi32, #tpu.memory_space<vmem>>, vector<16xi32>,
        %get3A_622 = arith.index_cast %add3A_593 : i32 to index
        %get3A_623 = arith.constant 16 : index
        %get3A_624 = tpu.vector_load %arg14[%get3A_622, %get3A_623] {strides = array<i32>} : memref<128x128xi32, #tpu.memory_space<vmem>>, vector<16xi32>,
        %bitcast3A_625 = vector.bitcast %get3A_621 : vector<16xi32> to vector<32xbf16>
        %bitcast3A_626 = vector.bitcast %get3A_624 : vector<16xi32> to vector<32xbf16>
        %add3A_627 = arith.addf %bitcast3A_625, %bitcast3A_626 : vector<32xbf16>
        %max3A_628 = arith.constant 0.000000e+00 : bf16
        %max3A_629 = vector.broadcast %max3A_628 : bf16 to vector<32xbf16>
        %max3A_630 = arith.maximumf %add3A_627, %max3A_629 : vector<32xbf16>
        %bitcast3A_631 = vector.bitcast %max3A_630 : vector<32xbf16> to vector<16xi32>
        %shift_left3A_632 = arith.constant 16 : i32
        %shift_left3A_633 = vector.broadcast %shift_left3A_632 : i32 to vector<16xi32>
        %shift_left3A_634 = arith.shli %bitcast3A_631, %shift_left3A_633 : vector<16xi32>
        %bitcast3A_635 = vector.bitcast %shift_left3A_634 : vector<16xi32> to vector<16xf32>
        %and3A_636 = arith.constant -65536 : i32
        %and3A_637 = vector.broadcast %and3A_636 : i32 to vector<16xi32>
        %and3A_638 = arith.andi %bitcast3A_631, %and3A_637 : vector<16xi32>
        %bitcast3A_639 = vector.bitcast %and3A_638 : vector<16xi32> to vector<16xf32>
        %mul3A_640 = arith.mulf %bitcast3A_635, %get3A_16 : vector<16xf32>
        %add3A_641 = arith.addf %add3A_616, %mul3A_640 : vector<16xf32>
        %mul3A_642 = arith.mulf %bitcast3A_639, %get3A_48 : vector<16xf32>
        %add3A_643 = arith.addf %add3A_618, %mul3A_642 : vector<16xf32>
        %get3A_644 = arith.index_cast %add3A_593 : i32 to index
        %get3A_645 = arith.constant 32 : index
        %get3A_646 = tpu.vector_load %arg13[%get3A_644, %get3A_645] {strides = array<i32>} : memref<128x128xi32, #tpu.memory_space<vmem>>, vector<16xi32>,
        %get3A_647 = arith.index_cast %add3A_593 : i32 to index
        %get3A_648 = arith.constant 32 : index
        %get3A_649 = tpu.vector_load %arg14[%get3A_647, %get3A_648] {strides = array<i32>} : memref<128x128xi32, #tpu.memory_space<vmem>>, vector<16xi32>,
        %bitcast3A_650 = vector.bitcast %get3A_646 : vector<16xi32> to vector<32xbf16>
        %bitcast3A_651 = vector.bitcast %get3A_649 : vector<16xi32> to vector<32xbf16>
        %add3A_652 = arith.addf %bitcast3A_650, %bitcast3A_651 : vector<32xbf16>
        %max3A_653 = arith.constant 0.000000e+00 : bf16
        %max3A_654 = vector.broadcast %max3A_653 : bf16 to vector<32xbf16>
        %max3A_655 = arith.maximumf %add3A_652, %max3A_654 : vector<32xbf16>
        %bitcast3A_656 = vector.bitcast %max3A_655 : vector<32xbf16> to vector<16xi32>
        %shift_left3A_657 = arith.constant 16 : i32
        %shift_left3A_658 = vector.broadcast %shift_left3A_657 : i32 to vector<16xi32>
        %shift_left3A_659 = arith.shli %bitcast3A_656, %shift_left3A_658 : vector<16xi32>
        %bitcast3A_660 = vector.bitcast %shift_left3A_659 : vector<16xi32> to vector<16xf32>
        %and3A_661 = arith.constant -65536 : i32
        %and3A_662 = vector.broadcast %and3A_661 : i32 to vector<16xi32>
        %and3A_663 = arith.andi %bitcast3A_656, %and3A_662 : vector<16xi32>
        %bitcast3A_664 = vector.bitcast %and3A_663 : vector<16xi32> to vector<16xf32>
        %mul3A_665 = arith.mulf %bitcast3A_660, %get3A_20 : vector<16xf32>
        %add3A_666 = arith.addf %add3A_641, %mul3A_665 : vector<16xf32>
        %mul3A_667 = arith.mulf %bitcast3A_664, %get3A_52 : vector<16xf32>
        %add3A_668 = arith.addf %add3A_643, %mul3A_667 : vector<16xf32>
        %get3A_669 = arith.index_cast %add3A_593 : i32 to index
        %get3A_670 = arith.constant 48 : index
        %get3A_671 = tpu.vector_load %arg13[%get3A_669, %get3A_670] {strides = array<i32>} : memref<128x128xi32, #tpu.memory_space<vmem>>, vector<16xi32>,
        %get3A_672 = arith.index_cast %add3A_593 : i32 to index
        %get3A_673 = arith.constant 48 : index
        %get3A_674 = tpu.vector_load %arg14[%get3A_672, %get3A_673] {strides = array<i32>} : memref<128x128xi32, #tpu.memory_space<vmem>>, vector<16xi32>,
        %bitcast3A_675 = vector.bitcast %get3A_671 : vector<16xi32> to vector<32xbf16>
        %bitcast3A_676 = vector.bitcast %get3A_674 : vector<16xi32> to vector<32xbf16>
        %add3A_677 = arith.addf %bitcast3A_675, %bitcast3A_676 : vector<32xbf16>
        %max3A_678 = arith.constant 0.000000e+00 : bf16
        %max3A_679 = vector.broadcast %max3A_678 : bf16 to vector<32xbf16>
        %max3A_680 = arith.maximumf %add3A_677, %max3A_679 : vector<32xbf16>
        %bitcast3A_681 = vector.bitcast %max3A_680 : vector<32xbf16> to vector<16xi32>
        %shift_left3A_682 = arith.constant 16 : i32
        %shift_left3A_683 = vector.broadcast %shift_left3A_682 : i32 to vector<16xi32>
        %shift_left3A_684 = arith.shli %bitcast3A_681, %shift_left3A_683 : vector<16xi32>
        %bitcast3A_685 = vector.bitcast %shift_left3A_684 : vector<16xi32> to vector<16xf32>
        %and3A_686 = arith.constant -65536 : i32
        %and3A_687 = vector.broadcast %and3A_686 : i32 to vector<16xi32>
        %and3A_688 = arith.andi %bitcast3A_681, %and3A_687 : vector<16xi32>
        %bitcast3A_689 = vector.bitcast %and3A_688 : vector<16xi32> to vector<16xf32>
        %mul3A_690 = arith.mulf %bitcast3A_685, %get3A_24 : vector<16xf32>
        %add3A_691 = arith.addf %add3A_666, %mul3A_690 : vector<16xf32>
        %mul3A_692 = arith.mulf %bitcast3A_689, %get3A_56 : vector<16xf32>
        %add3A_693 = arith.addf %add3A_668, %mul3A_692 : vector<16xf32>
        %get3A_694 = arith.index_cast %add3A_593 : i32 to index
        %get3A_695 = arith.constant 64 : index
        %get3A_696 = tpu.vector_load %arg13[%get3A_694, %get3A_695] {strides = array<i32>} : memref<128x128xi32, #tpu.memory_space<vmem>>, vector<16xi32>,
        %get3A_697 = arith.index_cast %add3A_593 : i32 to index
        %get3A_698 = arith.constant 64 : index
        %get3A_699 = tpu.vector_load %arg14[%get3A_697, %get3A_698] {strides = array<i32>} : memref<128x128xi32, #tpu.memory_space<vmem>>, vector<16xi32>,
        %bitcast3A_700 = vector.bitcast %get3A_696 : vector<16xi32> to vector<32xbf16>
        %bitcast3A_701 = vector.bitcast %get3A_699 : vector<16xi32> to vector<32xbf16>
        %add3A_702 = arith.addf %bitcast3A_700, %bitcast3A_701 : vector<32xbf16>
        %max3A_703 = arith.constant 0.000000e+00 : bf16
        %max3A_704 = vector.broadcast %max3A_703 : bf16 to vector<32xbf16>
        %max3A_705 = arith.maximumf %add3A_702, %max3A_704 : vector<32xbf16>
        %bitcast3A_706 = vector.bitcast %max3A_705 : vector<32xbf16> to vector<16xi32>
        %shift_left3A_707 = arith.constant 16 : i32
        %shift_left3A_708 = vector.broadcast %shift_left3A_707 : i32 to vector<16xi32>
        %shift_left3A_709 = arith.shli %bitcast3A_706, %shift_left3A_708 : vector<16xi32>
        %bitcast3A_710 = vector.bitcast %shift_left3A_709 : vector<16xi32> to vector<16xf32>
        %and3A_711 = arith.constant -65536 : i32
        %and3A_712 = vector.broadcast %and3A_711 : i32 to vector<16xi32>
        %and3A_713 = arith.andi %bitcast3A_706, %and3A_712 : vector<16xi32>
        %bitcast3A_714 = vector.bitcast %and3A_713 : vector<16xi32> to vector<16xf32>
        %mul3A_715 = arith.mulf %bitcast3A_710, %get3A_28 : vector<16xf32>
        %add3A_716 = arith.addf %add3A_691, %mul3A_715 : vector<16xf32>
        %mul3A_717 = arith.mulf %bitcast3A_714, %get3A_60 : vector<16xf32>
        %add3A_718 = arith.addf %add3A_693, %mul3A_717 : vector<16xf32>
        %get3A_719 = arith.index_cast %add3A_593 : i32 to index
        %get3A_720 = arith.constant 80 : index
        %get3A_721 = tpu.vector_load %arg13[%get3A_719, %get3A_720] {strides = array<i32>} : memref<128x128xi32, #tpu.memory_space<vmem>>, vector<16xi32>,
        %get3A_722 = arith.index_cast %add3A_593 : i32 to index
        %get3A_723 = arith.constant 80 : index
        %get3A_724 = tpu.vector_load %arg14[%get3A_722, %get3A_723] {strides = array<i32>} : memref<128x128xi32, #tpu.memory_space<vmem>>, vector<16xi32>,
        %bitcast3A_725 = vector.bitcast %get3A_721 : vector<16xi32> to vector<32xbf16>
        %bitcast3A_726 = vector.bitcast %get3A_724 : vector<16xi32> to vector<32xbf16>
        %add3A_727 = arith.addf %bitcast3A_725, %bitcast3A_726 : vector<32xbf16>
        %max3A_728 = arith.constant 0.000000e+00 : bf16
        %max3A_729 = vector.broadcast %max3A_728 : bf16 to vector<32xbf16>
        %max3A_730 = arith.maximumf %add3A_727, %max3A_729 : vector<32xbf16>
        %bitcast3A_731 = vector.bitcast %max3A_730 : vector<32xbf16> to vector<16xi32>
        %shift_left3A_732 = arith.constant 16 : i32
        %shift_left3A_733 = vector.broadcast %shift_left3A_732 : i32 to vector<16xi32>
        %shift_left3A_734 = arith.shli %bitcast3A_731, %shift_left3A_733 : vector<16xi32>
        %bitcast3A_735 = vector.bitcast %shift_left3A_734 : vector<16xi32> to vector<16xf32>
        %and3A_736 = arith.constant -65536 : i32
        %and3A_737 = vector.broadcast %and3A_736 : i32 to vector<16xi32>
        %and3A_738 = arith.andi %bitcast3A_731, %and3A_737 : vector<16xi32>
        %bitcast3A_739 = vector.bitcast %and3A_738 : vector<16xi32> to vector<16xf32>
        %mul3A_740 = arith.mulf %bitcast3A_735, %get3A_32 : vector<16xf32>
        %add3A_741 = arith.addf %add3A_716, %mul3A_740 : vector<16xf32>
        %mul3A_742 = arith.mulf %bitcast3A_739, %get3A_64 : vector<16xf32>
        %add3A_743 = arith.addf %add3A_718, %mul3A_742 : vector<16xf32>
        %get3A_744 = arith.index_cast %add3A_593 : i32 to index
        %get3A_745 = arith.constant 96 : index
        %get3A_746 = tpu.vector_load %arg13[%get3A_744, %get3A_745] {strides = array<i32>} : memref<128x128xi32, #tpu.memory_space<vmem>>, vector<16xi32>,
        %get3A_747 = arith.index_cast %add3A_593 : i32 to index
        %get3A_748 = arith.constant 96 : index
        %get3A_749 = tpu.vector_load %arg14[%get3A_747, %get3A_748] {strides = array<i32>} : memref<128x128xi32, #tpu.memory_space<vmem>>, vector<16xi32>,
        %bitcast3A_750 = vector.bitcast %get3A_746 : vector<16xi32> to vector<32xbf16>
        %bitcast3A_751 = vector.bitcast %get3A_749 : vector<16xi32> to vector<32xbf16>
        %add3A_752 = arith.addf %bitcast3A_750, %bitcast3A_751 : vector<32xbf16>
        %max3A_753 = arith.constant 0.000000e+00 : bf16
        %max3A_754 = vector.broadcast %max3A_753 : bf16 to vector<32xbf16>
        %max3A_755 = arith.maximumf %add3A_752, %max3A_754 : vector<32xbf16>
        %bitcast3A_756 = vector.bitcast %max3A_755 : vector<32xbf16> to vector<16xi32>
        %shift_left3A_757 = arith.constant 16 : i32
        %shift_left3A_758 = vector.broadcast %shift_left3A_757 : i32 to vector<16xi32>
        %shift_left3A_759 = arith.shli %bitcast3A_756, %shift_left3A_758 : vector<16xi32>
        %bitcast3A_760 = vector.bitcast %shift_left3A_759 : vector<16xi32> to vector<16xf32>
        %and3A_761 = arith.constant -65536 : i32
        %and3A_762 = vector.broadcast %and3A_761 : i32 to vector<16xi32>
        %and3A_763 = arith.andi %bitcast3A_756, %and3A_762 : vector<16xi32>
        %bitcast3A_764 = vector.bitcast %and3A_763 : vector<16xi32> to vector<16xf32>
        %mul3A_765 = arith.mulf %bitcast3A_760, %get3A_36 : vector<16xf32>
        %add3A_766 = arith.addf %add3A_741, %mul3A_765 : vector<16xf32>
        %mul3A_767 = arith.mulf %bitcast3A_764, %get3A_68 : vector<16xf32>
        %add3A_768 = arith.addf %add3A_743, %mul3A_767 : vector<16xf32>
        %get3A_769 = arith.index_cast %add3A_593 : i32 to index
        %get3A_770 = arith.constant 112 : index
        %get3A_771 = tpu.vector_load %arg13[%get3A_769, %get3A_770] {strides = array<i32>} : memref<128x128xi32, #tpu.memory_space<vmem>>, vector<16xi32>,
        %get3A_772 = arith.index_cast %add3A_593 : i32 to index
        %get3A_773 = arith.constant 112 : index
        %get3A_774 = tpu.vector_load %arg14[%get3A_772, %get3A_773] {strides = array<i32>} : memref<128x128xi32, #tpu.memory_space<vmem>>, vector<16xi32>,
        %bitcast3A_775 = vector.bitcast %get3A_771 : vector<16xi32> to vector<32xbf16>
        %bitcast3A_776 = vector.bitcast %get3A_774 : vector<16xi32> to vector<32xbf16>
        %add3A_777 = arith.addf %bitcast3A_775, %bitcast3A_776 : vector<32xbf16>
        %max3A_778 = arith.constant 0.000000e+00 : bf16
        %max3A_779 = vector.broadcast %max3A_778 : bf16 to vector<32xbf16>
        %max3A_780 = arith.maximumf %add3A_777, %max3A_779 : vector<32xbf16>
        %bitcast3A_781 = vector.bitcast %max3A_780 : vector<32xbf16> to vector<16xi32>
        %shift_left3A_782 = arith.constant 16 : i32
        %shift_left3A_783 = vector.broadcast %shift_left3A_782 : i32 to vector<16xi32>
        %shift_left3A_784 = arith.shli %bitcast3A_781, %shift_left3A_783 : vector<16xi32>
        %bitcast3A_785 = vector.bitcast %shift_left3A_784 : vector<16xi32> to vector<16xf32>
        %and3A_786 = arith.constant -65536 : i32
        %and3A_787 = vector.broadcast %and3A_786 : i32 to vector<16xi32>
        %and3A_788 = arith.andi %bitcast3A_781, %and3A_787 : vector<16xi32>
        %bitcast3A_789 = vector.bitcast %and3A_788 : vector<16xi32> to vector<16xf32>
        %mul3A_790 = arith.mulf %bitcast3A_785, %get3A_40 : vector<16xf32>
        %add3A_791 = arith.addf %add3A_766, %mul3A_790 : vector<16xf32>
        %mul3A_792 = arith.mulf %bitcast3A_789, %get3A_72 : vector<16xf32>
        %add3A_793 = arith.addf %add3A_768, %mul3A_792 : vector<16xf32>
        %add3A_794 = arith.addf %add3A_791, %add3A_793 : vector<16xf32>
        %reduce_sum3A_795 = arith.constant true
        %reduce_sum3A_796 = vector.broadcast %reduce_sum3A_795 : i1 to vector<16xi1>
        %reduce_sum3A_797 = tpu.scan <sum>, %add3A_794 masked %reduce_sum3A_796 : vector<16xf32>, vector<16xi1> -> vector<16xf32>
        %reduce_sum3A_798 = vector.extract %reduce_sum3A_797[15] : f32 from vector<16xf32>
        %add3A_799 = arith.constant 2 : i32
        %add3A_800 = arith.addi %mul3A_166, %add3A_799 : i32
        %and3A_801 = arith.constant 15 : i32
        %and3A_802 = arith.andi %add3A_800, %and3A_801 : i32
        %eq3A_803 = vector.broadcast %and3A_802 : i32 to vector<16xi32>
        %eq3A_804 = arith.cmpi eq, %iota3A, %eq3A_803 : vector<16xi32>
        %broadcast_in_dim3A_805 = vector.broadcast %reduce_sum3A_798 : f32 to vector<16xf32>
        %select_n3A_806 = arith.select %eq3A_804, %broadcast_in_dim3A_805, %select_n3A_591 : vector<16xi1>, vector<16xf32>
        %add3A_807 = arith.constant 3 : i32
        %add3A_808 = arith.addi %mul3A_166, %add3A_807 : i32
        %get3A_809 = arith.index_cast %add3A_808 : i32 to index
        %get3A_810 = arith.constant 0 : index
        %get3A_811 = tpu.vector_load %arg13[%get3A_809, %get3A_810] {strides = array<i32>} : memref<128x128xi32, #tpu.memory_space<vmem>>, vector<16xi32>,
        %get3A_812 = arith.index_cast %add3A_808 : i32 to index
        %get3A_813 = arith.constant 0 : index
        %get3A_814 = tpu.vector_load %arg14[%get3A_812, %get3A_813] {strides = array<i32>} : memref<128x128xi32, #tpu.memory_space<vmem>>, vector<16xi32>,
        %bitcast3A_815 = vector.bitcast %get3A_811 : vector<16xi32> to vector<32xbf16>
        %bitcast3A_816 = vector.bitcast %get3A_814 : vector<16xi32> to vector<32xbf16>
        %add3A_817 = arith.addf %bitcast3A_815, %bitcast3A_816 : vector<32xbf16>
        %max3A_818 = arith.constant 0.000000e+00 : bf16
        %max3A_819 = vector.broadcast %max3A_818 : bf16 to vector<32xbf16>
        %max3A_820 = arith.maximumf %add3A_817, %max3A_819 : vector<32xbf16>
        %bitcast3A_821 = vector.bitcast %max3A_820 : vector<32xbf16> to vector<16xi32>
        %shift_left3A_822 = arith.constant 16 : i32
        %shift_left3A_823 = vector.broadcast %shift_left3A_822 : i32 to vector<16xi32>
        %shift_left3A_824 = arith.shli %bitcast3A_821, %shift_left3A_823 : vector<16xi32>
        %bitcast3A_825 = vector.bitcast %shift_left3A_824 : vector<16xi32> to vector<16xf32>
        %and3A_826 = arith.constant -65536 : i32
        %and3A_827 = vector.broadcast %and3A_826 : i32 to vector<16xi32>
        %and3A_828 = arith.andi %bitcast3A_821, %and3A_827 : vector<16xi32>
        %bitcast3A_829 = vector.bitcast %and3A_828 : vector<16xi32> to vector<16xf32>
        %mul3A_830 = arith.mulf %bitcast3A_825, %get3A_12 : vector<16xf32>
        %add3A_831 = arith.addf %broadcast_in_dim3A_8, %mul3A_830 : vector<16xf32>
        %mul3A_832 = arith.mulf %bitcast3A_829, %get3A_44 : vector<16xf32>
        %add3A_833 = arith.addf %broadcast_in_dim3A_8, %mul3A_832 : vector<16xf32>
        %get3A_834 = arith.index_cast %add3A_808 : i32 to index
        %get3A_835 = arith.constant 16 : index
        %get3A_836 = tpu.vector_load %arg13[%get3A_834, %get3A_835] {strides = array<i32>} : memref<128x128xi32, #tpu.memory_space<vmem>>, vector<16xi32>,
        %get3A_837 = arith.index_cast %add3A_808 : i32 to index
        %get3A_838 = arith.constant 16 : index
        %get3A_839 = tpu.vector_load %arg14[%get3A_837, %get3A_838] {strides = array<i32>} : memref<128x128xi32, #tpu.memory_space<vmem>>, vector<16xi32>,
        %bitcast3A_840 = vector.bitcast %get3A_836 : vector<16xi32> to vector<32xbf16>
        %bitcast3A_841 = vector.bitcast %get3A_839 : vector<16xi32> to vector<32xbf16>
        %add3A_842 = arith.addf %bitcast3A_840, %bitcast3A_841 : vector<32xbf16>
        %max3A_843 = arith.constant 0.000000e+00 : bf16
        %max3A_844 = vector.broadcast %max3A_843 : bf16 to vector<32xbf16>
        %max3A_845 = arith.maximumf %add3A_842, %max3A_844 : vector<32xbf16>
        %bitcast3A_846 = vector.bitcast %max3A_845 : vector<32xbf16> to vector<16xi32>
        %shift_left3A_847 = arith.constant 16 : i32
        %shift_left3A_848 = vector.broadcast %shift_left3A_847 : i32 to vector<16xi32>
        %shift_left3A_849 = arith.shli %bitcast3A_846, %shift_left3A_848 : vector<16xi32>
        %bitcast3A_850 = vector.bitcast %shift_left3A_849 : vector<16xi32> to vector<16xf32>
        %and3A_851 = arith.constant -65536 : i32
        %and3A_852 = vector.broadcast %and3A_851 : i32 to vector<16xi32>
        %and3A_853 = arith.andi %bitcast3A_846, %and3A_852 : vector<16xi32>
        %bitcast3A_854 = vector.bitcast %and3A_853 : vector<16xi32> to vector<16xf32>
        %mul3A_855 = arith.mulf %bitcast3A_850, %get3A_16 : vector<16xf32>
        %add3A_856 = arith.addf %add3A_831, %mul3A_855 : vector<16xf32>
        %mul3A_857 = arith.mulf %bitcast3A_854, %get3A_48 : vector<16xf32>
        %add3A_858 = arith.addf %add3A_833, %mul3A_857 : vector<16xf32>
        %get3A_859 = arith.index_cast %add3A_808 : i32 to index
        %get3A_860 = arith.constant 32 : index
        %get3A_861 = tpu.vector_load %arg13[%get3A_859, %get3A_860] {strides = array<i32>} : memref<128x128xi32, #tpu.memory_space<vmem>>, vector<16xi32>,
        %get3A_862 = arith.index_cast %add3A_808 : i32 to index
        %get3A_863 = arith.constant 32 : index
        %get3A_864 = tpu.vector_load %arg14[%get3A_862, %get3A_863] {strides = array<i32>} : memref<128x128xi32, #tpu.memory_space<vmem>>, vector<16xi32>,
        %bitcast3A_865 = vector.bitcast %get3A_861 : vector<16xi32> to vector<32xbf16>
        %bitcast3A_866 = vector.bitcast %get3A_864 : vector<16xi32> to vector<32xbf16>
        %add3A_867 = arith.addf %bitcast3A_865, %bitcast3A_866 : vector<32xbf16>
        %max3A_868 = arith.constant 0.000000e+00 : bf16
        %max3A_869 = vector.broadcast %max3A_868 : bf16 to vector<32xbf16>
        %max3A_870 = arith.maximumf %add3A_867, %max3A_869 : vector<32xbf16>
        %bitcast3A_871 = vector.bitcast %max3A_870 : vector<32xbf16> to vector<16xi32>
        %shift_left3A_872 = arith.constant 16 : i32
        %shift_left3A_873 = vector.broadcast %shift_left3A_872 : i32 to vector<16xi32>
        %shift_left3A_874 = arith.shli %bitcast3A_871, %shift_left3A_873 : vector<16xi32>
        %bitcast3A_875 = vector.bitcast %shift_left3A_874 : vector<16xi32> to vector<16xf32>
        %and3A_876 = arith.constant -65536 : i32
        %and3A_877 = vector.broadcast %and3A_876 : i32 to vector<16xi32>
        %and3A_878 = arith.andi %bitcast3A_871, %and3A_877 : vector<16xi32>
        %bitcast3A_879 = vector.bitcast %and3A_878 : vector<16xi32> to vector<16xf32>
        %mul3A_880 = arith.mulf %bitcast3A_875, %get3A_20 : vector<16xf32>
        %add3A_881 = arith.addf %add3A_856, %mul3A_880 : vector<16xf32>
        %mul3A_882 = arith.mulf %bitcast3A_879, %get3A_52 : vector<16xf32>
        %add3A_883 = arith.addf %add3A_858, %mul3A_882 : vector<16xf32>
        %get3A_884 = arith.index_cast %add3A_808 : i32 to index
        %get3A_885 = arith.constant 48 : index
        %get3A_886 = tpu.vector_load %arg13[%get3A_884, %get3A_885] {strides = array<i32>} : memref<128x128xi32, #tpu.memory_space<vmem>>, vector<16xi32>,
        %get3A_887 = arith.index_cast %add3A_808 : i32 to index
        %get3A_888 = arith.constant 48 : index
        %get3A_889 = tpu.vector_load %arg14[%get3A_887, %get3A_888] {strides = array<i32>} : memref<128x128xi32, #tpu.memory_space<vmem>>, vector<16xi32>,
        %bitcast3A_890 = vector.bitcast %get3A_886 : vector<16xi32> to vector<32xbf16>
        %bitcast3A_891 = vector.bitcast %get3A_889 : vector<16xi32> to vector<32xbf16>
        %add3A_892 = arith.addf %bitcast3A_890, %bitcast3A_891 : vector<32xbf16>
        %max3A_893 = arith.constant 0.000000e+00 : bf16
        %max3A_894 = vector.broadcast %max3A_893 : bf16 to vector<32xbf16>
        %max3A_895 = arith.maximumf %add3A_892, %max3A_894 : vector<32xbf16>
        %bitcast3A_896 = vector.bitcast %max3A_895 : vector<32xbf16> to vector<16xi32>
        %shift_left3A_897 = arith.constant 16 : i32
        %shift_left3A_898 = vector.broadcast %shift_left3A_897 : i32 to vector<16xi32>
        %shift_left3A_899 = arith.shli %bitcast3A_896, %shift_left3A_898 : vector<16xi32>
        %bitcast3A_900 = vector.bitcast %shift_left3A_899 : vector<16xi32> to vector<16xf32>
        %and3A_901 = arith.constant -65536 : i32
        %and3A_902 = vector.broadcast %and3A_901 : i32 to vector<16xi32>
        %and3A_903 = arith.andi %bitcast3A_896, %and3A_902 : vector<16xi32>
        %bitcast3A_904 = vector.bitcast %and3A_903 : vector<16xi32> to vector<16xf32>
        %mul3A_905 = arith.mulf %bitcast3A_900, %get3A_24 : vector<16xf32>
        %add3A_906 = arith.addf %add3A_881, %mul3A_905 : vector<16xf32>
        %mul3A_907 = arith.mulf %bitcast3A_904, %get3A_56 : vector<16xf32>
        %add3A_908 = arith.addf %add3A_883, %mul3A_907 : vector<16xf32>
        %get3A_909 = arith.index_cast %add3A_808 : i32 to index
        %get3A_910 = arith.constant 64 : index
        %get3A_911 = tpu.vector_load %arg13[%get3A_909, %get3A_910] {strides = array<i32>} : memref<128x128xi32, #tpu.memory_space<vmem>>, vector<16xi32>,
        %get3A_912 = arith.index_cast %add3A_808 : i32 to index
        %get3A_913 = arith.constant 64 : index
        %get3A_914 = tpu.vector_load %arg14[%get3A_912, %get3A_913] {strides = array<i32>} : memref<128x128xi32, #tpu.memory_space<vmem>>, vector<16xi32>,
        %bitcast3A_915 = vector.bitcast %get3A_911 : vector<16xi32> to vector<32xbf16>
        %bitcast3A_916 = vector.bitcast %get3A_914 : vector<16xi32> to vector<32xbf16>
        %add3A_917 = arith.addf %bitcast3A_915, %bitcast3A_916 : vector<32xbf16>
        %max3A_918 = arith.constant 0.000000e+00 : bf16
        %max3A_919 = vector.broadcast %max3A_918 : bf16 to vector<32xbf16>
        %max3A_920 = arith.maximumf %add3A_917, %max3A_919 : vector<32xbf16>
        %bitcast3A_921 = vector.bitcast %max3A_920 : vector<32xbf16> to vector<16xi32>
        %shift_left3A_922 = arith.constant 16 : i32
        %shift_left3A_923 = vector.broadcast %shift_left3A_922 : i32 to vector<16xi32>
        %shift_left3A_924 = arith.shli %bitcast3A_921, %shift_left3A_923 : vector<16xi32>
        %bitcast3A_925 = vector.bitcast %shift_left3A_924 : vector<16xi32> to vector<16xf32>
        %and3A_926 = arith.constant -65536 : i32
        %and3A_927 = vector.broadcast %and3A_926 : i32 to vector<16xi32>
        %and3A_928 = arith.andi %bitcast3A_921, %and3A_927 : vector<16xi32>
        %bitcast3A_929 = vector.bitcast %and3A_928 : vector<16xi32> to vector<16xf32>
        %mul3A_930 = arith.mulf %bitcast3A_925, %get3A_28 : vector<16xf32>
        %add3A_931 = arith.addf %add3A_906, %mul3A_930 : vector<16xf32>
        %mul3A_932 = arith.mulf %bitcast3A_929, %get3A_60 : vector<16xf32>
        %add3A_933 = arith.addf %add3A_908, %mul3A_932 : vector<16xf32>
        %get3A_934 = arith.index_cast %add3A_808 : i32 to index
        %get3A_935 = arith.constant 80 : index
        %get3A_936 = tpu.vector_load %arg13[%get3A_934, %get3A_935] {strides = array<i32>} : memref<128x128xi32, #tpu.memory_space<vmem>>, vector<16xi32>,
        %get3A_937 = arith.index_cast %add3A_808 : i32 to index
        %get3A_938 = arith.constant 80 : index
        %get3A_939 = tpu.vector_load %arg14[%get3A_937, %get3A_938] {strides = array<i32>} : memref<128x128xi32, #tpu.memory_space<vmem>>, vector<16xi32>,
        %bitcast3A_940 = vector.bitcast %get3A_936 : vector<16xi32> to vector<32xbf16>
        %bitcast3A_941 = vector.bitcast %get3A_939 : vector<16xi32> to vector<32xbf16>
        %add3A_942 = arith.addf %bitcast3A_940, %bitcast3A_941 : vector<32xbf16>
        %max3A_943 = arith.constant 0.000000e+00 : bf16
        %max3A_944 = vector.broadcast %max3A_943 : bf16 to vector<32xbf16>
        %max3A_945 = arith.maximumf %add3A_942, %max3A_944 : vector<32xbf16>
        %bitcast3A_946 = vector.bitcast %max3A_945 : vector<32xbf16> to vector<16xi32>
        %shift_left3A_947 = arith.constant 16 : i32
        %shift_left3A_948 = vector.broadcast %shift_left3A_947 : i32 to vector<16xi32>
        %shift_left3A_949 = arith.shli %bitcast3A_946, %shift_left3A_948 : vector<16xi32>
        %bitcast3A_950 = vector.bitcast %shift_left3A_949 : vector<16xi32> to vector<16xf32>
        %and3A_951 = arith.constant -65536 : i32
        %and3A_952 = vector.broadcast %and3A_951 : i32 to vector<16xi32>
        %and3A_953 = arith.andi %bitcast3A_946, %and3A_952 : vector<16xi32>
        %bitcast3A_954 = vector.bitcast %and3A_953 : vector<16xi32> to vector<16xf32>
        %mul3A_955 = arith.mulf %bitcast3A_950, %get3A_32 : vector<16xf32>
        %add3A_956 = arith.addf %add3A_931, %mul3A_955 : vector<16xf32>
        %mul3A_957 = arith.mulf %bitcast3A_954, %get3A_64 : vector<16xf32>
        %add3A_958 = arith.addf %add3A_933, %mul3A_957 : vector<16xf32>
        %get3A_959 = arith.index_cast %add3A_808 : i32 to index
        %get3A_960 = arith.constant 96 : index
        %get3A_961 = tpu.vector_load %arg13[%get3A_959, %get3A_960] {strides = array<i32>} : memref<128x128xi32, #tpu.memory_space<vmem>>, vector<16xi32>,
        %get3A_962 = arith.index_cast %add3A_808 : i32 to index
        %get3A_963 = arith.constant 96 : index
        %get3A_964 = tpu.vector_load %arg14[%get3A_962, %get3A_963] {strides = array<i32>} : memref<128x128xi32, #tpu.memory_space<vmem>>, vector<16xi32>,
        %bitcast3A_965 = vector.bitcast %get3A_961 : vector<16xi32> to vector<32xbf16>
        %bitcast3A_966 = vector.bitcast %get3A_964 : vector<16xi32> to vector<32xbf16>
        %add3A_967 = arith.addf %bitcast3A_965, %bitcast3A_966 : vector<32xbf16>
        %max3A_968 = arith.constant 0.000000e+00 : bf16
        %max3A_969 = vector.broadcast %max3A_968 : bf16 to vector<32xbf16>
        %max3A_970 = arith.maximumf %add3A_967, %max3A_969 : vector<32xbf16>
        %bitcast3A_971 = vector.bitcast %max3A_970 : vector<32xbf16> to vector<16xi32>
        %shift_left3A_972 = arith.constant 16 : i32
        %shift_left3A_973 = vector.broadcast %shift_left3A_972 : i32 to vector<16xi32>
        %shift_left3A_974 = arith.shli %bitcast3A_971, %shift_left3A_973 : vector<16xi32>
        %bitcast3A_975 = vector.bitcast %shift_left3A_974 : vector<16xi32> to vector<16xf32>
        %and3A_976 = arith.constant -65536 : i32
        %and3A_977 = vector.broadcast %and3A_976 : i32 to vector<16xi32>
        %and3A_978 = arith.andi %bitcast3A_971, %and3A_977 : vector<16xi32>
        %bitcast3A_979 = vector.bitcast %and3A_978 : vector<16xi32> to vector<16xf32>
        %mul3A_980 = arith.mulf %bitcast3A_975, %get3A_36 : vector<16xf32>
        %add3A_981 = arith.addf %add3A_956, %mul3A_980 : vector<16xf32>
        %mul3A_982 = arith.mulf %bitcast3A_979, %get3A_68 : vector<16xf32>
        %add3A_983 = arith.addf %add3A_958, %mul3A_982 : vector<16xf32>
        %get3A_984 = arith.index_cast %add3A_808 : i32 to index
        %get3A_985 = arith.constant 112 : index
        %get3A_986 = tpu.vector_load %arg13[%get3A_984, %get3A_985] {strides = array<i32>} : memref<128x128xi32, #tpu.memory_space<vmem>>, vector<16xi32>,
        %get3A_987 = arith.index_cast %add3A_808 : i32 to index
        %get3A_988 = arith.constant 112 : index
        %get3A_989 = tpu.vector_load %arg14[%get3A_987, %get3A_988] {strides = array<i32>} : memref<128x128xi32, #tpu.memory_space<vmem>>, vector<16xi32>,
        %bitcast3A_990 = vector.bitcast %get3A_986 : vector<16xi32> to vector<32xbf16>
        %bitcast3A_991 = vector.bitcast %get3A_989 : vector<16xi32> to vector<32xbf16>
        %add3A_992 = arith.addf %bitcast3A_990, %bitcast3A_991 : vector<32xbf16>
        %max3A_993 = arith.constant 0.000000e+00 : bf16
        %max3A_994 = vector.broadcast %max3A_993 : bf16 to vector<32xbf16>
        %max3A_995 = arith.maximumf %add3A_992, %max3A_994 : vector<32xbf16>
        %bitcast3A_996 = vector.bitcast %max3A_995 : vector<32xbf16> to vector<16xi32>
        %shift_left3A_997 = arith.constant 16 : i32
        %shift_left3A_998 = vector.broadcast %shift_left3A_997 : i32 to vector<16xi32>
        %shift_left3A_999 = arith.shli %bitcast3A_996, %shift_left3A_998 : vector<16xi32>
        %bitcast3A_1000 = vector.bitcast %shift_left3A_999 : vector<16xi32> to vector<16xf32>
        %and3A_1001 = arith.constant -65536 : i32
        %and3A_1002 = vector.broadcast %and3A_1001 : i32 to vector<16xi32>
        %and3A_1003 = arith.andi %bitcast3A_996, %and3A_1002 : vector<16xi32>
        %bitcast3A_1004 = vector.bitcast %and3A_1003 : vector<16xi32> to vector<16xf32>
        %mul3A_1005 = arith.mulf %bitcast3A_1000, %get3A_40 : vector<16xf32>
        %add3A_1006 = arith.addf %add3A_981, %mul3A_1005 : vector<16xf32>
        %mul3A_1007 = arith.mulf %bitcast3A_1004, %get3A_72 : vector<16xf32>
        %add3A_1008 = arith.addf %add3A_983, %mul3A_1007 : vector<16xf32>
        %add3A_1009 = arith.addf %add3A_1006, %add3A_1008 : vector<16xf32>
        %reduce_sum3A_1010 = arith.constant true
        %reduce_sum3A_1011 = vector.broadcast %reduce_sum3A_1010 : i1 to vector<16xi1>
        %reduce_sum3A_1012 = tpu.scan <sum>, %add3A_1009 masked %reduce_sum3A_1011 : vector<16xf32>, vector<16xi1> -> vector<16xf32>
        %reduce_sum3A_1013 = vector.extract %reduce_sum3A_1012[15] : f32 from vector<16xf32>
        %add3A_1014 = arith.constant 3 : i32
        %add3A_1015 = arith.addi %mul3A_166, %add3A_1014 : i32
        %and3A_1016 = arith.constant 15 : i32
        %and3A_1017 = arith.andi %add3A_1015, %and3A_1016 : i32
        %eq3A_1018 = vector.broadcast %and3A_1017 : i32 to vector<16xi32>
        %eq3A_1019 = arith.cmpi eq, %iota3A, %eq3A_1018 : vector<16xi32>
        %broadcast_in_dim3A_1020 = vector.broadcast %reduce_sum3A_1013 : f32 to vector<16xf32>
        %select_n3A_1021 = arith.select %eq3A_1019, %broadcast_in_dim3A_1020, %select_n3A_806 : vector<16xi1>, vector<16xf32>
        %add3A_1022 = arith.constant 3 : i32
        %add3A_1023 = arith.addi %mul3A_166, %add3A_1022 : i32
        %and3A_1024 = arith.constant 15 : i32
        %and3A_1025 = arith.andi %add3A_1023, %and3A_1024 : i32
        %eq3A_1026 = arith.constant 15 : i32
        %eq3A_1027 = arith.cmpi eq, %and3A_1025, %eq3A_1026 : i32
        %convert_element_type3A_1028 = arith.extui %eq3A_1027 : i1 to i32
        %cond3A_1029 = arith.constant 0 : i32
        %cond3A_1030 = arith.cmpi ne, %convert_element_type3A_1028, %cond3A_1029 : i32
        scf.if %cond3A_1030 {
          %shift_right_logical3A = arith.constant 4 : i32
          %shift_right_logical3A_1031 = arith.shrui %mul3A_166, %shift_right_logical3A : i32
          %shift_left3A_1032 = arith.constant 4 : i32
          %shift_left3A_1033 = arith.shli %shift_right_logical3A_1031, %shift_left3A_1032 : i32
          %add3A_1034 = arith.addf %select_n3A_1021, %get3A_7 : vector<16xf32>
          %neg3A = arith.constant 0.000000e+00 : f32
          %neg3A_1035 = vector.broadcast %neg3A : f32 to vector<16xf32>
          %neg3A_1036 = arith.subf %neg3A_1035, %add3A_1034 : vector<16xf32>
          %exp3A = math.exp %neg3A_1036 : vector<16xf32>
          %add3A_1037 = arith.constant 1.000000e+00 : f32
          %add3A_1038 = vector.broadcast %add3A_1037 : f32 to vector<16xf32>
          %add3A_1039 = arith.addf %add3A_1038, %exp3A : vector<16xf32>
          %div3A = arith.constant 1.000000e+00 : f32
          %div3A_1040 = vector.broadcast %div3A : f32 to vector<16xf32>
          %div3A_1041 = arith.divf %div3A_1040, %add3A_1039 : vector<16xf32>
          %and3A_1042 = arith.constant 15 : i32
          %and3A_1043 = arith.andi %add3A_150, %and3A_1042 : i32
          %swap3A = arith.index_cast %and3A_1043 : i32 to index
          %swap3A_1044 = arith.index_cast %shift_left3A_1033 : i32 to index
          %swap3A_1045 = tpu.vector_load %arg17[%swap3A, %swap3A_1044] {strides = array<i32>} : memref<16x128xf32, #tpu.memory_space<vmem>>, vector<16xf32>,
          tpu.vector_store %arg17[%swap3A, %swap3A_1044], %div3A_1041 {strides = array<i32>} : memref<16x128xf32, #tpu.memory_space<vmem>>, vector<16xf32>,
        } else {
        }
        scf.yield %select_n3A_1021 : vector<16xf32>
      }
      %scan3A_156 = arith.constant 32 : i32
      %and3A = arith.constant 7 : i32
      %and3A_157 = arith.andi %scan3A_92, %and3A : i32
      %eq3A = arith.constant 7 : i32
      %eq3A_158 = arith.cmpi eq, %and3A_157, %eq3A : i32
      %convert_element_type3A_159 = arith.extui %eq3A_158 : i1 to i32
      %cond3A_160 = arith.constant 0 : i32
      %cond3A_161 = arith.cmpi ne, %convert_element_type3A_159, %cond3A_160 : i32
      scf.if %cond3A_161 {
        %mul3A_163 = arith.constant 80 : i32
        %mul3A_164 = arith.muli %add3A, %mul3A_163 : i32
        %mul3A_165 = arith.constant 2 : i32
        %mul3A_166 = arith.muli %mul3A_165, %scan3A_92 : i32
        %add3A_167 = arith.addi %mul3A_164, %mul3A_166 : i32
        %sub3A = arith.constant 14 : i32
        %sub3A_168 = arith.subi %add3A_167, %sub3A : i32
        %multiple_of3A = tpu.assume_multiple %sub3A_168, 8 : i32
        "tpu.region"() ({
          %run_scoped3A = tpu.sem_alloc : memref<!tpu.dma_semaphore, #tpu.memory_space<semaphore_mem>>
          %dma_start3A_169 = arith.constant 0 : i32
          %dma_start3A_170 = tpu.memref_slice %arg8[%multiple_of3A, %dma_start3A_169] : memref<2560x128xf32, #tpu.memory_space<hbm>> -> memref<16x128xf32, #tpu.memory_space<hbm>>
          %dma_start3A_171 = arith.constant 0 : i32
          %dma_start3A_172 = tpu.memref_slice %arg8[%multiple_of3A, %dma_start3A_171] : memref<2560x128xf32, #tpu.memory_space<hbm>> -> memref<16x128xf32, #tpu.memory_space<hbm>>
          tpu.enqueue_dma source(%arg17 : memref<16x128xf32, #tpu.memory_space<vmem>>) target(%dma_start3A_172 : memref<16x128xf32, #tpu.memory_space<hbm>>) target_semaphore(%run_scoped3A : memref<!tpu.dma_semaphore, #tpu.memory_space<semaphore_mem>>)
          %dma_wait3A_173 = arith.constant 0 : i32
          %dma_wait3A_174 = tpu.memref_slice %arg8[%multiple_of3A, %dma_wait3A_173] : memref<2560x128xf32, #tpu.memory_space<hbm>> -> memref<16x128xf32, #tpu.memory_space<hbm>>
          %dma_wait3A_175 = arith.constant 0 : i32
          %dma_wait3A_176 = tpu.memref_slice %arg8[%multiple_of3A, %dma_wait3A_175] : memref<2560x128xf32, #tpu.memory_space<hbm>> -> memref<16x128xf32, #tpu.memory_space<hbm>>
          tpu.wait_dma2 semaphore(%run_scoped3A : memref<!tpu.dma_semaphore, #tpu.memory_space<semaphore_mem>>) src(%arg17 : memref<16x128xf32, #tpu.memory_space<vmem>>) dst(%dma_wait3A_176 : memref<16x128xf32, #tpu.memory_space<hbm>>)
          tpu.yield
        }) : () -> ()
      } else {
      }
      %scan3A_162 = arith.constant 0 : i32
      scf.yield %scan3A_162 : i32
    }
    %scan3A_91 = arith.constant 40 : i32
    return
  }
}

#map = affine_map<(d0, d1) -> (0, 0)>
#map1 = affine_map<(d0, d1) -> (0, 0, 0)>
module attributes {stable_mosaic.version = 14 : i64} {
  func.func @_agg_cols(%arg0: i32, %arg1: i32, %arg2: memref<2560x128xi32, #tpu.memory_space<hbm>>, %arg3: memref<2560x128xi32, #tpu.memory_space<hbm>>, %arg4: memref<20480x128xf32, #tpu.memory_space<hbm>>, %arg5: memref<2x10240x128xf32, #tpu.memory_space<hbm>>, %arg6: memref<32x128xi32, #tpu.memory_space<vmem>>, %arg7: memref<32x128xi32, #tpu.memory_space<vmem>>, %arg8: memref<128x128xf32, #tpu.memory_space<vmem>>, %arg9: memref<128x128xf32, #tpu.memory_space<vmem>>, %arg10: memref<32x128xf32, #tpu.memory_space<vmem>>, %arg11: memref<10240x128xf32, #tpu.memory_space<vmem_shared>>, %arg12: memref<!tpu.dma_semaphore, #tpu.memory_space<semaphore_mem>>, %arg13: memref<!tpu.dma_semaphore, #tpu.memory_space<semaphore_mem>>, %arg14: memref<!tpu.dma_semaphore, #tpu.memory_space<semaphore_mem>>, %arg15: memref<!tpu.dma_semaphore, #tpu.memory_space<semaphore_mem>>) attributes {dimension_semantics = [#tpu.dimension_semantics<core_parallel>, #tpu.dimension_semantics<subcore_parallel>], iteration_bounds = array<i64: 2, 16>, scalar_prefetch = 0 : i64, scratch_operands = 10 : i64, tpu.core_type = #tpu.core_type<sc_vector_subcore>, window_params = [{transform_indices = #map}, {transform_indices = #map}, {transform_indices = #map}, {transform_indices = #map1}]} {
    %broadcast_in_dim3A = arith.constant 0.000000e+00 : f32
    %broadcast_in_dim3A_0 = vector.broadcast %broadcast_in_dim3A : f32 to vector<16xf32>
    %scan3A = arith.constant 0 : i32
    %scan3A_1 = arith.constant 0 : i32
    %scan3A_2 = arith.constant 256 : i32
    %scan3A_3 = arith.addi %scan3A_1, %scan3A_2 : i32
    %scan3A_4 = arith.constant 1 : i32
    %scan3A_5 = scf.for %scan3A_29 = %scan3A_1 to %scan3A_3 step %scan3A_4 iter_args(%scan3A_30 = %scan3A) -> (i32)  : i32 {
      %jit3A = arith.constant 8 : i32
      %div3A = arith.divsi %scan3A_29, %jit3A : i32
      %sign3A = arith.constant 0 : i32
      %sign3A_31 = arith.cmpi sgt, %scan3A_29, %sign3A : i32
      %sign3A_32 = arith.extui %sign3A_31 : i1 to i32
      %sign3A_33 = arith.constant 0 : i32
      %sign3A_34 = arith.cmpi slt, %scan3A_29, %sign3A_33 : i32
      %sign3A_35 = arith.extui %sign3A_34 : i1 to i32
      %sign3A_36 = arith.subi %sign3A_32, %sign3A_35 : i32
      %sign3A_37 = arith.constant 0 : i32
      %sign3A_38 = arith.cmpi sgt, %jit3A, %sign3A_37 : i32
      %sign3A_39 = arith.extui %sign3A_38 : i1 to i32
      %sign3A_40 = arith.constant 0 : i32
      %sign3A_41 = arith.cmpi slt, %jit3A, %sign3A_40 : i32
      %sign3A_42 = arith.extui %sign3A_41 : i1 to i32
      %sign3A_43 = arith.subi %sign3A_39, %sign3A_42 : i32
      %ne3A = arith.cmpi ne, %sign3A_36, %sign3A_43 : i32
      %rem3A = arith.remsi %scan3A_29, %jit3A : i32
      %ne3A_44 = arith.constant 0 : i32
      %ne3A_45 = arith.cmpi ne, %rem3A, %ne3A_44 : i32
      %and3A = arith.andi %ne3A, %ne3A_45 : i1
      %sub3A = arith.constant 1 : i32
      %sub3A_46 = arith.subi %div3A, %sub3A : i32
      %select_n3A = arith.select %and3A, %sub3A_46, %div3A : i32
      %jit3A_47 = arith.constant 8 : i32
      %eq3A = arith.constant 0 : i32
      %eq3A_48 = arith.cmpi eq, %jit3A_47, %eq3A : i32
      %jit3A_49 = arith.constant 1 : i32
      %select_n3A_50 = arith.select %eq3A_48, %jit3A_49, %jit3A_47 : i32
      %rem3A_51 = arith.remsi %scan3A_29, %select_n3A_50 : i32
      %ne3A_52 = arith.constant 0 : i32
      %ne3A_53 = arith.cmpi ne, %rem3A_51, %ne3A_52 : i32
      %lt3A = arith.constant 0 : i32
      %lt3A_54 = arith.cmpi slt, %rem3A_51, %lt3A : i32
      %lt3A_55 = arith.constant 0 : i32
      %lt3A_56 = arith.cmpi slt, %select_n3A_50, %lt3A_55 : i32
      %ne3A_57 = arith.xori %lt3A_54, %lt3A_56 : i1
      %and3A_58 = arith.andi %ne3A_57, %ne3A_53 : i1
      %add3A = arith.addi %rem3A_51, %select_n3A_50 : i32
      %select_n3A_59 = arith.select %and3A_58, %add3A, %rem3A_51 : i32
      %mul3A_60 = arith.constant 16 : i32
      %mul3A_61 = arith.muli %select_n3A_59, %mul3A_60 : i32
      %swap3A = arith.index_cast %select_n3A : i32 to index
      %swap3A_62 = arith.index_cast %mul3A_61 : i32 to index
      %swap3A_63 = tpu.vector_load %arg10[%swap3A, %swap3A_62] {strides = array<i32>} : memref<32x128xf32, #tpu.memory_space<vmem>>, vector<16xf32>,
      tpu.vector_store %arg10[%swap3A, %swap3A_62], %broadcast_in_dim3A_0 {strides = array<i32>} : memref<32x128xf32, #tpu.memory_space<vmem>>, vector<16xf32>,
      %scan3A_64 = arith.constant 0 : i32
      scf.yield %scan3A_64 : i32
    }
    %scan3A_6 = arith.constant 256 : i32
    %scan3A_7 = arith.constant 0 : i32
    %scan3A_8 = arith.constant 0 : i32
    %scan3A_9 = arith.constant 20 : i32
    %scan3A_10 = arith.addi %scan3A_8, %scan3A_9 : i32
    %scan3A_11 = arith.constant 1 : i32
    %scan3A_12 = scf.for %scan3A_29 = %scan3A_8 to %scan3A_10 step %scan3A_11 iter_args(%scan3A_30 = %scan3A_7) -> (i32)  : i32 {
      %mul3A_31 = arith.constant 640 : i32
      %mul3A_32 = arith.muli %arg1, %mul3A_31 : i32
      %mul3A_33 = arith.constant 32 : i32
      %mul3A_34 = arith.muli %scan3A_29, %mul3A_33 : i32
      %add3A = arith.addi %mul3A_32, %mul3A_34 : i32
      "tpu.region"() ({
        %run_scoped3A = tpu.sem_alloc : memref<!tpu.dma_semaphore, #tpu.memory_space<semaphore_mem>>
        %dma_start3A = arith.constant 0 : i32
        %dma_start3A_36 = tpu.memref_slice %arg11[%add3A, %dma_start3A] : memref<10240x128xf32, #tpu.memory_space<vmem_shared>> -> memref<32x128xf32, #tpu.memory_space<vmem_shared>>
        %dma_start3A_37 = arith.constant 0 : i32
        %dma_start3A_38 = tpu.memref_slice %arg11[%add3A, %dma_start3A_37] : memref<10240x128xf32, #tpu.memory_space<vmem_shared>> -> memref<32x128xf32, #tpu.memory_space<vmem_shared>>
        tpu.enqueue_dma source(%arg10 : memref<32x128xf32, #tpu.memory_space<vmem>>) target(%dma_start3A_38 : memref<32x128xf32, #tpu.memory_space<vmem_shared>>) target_semaphore(%run_scoped3A : memref<!tpu.dma_semaphore, #tpu.memory_space<semaphore_mem>>)
        %dma_wait3A = arith.constant 0 : i32
        %dma_wait3A_39 = tpu.memref_slice %arg11[%add3A, %dma_wait3A] : memref<10240x128xf32, #tpu.memory_space<vmem_shared>> -> memref<32x128xf32, #tpu.memory_space<vmem_shared>>
        %dma_wait3A_40 = arith.constant 0 : i32
        %dma_wait3A_41 = tpu.memref_slice %arg11[%add3A, %dma_wait3A_40] : memref<10240x128xf32, #tpu.memory_space<vmem_shared>> -> memref<32x128xf32, #tpu.memory_space<vmem_shared>>
        tpu.wait_dma2 semaphore(%run_scoped3A : memref<!tpu.dma_semaphore, #tpu.memory_space<semaphore_mem>>) src(%arg10 : memref<32x128xf32, #tpu.memory_space<vmem>>) dst(%dma_wait3A_41 : memref<32x128xf32, #tpu.memory_space<vmem_shared>>)
        tpu.yield
      }) : () -> ()
      %scan3A_35 = arith.constant 0 : i32
      scf.yield %scan3A_35 : i32
    }
    %scan3A_13 = arith.constant 20 : i32
    %barrier3A = arith.constant 0 : index
    tpu.barrier barrier_id(%barrier3A)
    %mul3A = arith.constant 160 : i32
    %mul3A_14 = arith.muli %arg1, %mul3A : i32
    %mul3A_15 = arith.constant 10240 : i32
    %mul3A_16 = arith.muli %arg0, %mul3A_15 : i32
    %scan3A_17 = arith.constant 0 : i32
    %scan3A_18 = arith.constant 0 : i32
    %scan3A_19 = arith.constant 5 : i32
    %scan3A_20 = arith.addi %scan3A_18, %scan3A_19 : i32
    %scan3A_21 = arith.constant 1 : i32
    %scan3A_22 = scf.for %scan3A_29 = %scan3A_18 to %scan3A_20 step %scan3A_21 iter_args(%scan3A_30 = %scan3A_17) -> (i32)  : i32 {
      %mul3A_31 = arith.constant 32 : i32
      %mul3A_32 = arith.muli %scan3A_29, %mul3A_31 : i32
      %add3A = arith.addi %mul3A_14, %mul3A_32 : i32
      "tpu.region"() ({
        %run_scoped3A = tpu.sem_alloc : memref<!tpu.dma_semaphore, #tpu.memory_space<semaphore_mem>>
        %dma_start3A_64 = arith.constant 0 : i32
        %dma_start3A_65 = tpu.memref_slice %arg2[%add3A, %dma_start3A_64] : memref<2560x128xi32, #tpu.memory_space<hbm>> -> memref<32x128xi32, #tpu.memory_space<hbm>>
        %dma_start3A_66 = arith.constant 0 : i32
        %dma_start3A_67 = tpu.memref_slice %arg2[%add3A, %dma_start3A_66] : memref<2560x128xi32, #tpu.memory_space<hbm>> -> memref<32x128xi32, #tpu.memory_space<hbm>>
        tpu.enqueue_dma source(%dma_start3A_67 : memref<32x128xi32, #tpu.memory_space<hbm>>) target(%arg6 : memref<32x128xi32, #tpu.memory_space<vmem>>) target_semaphore(%run_scoped3A : memref<!tpu.dma_semaphore, #tpu.memory_space<semaphore_mem>>)
        %dma_wait3A = arith.constant 0 : i32
        %dma_wait3A_68 = tpu.memref_slice %arg2[%add3A, %dma_wait3A] : memref<2560x128xi32, #tpu.memory_space<hbm>> -> memref<32x128xi32, #tpu.memory_space<hbm>>
        %dma_wait3A_69 = arith.constant 0 : i32
        %dma_wait3A_70 = tpu.memref_slice %arg2[%add3A, %dma_wait3A_69] : memref<2560x128xi32, #tpu.memory_space<hbm>> -> memref<32x128xi32, #tpu.memory_space<hbm>>
        tpu.wait_dma2 semaphore(%run_scoped3A : memref<!tpu.dma_semaphore, #tpu.memory_space<semaphore_mem>>) src(%dma_wait3A_70 : memref<32x128xi32, #tpu.memory_space<hbm>>) dst(%arg6 : memref<32x128xi32, #tpu.memory_space<vmem>>)
        tpu.yield
      }) : () -> ()
      %mul3A_33 = arith.constant 32 : i32
      %mul3A_34 = arith.muli %scan3A_29, %mul3A_33 : i32
      %add3A_35 = arith.addi %mul3A_14, %mul3A_34 : i32
      "tpu.region"() ({
        %run_scoped3A = tpu.sem_alloc : memref<!tpu.dma_semaphore, #tpu.memory_space<semaphore_mem>>
        %dma_start3A_64 = arith.constant 0 : i32
        %dma_start3A_65 = tpu.memref_slice %arg3[%add3A_35, %dma_start3A_64] : memref<2560x128xi32, #tpu.memory_space<hbm>> -> memref<32x128xi32, #tpu.memory_space<hbm>>
        %dma_start3A_66 = arith.constant 0 : i32
        %dma_start3A_67 = tpu.memref_slice %arg3[%add3A_35, %dma_start3A_66] : memref<2560x128xi32, #tpu.memory_space<hbm>> -> memref<32x128xi32, #tpu.memory_space<hbm>>
        tpu.enqueue_dma source(%dma_start3A_67 : memref<32x128xi32, #tpu.memory_space<hbm>>) target(%arg7 : memref<32x128xi32, #tpu.memory_space<vmem>>) target_semaphore(%run_scoped3A : memref<!tpu.dma_semaphore, #tpu.memory_space<semaphore_mem>>)
        %dma_wait3A = arith.constant 0 : i32
        %dma_wait3A_68 = tpu.memref_slice %arg3[%add3A_35, %dma_wait3A] : memref<2560x128xi32, #tpu.memory_space<hbm>> -> memref<32x128xi32, #tpu.memory_space<hbm>>
        %dma_wait3A_69 = arith.constant 0 : i32
        %dma_wait3A_70 = tpu.memref_slice %arg3[%add3A_35, %dma_wait3A_69] : memref<2560x128xi32, #tpu.memory_space<hbm>> -> memref<32x128xi32, #tpu.memory_space<hbm>>
        tpu.wait_dma2 semaphore(%run_scoped3A : memref<!tpu.dma_semaphore, #tpu.memory_space<semaphore_mem>>) src(%dma_wait3A_70 : memref<32x128xi32, #tpu.memory_space<hbm>>) dst(%arg7 : memref<32x128xi32, #tpu.memory_space<vmem>>)
        tpu.yield
      }) : () -> ()
      %scan3A_36 = arith.constant 0 : i32
      %scan3A_37 = arith.constant 0 : i32
      %scan3A_38 = arith.constant 256 : i32
      %scan3A_39 = arith.addi %scan3A_37, %scan3A_38 : i32
      %scan3A_40 = arith.constant 1 : i32
      %scan3A_41 = scf.for %scan3A_64 = %scan3A_37 to %scan3A_39 step %scan3A_40 iter_args(%scan3A_65 = %scan3A_36) -> (i32)  : i32 {
        %jit3A = arith.constant 8 : i32
        %div3A = arith.divsi %scan3A_64, %jit3A : i32
        %sign3A = arith.constant 0 : i32
        %sign3A_66 = arith.cmpi sgt, %scan3A_64, %sign3A : i32
        %sign3A_67 = arith.extui %sign3A_66 : i1 to i32
        %sign3A_68 = arith.constant 0 : i32
        %sign3A_69 = arith.cmpi slt, %scan3A_64, %sign3A_68 : i32
        %sign3A_70 = arith.extui %sign3A_69 : i1 to i32
        %sign3A_71 = arith.subi %sign3A_67, %sign3A_70 : i32
        %sign3A_72 = arith.constant 0 : i32
        %sign3A_73 = arith.cmpi sgt, %jit3A, %sign3A_72 : i32
        %sign3A_74 = arith.extui %sign3A_73 : i1 to i32
        %sign3A_75 = arith.constant 0 : i32
        %sign3A_76 = arith.cmpi slt, %jit3A, %sign3A_75 : i32
        %sign3A_77 = arith.extui %sign3A_76 : i1 to i32
        %sign3A_78 = arith.subi %sign3A_74, %sign3A_77 : i32
        %ne3A = arith.cmpi ne, %sign3A_71, %sign3A_78 : i32
        %rem3A = arith.remsi %scan3A_64, %jit3A : i32
        %ne3A_79 = arith.constant 0 : i32
        %ne3A_80 = arith.cmpi ne, %rem3A, %ne3A_79 : i32
        %and3A = arith.andi %ne3A, %ne3A_80 : i1
        %sub3A = arith.constant 1 : i32
        %sub3A_81 = arith.subi %div3A, %sub3A : i32
        %select_n3A = arith.select %and3A, %sub3A_81, %div3A : i32
        %jit3A_82 = arith.constant 8 : i32
        %eq3A = arith.constant 0 : i32
        %eq3A_83 = arith.cmpi eq, %jit3A_82, %eq3A : i32
        %jit3A_84 = arith.constant 1 : i32
        %select_n3A_85 = arith.select %eq3A_83, %jit3A_84, %jit3A_82 : i32
        %rem3A_86 = arith.remsi %scan3A_64, %select_n3A_85 : i32
        %ne3A_87 = arith.constant 0 : i32
        %ne3A_88 = arith.cmpi ne, %rem3A_86, %ne3A_87 : i32
        %lt3A = arith.constant 0 : i32
        %lt3A_89 = arith.cmpi slt, %rem3A_86, %lt3A : i32
        %lt3A_90 = arith.constant 0 : i32
        %lt3A_91 = arith.cmpi slt, %select_n3A_85, %lt3A_90 : i32
        %ne3A_92 = arith.xori %lt3A_89, %lt3A_91 : i1
        %and3A_93 = arith.andi %ne3A_92, %ne3A_88 : i1
        %add3A_94 = arith.addi %rem3A_86, %select_n3A_85 : i32
        %select_n3A_95 = arith.select %and3A_93, %add3A_94, %rem3A_86 : i32
        %mul3A_96 = arith.constant 16 : i32
        %mul3A_97 = arith.muli %select_n3A_95, %mul3A_96 : i32
        %get3A = arith.index_cast %select_n3A : i32 to index
        %get3A_98 = arith.index_cast %mul3A_97 : i32 to index
        %get3A_99 = tpu.vector_load %arg6[%get3A, %get3A_98] {strides = array<i32>} : memref<32x128xi32, #tpu.memory_space<vmem>>, vector<16xi32>,
        %add3A_100 = vector.broadcast %mul3A_16 : i32 to vector<16xi32>
        %add3A_101 = arith.addi %get3A_99, %add3A_100 : vector<16xi32>
        %swap3A = arith.index_cast %select_n3A : i32 to index
        %swap3A_102 = arith.index_cast %mul3A_97 : i32 to index
        %swap3A_103 = tpu.vector_load %arg6[%swap3A, %swap3A_102] {strides = array<i32>} : memref<32x128xi32, #tpu.memory_space<vmem>>, vector<16xi32>,
        tpu.vector_store %arg6[%swap3A, %swap3A_102], %add3A_101 {strides = array<i32>} : memref<32x128xi32, #tpu.memory_space<vmem>>, vector<16xi32>,
        %scan3A_104 = arith.constant 0 : i32
        scf.yield %scan3A_104 : i32
      }
      %scan3A_42 = arith.constant 256 : i32
      %dma_start3A = arith.constant 0 : i32
      %dma_start3A_43 = arith.constant 0 : i32
      %dma_start3A_44 = tpu.memref_slice %arg6[%dma_start3A, %dma_start3A_43] : memref<32x128xi32, #tpu.memory_space<vmem>> -> memref<1x128xi32, #tpu.memory_space<vmem>>
      %dma_start3A_45 = tpu.memref_squeeze %dma_start3A_44 : memref<1x128xi32, #tpu.memory_space<vmem>> -> memref<128xi32, #tpu.memory_space<vmem>>
      %dma_start3A_46 = arith.constant 0 : i32
      %dma_start3A_47 = arith.constant 0 : i32
      %dma_start3A_48 = tpu.memref_slice %arg4[%dma_start3A_46, %dma_start3A_47] : memref<20480x128xf32, #tpu.memory_space<hbm>> -> memref<20480x128xf32, #tpu.memory_space<hbm>>
      tpu.enqueue_indirect_dma source(%dma_start3A_48 : memref<20480x128xf32, #tpu.memory_space<hbm>>) target(%arg8 : memref<128x128xf32, #tpu.memory_space<vmem>>) offsets(%dma_start3A_45 : memref<128xi32, #tpu.memory_space<vmem>>) semaphore(%arg12 : memref<!tpu.dma_semaphore, #tpu.memory_space<semaphore_mem>>)
      %dma_start3A_49 = arith.constant 1 : i32
      %dma_start3A_50 = arith.constant 0 : i32
      %dma_start3A_51 = tpu.memref_slice %arg6[%dma_start3A_49, %dma_start3A_50] : memref<32x128xi32, #tpu.memory_space<vmem>> -> memref<1x128xi32, #tpu.memory_space<vmem>>
      %dma_start3A_52 = tpu.memref_squeeze %dma_start3A_51 : memref<1x128xi32, #tpu.memory_space<vmem>> -> memref<128xi32, #tpu.memory_space<vmem>>
      %dma_start3A_53 = arith.constant 0 : i32
      %dma_start3A_54 = arith.constant 0 : i32
      %dma_start3A_55 = tpu.memref_slice %arg4[%dma_start3A_53, %dma_start3A_54] : memref<20480x128xf32, #tpu.memory_space<hbm>> -> memref<20480x128xf32, #tpu.memory_space<hbm>>
      tpu.enqueue_indirect_dma source(%dma_start3A_55 : memref<20480x128xf32, #tpu.memory_space<hbm>>) target(%arg9 : memref<128x128xf32, #tpu.memory_space<vmem>>) offsets(%dma_start3A_52 : memref<128xi32, #tpu.memory_space<vmem>>) semaphore(%arg13 : memref<!tpu.dma_semaphore, #tpu.memory_space<semaphore_mem>>)
      %scan3A_56 = arith.constant 0 : i32
      %scan3A_57 = arith.constant 0 : i32
      %scan3A_58 = arith.constant 16 : i32
      %scan3A_59 = arith.addi %scan3A_57, %scan3A_58 : i32
      %scan3A_60 = arith.constant 1 : i32
      %scan3A_61 = scf.for %scan3A_64 = %scan3A_57 to %scan3A_59 step %scan3A_60 iter_args(%scan3A_65 = %scan3A_56) -> (i32)  : i32 {
        %mul3A_66 = arith.constant 2 : i32
        %mul3A_67 = arith.muli %mul3A_66, %scan3A_64 : i32
        %dma_wait3A = arith.constant 0 : i32
        %dma_wait3A_68 = tpu.memref_slice %arg6[%mul3A_67, %dma_wait3A] : memref<32x128xi32, #tpu.memory_space<vmem>> -> memref<1x128xi32, #tpu.memory_space<vmem>>
        %dma_wait3A_69 = tpu.memref_squeeze %dma_wait3A_68 : memref<1x128xi32, #tpu.memory_space<vmem>> -> memref<128xi32, #tpu.memory_space<vmem>>
        %dma_wait3A_70 = arith.constant 0 : i32
        %dma_wait3A_71 = arith.constant 0 : i32
        %dma_wait3A_72 = tpu.memref_slice %arg4[%dma_wait3A_70, %dma_wait3A_71] : memref<20480x128xf32, #tpu.memory_space<hbm>> -> memref<20480x128xf32, #tpu.memory_space<hbm>>
        tpu.wait_indirect_dma semaphore(%arg12 : memref<!tpu.dma_semaphore, #tpu.memory_space<semaphore_mem>>) src(%dma_wait3A_72 : memref<20480x128xf32, #tpu.memory_space<hbm>>) dst(%arg8 : memref<128x128xf32, #tpu.memory_space<vmem>>)
        %dma_start3A_73 = arith.constant 0 : i32
        %dma_start3A_74 = tpu.memref_slice %arg7[%mul3A_67, %dma_start3A_73] : memref<32x128xi32, #tpu.memory_space<vmem>> -> memref<1x128xi32, #tpu.memory_space<vmem>>
        %dma_start3A_75 = tpu.memref_squeeze %dma_start3A_74 : memref<1x128xi32, #tpu.memory_space<vmem>> -> memref<128xi32, #tpu.memory_space<vmem>>
        %dma_start3A_76 = arith.constant 0 : i32
        %dma_start3A_77 = arith.constant 0 : i32
        %dma_start3A_78 = tpu.memref_slice %arg11[%dma_start3A_76, %dma_start3A_77] : memref<10240x128xf32, #tpu.memory_space<vmem_shared>> -> memref<10240x128xf32, #tpu.memory_space<vmem_shared>>
        tpu.enqueue_indirect_dma source(%arg8 : memref<128x128xf32, #tpu.memory_space<vmem>>) target(%dma_start3A_78 : memref<10240x128xf32, #tpu.memory_space<vmem_shared>>) offsets(%dma_start3A_75 : memref<128xi32, #tpu.memory_space<vmem>>) semaphore(%arg14 : memref<!tpu.dma_semaphore, #tpu.memory_space<semaphore_mem>>) {add = true}
        %add3A_79 = arith.constant 1 : i32
        %add3A_80 = arith.addi %mul3A_67, %add3A_79 : i32
        %dma_wait3A_81 = arith.constant 0 : i32
        %dma_wait3A_82 = tpu.memref_slice %arg6[%add3A_80, %dma_wait3A_81] : memref<32x128xi32, #tpu.memory_space<vmem>> -> memref<1x128xi32, #tpu.memory_space<vmem>>
        %dma_wait3A_83 = tpu.memref_squeeze %dma_wait3A_82 : memref<1x128xi32, #tpu.memory_space<vmem>> -> memref<128xi32, #tpu.memory_space<vmem>>
        %dma_wait3A_84 = arith.constant 0 : i32
        %dma_wait3A_85 = arith.constant 0 : i32
        %dma_wait3A_86 = tpu.memref_slice %arg4[%dma_wait3A_84, %dma_wait3A_85] : memref<20480x128xf32, #tpu.memory_space<hbm>> -> memref<20480x128xf32, #tpu.memory_space<hbm>>
        tpu.wait_indirect_dma semaphore(%arg13 : memref<!tpu.dma_semaphore, #tpu.memory_space<semaphore_mem>>) src(%dma_wait3A_86 : memref<20480x128xf32, #tpu.memory_space<hbm>>) dst(%arg9 : memref<128x128xf32, #tpu.memory_space<vmem>>)
        %add3A_87 = arith.constant 1 : i32
        %add3A_88 = arith.addi %mul3A_67, %add3A_87 : i32
        %dma_start3A_89 = arith.constant 0 : i32
        %dma_start3A_90 = tpu.memref_slice %arg7[%add3A_88, %dma_start3A_89] : memref<32x128xi32, #tpu.memory_space<vmem>> -> memref<1x128xi32, #tpu.memory_space<vmem>>
        %dma_start3A_91 = tpu.memref_squeeze %dma_start3A_90 : memref<1x128xi32, #tpu.memory_space<vmem>> -> memref<128xi32, #tpu.memory_space<vmem>>
        %dma_start3A_92 = arith.constant 0 : i32
        %dma_start3A_93 = arith.constant 0 : i32
        %dma_start3A_94 = tpu.memref_slice %arg11[%dma_start3A_92, %dma_start3A_93] : memref<10240x128xf32, #tpu.memory_space<vmem_shared>> -> memref<10240x128xf32, #tpu.memory_space<vmem_shared>>
        tpu.enqueue_indirect_dma source(%arg9 : memref<128x128xf32, #tpu.memory_space<vmem>>) target(%dma_start3A_94 : memref<10240x128xf32, #tpu.memory_space<vmem_shared>>) offsets(%dma_start3A_91 : memref<128xi32, #tpu.memory_space<vmem>>) semaphore(%arg15 : memref<!tpu.dma_semaphore, #tpu.memory_space<semaphore_mem>>) {add = true}
        %dma_wait3A_95 = arith.constant 0 : i32
        %dma_wait3A_96 = tpu.memref_slice %arg7[%mul3A_67, %dma_wait3A_95] : memref<32x128xi32, #tpu.memory_space<vmem>> -> memref<1x128xi32, #tpu.memory_space<vmem>>
        %dma_wait3A_97 = tpu.memref_squeeze %dma_wait3A_96 : memref<1x128xi32, #tpu.memory_space<vmem>> -> memref<128xi32, #tpu.memory_space<vmem>>
        %dma_wait3A_98 = arith.constant 0 : i32
        %dma_wait3A_99 = arith.constant 0 : i32
        %dma_wait3A_100 = tpu.memref_slice %arg11[%dma_wait3A_98, %dma_wait3A_99] : memref<10240x128xf32, #tpu.memory_space<vmem_shared>> -> memref<10240x128xf32, #tpu.memory_space<vmem_shared>>
        tpu.wait_indirect_dma semaphore(%arg14 : memref<!tpu.dma_semaphore, #tpu.memory_space<semaphore_mem>>) src(%arg8 : memref<128x128xf32, #tpu.memory_space<vmem>>) dst(%dma_wait3A_100 : memref<10240x128xf32, #tpu.memory_space<vmem_shared>>)
        %add3A_101 = arith.constant 2 : i32
        %add3A_102 = arith.addi %mul3A_67, %add3A_101 : i32
        %lt3A = arith.constant 32 : i32
        %lt3A_103 = arith.cmpi slt, %add3A_102, %lt3A : i32
        %convert_element_type3A = arith.extui %lt3A_103 : i1 to i32
        %cond3A = arith.constant 0 : i32
        %cond3A_104 = arith.cmpi ne, %convert_element_type3A, %cond3A : i32
        scf.if %cond3A_104 {
          %add3A_121 = arith.constant 2 : i32
          %add3A_122 = arith.addi %mul3A_67, %add3A_121 : i32
          %dma_start3A_123 = arith.constant 0 : i32
          %dma_start3A_124 = tpu.memref_slice %arg6[%add3A_122, %dma_start3A_123] : memref<32x128xi32, #tpu.memory_space<vmem>> -> memref<1x128xi32, #tpu.memory_space<vmem>>
          %dma_start3A_125 = tpu.memref_squeeze %dma_start3A_124 : memref<1x128xi32, #tpu.memory_space<vmem>> -> memref<128xi32, #tpu.memory_space<vmem>>
          %dma_start3A_126 = arith.constant 0 : i32
          %dma_start3A_127 = arith.constant 0 : i32
          %dma_start3A_128 = tpu.memref_slice %arg4[%dma_start3A_126, %dma_start3A_127] : memref<20480x128xf32, #tpu.memory_space<hbm>> -> memref<20480x128xf32, #tpu.memory_space<hbm>>
          tpu.enqueue_indirect_dma source(%dma_start3A_128 : memref<20480x128xf32, #tpu.memory_space<hbm>>) target(%arg8 : memref<128x128xf32, #tpu.memory_space<vmem>>) offsets(%dma_start3A_125 : memref<128xi32, #tpu.memory_space<vmem>>) semaphore(%arg12 : memref<!tpu.dma_semaphore, #tpu.memory_space<semaphore_mem>>)
        } else {
        }
        %add3A_105 = arith.constant 1 : i32
        %add3A_106 = arith.addi %mul3A_67, %add3A_105 : i32
        %dma_wait3A_107 = arith.constant 0 : i32
        %dma_wait3A_108 = tpu.memref_slice %arg7[%add3A_106, %dma_wait3A_107] : memref<32x128xi32, #tpu.memory_space<vmem>> -> memref<1x128xi32, #tpu.memory_space<vmem>>
        %dma_wait3A_109 = tpu.memref_squeeze %dma_wait3A_108 : memref<1x128xi32, #tpu.memory_space<vmem>> -> memref<128xi32, #tpu.memory_space<vmem>>
        %dma_wait3A_110 = arith.constant 0 : i32
        %dma_wait3A_111 = arith.constant 0 : i32
        %dma_wait3A_112 = tpu.memref_slice %arg11[%dma_wait3A_110, %dma_wait3A_111] : memref<10240x128xf32, #tpu.memory_space<vmem_shared>> -> memref<10240x128xf32, #tpu.memory_space<vmem_shared>>
        tpu.wait_indirect_dma semaphore(%arg15 : memref<!tpu.dma_semaphore, #tpu.memory_space<semaphore_mem>>) src(%arg9 : memref<128x128xf32, #tpu.memory_space<vmem>>) dst(%dma_wait3A_112 : memref<10240x128xf32, #tpu.memory_space<vmem_shared>>)
        %add3A_113 = arith.constant 3 : i32
        %add3A_114 = arith.addi %mul3A_67, %add3A_113 : i32
        %lt3A_115 = arith.constant 32 : i32
        %lt3A_116 = arith.cmpi slt, %add3A_114, %lt3A_115 : i32
        %convert_element_type3A_117 = arith.extui %lt3A_116 : i1 to i32
        %cond3A_118 = arith.constant 0 : i32
        %cond3A_119 = arith.cmpi ne, %convert_element_type3A_117, %cond3A_118 : i32
        scf.if %cond3A_119 {
          %add3A_121 = arith.constant 3 : i32
          %add3A_122 = arith.addi %mul3A_67, %add3A_121 : i32
          %dma_start3A_123 = arith.constant 0 : i32
          %dma_start3A_124 = tpu.memref_slice %arg6[%add3A_122, %dma_start3A_123] : memref<32x128xi32, #tpu.memory_space<vmem>> -> memref<1x128xi32, #tpu.memory_space<vmem>>
          %dma_start3A_125 = tpu.memref_squeeze %dma_start3A_124 : memref<1x128xi32, #tpu.memory_space<vmem>> -> memref<128xi32, #tpu.memory_space<vmem>>
          %dma_start3A_126 = arith.constant 0 : i32
          %dma_start3A_127 = arith.constant 0 : i32
          %dma_start3A_128 = tpu.memref_slice %arg4[%dma_start3A_126, %dma_start3A_127] : memref<20480x128xf32, #tpu.memory_space<hbm>> -> memref<20480x128xf32, #tpu.memory_space<hbm>>
          tpu.enqueue_indirect_dma source(%dma_start3A_128 : memref<20480x128xf32, #tpu.memory_space<hbm>>) target(%arg9 : memref<128x128xf32, #tpu.memory_space<vmem>>) offsets(%dma_start3A_125 : memref<128xi32, #tpu.memory_space<vmem>>) semaphore(%arg13 : memref<!tpu.dma_semaphore, #tpu.memory_space<semaphore_mem>>)
        } else {
        }
        %scan3A_120 = arith.constant 0 : i32
        scf.yield %scan3A_120 : i32
      }
      %scan3A_62 = arith.constant 16 : i32
      %scan3A_63 = arith.constant 0 : i32
      scf.yield %scan3A_63 : i32
    }
    %scan3A_23 = arith.constant 5 : i32
    %barrier3A_24 = arith.constant 0 : index
    tpu.barrier barrier_id(%barrier3A_24)
    %mul3A_25 = arith.constant 640 : i32
    %mul3A_26 = arith.muli %arg1, %mul3A_25 : i32
    %mul3A_27 = arith.constant 640 : i32
    %mul3A_28 = arith.muli %arg1, %mul3A_27 : i32
    "tpu.region"() ({
      %run_scoped3A = tpu.sem_alloc : memref<!tpu.dma_semaphore, #tpu.memory_space<semaphore_mem>>
      %dma_start3A = arith.constant 0 : i32
      %dma_start3A_29 = tpu.memref_slice %arg5[%arg0, %mul3A_28, %dma_start3A] : memref<2x10240x128xf32, #tpu.memory_space<hbm>> -> memref<1x640x128xf32, #tpu.memory_space<hbm>>
      %dma_start3A_30 = tpu.memref_squeeze %dma_start3A_29 : memref<1x640x128xf32, #tpu.memory_space<hbm>> -> memref<640x128xf32, #tpu.memory_space<hbm>>
      %dma_start3A_31 = arith.constant 0 : i32
      %dma_start3A_32 = tpu.memref_slice %arg11[%mul3A_26, %dma_start3A_31] : memref<10240x128xf32, #tpu.memory_space<vmem_shared>> -> memref<640x128xf32, #tpu.memory_space<vmem_shared>>
      tpu.enqueue_dma source(%dma_start3A_32 : memref<640x128xf32, #tpu.memory_space<vmem_shared>>) target(%dma_start3A_30 : memref<640x128xf32, #tpu.memory_space<hbm>>) target_semaphore(%run_scoped3A : memref<!tpu.dma_semaphore, #tpu.memory_space<semaphore_mem>>)
      %dma_wait3A = arith.constant 0 : i32
      %dma_wait3A_33 = tpu.memref_slice %arg5[%arg0, %mul3A_28, %dma_wait3A] : memref<2x10240x128xf32, #tpu.memory_space<hbm>> -> memref<1x640x128xf32, #tpu.memory_space<hbm>>
      %dma_wait3A_34 = tpu.memref_squeeze %dma_wait3A_33 : memref<1x640x128xf32, #tpu.memory_space<hbm>> -> memref<640x128xf32, #tpu.memory_space<hbm>>
      %dma_wait3A_35 = arith.constant 0 : i32
      %dma_wait3A_36 = tpu.memref_slice %arg11[%mul3A_26, %dma_wait3A_35] : memref<10240x128xf32, #tpu.memory_space<vmem_shared>> -> memref<640x128xf32, #tpu.memory_space<vmem_shared>>
      tpu.wait_dma2 semaphore(%run_scoped3A : memref<!tpu.dma_semaphore, #tpu.memory_space<semaphore_mem>>) src(%dma_wait3A_36 : memref<640x128xf32, #tpu.memory_space<vmem_shared>>) dst(%dma_wait3A_34 : memref<640x128xf32, #tpu.memory_space<hbm>>)
      tpu.yield
    }) : () -> ()
    return
  }
}

#map = affine_map<(d0, d1) -> (0, 0)>
#map1 = affine_map<(d0, d1) -> (0, 0, 0)>
module attributes {stable_mosaic.version = 14 : i64} {
  func.func @_agg_rows(%arg0: i32, %arg1: i32, %arg2: memref<2560x128xi32, #tpu.memory_space<hbm>>, %arg3: memref<2560x128xi32, #tpu.memory_space<hbm>>, %arg4: memref<10240x128xf32, #tpu.memory_space<hbm>>, %arg5: memref<2x10240x128xf32, #tpu.memory_space<hbm>>, %arg6: memref<16x128xi32, #tpu.memory_space<vmem>>, %arg7: memref<16x128xi32, #tpu.memory_space<vmem>>, %arg8: memref<128x128xf32, #tpu.memory_space<vmem>>, %arg9: memref<128x128xf32, #tpu.memory_space<vmem>>, %arg10: memref<32x128xf32, #tpu.memory_space<vmem>>, %arg11: memref<10240x128xf32, #tpu.memory_space<vmem_shared>>, %arg12: memref<!tpu.dma_semaphore, #tpu.memory_space<semaphore_mem>>, %arg13: memref<!tpu.dma_semaphore, #tpu.memory_space<semaphore_mem>>, %arg14: memref<!tpu.dma_semaphore, #tpu.memory_space<semaphore_mem>>, %arg15: memref<!tpu.dma_semaphore, #tpu.memory_space<semaphore_mem>>) attributes {dimension_semantics = [#tpu.dimension_semantics<core_parallel>, #tpu.dimension_semantics<subcore_parallel>], iteration_bounds = array<i64: 2, 16>, scalar_prefetch = 0 : i64, scratch_operands = 10 : i64, tpu.core_type = #tpu.core_type<sc_vector_subcore>, window_params = [{transform_indices = #map}, {transform_indices = #map}, {transform_indices = #map}, {transform_indices = #map1}]} {
    %broadcast_in_dim3A = arith.constant 0.000000e+00 : f32
    %broadcast_in_dim3A_0 = vector.broadcast %broadcast_in_dim3A : f32 to vector<16xf32>
    %scan3A = arith.constant 0 : i32
    %scan3A_1 = arith.constant 0 : i32
    %scan3A_2 = arith.constant 256 : i32
    %scan3A_3 = arith.addi %scan3A_1, %scan3A_2 : i32
    %scan3A_4 = arith.constant 1 : i32
    %scan3A_5 = scf.for %scan3A_29 = %scan3A_1 to %scan3A_3 step %scan3A_4 iter_args(%scan3A_30 = %scan3A) -> (i32)  : i32 {
      %jit3A = arith.constant 8 : i32
      %div3A = arith.divsi %scan3A_29, %jit3A : i32
      %sign3A = arith.constant 0 : i32
      %sign3A_31 = arith.cmpi sgt, %scan3A_29, %sign3A : i32
      %sign3A_32 = arith.extui %sign3A_31 : i1 to i32
      %sign3A_33 = arith.constant 0 : i32
      %sign3A_34 = arith.cmpi slt, %scan3A_29, %sign3A_33 : i32
      %sign3A_35 = arith.extui %sign3A_34 : i1 to i32
      %sign3A_36 = arith.subi %sign3A_32, %sign3A_35 : i32
      %sign3A_37 = arith.constant 0 : i32
      %sign3A_38 = arith.cmpi sgt, %jit3A, %sign3A_37 : i32
      %sign3A_39 = arith.extui %sign3A_38 : i1 to i32
      %sign3A_40 = arith.constant 0 : i32
      %sign3A_41 = arith.cmpi slt, %jit3A, %sign3A_40 : i32
      %sign3A_42 = arith.extui %sign3A_41 : i1 to i32
      %sign3A_43 = arith.subi %sign3A_39, %sign3A_42 : i32
      %ne3A = arith.cmpi ne, %sign3A_36, %sign3A_43 : i32
      %rem3A = arith.remsi %scan3A_29, %jit3A : i32
      %ne3A_44 = arith.constant 0 : i32
      %ne3A_45 = arith.cmpi ne, %rem3A, %ne3A_44 : i32
      %and3A = arith.andi %ne3A, %ne3A_45 : i1
      %sub3A = arith.constant 1 : i32
      %sub3A_46 = arith.subi %div3A, %sub3A : i32
      %select_n3A = arith.select %and3A, %sub3A_46, %div3A : i32
      %jit3A_47 = arith.constant 8 : i32
      %eq3A = arith.constant 0 : i32
      %eq3A_48 = arith.cmpi eq, %jit3A_47, %eq3A : i32
      %jit3A_49 = arith.constant 1 : i32
      %select_n3A_50 = arith.select %eq3A_48, %jit3A_49, %jit3A_47 : i32
      %rem3A_51 = arith.remsi %scan3A_29, %select_n3A_50 : i32
      %ne3A_52 = arith.constant 0 : i32
      %ne3A_53 = arith.cmpi ne, %rem3A_51, %ne3A_52 : i32
      %lt3A = arith.constant 0 : i32
      %lt3A_54 = arith.cmpi slt, %rem3A_51, %lt3A : i32
      %lt3A_55 = arith.constant 0 : i32
      %lt3A_56 = arith.cmpi slt, %select_n3A_50, %lt3A_55 : i32
      %ne3A_57 = arith.xori %lt3A_54, %lt3A_56 : i1
      %and3A_58 = arith.andi %ne3A_57, %ne3A_53 : i1
      %add3A_59 = arith.addi %rem3A_51, %select_n3A_50 : i32
      %select_n3A_60 = arith.select %and3A_58, %add3A_59, %rem3A_51 : i32
      %mul3A_61 = arith.constant 16 : i32
      %mul3A_62 = arith.muli %select_n3A_60, %mul3A_61 : i32
      %swap3A = arith.index_cast %select_n3A : i32 to index
      %swap3A_63 = arith.index_cast %mul3A_62 : i32 to index
      %swap3A_64 = tpu.vector_load %arg10[%swap3A, %swap3A_63] {strides = array<i32>} : memref<32x128xf32, #tpu.memory_space<vmem>>, vector<16xf32>,
      tpu.vector_store %arg10[%swap3A, %swap3A_63], %broadcast_in_dim3A_0 {strides = array<i32>} : memref<32x128xf32, #tpu.memory_space<vmem>>, vector<16xf32>,
      %scan3A_65 = arith.constant 0 : i32
      scf.yield %scan3A_65 : i32
    }
    %scan3A_6 = arith.constant 256 : i32
    %scan3A_7 = arith.constant 0 : i32
    %scan3A_8 = arith.constant 0 : i32
    %scan3A_9 = arith.constant 20 : i32
    %scan3A_10 = arith.addi %scan3A_8, %scan3A_9 : i32
    %scan3A_11 = arith.constant 1 : i32
    %scan3A_12 = scf.for %scan3A_29 = %scan3A_8 to %scan3A_10 step %scan3A_11 iter_args(%scan3A_30 = %scan3A_7) -> (i32)  : i32 {
      %mul3A_31 = arith.constant 640 : i32
      %mul3A_32 = arith.muli %arg1, %mul3A_31 : i32
      %mul3A_33 = arith.constant 32 : i32
      %mul3A_34 = arith.muli %scan3A_29, %mul3A_33 : i32
      %add3A_35 = arith.addi %mul3A_32, %mul3A_34 : i32
      "tpu.region"() ({
        %run_scoped3A = tpu.sem_alloc : memref<!tpu.dma_semaphore, #tpu.memory_space<semaphore_mem>>
        %dma_start3A = arith.constant 0 : i32
        %dma_start3A_37 = tpu.memref_slice %arg11[%add3A_35, %dma_start3A] : memref<10240x128xf32, #tpu.memory_space<vmem_shared>> -> memref<32x128xf32, #tpu.memory_space<vmem_shared>>
        %dma_start3A_38 = arith.constant 0 : i32
        %dma_start3A_39 = tpu.memref_slice %arg11[%add3A_35, %dma_start3A_38] : memref<10240x128xf32, #tpu.memory_space<vmem_shared>> -> memref<32x128xf32, #tpu.memory_space<vmem_shared>>
        tpu.enqueue_dma source(%arg10 : memref<32x128xf32, #tpu.memory_space<vmem>>) target(%dma_start3A_39 : memref<32x128xf32, #tpu.memory_space<vmem_shared>>) target_semaphore(%run_scoped3A : memref<!tpu.dma_semaphore, #tpu.memory_space<semaphore_mem>>)
        %dma_wait3A = arith.constant 0 : i32
        %dma_wait3A_40 = tpu.memref_slice %arg11[%add3A_35, %dma_wait3A] : memref<10240x128xf32, #tpu.memory_space<vmem_shared>> -> memref<32x128xf32, #tpu.memory_space<vmem_shared>>
        %dma_wait3A_41 = arith.constant 0 : i32
        %dma_wait3A_42 = tpu.memref_slice %arg11[%add3A_35, %dma_wait3A_41] : memref<10240x128xf32, #tpu.memory_space<vmem_shared>> -> memref<32x128xf32, #tpu.memory_space<vmem_shared>>
        tpu.wait_dma2 semaphore(%run_scoped3A : memref<!tpu.dma_semaphore, #tpu.memory_space<semaphore_mem>>) src(%arg10 : memref<32x128xf32, #tpu.memory_space<vmem>>) dst(%dma_wait3A_42 : memref<32x128xf32, #tpu.memory_space<vmem_shared>>)
        tpu.yield
      }) : () -> ()
      %scan3A_36 = arith.constant 0 : i32
      scf.yield %scan3A_36 : i32
    }
    %scan3A_13 = arith.constant 20 : i32
    %barrier3A = arith.constant 0 : index
    tpu.barrier barrier_id(%barrier3A)
    %mul3A = arith.constant 16 : i32
    %mul3A_14 = arith.muli %arg0, %mul3A : i32
    %add3A = arith.addi %mul3A_14, %arg1 : i32
    %mul3A_15 = arith.constant 80 : i32
    %mul3A_16 = arith.muli %add3A, %mul3A_15 : i32
    %scan3A_17 = arith.constant 0 : i32
    %scan3A_18 = arith.constant 0 : i32
    %scan3A_19 = arith.constant 5 : i32
    %scan3A_20 = arith.addi %scan3A_18, %scan3A_19 : i32
    %scan3A_21 = arith.constant 1 : i32
    %scan3A_22 = scf.for %scan3A_29 = %scan3A_18 to %scan3A_20 step %scan3A_21 iter_args(%scan3A_30 = %scan3A_17) -> (i32)  : i32 {
      %mul3A_31 = arith.constant 16 : i32
      %mul3A_32 = arith.muli %scan3A_29, %mul3A_31 : i32
      %add3A_33 = arith.addi %mul3A_16, %mul3A_32 : i32
      "tpu.region"() ({
        %run_scoped3A = tpu.sem_alloc : memref<!tpu.dma_semaphore, #tpu.memory_space<semaphore_mem>>
        %dma_start3A_58 = arith.constant 0 : i32
        %dma_start3A_59 = tpu.memref_slice %arg2[%add3A_33, %dma_start3A_58] : memref<2560x128xi32, #tpu.memory_space<hbm>> -> memref<16x128xi32, #tpu.memory_space<hbm>>
        %dma_start3A_60 = arith.constant 0 : i32
        %dma_start3A_61 = tpu.memref_slice %arg2[%add3A_33, %dma_start3A_60] : memref<2560x128xi32, #tpu.memory_space<hbm>> -> memref<16x128xi32, #tpu.memory_space<hbm>>
        tpu.enqueue_dma source(%dma_start3A_61 : memref<16x128xi32, #tpu.memory_space<hbm>>) target(%arg6 : memref<16x128xi32, #tpu.memory_space<vmem>>) target_semaphore(%run_scoped3A : memref<!tpu.dma_semaphore, #tpu.memory_space<semaphore_mem>>)
        %dma_wait3A = arith.constant 0 : i32
        %dma_wait3A_62 = tpu.memref_slice %arg2[%add3A_33, %dma_wait3A] : memref<2560x128xi32, #tpu.memory_space<hbm>> -> memref<16x128xi32, #tpu.memory_space<hbm>>
        %dma_wait3A_63 = arith.constant 0 : i32
        %dma_wait3A_64 = tpu.memref_slice %arg2[%add3A_33, %dma_wait3A_63] : memref<2560x128xi32, #tpu.memory_space<hbm>> -> memref<16x128xi32, #tpu.memory_space<hbm>>
        tpu.wait_dma2 semaphore(%run_scoped3A : memref<!tpu.dma_semaphore, #tpu.memory_space<semaphore_mem>>) src(%dma_wait3A_64 : memref<16x128xi32, #tpu.memory_space<hbm>>) dst(%arg6 : memref<16x128xi32, #tpu.memory_space<vmem>>)
        tpu.yield
      }) : () -> ()
      %mul3A_34 = arith.constant 16 : i32
      %mul3A_35 = arith.muli %scan3A_29, %mul3A_34 : i32
      %add3A_36 = arith.addi %mul3A_16, %mul3A_35 : i32
      "tpu.region"() ({
        %run_scoped3A = tpu.sem_alloc : memref<!tpu.dma_semaphore, #tpu.memory_space<semaphore_mem>>
        %dma_start3A_58 = arith.constant 0 : i32
        %dma_start3A_59 = tpu.memref_slice %arg3[%add3A_36, %dma_start3A_58] : memref<2560x128xi32, #tpu.memory_space<hbm>> -> memref<16x128xi32, #tpu.memory_space<hbm>>
        %dma_start3A_60 = arith.constant 0 : i32
        %dma_start3A_61 = tpu.memref_slice %arg3[%add3A_36, %dma_start3A_60] : memref<2560x128xi32, #tpu.memory_space<hbm>> -> memref<16x128xi32, #tpu.memory_space<hbm>>
        tpu.enqueue_dma source(%dma_start3A_61 : memref<16x128xi32, #tpu.memory_space<hbm>>) target(%arg7 : memref<16x128xi32, #tpu.memory_space<vmem>>) target_semaphore(%run_scoped3A : memref<!tpu.dma_semaphore, #tpu.memory_space<semaphore_mem>>)
        %dma_wait3A = arith.constant 0 : i32
        %dma_wait3A_62 = tpu.memref_slice %arg3[%add3A_36, %dma_wait3A] : memref<2560x128xi32, #tpu.memory_space<hbm>> -> memref<16x128xi32, #tpu.memory_space<hbm>>
        %dma_wait3A_63 = arith.constant 0 : i32
        %dma_wait3A_64 = tpu.memref_slice %arg3[%add3A_36, %dma_wait3A_63] : memref<2560x128xi32, #tpu.memory_space<hbm>> -> memref<16x128xi32, #tpu.memory_space<hbm>>
        tpu.wait_dma2 semaphore(%run_scoped3A : memref<!tpu.dma_semaphore, #tpu.memory_space<semaphore_mem>>) src(%dma_wait3A_64 : memref<16x128xi32, #tpu.memory_space<hbm>>) dst(%arg7 : memref<16x128xi32, #tpu.memory_space<vmem>>)
        tpu.yield
      }) : () -> ()
      %dma_start3A = arith.constant 0 : i32
      %dma_start3A_37 = arith.constant 0 : i32
      %dma_start3A_38 = tpu.memref_slice %arg6[%dma_start3A, %dma_start3A_37] : memref<16x128xi32, #tpu.memory_space<vmem>> -> memref<1x128xi32, #tpu.memory_space<vmem>>
      %dma_start3A_39 = tpu.memref_squeeze %dma_start3A_38 : memref<1x128xi32, #tpu.memory_space<vmem>> -> memref<128xi32, #tpu.memory_space<vmem>>
      %dma_start3A_40 = arith.constant 0 : i32
      %dma_start3A_41 = arith.constant 0 : i32
      %dma_start3A_42 = tpu.memref_slice %arg4[%dma_start3A_40, %dma_start3A_41] : memref<10240x128xf32, #tpu.memory_space<hbm>> -> memref<10240x128xf32, #tpu.memory_space<hbm>>
      tpu.enqueue_indirect_dma source(%dma_start3A_42 : memref<10240x128xf32, #tpu.memory_space<hbm>>) target(%arg8 : memref<128x128xf32, #tpu.memory_space<vmem>>) offsets(%dma_start3A_39 : memref<128xi32, #tpu.memory_space<vmem>>) semaphore(%arg12 : memref<!tpu.dma_semaphore, #tpu.memory_space<semaphore_mem>>)
      %dma_start3A_43 = arith.constant 1 : i32
      %dma_start3A_44 = arith.constant 0 : i32
      %dma_start3A_45 = tpu.memref_slice %arg6[%dma_start3A_43, %dma_start3A_44] : memref<16x128xi32, #tpu.memory_space<vmem>> -> memref<1x128xi32, #tpu.memory_space<vmem>>
      %dma_start3A_46 = tpu.memref_squeeze %dma_start3A_45 : memref<1x128xi32, #tpu.memory_space<vmem>> -> memref<128xi32, #tpu.memory_space<vmem>>
      %dma_start3A_47 = arith.constant 0 : i32
      %dma_start3A_48 = arith.constant 0 : i32
      %dma_start3A_49 = tpu.memref_slice %arg4[%dma_start3A_47, %dma_start3A_48] : memref<10240x128xf32, #tpu.memory_space<hbm>> -> memref<10240x128xf32, #tpu.memory_space<hbm>>
      tpu.enqueue_indirect_dma source(%dma_start3A_49 : memref<10240x128xf32, #tpu.memory_space<hbm>>) target(%arg9 : memref<128x128xf32, #tpu.memory_space<vmem>>) offsets(%dma_start3A_46 : memref<128xi32, #tpu.memory_space<vmem>>) semaphore(%arg13 : memref<!tpu.dma_semaphore, #tpu.memory_space<semaphore_mem>>)
      %scan3A_50 = arith.constant 0 : i32
      %scan3A_51 = arith.constant 0 : i32
      %scan3A_52 = arith.constant 8 : i32
      %scan3A_53 = arith.addi %scan3A_51, %scan3A_52 : i32
      %scan3A_54 = arith.constant 1 : i32
      %scan3A_55 = scf.for %scan3A_58 = %scan3A_51 to %scan3A_53 step %scan3A_54 iter_args(%scan3A_59 = %scan3A_50) -> (i32)  : i32 {
        %mul3A_60 = arith.constant 2 : i32
        %mul3A_61 = arith.muli %mul3A_60, %scan3A_58 : i32
        %dma_wait3A = arith.constant 0 : i32
        %dma_wait3A_62 = tpu.memref_slice %arg6[%mul3A_61, %dma_wait3A] : memref<16x128xi32, #tpu.memory_space<vmem>> -> memref<1x128xi32, #tpu.memory_space<vmem>>
        %dma_wait3A_63 = tpu.memref_squeeze %dma_wait3A_62 : memref<1x128xi32, #tpu.memory_space<vmem>> -> memref<128xi32, #tpu.memory_space<vmem>>
        %dma_wait3A_64 = arith.constant 0 : i32
        %dma_wait3A_65 = arith.constant 0 : i32
        %dma_wait3A_66 = tpu.memref_slice %arg4[%dma_wait3A_64, %dma_wait3A_65] : memref<10240x128xf32, #tpu.memory_space<hbm>> -> memref<10240x128xf32, #tpu.memory_space<hbm>>
        tpu.wait_indirect_dma semaphore(%arg12 : memref<!tpu.dma_semaphore, #tpu.memory_space<semaphore_mem>>) src(%dma_wait3A_66 : memref<10240x128xf32, #tpu.memory_space<hbm>>) dst(%arg8 : memref<128x128xf32, #tpu.memory_space<vmem>>)
        %dma_start3A_67 = arith.constant 0 : i32
        %dma_start3A_68 = tpu.memref_slice %arg7[%mul3A_61, %dma_start3A_67] : memref<16x128xi32, #tpu.memory_space<vmem>> -> memref<1x128xi32, #tpu.memory_space<vmem>>
        %dma_start3A_69 = tpu.memref_squeeze %dma_start3A_68 : memref<1x128xi32, #tpu.memory_space<vmem>> -> memref<128xi32, #tpu.memory_space<vmem>>
        %dma_start3A_70 = arith.constant 0 : i32
        %dma_start3A_71 = arith.constant 0 : i32
        %dma_start3A_72 = tpu.memref_slice %arg11[%dma_start3A_70, %dma_start3A_71] : memref<10240x128xf32, #tpu.memory_space<vmem_shared>> -> memref<10240x128xf32, #tpu.memory_space<vmem_shared>>
        tpu.enqueue_indirect_dma source(%arg8 : memref<128x128xf32, #tpu.memory_space<vmem>>) target(%dma_start3A_72 : memref<10240x128xf32, #tpu.memory_space<vmem_shared>>) offsets(%dma_start3A_69 : memref<128xi32, #tpu.memory_space<vmem>>) semaphore(%arg14 : memref<!tpu.dma_semaphore, #tpu.memory_space<semaphore_mem>>) {add = true}
        %add3A_73 = arith.constant 1 : i32
        %add3A_74 = arith.addi %mul3A_61, %add3A_73 : i32
        %dma_wait3A_75 = arith.constant 0 : i32
        %dma_wait3A_76 = tpu.memref_slice %arg6[%add3A_74, %dma_wait3A_75] : memref<16x128xi32, #tpu.memory_space<vmem>> -> memref<1x128xi32, #tpu.memory_space<vmem>>
        %dma_wait3A_77 = tpu.memref_squeeze %dma_wait3A_76 : memref<1x128xi32, #tpu.memory_space<vmem>> -> memref<128xi32, #tpu.memory_space<vmem>>
        %dma_wait3A_78 = arith.constant 0 : i32
        %dma_wait3A_79 = arith.constant 0 : i32
        %dma_wait3A_80 = tpu.memref_slice %arg4[%dma_wait3A_78, %dma_wait3A_79] : memref<10240x128xf32, #tpu.memory_space<hbm>> -> memref<10240x128xf32, #tpu.memory_space<hbm>>
        tpu.wait_indirect_dma semaphore(%arg13 : memref<!tpu.dma_semaphore, #tpu.memory_space<semaphore_mem>>) src(%dma_wait3A_80 : memref<10240x128xf32, #tpu.memory_space<hbm>>) dst(%arg9 : memref<128x128xf32, #tpu.memory_space<vmem>>)
        %add3A_81 = arith.constant 1 : i32
        %add3A_82 = arith.addi %mul3A_61, %add3A_81 : i32
        %dma_start3A_83 = arith.constant 0 : i32
        %dma_start3A_84 = tpu.memref_slice %arg7[%add3A_82, %dma_start3A_83] : memref<16x128xi32, #tpu.memory_space<vmem>> -> memref<1x128xi32, #tpu.memory_space<vmem>>
        %dma_start3A_85 = tpu.memref_squeeze %dma_start3A_84 : memref<1x128xi32, #tpu.memory_space<vmem>> -> memref<128xi32, #tpu.memory_space<vmem>>
        %dma_start3A_86 = arith.constant 0 : i32
        %dma_start3A_87 = arith.constant 0 : i32
        %dma_start3A_88 = tpu.memref_slice %arg11[%dma_start3A_86, %dma_start3A_87] : memref<10240x128xf32, #tpu.memory_space<vmem_shared>> -> memref<10240x128xf32, #tpu.memory_space<vmem_shared>>
        tpu.enqueue_indirect_dma source(%arg9 : memref<128x128xf32, #tpu.memory_space<vmem>>) target(%dma_start3A_88 : memref<10240x128xf32, #tpu.memory_space<vmem_shared>>) offsets(%dma_start3A_85 : memref<128xi32, #tpu.memory_space<vmem>>) semaphore(%arg15 : memref<!tpu.dma_semaphore, #tpu.memory_space<semaphore_mem>>) {add = true}
        %dma_wait3A_89 = arith.constant 0 : i32
        %dma_wait3A_90 = tpu.memref_slice %arg7[%mul3A_61, %dma_wait3A_89] : memref<16x128xi32, #tpu.memory_space<vmem>> -> memref<1x128xi32, #tpu.memory_space<vmem>>
        %dma_wait3A_91 = tpu.memref_squeeze %dma_wait3A_90 : memref<1x128xi32, #tpu.memory_space<vmem>> -> memref<128xi32, #tpu.memory_space<vmem>>
        %dma_wait3A_92 = arith.constant 0 : i32
        %dma_wait3A_93 = arith.constant 0 : i32
        %dma_wait3A_94 = tpu.memref_slice %arg11[%dma_wait3A_92, %dma_wait3A_93] : memref<10240x128xf32, #tpu.memory_space<vmem_shared>> -> memref<10240x128xf32, #tpu.memory_space<vmem_shared>>
        tpu.wait_indirect_dma semaphore(%arg14 : memref<!tpu.dma_semaphore, #tpu.memory_space<semaphore_mem>>) src(%arg8 : memref<128x128xf32, #tpu.memory_space<vmem>>) dst(%dma_wait3A_94 : memref<10240x128xf32, #tpu.memory_space<vmem_shared>>)
        %add3A_95 = arith.constant 2 : i32
        %add3A_96 = arith.addi %mul3A_61, %add3A_95 : i32
        %lt3A = arith.constant 16 : i32
        %lt3A_97 = arith.cmpi slt, %add3A_96, %lt3A : i32
        %convert_element_type3A = arith.extui %lt3A_97 : i1 to i32
        %cond3A = arith.constant 0 : i32
        %cond3A_98 = arith.cmpi ne, %convert_element_type3A, %cond3A : i32
        scf.if %cond3A_98 {
          %add3A_115 = arith.constant 2 : i32
          %add3A_116 = arith.addi %mul3A_61, %add3A_115 : i32
          %dma_start3A_117 = arith.constant 0 : i32
          %dma_start3A_118 = tpu.memref_slice %arg6[%add3A_116, %dma_start3A_117] : memref<16x128xi32, #tpu.memory_space<vmem>> -> memref<1x128xi32, #tpu.memory_space<vmem>>
          %dma_start3A_119 = tpu.memref_squeeze %dma_start3A_118 : memref<1x128xi32, #tpu.memory_space<vmem>> -> memref<128xi32, #tpu.memory_space<vmem>>
          %dma_start3A_120 = arith.constant 0 : i32
          %dma_start3A_121 = arith.constant 0 : i32
          %dma_start3A_122 = tpu.memref_slice %arg4[%dma_start3A_120, %dma_start3A_121] : memref<10240x128xf32, #tpu.memory_space<hbm>> -> memref<10240x128xf32, #tpu.memory_space<hbm>>
          tpu.enqueue_indirect_dma source(%dma_start3A_122 : memref<10240x128xf32, #tpu.memory_space<hbm>>) target(%arg8 : memref<128x128xf32, #tpu.memory_space<vmem>>) offsets(%dma_start3A_119 : memref<128xi32, #tpu.memory_space<vmem>>) semaphore(%arg12 : memref<!tpu.dma_semaphore, #tpu.memory_space<semaphore_mem>>)
        } else {
        }
        %add3A_99 = arith.constant 1 : i32
        %add3A_100 = arith.addi %mul3A_61, %add3A_99 : i32
        %dma_wait3A_101 = arith.constant 0 : i32
        %dma_wait3A_102 = tpu.memref_slice %arg7[%add3A_100, %dma_wait3A_101] : memref<16x128xi32, #tpu.memory_space<vmem>> -> memref<1x128xi32, #tpu.memory_space<vmem>>
        %dma_wait3A_103 = tpu.memref_squeeze %dma_wait3A_102 : memref<1x128xi32, #tpu.memory_space<vmem>> -> memref<128xi32, #tpu.memory_space<vmem>>
        %dma_wait3A_104 = arith.constant 0 : i32
        %dma_wait3A_105 = arith.constant 0 : i32
        %dma_wait3A_106 = tpu.memref_slice %arg11[%dma_wait3A_104, %dma_wait3A_105] : memref<10240x128xf32, #tpu.memory_space<vmem_shared>> -> memref<10240x128xf32, #tpu.memory_space<vmem_shared>>
        tpu.wait_indirect_dma semaphore(%arg15 : memref<!tpu.dma_semaphore, #tpu.memory_space<semaphore_mem>>) src(%arg9 : memref<128x128xf32, #tpu.memory_space<vmem>>) dst(%dma_wait3A_106 : memref<10240x128xf32, #tpu.memory_space<vmem_shared>>)
        %add3A_107 = arith.constant 3 : i32
        %add3A_108 = arith.addi %mul3A_61, %add3A_107 : i32
        %lt3A_109 = arith.constant 16 : i32
        %lt3A_110 = arith.cmpi slt, %add3A_108, %lt3A_109 : i32
        %convert_element_type3A_111 = arith.extui %lt3A_110 : i1 to i32
        %cond3A_112 = arith.constant 0 : i32
        %cond3A_113 = arith.cmpi ne, %convert_element_type3A_111, %cond3A_112 : i32
        scf.if %cond3A_113 {
          %add3A_115 = arith.constant 3 : i32
          %add3A_116 = arith.addi %mul3A_61, %add3A_115 : i32
          %dma_start3A_117 = arith.constant 0 : i32
          %dma_start3A_118 = tpu.memref_slice %arg6[%add3A_116, %dma_start3A_117] : memref<16x128xi32, #tpu.memory_space<vmem>> -> memref<1x128xi32, #tpu.memory_space<vmem>>
          %dma_start3A_119 = tpu.memref_squeeze %dma_start3A_118 : memref<1x128xi32, #tpu.memory_space<vmem>> -> memref<128xi32, #tpu.memory_space<vmem>>
          %dma_start3A_120 = arith.constant 0 : i32
          %dma_start3A_121 = arith.constant 0 : i32
          %dma_start3A_122 = tpu.memref_slice %arg4[%dma_start3A_120, %dma_start3A_121] : memref<10240x128xf32, #tpu.memory_space<hbm>> -> memref<10240x128xf32, #tpu.memory_space<hbm>>
          tpu.enqueue_indirect_dma source(%dma_start3A_122 : memref<10240x128xf32, #tpu.memory_space<hbm>>) target(%arg9 : memref<128x128xf32, #tpu.memory_space<vmem>>) offsets(%dma_start3A_119 : memref<128xi32, #tpu.memory_space<vmem>>) semaphore(%arg13 : memref<!tpu.dma_semaphore, #tpu.memory_space<semaphore_mem>>)
        } else {
        }
        %scan3A_114 = arith.constant 0 : i32
        scf.yield %scan3A_114 : i32
      }
      %scan3A_56 = arith.constant 8 : i32
      %scan3A_57 = arith.constant 0 : i32
      scf.yield %scan3A_57 : i32
    }
    %scan3A_23 = arith.constant 5 : i32
    %barrier3A_24 = arith.constant 0 : index
    tpu.barrier barrier_id(%barrier3A_24)
    %mul3A_25 = arith.constant 640 : i32
    %mul3A_26 = arith.muli %arg1, %mul3A_25 : i32
    %mul3A_27 = arith.constant 640 : i32
    %mul3A_28 = arith.muli %arg1, %mul3A_27 : i32
    "tpu.region"() ({
      %run_scoped3A = tpu.sem_alloc : memref<!tpu.dma_semaphore, #tpu.memory_space<semaphore_mem>>
      %dma_start3A = arith.constant 0 : i32
      %dma_start3A_29 = tpu.memref_slice %arg5[%arg0, %mul3A_28, %dma_start3A] : memref<2x10240x128xf32, #tpu.memory_space<hbm>> -> memref<1x640x128xf32, #tpu.memory_space<hbm>>
      %dma_start3A_30 = tpu.memref_squeeze %dma_start3A_29 : memref<1x640x128xf32, #tpu.memory_space<hbm>> -> memref<640x128xf32, #tpu.memory_space<hbm>>
      %dma_start3A_31 = arith.constant 0 : i32
      %dma_start3A_32 = tpu.memref_slice %arg11[%mul3A_26, %dma_start3A_31] : memref<10240x128xf32, #tpu.memory_space<vmem_shared>> -> memref<640x128xf32, #tpu.memory_space<vmem_shared>>
      tpu.enqueue_dma source(%dma_start3A_32 : memref<640x128xf32, #tpu.memory_space<vmem_shared>>) target(%dma_start3A_30 : memref<640x128xf32, #tpu.memory_space<hbm>>) target_semaphore(%run_scoped3A : memref<!tpu.dma_semaphore, #tpu.memory_space<semaphore_mem>>)
      %dma_wait3A = arith.constant 0 : i32
      %dma_wait3A_33 = tpu.memref_slice %arg5[%arg0, %mul3A_28, %dma_wait3A] : memref<2x10240x128xf32, #tpu.memory_space<hbm>> -> memref<1x640x128xf32, #tpu.memory_space<hbm>>
      %dma_wait3A_34 = tpu.memref_squeeze %dma_wait3A_33 : memref<1x640x128xf32, #tpu.memory_space<hbm>> -> memref<640x128xf32, #tpu.memory_space<hbm>>
      %dma_wait3A_35 = arith.constant 0 : i32
      %dma_wait3A_36 = tpu.memref_slice %arg11[%mul3A_26, %dma_wait3A_35] : memref<10240x128xf32, #tpu.memory_space<vmem_shared>> -> memref<640x128xf32, #tpu.memory_space<vmem_shared>>
      tpu.wait_dma2 semaphore(%run_scoped3A : memref<!tpu.dma_semaphore, #tpu.memory_space<semaphore_mem>>) src(%dma_wait3A_36 : memref<640x128xf32, #tpu.memory_space<vmem_shared>>) dst(%dma_wait3A_34 : memref<640x128xf32, #tpu.memory_space<hbm>>)
      tpu.yield
    }) : () -> ()
    return
  }
}

module attributes {stable_mosaic.version = 14 : i64} {
  func.func @_mm1_body(%arg0: i32, %arg1: memref<1024x1xf32, #tpu.memory_space<vmem>>, %arg2: memref<1024x128xf32, #tpu.memory_space<vmem>>, %arg3: memref<128x256xf32, #tpu.memory_space<vmem>>, %arg4: memref<2x1024x128xf32, #tpu.memory_space<vmem>>, %arg5: memref<1024x1xf32, #tpu.memory_space<vmem>>) attributes {dimension_semantics = [#tpu.dimension_semantics<arbitrary>], iteration_bounds = array<i64: 10>, scalar_prefetch = 0 : i64, scratch_operands = 0 : i64, tpu.core_type = #tpu.core_type<tc>, window_params = [{transform_indices = @transform_0, window_bounds = array<i64: 1024, 1>}, {transform_indices = @transform_1, window_bounds = array<i64: 1024, 128>}, {pipeline_mode = #tpu.pipeline_mode<synchronous>, transform_indices = @transform_2, window_bounds = array<i64: 128, 256>}, {transform_indices = @transform_3, window_bounds = array<i64: 2, 1024, 128>}, {transform_indices = @transform_4, window_bounds = array<i64: 1024, 1>}]} {
    %get3A = arith.constant 0 : index
    %get3A_0 = arith.constant 0 : index
    %get3A_1 = vector.load %arg1[%get3A, %get3A_0] : memref<1024x1xf32, #tpu.memory_space<vmem>>, vector<1024x1xf32>
    %add3A = arith.constant 1.000000e+00 : f32
    %add3A_2 = vector.broadcast %add3A : f32 to vector<1024x1xf32>
    %add3A_3 = arith.addf %get3A_1, %add3A_2 : vector<1024x1xf32>
    %rsqrt3A = math.rsqrt %add3A_3 : vector<1024x1xf32>
    %get3A_4 = arith.constant 0 : index
    %get3A_5 = arith.constant 0 : index
    %get3A_6 = vector.load %arg2[%get3A_4, %get3A_5] : memref<1024x128xf32, #tpu.memory_space<vmem>>, vector<1024x128xf32>
    %get3A_7 = arith.constant 0 : index
    %get3A_8 = arith.constant 0 : index
    %get3A_9 = vector.load %arg3[%get3A_7, %get3A_8] : memref<128x256xf32, #tpu.memory_space<vmem>>, vector<128x256xf32>
    %dot_general3A = arith.constant dense<0.000000e+00> : vector<1024x256xf32>
    %dot_general3A_10 = tpu.matmul %get3A_6, %get3A_9, %dot_general3A {dimension_numbers = #tpu.dot_dimension_numbers<[1], [0], [0], [1], [0, 0, 1, 1], [], []>, transpose_lhs_hint = false} : vector<1024x128xf32>, vector<128x256xf32>, vector<1024x256xf32> -> vector<1024x256xf32>
    %mul3A = vector.broadcast %rsqrt3A : vector<1024x1xf32> to vector<1024x256xf32>
    %mul3A_11 = arith.mulf %dot_general3A_10, %mul3A : vector<1024x256xf32>
    %slice3A = vector.extract_strided_slice %mul3A_11 {offsets = [0, 0], sizes = [1024, 128], strides = [1, 1]} : vector<1024x256xf32> to vector<1024x128xf32>
    %swap3A = arith.constant 0 : index
    %swap3A_12 = arith.constant 0 : index
    %swap3A_13 = arith.constant 0 : index
    %swap3A_14 = vector.load %arg4[%swap3A, %swap3A_12, %swap3A_13] : memref<2x1024x128xf32, #tpu.memory_space<vmem>>, vector<1x1024x128xf32>
    %swap3A_15 = vector.shape_cast %swap3A_14 : vector<1x1024x128xf32> to vector<1024x128xf32>
    %swap3A_16 = vector.shape_cast %slice3A : vector<1024x128xf32> to vector<1x1024x128xf32>
    tpu.vector_store %arg4[%swap3A, %swap3A_12, %swap3A_13], %swap3A_16 {strides = array<i32>} : memref<2x1024x128xf32, #tpu.memory_space<vmem>>, vector<1x1024x128xf32>,
    %slice3A_17 = vector.extract_strided_slice %mul3A_11 {offsets = [0, 128], sizes = [1024, 128], strides = [1, 1]} : vector<1024x256xf32> to vector<1024x128xf32>
    %swap3A_18 = arith.constant 1 : index
    %swap3A_19 = arith.constant 0 : index
    %swap3A_20 = arith.constant 0 : index
    %swap3A_21 = vector.load %arg4[%swap3A_18, %swap3A_19, %swap3A_20] : memref<2x1024x128xf32, #tpu.memory_space<vmem>>, vector<1x1024x128xf32>
    %swap3A_22 = vector.shape_cast %swap3A_21 : vector<1x1024x128xf32> to vector<1024x128xf32>
    %swap3A_23 = vector.shape_cast %slice3A_17 : vector<1024x128xf32> to vector<1x1024x128xf32>
    tpu.vector_store %arg4[%swap3A_18, %swap3A_19, %swap3A_20], %swap3A_23 {strides = array<i32>} : memref<2x1024x128xf32, #tpu.memory_space<vmem>>, vector<1x1024x128xf32>,
    %swap3A_24 = arith.constant 0 : index
    %swap3A_25 = arith.constant 0 : index
    %swap3A_26 = vector.load %arg5[%swap3A_24, %swap3A_25] : memref<1024x1xf32, #tpu.memory_space<vmem>>, vector<1024x1xf32>
    tpu.vector_store %arg5[%swap3A_24, %swap3A_25], %rsqrt3A {strides = array<i32>} : memref<1024x1xf32, #tpu.memory_space<vmem>>, vector<1024x1xf32>,
    return
  }
  func.func @transform_0(%arg0: i32) -> (i32, i32) {
    %c0_i32 = arith.constant 0 : i32
    %c0_i32_0 = arith.constant 0 : i32
    return %arg0, %c0_i32 : i32, i32
  }
  func.func @transform_1(%arg0: i32) -> (i32, i32) {
    %c0_i32 = arith.constant 0 : i32
    %c0_i32_0 = arith.constant 0 : i32
    return %arg0, %c0_i32 : i32, i32
  }
  func.func @transform_2(%arg0: i32) -> (i32, i32) {
    %c0_i32 = arith.constant 0 : i32
    %c0_i32_0 = arith.constant 0 : i32
    %c0_i32_1 = arith.constant 0 : i32
    return %c0_i32, %c0_i32_0 : i32, i32
  }
  func.func @transform_3(%arg0: i32) -> (i32, i32, i32) {
    %c0_i32 = arith.constant 0 : i32
    %c0_i32_0 = arith.constant 0 : i32
    %c0_i32_1 = arith.constant 0 : i32
    return %c0_i32, %arg0, %c0_i32_0 : i32, i32, i32
  }
  func.func @transform_4(%arg0: i32) -> (i32, i32) {
    %c0_i32 = arith.constant 0 : i32
    %c0_i32_0 = arith.constant 0 : i32
    return %arg0, %c0_i32 : i32, i32
  }
}

module attributes {stable_mosaic.version = 14 : i64} {
  func.func @_mm2_body(%arg0: i32, %arg1: memref<1024x1xf32, #tpu.memory_space<vmem>>, %arg2: memref<1x1024x128xf32, #tpu.memory_space<vmem>>, %arg3: memref<1x1024x128xf32, #tpu.memory_space<vmem>>, %arg4: memref<1x1024x128xf32, #tpu.memory_space<vmem>>, %arg5: memref<1x1024x128xf32, #tpu.memory_space<vmem>>, %arg6: memref<1x256xf32, #tpu.memory_space<vmem>>, %arg7: memref<256x128xf32, #tpu.memory_space<vmem>>, %arg8: memref<1024x128xf32, #tpu.memory_space<vmem>>) attributes {dimension_semantics = [#tpu.dimension_semantics<arbitrary>], iteration_bounds = array<i64: 10>, scalar_prefetch = 0 : i64, scratch_operands = 0 : i64, tpu.core_type = #tpu.core_type<tc>, window_params = [{transform_indices = @transform_0, window_bounds = array<i64: 1024, 1>}, {transform_indices = @transform_1, window_bounds = array<i64: 1, 1024, 128>}, {transform_indices = @transform_2, window_bounds = array<i64: 1, 1024, 128>}, {transform_indices = @transform_3, window_bounds = array<i64: 1, 1024, 128>}, {transform_indices = @transform_4, window_bounds = array<i64: 1, 1024, 128>}, {pipeline_mode = #tpu.pipeline_mode<synchronous>, transform_indices = @transform_5, window_bounds = array<i64: 1, 256>}, {pipeline_mode = #tpu.pipeline_mode<synchronous>, transform_indices = @transform_6, window_bounds = array<i64: 256, 128>}, {transform_indices = @transform_7, window_bounds = array<i64: 1024, 128>}]} {
    %get3A = arith.constant 0 : index
    %get3A_0 = arith.constant 0 : index
    %get3A_1 = vector.load %arg1[%get3A, %get3A_0] : memref<1024x1xf32, #tpu.memory_space<vmem>>, vector<1024x1xf32>
    %get3A_2 = arith.constant 0 : index
    %get3A_3 = arith.constant 0 : index
    %get3A_4 = vector.load %arg6[%get3A_2, %get3A_3] : memref<1x256xf32, #tpu.memory_space<vmem>>, vector<1x256xf32>
    %get3A_5 = arith.constant 0 : index
    %get3A_6 = arith.constant 0 : index
    %get3A_7 = arith.constant 0 : index
    %get3A_8 = vector.load %arg2[%get3A_5, %get3A_6, %get3A_7] : memref<1x1024x128xf32, #tpu.memory_space<vmem>>, vector<1x1024x128xf32>
    %get3A_9 = vector.shape_cast %get3A_8 : vector<1x1024x128xf32> to vector<1024x128xf32>
    %get3A_10 = arith.constant 0 : index
    %get3A_11 = arith.constant 0 : index
    %get3A_12 = arith.constant 0 : index
    %get3A_13 = vector.load %arg4[%get3A_10, %get3A_11, %get3A_12] : memref<1x1024x128xf32, #tpu.memory_space<vmem>>, vector<1x1024x128xf32>
    %get3A_14 = vector.shape_cast %get3A_13 : vector<1x1024x128xf32> to vector<1024x128xf32>
    %add3A = arith.addf %get3A_9, %get3A_14 : vector<1024x128xf32>
    %mul3A = vector.broadcast %get3A_1 : vector<1024x1xf32> to vector<1024x128xf32>
    %mul3A_15 = arith.mulf %add3A, %mul3A : vector<1024x128xf32>
    %slice3A = vector.extract_strided_slice %get3A_4 {offsets = [0, 0], sizes = [1, 128], strides = [1, 1]} : vector<1x256xf32> to vector<1x128xf32>
    %add3A_16 = vector.broadcast %slice3A : vector<1x128xf32> to vector<1024x128xf32>
    %add3A_17 = arith.addf %mul3A_15, %add3A_16 : vector<1024x128xf32>
    %max3A = arith.constant 0.000000e+00 : f32
    %max3A_18 = vector.broadcast %max3A : f32 to vector<1024x128xf32>
    %max3A_19 = arith.maximumf %add3A_17, %max3A_18 : vector<1024x128xf32>
    %get3A_20 = arith.constant 0 : index
    %get3A_21 = arith.constant 0 : index
    %get3A_22 = arith.constant 0 : index
    %get3A_23 = vector.load %arg3[%get3A_20, %get3A_21, %get3A_22] : memref<1x1024x128xf32, #tpu.memory_space<vmem>>, vector<1x1024x128xf32>
    %get3A_24 = vector.shape_cast %get3A_23 : vector<1x1024x128xf32> to vector<1024x128xf32>
    %get3A_25 = arith.constant 0 : index
    %get3A_26 = arith.constant 0 : index
    %get3A_27 = arith.constant 0 : index
    %get3A_28 = vector.load %arg5[%get3A_25, %get3A_26, %get3A_27] : memref<1x1024x128xf32, #tpu.memory_space<vmem>>, vector<1x1024x128xf32>
    %get3A_29 = vector.shape_cast %get3A_28 : vector<1x1024x128xf32> to vector<1024x128xf32>
    %add3A_30 = arith.addf %get3A_24, %get3A_29 : vector<1024x128xf32>
    %mul3A_31 = vector.broadcast %get3A_1 : vector<1024x1xf32> to vector<1024x128xf32>
    %mul3A_32 = arith.mulf %add3A_30, %mul3A_31 : vector<1024x128xf32>
    %slice3A_33 = vector.extract_strided_slice %get3A_4 {offsets = [0, 128], sizes = [1, 128], strides = [1, 1]} : vector<1x256xf32> to vector<1x128xf32>
    %add3A_34 = vector.broadcast %slice3A_33 : vector<1x128xf32> to vector<1024x128xf32>
    %add3A_35 = arith.addf %mul3A_32, %add3A_34 : vector<1024x128xf32>
    %max3A_36 = arith.constant 0.000000e+00 : f32
    %max3A_37 = vector.broadcast %max3A_36 : f32 to vector<1024x128xf32>
    %max3A_38 = arith.maximumf %add3A_35, %max3A_37 : vector<1024x128xf32>
    %get3A_39 = arith.constant 0 : index
    %get3A_40 = arith.constant 0 : index
    %get3A_41 = vector.load %arg7[%get3A_39, %get3A_40] : memref<256x128xf32, #tpu.memory_space<vmem>>, vector<256x128xf32>
    %slice3A_42 = vector.extract_strided_slice %get3A_41 {offsets = [0, 0], sizes = [128, 128], strides = [1, 1]} : vector<256x128xf32> to vector<128x128xf32>
    %dot_general3A = arith.constant dense<0.000000e+00> : vector<1024x128xf32>
    %dot_general3A_43 = tpu.matmul %max3A_19, %slice3A_42, %dot_general3A {dimension_numbers = #tpu.dot_dimension_numbers<[1], [0], [0], [1], [0, 0, 1, 1], [], []>, transpose_lhs_hint = false} : vector<1024x128xf32>, vector<128x128xf32>, vector<1024x128xf32> -> vector<1024x128xf32>
    %get3A_44 = arith.constant 0 : index
    %get3A_45 = arith.constant 0 : index
    %get3A_46 = vector.load %arg7[%get3A_44, %get3A_45] : memref<256x128xf32, #tpu.memory_space<vmem>>, vector<256x128xf32>
    %slice3A_47 = vector.extract_strided_slice %get3A_46 {offsets = [128, 0], sizes = [128, 128], strides = [1, 1]} : vector<256x128xf32> to vector<128x128xf32>
    %dot_general3A_48 = arith.constant dense<0.000000e+00> : vector<1024x128xf32>
    %dot_general3A_49 = tpu.matmul %max3A_38, %slice3A_47, %dot_general3A_48 {dimension_numbers = #tpu.dot_dimension_numbers<[1], [0], [0], [1], [0, 0, 1, 1], [], []>, transpose_lhs_hint = false} : vector<1024x128xf32>, vector<128x128xf32>, vector<1024x128xf32> -> vector<1024x128xf32>
    %add3A_50 = arith.addf %dot_general3A_43, %dot_general3A_49 : vector<1024x128xf32>
    %mul3A_51 = vector.broadcast %get3A_1 : vector<1024x1xf32> to vector<1024x128xf32>
    %mul3A_52 = arith.mulf %add3A_50, %mul3A_51 : vector<1024x128xf32>
    %swap3A = arith.constant 0 : index
    %swap3A_53 = arith.constant 0 : index
    %swap3A_54 = vector.load %arg8[%swap3A, %swap3A_53] : memref<1024x128xf32, #tpu.memory_space<vmem>>, vector<1024x128xf32>
    tpu.vector_store %arg8[%swap3A, %swap3A_53], %mul3A_52 {strides = array<i32>} : memref<1024x128xf32, #tpu.memory_space<vmem>>, vector<1024x128xf32>,
    return
  }
  func.func @transform_0(%arg0: i32) -> (i32, i32) {
    %c0_i32 = arith.constant 0 : i32
    %c0_i32_0 = arith.constant 0 : i32
    return %arg0, %c0_i32 : i32, i32
  }
  func.func @transform_1(%arg0: i32) -> (i32, i32, i32) {
    %c0_i32 = arith.constant 0 : i32
    %c0_i32_0 = arith.constant 0 : i32
    %c0_i32_1 = arith.constant 0 : i32
    return %c0_i32, %arg0, %c0_i32_0 : i32, i32, i32
  }
  func.func @transform_2(%arg0: i32) -> (i32, i32, i32) {
    %c1_i32 = arith.constant 1 : i32
    %c0_i32 = arith.constant 0 : i32
    %c0_i32_0 = arith.constant 0 : i32
    return %c1_i32, %arg0, %c0_i32 : i32, i32, i32
  }
  func.func @transform_3(%arg0: i32) -> (i32, i32, i32) {
    %c0_i32 = arith.constant 0 : i32
    %c0_i32_0 = arith.constant 0 : i32
    %c0_i32_1 = arith.constant 0 : i32
    return %c0_i32, %arg0, %c0_i32_0 : i32, i32, i32
  }
  func.func @transform_4(%arg0: i32) -> (i32, i32, i32) {
    %c1_i32 = arith.constant 1 : i32
    %c0_i32 = arith.constant 0 : i32
    %c0_i32_0 = arith.constant 0 : i32
    return %c1_i32, %arg0, %c0_i32 : i32, i32, i32
  }
  func.func @transform_5(%arg0: i32) -> (i32, i32) {
    %c0_i32 = arith.constant 0 : i32
    %c0_i32_0 = arith.constant 0 : i32
    %c0_i32_1 = arith.constant 0 : i32
    return %c0_i32, %c0_i32_0 : i32, i32
  }
  func.func @transform_6(%arg0: i32) -> (i32, i32) {
    %c0_i32 = arith.constant 0 : i32
    %c0_i32_0 = arith.constant 0 : i32
    %c0_i32_1 = arith.constant 0 : i32
    return %c0_i32, %c0_i32_0 : i32, i32
  }
  func.func @transform_7(%arg0: i32) -> (i32, i32) {
    %c0_i32 = arith.constant 0 : i32
    %c0_i32_0 = arith.constant 0 : i32
    return %arg0, %c0_i32 : i32, i32
  }
}

module attributes {stable_mosaic.version = 14 : i64} {
  func.func @_mm3_body(%arg0: i32, %arg1: memref<1024x1xf32, #tpu.memory_space<vmem>>, %arg2: memref<1x1024x128xf32, #tpu.memory_space<vmem>>, %arg3: memref<1x1024x128xf32, #tpu.memory_space<vmem>>, %arg4: memref<1024x128xf32, #tpu.memory_space<vmem>>, %arg5: memref<1x128xf32, #tpu.memory_space<vmem>>, %arg6: memref<128x256xf32, #tpu.memory_space<vmem>>, %arg7: memref<128x256xf32, #tpu.memory_space<vmem>>, %arg8: memref<1x256xf32, #tpu.memory_space<vmem>>, %arg9: memref<1024x128xf32, #tpu.memory_space<vmem>>, %arg10: memref<1024x256xbf16, #tpu.memory_space<vmem>>, %arg11: memref<1024x256xbf16, #tpu.memory_space<vmem>>) attributes {dimension_semantics = [#tpu.dimension_semantics<arbitrary>], iteration_bounds = array<i64: 10>, scalar_prefetch = 0 : i64, scratch_operands = 0 : i64, tpu.core_type = #tpu.core_type<tc>, window_params = [{transform_indices = @transform_0, window_bounds = array<i64: 1024, 1>}, {transform_indices = @transform_1, window_bounds = array<i64: 1, 1024, 128>}, {transform_indices = @transform_2, window_bounds = array<i64: 1, 1024, 128>}, {transform_indices = @transform_3, window_bounds = array<i64: 1024, 128>}, {pipeline_mode = #tpu.pipeline_mode<synchronous>, transform_indices = @transform_4, window_bounds = array<i64: 1, 128>}, {pipeline_mode = #tpu.pipeline_mode<synchronous>, transform_indices = @transform_5, window_bounds = array<i64: 128, 256>}, {pipeline_mode = #tpu.pipeline_mode<synchronous>, transform_indices = @transform_6, window_bounds = array<i64: 128, 256>}, {pipeline_mode = #tpu.pipeline_mode<synchronous>, transform_indices = @transform_7, window_bounds = array<i64: 1, 256>}, {transform_indices = @transform_8, window_bounds = array<i64: 1024, 128>}, {transform_indices = @transform_9, window_bounds = array<i64: 1024, 256>}, {transform_indices = @transform_10, window_bounds = array<i64: 1024, 256>}]} {
    %get3A = arith.constant 0 : index
    %get3A_0 = arith.constant 0 : index
    %get3A_1 = vector.load %arg1[%get3A, %get3A_0] : memref<1024x1xf32, #tpu.memory_space<vmem>>, vector<1024x1xf32>
    %get3A_2 = arith.constant 0 : index
    %get3A_3 = arith.constant 0 : index
    %get3A_4 = arith.constant 0 : index
    %get3A_5 = vector.load %arg2[%get3A_2, %get3A_3, %get3A_4] : memref<1x1024x128xf32, #tpu.memory_space<vmem>>, vector<1x1024x128xf32>
    %get3A_6 = vector.shape_cast %get3A_5 : vector<1x1024x128xf32> to vector<1024x128xf32>
    %get3A_7 = arith.constant 0 : index
    %get3A_8 = arith.constant 0 : index
    %get3A_9 = arith.constant 0 : index
    %get3A_10 = vector.load %arg3[%get3A_7, %get3A_8, %get3A_9] : memref<1x1024x128xf32, #tpu.memory_space<vmem>>, vector<1x1024x128xf32>
    %get3A_11 = vector.shape_cast %get3A_10 : vector<1x1024x128xf32> to vector<1024x128xf32>
    %add3A = arith.addf %get3A_6, %get3A_11 : vector<1024x128xf32>
    %get3A_12 = arith.constant 0 : index
    %get3A_13 = arith.constant 0 : index
    %get3A_14 = vector.load %arg4[%get3A_12, %get3A_13] : memref<1024x128xf32, #tpu.memory_space<vmem>>, vector<1024x128xf32>
    %add3A_15 = arith.addf %add3A, %get3A_14 : vector<1024x128xf32>
    %mul3A = vector.broadcast %get3A_1 : vector<1024x1xf32> to vector<1024x128xf32>
    %mul3A_16 = arith.mulf %add3A_15, %mul3A : vector<1024x128xf32>
    %get3A_17 = arith.constant 0 : index
    %get3A_18 = arith.constant 0 : index
    %get3A_19 = vector.load %arg5[%get3A_17, %get3A_18] : memref<1x128xf32, #tpu.memory_space<vmem>>, vector<1x128xf32>
    %add3A_20 = vector.broadcast %get3A_19 : vector<1x128xf32> to vector<1024x128xf32>
    %add3A_21 = arith.addf %mul3A_16, %add3A_20 : vector<1024x128xf32>
    %swap3A = arith.constant 0 : index
    %swap3A_22 = arith.constant 0 : index
    %swap3A_23 = vector.load %arg9[%swap3A, %swap3A_22] : memref<1024x128xf32, #tpu.memory_space<vmem>>, vector<1024x128xf32>
    tpu.vector_store %arg9[%swap3A, %swap3A_22], %add3A_21 {strides = array<i32>} : memref<1024x128xf32, #tpu.memory_space<vmem>>, vector<1024x128xf32>,
    %get3A_24 = arith.constant 0 : index
    %get3A_25 = arith.constant 0 : index
    %get3A_26 = vector.load %arg6[%get3A_24, %get3A_25] : memref<128x256xf32, #tpu.memory_space<vmem>>, vector<128x256xf32>
    %dot_general3A = arith.constant dense<0.000000e+00> : vector<1024x256xf32>
    %dot_general3A_27 = tpu.matmul %add3A_21, %get3A_26, %dot_general3A {dimension_numbers = #tpu.dot_dimension_numbers<[1], [0], [0], [1], [0, 0, 1, 1], [], []>, transpose_lhs_hint = false} : vector<1024x128xf32>, vector<128x256xf32>, vector<1024x256xf32> -> vector<1024x256xf32>
    %convert_element_type3A = arith.truncf %dot_general3A_27 : vector<1024x256xf32> to vector<1024x256xbf16>
    %swap3A_28 = arith.constant 0 : index
    %swap3A_29 = arith.constant 0 : index
    %swap3A_30 = vector.load %arg10[%swap3A_28, %swap3A_29] : memref<1024x256xbf16, #tpu.memory_space<vmem>>, vector<1024x256xbf16>
    tpu.vector_store %arg10[%swap3A_28, %swap3A_29], %convert_element_type3A {strides = array<i32>} : memref<1024x256xbf16, #tpu.memory_space<vmem>>, vector<1024x256xbf16>,
    %get3A_31 = arith.constant 0 : index
    %get3A_32 = arith.constant 0 : index
    %get3A_33 = vector.load %arg7[%get3A_31, %get3A_32] : memref<128x256xf32, #tpu.memory_space<vmem>>, vector<128x256xf32>
    %dot_general3A_34 = arith.constant dense<0.000000e+00> : vector<1024x256xf32>
    %dot_general3A_35 = tpu.matmul %add3A_21, %get3A_33, %dot_general3A_34 {dimension_numbers = #tpu.dot_dimension_numbers<[1], [0], [0], [1], [0, 0, 1, 1], [], []>, transpose_lhs_hint = false} : vector<1024x128xf32>, vector<128x256xf32>, vector<1024x256xf32> -> vector<1024x256xf32>
    %get3A_36 = arith.constant 0 : index
    %get3A_37 = arith.constant 0 : index
    %get3A_38 = vector.load %arg8[%get3A_36, %get3A_37] : memref<1x256xf32, #tpu.memory_space<vmem>>, vector<1x256xf32>
    %add3A_39 = vector.broadcast %get3A_38 : vector<1x256xf32> to vector<1024x256xf32>
    %add3A_40 = arith.addf %dot_general3A_35, %add3A_39 : vector<1024x256xf32>
    %convert_element_type3A_41 = arith.truncf %add3A_40 : vector<1024x256xf32> to vector<1024x256xbf16>
    %swap3A_42 = arith.constant 0 : index
    %swap3A_43 = arith.constant 0 : index
    %swap3A_44 = vector.load %arg11[%swap3A_42, %swap3A_43] : memref<1024x256xbf16, #tpu.memory_space<vmem>>, vector<1024x256xbf16>
    tpu.vector_store %arg11[%swap3A_42, %swap3A_43], %convert_element_type3A_41 {strides = array<i32>} : memref<1024x256xbf16, #tpu.memory_space<vmem>>, vector<1024x256xbf16>,
    return
  }
  func.func @transform_0(%arg0: i32) -> (i32, i32) {
    %c0_i32 = arith.constant 0 : i32
    %c0_i32_0 = arith.constant 0 : i32
    return %arg0, %c0_i32 : i32, i32
  }
  func.func @transform_1(%arg0: i32) -> (i32, i32, i32) {
    %c0_i32 = arith.constant 0 : i32
    %c0_i32_0 = arith.constant 0 : i32
    %c0_i32_1 = arith.constant 0 : i32
    return %c0_i32, %arg0, %c0_i32_0 : i32, i32, i32
  }
  func.func @transform_2(%arg0: i32) -> (i32, i32, i32) {
    %c1_i32 = arith.constant 1 : i32
    %c0_i32 = arith.constant 0 : i32
    %c0_i32_0 = arith.constant 0 : i32
    return %c1_i32, %arg0, %c0_i32 : i32, i32, i32
  }
  func.func @transform_3(%arg0: i32) -> (i32, i32) {
    %c0_i32 = arith.constant 0 : i32
    %c0_i32_0 = arith.constant 0 : i32
    return %arg0, %c0_i32 : i32, i32
  }
  func.func @transform_4(%arg0: i32) -> (i32, i32) {
    %c0_i32 = arith.constant 0 : i32
    %c0_i32_0 = arith.constant 0 : i32
    %c0_i32_1 = arith.constant 0 : i32
    return %c0_i32, %c0_i32_0 : i32, i32
  }
  func.func @transform_5(%arg0: i32) -> (i32, i32) {
    %c0_i32 = arith.constant 0 : i32
    %c0_i32_0 = arith.constant 0 : i32
    %c0_i32_1 = arith.constant 0 : i32
    return %c0_i32, %c0_i32_0 : i32, i32
  }
  func.func @transform_6(%arg0: i32) -> (i32, i32) {
    %c0_i32 = arith.constant 0 : i32
    %c0_i32_0 = arith.constant 0 : i32
    %c0_i32_1 = arith.constant 0 : i32
    return %c0_i32, %c0_i32_0 : i32, i32
  }
  func.func @transform_7(%arg0: i32) -> (i32, i32) {
    %c0_i32 = arith.constant 0 : i32
    %c0_i32_0 = arith.constant 0 : i32
    %c0_i32_1 = arith.constant 0 : i32
    return %c0_i32, %c0_i32_0 : i32, i32
  }
  func.func @transform_8(%arg0: i32) -> (i32, i32) {
    %c0_i32 = arith.constant 0 : i32
    %c0_i32_0 = arith.constant 0 : i32
    return %arg0, %c0_i32 : i32, i32
  }
  func.func @transform_9(%arg0: i32) -> (i32, i32) {
    %c0_i32 = arith.constant 0 : i32
    %c0_i32_0 = arith.constant 0 : i32
    return %arg0, %c0_i32 : i32, i32
  }
  func.func @transform_10(%arg0: i32) -> (i32, i32) {
    %c0_i32 = arith.constant 0 : i32
    %c0_i32_0 = arith.constant 0 : i32
    return %arg0, %c0_i32 : i32, i32
  }
}

</mosaic_0001>

<sc_bundles>
// kernel: kernel.12.cloned.1.call-start
scs
__scs_entry_jumppad:
0x0: {  	(pc) =	sbr.rel $0x88, $3  }
0x1: {  	(tag) =	ssettag $0x0;
	lr =	simm.s32 $0x1  }
0x2: {  	[smem:$0x3F95] =	sst lr;
	_ =	strace $0xD0000000  }
0x3: {  	_ = 	snop  }
0x4: {  	_ = 	snop  }
0x5: {  	_ = 	snop  }
0x6: {  	_ = 	snop  }
0x7: {  	_ = 	snop  }
__scs_overlays_trampoline_lowered:
0x8: {  	[smem:$0x3FA4] =	sst s0  }
0x9: {  	[smem:$0x3FA5] =	sst s1  }
0xa: {  	[smem:$0x3FA6] =	sst s2  }
0xb: {  	[smem:$0x3FA7] =	sst s3  }
0xc: {  	[smem:$0x3FA8] =	sst s4  }
0xd: {  	[smem:$0x3FA9] =	sst s5  }
0xe: {  	[smem:$0x3FAA] =	sst s6  }
0xf: {  	[smem:$0x3FAB] =	sst s7  }
0x10: {  	[smem:$0x3FAC] =	sst s8  }
0x11: {  	[smem:$0x3FAD] =	sst s9;
	s0 =	simm.s32 @!p0 $0x0  }
0x12: {  	s1 =	sld [smem:$0x3F93];
	s0 =	simm.s32 @p0 $0x1  }
0x13: {  	[smem:$0x3FAE] =	sst s0;
	s0 =	simm.s32 @!p1 $0x0  }
0x14: {  	s2 =	sld [smem:$0x3F92];
	s0 =	simm.s32 @p1 $0x1  }
0x15: {  	[smem:$0x3FAF] =	sst s0;
	s0 =	simm.s32 @!p2 $0x0  }
0x16: {  	s3 =	sld [smem:$0x3FDB];
	s0 =	simm.s32 @p2 $0x1  }
0x17: {  	s4 =	simm.s32 $0x1BF5;
	[smem:$0x3FB1] =	sst s0  }
0x18: {  	s0 =	sld [smem:$0x3F94];
	_ =	swait.ge [sflag:s4], $0x0  }
0x19: {  	s7 =	sld [smem:$0x3F95]  }
0x1a: {  	s8 =	sadd.s32 $0xFFFFE003, lr  }
0x1b: {  	s9 =	sadd.s32 $0xFFFFFEF7, lr;
	s5 =	simm.s32 $0xFFFFFFFF;
	p2 =	slt.u32 s8, $0xFFFFF086  }
0x1c: {  	p1 =	slt.u32 s9, $0xF7A;
	s5 =	simm.s32 @!p2 $0x0  }
0x1d: {  	s5 =	simm.s32 @p1 $0x1;
	p0 =	seq.s32 s7, s2  }
0x1e: {  	s7 =	smul.u32 @!p0 $0xF7A, s2;
	p2 =	seq.s32 @!p0 s5, $0x0  }
0x1f: {  	s9 =	smul.u32 $0xF7A, s1;
	s8 =	simm.s32 @!p0 $0x1BF5;
	p2 =	por !p2, p0  }
0x20: {  	[sflag:s8] =	ssyncset.s32 @!p0 $0xFFFFF086;
	s6 =	sadd.s32 @!p0 s3, s7;
	s7 =	simm.s32 @!p0 $0x108  }
0x21: {  	s3 =	sadd.s32 s3, s9;
	s6 =	sadd.s32 @!p0 $0x88, s6;
	s7 =	simm.s32 @p2 $0x1082  }
0x22: {  	[simem:s7], [sflag:s8] =	dma.local @!p0 [hbm:s6], $0xF7A  }
0x23: {  	s9 =	sor.u32 $0xD0000000, s2;
	s6 =	simm.s32 $0x108;
	_ =	swait.ge @!p0 [sflag:s8], $0x0  }
0x24: {  	s3 =	sadd.s32 $0x88, s3;
	s6 =	simm.s32 @!p1 $0x1082;
	[sflag:s4] =	ssyncset.s32 $0xFFFFF086  }
0x25: {  	[simem:s6], [sflag:s4] =	dma.local [hbm:s3], $0xF7A  }
0x26: {  	[smem:$0x3F95] =	sst s1;
	(tag) =	ssettag s2;
	_ =	strace s9  }
0x27: {  	s1 =	sld [smem:$0x3FA5]  }
0x28: {  	s2 =	sld [smem:$0x3FA6]  }
0x29: {  	s4 =	sld [smem:$0x3FA8]  }
0x2a: {  	p0 =	seq.s32 s5, $0x0;
	s5 =	sld [smem:$0x3FA9]  }
0x2b: {  	s6 =	sld [smem:$0x3FAA]  }
0x2c: {  	s7 =	sld [smem:$0x3FAB]  }
0x2d: {  	s3 =	simm.s32 $0x108;
	s8 =	sld [smem:$0x3FAC]  }
0x2e: {  	s3 =	simm.s32 @!p0 $0x1082;
	s9 =	sld [smem:$0x3FAD]  }
0x2f: {  	lr =	sadd.s32 s0, s3;
	s0 =	sld [smem:$0x3FA4]  }
0x30: {  	s3 =	sld [smem:$0x3FA7]  }
0x31: {  	[smem:$0x3FB0] =	sst s10  }
0x32: {  	s10 =	sld [smem:$0x3FAE];
	_ =	sdelay $0x3  }
0x33: {  	p0 =	seq.s32 s10, $0x1;
	s10 =	sld [smem:$0x3FB0];
	_ =	sdelay $0x3  }
0x34: {  	[smem:$0x3FB0] =	sst s10  }
0x35: {  	s10 =	sld [smem:$0x3FAF];
	_ =	sdelay $0x3  }
0x36: {  	p1 =	seq.s32 s10, $0x1;
	s10 =	sld [smem:$0x3FB0];
	_ =	sdelay $0x3  }
0x37: {  	[smem:$0x3FB0] =	sst s10  }
0x38: {  	s10 =	sld [smem:$0x3FB1]  }
0x39: {  	_ = 	snop;
	(pc) =	sbr.ind lr, $3  }
0x3a: {  	_ = 	snop  }
0x3b: {  	_ = 	snop  }
0x3c: {  	p2 =	seq.s32 s10, $0x1;
	s10 =	sld [smem:$0x3FB0]  }
0x3d: {  	_ =	shalt  }
0x3e: {  	_ =	shalt  }
0x3f: {  	_ =	shalt  }
0x40: {  	_ =	shalt  }
0x41: {  	_ =	shalt  }
0x42: {  	_ =	shalt  }
0x43: {  	_ =	shalt  }
0x44: {  	_ =	shalt  }
0x45: {  	_ =	shalt  }
0x46: {  	_ =	shalt  }
0x47: {  	_ =	shalt  }
0x48: {  	_ =	shalt  }
0x49: {  	_ =	shalt  }
0x4a: {  	_ =	shalt  }
0x4b: {  	_ =	shalt  }
0x4c: {  	_ =	shalt  }
0x4d: {  	_ =	shalt  }
0x4e: {  	_ =	shalt  }
0x4f: {  	_ =	shalt  }
0x50: {  	_ =	shalt  }
0x51: {  	_ =	shalt  }
0x52: {  	_ =	shalt  }
0x53: {  	_ =	shalt  }
0x54: {  	_ =	shalt  }
0x55: {  	_ =	shalt  }
0x56: {  	_ =	shalt  }
0x57: {  	_ =	shalt  }
0x58: {  	_ =	shalt  }
0x59: {  	_ =	shalt  }
0x5a: {  	_ =	shalt  }
0x5b: {  	_ =	shalt  }
0x5c: {  	_ =	shalt  }
0x5d: {  	_ =	shalt  }
0x5e: {  	_ =	shalt  }
0x5f: {  	_ =	shalt  }
0x60: {  	_ =	shalt  }
0x61: {  	_ =	shalt  }
0x62: {  	_ =	shalt  }
0x63: {  	_ =	shalt  }
0x64: {  	_ =	shalt  }
0x65: {  	_ =	shalt  }
0x66: {  	_ =	shalt  }
0x67: {  	_ =	shalt  }
0x68: {  	_ =	shalt  }
0x69: {  	_ =	shalt  }
0x6a: {  	_ =	shalt  }
0x6b: {  	_ =	shalt  }
0x6c: {  	_ =	shalt  }
0x6d: {  	_ =	shalt  }
0x6e: {  	_ =	shalt  }
0x6f: {  	_ =	shalt  }
0x70: {  	_ =	shalt  }
0x71: {  	_ =	shalt  }
0x72: {  	_ =	shalt  }
0x73: {  	_ =	shalt  }
0x74: {  	_ =	shalt  }
0x75: {  	_ =	shalt  }
0x76: {  	_ =	shalt  }
0x77: {  	_ =	shalt  }
0x78: {  	_ =	shalt  }
0x79: {  	_ =	shalt  }
0x7a: {  	_ =	shalt  }
0x7b: {  	_ =	shalt  }
0x7c: {  	_ =	shalt  }
0x7d: {  	_ =	shalt  }
0x7e: {  	_ =	shalt  }
0x7f: {  	_ =	shalt  }
0x80: {  	_ =	shalt  }
0x81: {  	_ =	shalt  }
0x82: {  	_ =	shalt  }
0x83: {  	_ =	shalt  }
0x84: {  	_ =	shalt  }
0x85: {  	_ =	shalt  }
0x86: {  	_ =	shalt  }
0x87: {  	_ =	shalt  }
.Lfunc_end0:
.L_simem_size_0:
called_computation.1_lowered:
.L_overlay_start_0:
0x88: {  	s2 =	sld [smem:$0x3FD9]  }
0x89: {  	s3 =	sld [smem:$0x3FFE];
	_ =	sdelay $0x1  }
0x8a: {  	s1 =	srdreg.scid  }
0x8b: {  	s0 =	sand.u32 $0x1, s1  }
0x8c: {  	s14 =	sshll.u32 s0, $0xA;
	s2 =	sadd.s32 s3, s2  }
0x8d: {  	s2 =	sadd.s32 s2, s14  }
0x8e: {  	[smem:$0x3FBC] =	sst s2  }
0x8f: {  	_ = 	snop  }
0x90: {  	s2 =	sld [smem:$0x3FD0];
	_ =	sdelay $0x2  }
0x91: {  	s15 =	simm.s32 $0xA;
	s4 =	simm.s32 $0x10  }
0x92: {  	[smem:s4], [sflag:s15] =	dma.local [hbm:s2], $0x1  }
0x93: {  	_ =	swait.eq [sflag:s15], $0x1  }
0x94: {  	[sflag:s15] =	ssyncset.done $0x0  }
0x95: {  	[sflag:s15] =	ssyncadd.s32 $0xFFFFFFFF  }
0x96: {  	s16 =	sld [smem:$0x10];
	(tm) =	ssettm $0x1  }
0x97: {  	s17 =	sld [smem:$0x3FFB];
	_ =	sdelay $0x3  }
0x98: {  	_ =	strace s17  }
0x99: {  	s3 =	sld [smem:$0x3FFC];
	_ =	sdelay $0x3  }
0x9a: {  	_ =	strace s3  }
0x9b: {  	s3 =	sld [smem:$0x3FFD];
	_ =	sdelay $0x3  }
0x9c: {  	_ =	strace s3  }
0x9d: {  	_ =	strace $0x8FFFFFFF  }
0x9e: {  	s18 =	sld [smem:$0x3FDB];
	_ =	sdelay $0x1  }
0x9f: {  	s19 =	simm.s32 $_scs_section_size  }
0xa0: {  	s5 =	simm.s32 $_size__tile_overlayer_lowered;
	s6 =	simm.s32 $_tile_overlayer_lowered  }
0xa1: {  	s22 =	simm.s32 $0x1BFF;
	s21 =	sshll.u32 s6, $0x1;
	s3 =	sadd.s32 s19, s18  }
0xa2: {  	s7 =	simm.s32 $0x0;
	s20 =	sshll.u32 s5, $0x1;
	s5 =	sadd.s32 s21, s3  }
0xa3: {  	[timem:s7], [sflag:s22] =	dma.local [hbm:s5], s20  }
0xa4: {  	_ =	swait.ge [sflag:s22], s20  }
0xa5: {  	s4 =	ssub.s32 $0x0, s20;
	[sflag:s22] =	ssyncset.done $0x0  }
0xa6: {  	[sflag:s22] =	ssyncadd.s32 s4;
	_ =	sdelay $0x1  }
0xa7: {  	s23 =	simm.s32 $0x1B8B  }
0xa8: {  	_ =	swait.ge [sflag:s23], $0x1  }
0xa9: {  	[sflag:s23] =	ssyncset.done $0x0  }
0xaa: {  	s25 =	simm.s32 $0x1B8E;
	s24 =	sld [smem:$0x3FFE];
	[sflag:s23] =	ssyncadd.s32 $0xFFFFFFFF  }
0xab: {  	s26 =	simm.s32 $execute0_lowered;
	[smem:$0x3FD2] =	sst s25  }
0xac: {  	s5 =	sshll.u32 s26, $0x1;
	_ =	strace $0x80000049;
	[dreg:$0x1] =	wrdreg $0xFFFFFFFF  }
0xad: {  	s28 =	simm.s32 $_size_execute0_lowered;
	s3 =	sadd.s32 s3, s5;
	[dreg:$0x0] =	wrdreg $0x0  }
0xae: {  	s5 =	sshll.u32 s28, $0x1;
	[dreg:$0x2] =	wrdreg s3  }
0xaf: {  	[dreg:$0x3] =	wrdreg s5  }
0xb0: {  	[dreg:$0x4] =	wrdreg $0xC0  }
0xb1: {  	_ =	task [dreg:s7], $0x5FFFF  }
0xb2: {  	[dreg:$0x1] =	wrdreg $0xFFFFFFFF  }
0xb3: {  	[dreg:$0x0] =	wrdreg $0x60  }
0xb4: {  	[dreg:$0x2] =	wrdreg s16  }
0xb5: {  	[dreg:$0x3] =	wrdreg s24  }
0xb6: {  	[dreg:$0x4] =	wrdreg $0xB0000  }
0xb7: {  	[dreg:$0x5] =	wrdreg $0x9  }
0xb8: {  	_ =	task.clear_ibuf [dreg:s7], $0x6FFFF;
	_ =	strace $0x90000049  }
0xb9: {  	s29 =	simm.s32 $0x9;
	_ =	strace $0x8000004B  }
0xba: {  	_ =	swait.ge [sflag:s29], $0x1  }
0xbb: {  	[sflag:s29] =	ssyncadd.s32 $0xFFFFFFFF  }
0xbc: {  	_ =	strace $0x9000004B  }
0xbd: {  	_ =	sfence  }
0xbe: {  	s30 =	sld [smem:$0x0];
	_ =	sdelay $0x2  }
0xbf: {  	s31 =	sshll.u32 s1, $0xD;
	s1 =	sshrl.u32 s1, $0x2  }
0xc0: {  	s3 =	sand.u32 $0x4000, s31;
	s1 =	sadd.s32 s1, s30  }
0xc1: {  	s0 =	sor.u32 s3, s0;
	s1 =	sshll.u32 s1, $0x11  }
0xc2: {  	s0 =	sor.u32 s1, s0  }
0xc3: {  	s0 =	sadd.s32 $0x8F2B, s0  }
0xc4: {  	[sflag:s0] =	ssyncadd.remote.s32 $0x1  }
0xc5: {  	_ =	sfence.sel $0xFFFF  }
0xc6: {  	[dreg:$0x0] =	wrdreg $0xFFFFFFFF;
	(pc) =	sbr.abs _section_cstart, $3  }
0xc7: {  	[dreg:$0x1] =	wrdreg $0xFFFFFFFF  }
0xc8: {  	_ =	task.clear_ibuf [dreg:s7], $0x2FFFF;
	_ =	strace $0x9FFFFFFF  }
0xc9: {  	(tm) =	ssettm $0x7FFFFFFF  }
tec
execute0_lowered:
.L_overlay_start_1:
0x0: {  	(tag) =	ssettag $0x1  }
0x1: {  	s0 =	rddreg [dreg:$0x0]  }
0x2: {  	s2 =	srdreg.scid;
	s9 =	stileid.u32  }
0x3: {  	s1 =	rddreg [dreg:$0x1];
	s2 =	sand.u32 $0x1, s2;
	s6 =	smul.u32 $0x14000, s9  }
0x4: {  	s3 =	rddreg [dreg:$0x2];
	s5 =	simm.s32 $0x0;
	s4 =	smul.u32 $0x140000, s2  }
0x5: {  	[smem:$0x7FF] =	sst s5  }
0x6: {  	s5 =	sadd.s32 $0x800, s1;
	s8 =	smul.u32 $0x50000, s9;
	s4 =	sadd.s32 s6, s4  }
0x7: {  	_ =	strace $0x8000004A;
	s7 =	ssub.s32 $0x2, s2;
	s4 =	sshrl.u32 s4, $0x3  }
0x8: {  	s26 =	sshrl.u32 s7, $0x1;
	s6 =	sadd.s32 $0xA800, s1;
	s1 =	sadd.s32 s4, s1  }
0x9: {  	s10 =	sshrl.u32 s8, $0x2;
	s4 =	ssub.s32 s7, s26;
	s1 =	sadd.s32 $0x5A800, s1  }
0xa: {  	s7 =	sadd.s32 s10, s3;
	s11 =	smax.u32 s4, $0x1;
	[dreg:$0x4] =	wrdreg s1  }
0xb: {  	s12 =	sadd.s32 $0x1000, s7;
	[dreg:$0x5] =	wrdreg s11  }
0xc: {  	s13 =	sadd.s32 $0x2000, s7;
	[dreg:$0x6] =	wrdreg s12  }
0xd: {  	s14 =	sadd.s32 $0x3000, s7;
	[dreg:$0x7] =	wrdreg s13  }
0xe: {  	s16 =	sadd.s32 $0x4000, s7;
	[dreg:$0x8] =	wrdreg s14  }
0xf: {  	s17 =	sadd.s32 $0x5000, s7;
	[dreg:$0x9] =	wrdreg s16  }
0x10: {  	s31 =	simm.s32 $0xA000;
	s18 =	sadd.s32 $0x6000, s7;
	[dreg:$0xa] =	wrdreg s17  }
0x11: {  	s15 =	smul.u32 $0x2800, s2;
	s19 =	sadd.s32 $0x7000, s7;
	[dreg:$0xb] =	wrdreg s18  }
0x12: {  	s2 =	simm.s32 $0x1000;
	s20 =	sadd.s32 $0x8000, s7;
	[dreg:$0xc] =	wrdreg s19  }
0x13: {  	s8 =	smul.u32 $0x5000, s9;
	s21 =	sadd.s32 $0x9000, s7;
	[dreg:$0xd] =	wrdreg s20  }
0x14: {  	s9 =	simm.s32 $0x2000;
	s22 =	sadd.s32 $0xA000, s7;
	[dreg:$0xe] =	wrdreg s21  }
0x15: {  	v0 =	vmov s15;
	s15 =	simm.s32 $0x1F00;
	s23 =	sadd.s32 $0xB000, s7;
	[dreg:$0xf] =	wrdreg s22  }
0x16: {  	s10 =	simm.s32 $0x6000;
	s24 =	sadd.s32 $0xC000, s7;
	[dreg:$0x10] =	wrdreg s23  }
0x17: {  	s25 =	sadd.s32 $0xD000, s7;
	s26 =	sadd.s32 $0xE000, s7;
	[dreg:$0x11] =	wrdreg s24  }
0x18: {  	s28 =	sadd.s32 $0x11000, s7;
	s29 =	sadd.s32 $0x12000, s7;
	[dreg:$0x12] =	wrdreg s25  }
0x19: {  	s30 =	sadd.s32 $0x13000, s7;
	s4 =	simm.s32 $0x80;
	[dreg:$0x13] =	wrdreg s26  }
0x1a: {  	s25 =	sadd.s32 $0xF000, s7;
	s26 =	sadd.s32 $0x10000, s7;
	s1 =	simm.s32 $0x5  }
0x1b: {  	s11 =	simm.s32 $0x1;
	s12 =	simm.s32 $0x2;
	s13 =	simm.s32 $0x3  }
0x1c: {  	v1 =	vimm.f32 $0.0e+00;
	s14 =	simm.s32 $0x4;
	s16 =	simm.s32 $0x1F80;
	s17 =	simm.s32 $0x0  }
.LBB2_1:
0x1d: {  	s19 =	simm.s32 $0x0  }
0x1e: {  	s18 =	sand.u32 $0x3E00, s19  }
0x1f: {  	s19 =	sand.u32 $0x70, s19;
	s20 =	sshrl.u32 s18, $0x2  }
0x20: {  	s18 =	simm.s32 $0x40;
	s20 =	sor.u32 s19, s20;
	s19 =	simm.s32 $0x0  }
.LBB2_2:
0x21: {  	p0 =	sne.s32 s18, $0x3FC0  }
0x22: {  	[tilespmem:s20+$0xA000] =	vst v1;
	s19 =	sadd.s32 $0x10, s19;
	s20 =	smov.u32 s18;
	s18 =	sadd.s32 $0x40, s18  }
.Ltmp0:
0x23: {  	(pc) =	sbr.rel @p0 .LBB2_2-.Ltmp0, $4  }
0x24: {  	_ = 	snop  }
0x25: {  	s20 =	sand.u32 $0x3E00, s20  }
0x26: {  	s21 =	sand.u32 $0x70, s19;
	s20 =	sshrl.u32 s20, $0x2  }
0x27: {  	s20 =	sor.u32 s21, s20  }
0x28: {  	[tilespmem:s20+$0xA000] =	vst v1  }
0x29: {  	[spmem:s7] =	stream.linear.scatter [tilespmem:s31], [sflag:$0x5], $0x1000, $0x38;
	[tilespmem:$0x1F000] =	vst v63  }
0x2a: {  	_ =	swait.ge [sflag:s1], $0x1000  }
0x2b: {  	[sflag:s1] =	ssyncset.done $0x0  }
0x2c: {  	s18 =	rddreg [dreg:$0x6];
	[sflag:s1] =	ssyncadd.s32 $0xFFFFF000  }
0x2d: {  	[spmem:s18] =	stream.linear.scatter [tilespmem:s31], [sflag:$0x5], $0x1000, $0x38;
	[tilespmem:$0x1F000] =	vst v63  }
0x2e: {  	_ =	swait.ge [sflag:s1], $0x1000  }
0x2f: {  	[sflag:s1] =	ssyncset.done $0x0  }
0x30: {  	s24 =	rddreg [dreg:$0x7];
	[sflag:s1] =	ssyncadd.s32 $0xFFFFF000  }
0x31: {  	[spmem:s24] =	stream.linear.scatter [tilespmem:s31], [sflag:$0x5], $0x1000, $0x38;
	[tilespmem:$0x1F000] =	vst v63  }
0x32: {  	_ =	swait.ge [sflag:s1], $0x1000  }
0x33: {  	[sflag:s1] =	ssyncset.done $0x0  }
0x34: {  	s19 =	rddreg [dreg:$0x8];
	[sflag:s1] =	ssyncadd.s32 $0xFFFFF000  }
0x35: {  	[spmem:s19] =	stream.linear.scatter [tilespmem:s31], [sflag:$0x5], $0x1000, $0x38;
	[tilespmem:$0x1F000] =	vst v63  }
0x36: {  	_ =	swait.ge [sflag:s1], $0x1000  }
0x37: {  	[sflag:s1] =	ssyncset.done $0x0  }
0x38: {  	s20 =	rddreg [dreg:$0x9];
	[sflag:s1] =	ssyncadd.s32 $0xFFFFF000  }
0x39: {  	[spmem:s20] =	stream.linear.scatter [tilespmem:s31], [sflag:$0x5], $0x1000, $0x38;
	[tilespmem:$0x1F000] =	vst v63  }
0x3a: {  	_ =	swait.ge [sflag:s1], $0x1000  }
0x3b: {  	[sflag:s1] =	ssyncset.done $0x0  }
0x3c: {  	s21 =	rddreg [dreg:$0xa];
	[sflag:s1] =	ssyncadd.s32 $0xFFFFF000  }
0x3d: {  	[spmem:s21] =	stream.linear.scatter [tilespmem:s31], [sflag:$0x5], $0x1000, $0x38;
	[tilespmem:$0x1F000] =	vst v63  }
0x3e: {  	_ =	swait.ge [sflag:s1], $0x1000  }
0x3f: {  	[sflag:s1] =	ssyncset.done $0x0  }
0x40: {  	s22 =	rddreg [dreg:$0xb];
	[sflag:s1] =	ssyncadd.s32 $0xFFFFF000  }
0x41: {  	[spmem:s22] =	stream.linear.scatter [tilespmem:s31], [sflag:$0x5], $0x1000, $0x38;
	[tilespmem:$0x1F000] =	vst v63  }
0x42: {  	_ =	swait.ge [sflag:s1], $0x1000  }
0x43: {  	[sflag:s1] =	ssyncset.done $0x0  }
0x44: {  	s23 =	rddreg [dreg:$0xc];
	[sflag:s1] =	ssyncadd.s32 $0xFFFFF000  }
0x45: {  	[spmem:s23] =	stream.linear.scatter [tilespmem:s31], [sflag:$0x5], $0x1000, $0x38;
	[tilespmem:$0x1F000] =	vst v63  }
0x46: {  	_ =	swait.ge [sflag:s1], $0x1000  }
0x47: {  	[sflag:s1] =	ssyncset.done $0x0  }
0x48: {  	s24 =	rddreg [dreg:$0xd];
	[sflag:s1] =	ssyncadd.s32 $0xFFFFF000  }
0x49: {  	[spmem:s24] =	stream.linear.scatter [tilespmem:s31], [sflag:$0x5], $0x1000, $0x38;
	[tilespmem:$0x1F000] =	vst v63  }
0x4a: {  	_ =	swait.ge [sflag:s1], $0x1000  }
0x4b: {  	[sflag:s1] =	ssyncset.done $0x0  }
0x4c: {  	s19 =	rddreg [dreg:$0xe];
	[sflag:s1] =	ssyncadd.s32 $0xFFFFF000  }
0x4d: {  	[spmem:s19] =	stream.linear.scatter [tilespmem:s31], [sflag:$0x5], $0x1000, $0x38;
	[tilespmem:$0x1F000] =	vst v63  }
0x4e: {  	_ =	swait.ge [sflag:s1], $0x1000  }
0x4f: {  	[sflag:s1] =	ssyncset.done $0x0  }
0x50: {  	s20 =	rddreg [dreg:$0xf];
	[sflag:s1] =	ssyncadd.s32 $0xFFFFF000  }
0x51: {  	[spmem:s20] =	stream.linear.scatter [tilespmem:s31], [sflag:$0x5], $0x1000, $0x38;
	[tilespmem:$0x1F000] =	vst v63  }
0x52: {  	_ =	swait.ge [sflag:s1], $0x1000  }
0x53: {  	[sflag:s1] =	ssyncset.done $0x0  }
0x54: {  	s21 =	rddreg [dreg:$0x10];
	[sflag:s1] =	ssyncadd.s32 $0xFFFFF000  }
0x55: {  	[spmem:s21] =	stream.linear.scatter [tilespmem:s31], [sflag:$0x5], $0x1000, $0x38;
	[tilespmem:$0x1F000] =	vst v63  }
0x56: {  	_ =	swait.ge [sflag:s1], $0x1000  }
0x57: {  	[sflag:s1] =	ssyncset.done $0x0  }
0x58: {  	s22 =	rddreg [dreg:$0x11];
	[sflag:s1] =	ssyncadd.s32 $0xFFFFF000  }
0x59: {  	[spmem:s22] =	stream.linear.scatter [tilespmem:s31], [sflag:$0x5], $0x1000, $0x38;
	[tilespmem:$0x1F000] =	vst v63  }
0x5a: {  	_ =	swait.ge [sflag:s1], $0x1000  }
0x5b: {  	[sflag:s1] =	ssyncset.done $0x0  }
0x5c: {  	s23 =	rddreg [dreg:$0x12];
	[sflag:s1] =	ssyncadd.s32 $0xFFFFF000  }
0x5d: {  	[spmem:s23] =	stream.linear.scatter [tilespmem:s31], [sflag:$0x5], $0x1000, $0x38;
	[tilespmem:$0x1F000] =	vst v63  }
0x5e: {  	_ =	swait.ge [sflag:s1], $0x1000  }
0x5f: {  	[sflag:s1] =	ssyncset.done $0x0  }
0x60: {  	s24 =	rddreg [dreg:$0x13];
	[sflag:s1] =	ssyncadd.s32 $0xFFFFF000  }
0x61: {  	[spmem:s24] =	stream.linear.scatter [tilespmem:s31], [sflag:$0x5], $0x1000, $0x38;
	[tilespmem:$0x1F000] =	vst v63  }
0x62: {  	_ =	swait.ge [sflag:s1], $0x1000  }
0x63: {  	[sflag:s1] =	ssyncset.done $0x0  }
0x64: {  	[sflag:s1] =	ssyncadd.s32 $0xFFFFF000  }
0x65: {  	[spmem:s25] =	stream.linear.scatter [tilespmem:s31], [sflag:$0x5], $0x1000, $0x38;
	[tilespmem:$0x1F000] =	vst v63  }
0x66: {  	_ =	swait.ge [sflag:s1], $0x1000  }
0x67: {  	[sflag:s1] =	ssyncset.done $0x0  }
0x68: {  	[sflag:s1] =	ssyncadd.s32 $0xFFFFF000  }
0x69: {  	[spmem:s26] =	stream.linear.scatter [tilespmem:s31], [sflag:$0x5], $0x1000, $0x38;
	[tilespmem:$0x1F000] =	vst v63  }
0x6a: {  	_ =	swait.ge [sflag:s1], $0x1000  }
0x6b: {  	[sflag:s1] =	ssyncset.done $0x0  }
0x6c: {  	[sflag:s1] =	ssyncadd.s32 $0xFFFFF000  }
0x6d: {  	[spmem:s28] =	stream.linear.scatter [tilespmem:s31], [sflag:$0x5], $0x1000, $0x38;
	[tilespmem:$0x1F000] =	vst v63  }
0x6e: {  	_ =	swait.ge [sflag:s1], $0x1000  }
0x6f: {  	[sflag:s1] =	ssyncset.done $0x0  }
0x70: {  	[sflag:s1] =	ssyncadd.s32 $0xFFFFF000  }
0x71: {  	[spmem:s29] =	stream.linear.scatter [tilespmem:s31], [sflag:$0x5], $0x1000, $0x38;
	[tilespmem:$0x1F000] =	vst v63  }
0x72: {  	_ =	swait.ge [sflag:s1], $0x1000  }
0x73: {  	[sflag:s1] =	ssyncset.done $0x0  }
0x74: {  	[sflag:s1] =	ssyncadd.s32 $0xFFFFF000  }
0x75: {  	[spmem:s30] =	stream.linear.scatter [tilespmem:s31], [sflag:$0x5], $0x1000, $0x38;
	[tilespmem:$0x1F000] =	vst v63  }
0x76: {  	_ =	swait.ge [sflag:s1], $0x1000  }
0x77: {  	[sflag:s1] =	ssyncset.done $0x0  }
0x78: {  	[sflag:s1] =	ssyncadd.s32 $0xFFFFF000  }
0x79: {  	s18 =	simm.s32 $0x0;
	s19 =	simm.s32 $0x0;
	[bflag:$0x0] =	sbarrier.arrive $0xFFFF  }
.LBB2_4:
0x7a: {  	s20 =	sshll.u32 s19, $0xC  }
0x7b: {  	s20 =	sadd.s32 s8, s20  }
0x7c: {  	s20 =	sshrl.u32 s20, $0x3  }
0x7d: {  	s21 =	sadd.s32 s0, s20  }
0x7e: {  	[tilespmem:s18], [sflag:$0x5] =	stream.linear.gather [hbm4b:s21+s18], $0x1000, $0x38;
	[tilespmem:$0x1F000] =	vst v63  }
0x7f: {  	_ =	swait.ge [sflag:s1], $0x1000  }
0x80: {  	[sflag:s1] =	ssyncset.done $0x0  }
0x81: {  	s20 =	sadd.s32 s5, s20;
	[sflag:s1] =	ssyncadd.s32 $0xFFFFF000  }
0x82: {  	[tilespmem:s2], [sflag:$0x5] =	stream.linear.gather [hbm4b:s20+s18], $0x1000, $0x38;
	[tilespmem:$0x1F000] =	vst v63  }
0x83: {  	s23 =	sand.u32 $0x3E00, s18;
	_ =	swait.ge [sflag:s1], $0x1000  }
0x84: {  	s24 =	sand.u32 $0x70, s18;
	s20 =	sshrl.u32 s23, $0x2;
	[sflag:s1] =	ssyncset.done $0x0  }
0x85: {  	s20 =	sor.u32 s24, s20;
	[sflag:s1] =	ssyncadd.s32 $0xFFFFF000  }
0x86: {  	v2 =	vld [tilespmem:s20+$0x0];
	_ =	sdelay $0x2  }
0x87: {  	s22 =	simm.s32 $0x40  }
0x88: {  	s21 =	simm.s32 $0x10;
	s23 =	sand.u32 $0x3E00, s22;
	s22 =	simm.s32 $0x80  }
.LBB2_5:
0x89: {  	p0 =	sne.s32 s22, $0x3FC0;
	s24 =	sand.u32 $0x70, s21;
	s23 =	sshrl.u32 s23, $0x2;
	v2 =	vadd.s32 v0, v2  }
0x8a: {  	[tilespmem:s20+$0x0] =	vst v2;
	s20 =	sor.u32 s24, s23  }
.Ltmp1:
0x8b: {  	v2 =	vld [tilespmem:s20+$0x0];
	(pc) =	sbr.rel @p0 .LBB2_5-.Ltmp1, $2  }
0x8c: {  	_ =	sdelay $0x2  }
0x8d: {  	s21 =	sadd.s32 $0x10, s21;
	s23 =	sand.u32 $0x3E00, s22;
	s22 =	sadd.s32 $0x40, s22  }
0x8e: {  	s21 =	sand.u32 $0x70, s21;
	s22 =	sshrl.u32 s23, $0x2;
	v2 =	vadd.s32 v0, v2  }
0x8f: {  	s21 =	sor.u32 s21, s22;
	[tilespmem:s20+$0x0] =	vst v2  }
0x90: {  	v2 =	vld [tilespmem:s21+$0x0];
	_ =	sdelay $0x4  }
0x91: {  	v2 =	vadd.s32 v0, v2  }
0x92: {  	[tilespmem:s21+$0x0] =	vst v2;
	s21 =	simm.s32 $0x0  }
0x93: {  	[tilespmem:s9], [sflag:$0x1] =	stream.indirect.gather [hbm4b:s6+s4], $0x80, s21, s4, $0xb8;
	[tilespmem:$0x1F000] =	vst v63  }
0x94: {  	_ = 	snop  }
0x95: {  	[tilespmem:s10], [sflag:$0x2] =	stream.indirect.gather [hbm4b:s6+s4], $0x80, s4, s4, $0xb8;
	[tilespmem:$0x1F000] =	vst v63  }
0x96: {  	_ =	swait.ge [sflag:s11], $0x4000  }
0x97: {  	[sflag:s11] =	ssyncset.done $0x0  }
0x98: {  	s22 =	simm.s32 $0x1000;
	[sflag:s11] =	ssyncadd.s32 $0xFFFFC000  }
0x99: {  	[spmem:s3] =	stream.indirect.scatter.add.f32 [tilespmem:s9], [sflag:$0x3], $0x80, s22, s4, $0xb8;
	[tilespmem:$0x1F000] =	vst v63  }
0x9a: {  	_ =	swait.ge [sflag:s12], $0x4000  }
0x9b: {  	[sflag:s12] =	ssyncset.done $0x0  }
0x9c: {  	s23 =	simm.s32 $0x1080;
	[sflag:s12] =	ssyncadd.s32 $0xFFFFC000  }
0x9d: {  	[spmem:s3] =	stream.indirect.scatter.add.f32 [tilespmem:s10], [sflag:$0x4], $0x80, s23, s4, $0xb8;
	[tilespmem:$0x1F000] =	vst v63  }
0x9e: {  	_ =	swait.ge [sflag:s13], $0x4000  }
0x9f: {  	[sflag:s13] =	ssyncset.done $0x0  }
0xa0: {  	s24 =	simm.s32 $0x100;
	[sflag:s13] =	ssyncadd.s32 $0xFFFFC000  }
0xa1: {  	[tilespmem:s9], [sflag:$0x1] =	stream.indirect.gather [hbm4b:s6+s4], $0x80, s24, s4, $0xb8;
	[tilespmem:$0x1F000] =	vst v63  }
0xa2: {  	_ =	swait.ge [sflag:s14], $0x4000  }
0xa3: {  	[sflag:s14] =	ssyncset.done $0x0  }
0xa4: {  	s20 =	simm.s32 $0x400;
	s21 =	simm.s32 $0x180;
	[sflag:s14] =	ssyncadd.s32 $0xFFFFC000  }
.LBB2_7:
0xa5: {  	[tilespmem:s10], [sflag:$0x2] =	stream.indirect.gather [hbm4b:s6+s4], $0x80, s21, s4, $0xb8;
	[tilespmem:$0x1F000] =	vst v63  }
0xa6: {  	s21 =	smov.u32 s20  }
0xa7: {  	p0 =	sne.s32 s20, $0x3800;
	s20 =	sadd.s32 $0x400, s20;
	_ =	swait.ge [sflag:s11], $0x4000  }
0xa8: {  	s21 =	sshra.s32 s21, $0x2;
	[sflag:s11] =	ssyncset.done $0x0  }
0xa9: {  	s22 =	sadd.s32 $0x1000, s21;
	[sflag:s11] =	ssyncadd.s32 $0xFFFFC000  }
0xaa: {  	[spmem:s3] =	stream.indirect.scatter.add.f32 [tilespmem:s9], [sflag:$0x3], $0x80, s22, s4, $0xb8;
	[tilespmem:$0x1F000] =	vst v63  }
0xab: {  	_ =	swait.ge [sflag:s12], $0x4000  }
0xac: {  	[sflag:s12] =	ssyncset.done $0x0  }
0xad: {  	s22 =	sadd.s32 $0x1080, s21;
	[sflag:s12] =	ssyncadd.s32 $0xFFFFC000  }
0xae: {  	[spmem:s3] =	stream.indirect.scatter.add.f32 [tilespmem:s10], [sflag:$0x4], $0x80, s22, s4, $0xb8;
	[tilespmem:$0x1F000] =	vst v63  }
0xaf: {  	_ =	swait.ge [sflag:s13], $0x4000  }
0xb0: {  	[sflag:s13] =	ssyncset.done $0x0  }
.Ltmp2:
0xb1: {  	s22 =	sadd.s32 $0x100, s21;
	[sflag:s13] =	ssyncadd.s32 $0xFFFFC000;
	(pc) =	sbr.rel @p0 .LBB2_7-.Ltmp2, $4  }
0xb2: {  	[tilespmem:s9], [sflag:$0x1] =	stream.indirect.gather [hbm4b:s6+s4], $0x80, s22, s4, $0xb8;
	[tilespmem:$0x1F000] =	vst v63  }
0xb3: {  	_ =	swait.ge [sflag:s14], $0x4000  }
0xb4: {  	[sflag:s14] =	ssyncset.done $0x0  }
0xb5: {  	s21 =	sadd.s32 $0x180, s21;
	[sflag:s14] =	ssyncadd.s32 $0xFFFFC000  }
0xb6: {  	[tilespmem:s10], [sflag:$0x2] =	stream.indirect.gather [hbm4b:s6+s4], $0x80, s21, s4, $0xb8;
	[tilespmem:$0x1F000] =	vst v63  }
0xb7: {  	_ =	swait.ge [sflag:s11], $0x4000  }
0xb8: {  	[sflag:s11] =	ssyncset.done $0x0  }
0xb9: {  	[sflag:s11] =	ssyncadd.s32 $0xFFFFC000  }
0xba: {  	[spmem:s3] =	stream.indirect.scatter.add.f32 [tilespmem:s9], [sflag:$0x3], $0x80, s15, s4, $0xb8;
	[tilespmem:$0x1F000] =	vst v63  }
0xbb: {  	_ =	swait.ge [sflag:s12], $0x4000  }
0xbc: {  	[sflag:s12] =	ssyncset.done $0x0  }
0xbd: {  	s19 =	sadd.s32 $0x1, s19;
	[sflag:s12] =	ssyncadd.s32 $0xFFFFC000  }
0xbe: {  	[spmem:s3] =	stream.indirect.scatter.add.f32 [tilespmem:s10], [sflag:$0x4], $0x80, s16, s4, $0xb8;
	[tilespmem:$0x1F000] =	vst v63  }
0xbf: {  	p0 =	sne.s32 s19, $0x5;
	_ =	swait.ge [sflag:s13], $0x4000  }
.Ltmp3:
0xc0: {  	[sflag:s13] =	ssyncset.done $0x0;
	(pc) =	sbr.rel @p0 .LBB2_4-.Ltmp3, $4  }
0xc1: {  	[sflag:s13] =	ssyncadd.s32 $0xFFFFC000  }
0xc2: {  	_ =	swait.ge [sflag:s14], $0x4000  }
0xc3: {  	[sflag:s14] =	ssyncset.done $0x0  }
0xc4: {  	[sflag:s14] =	ssyncadd.s32 $0xFFFFC000  }
0xc5: {  	s18 =	stileid.u32  }
0xc6: {  	[bflag:$0x0] =	sbarrier.arrive $0xFFFF;
	s18 =	sshll.u32 s18, $0x6  }
0xc7: {  	s19 =	sshrl.u32 s7, $0x3;
	s20 =	rddreg [dreg:$0x4];
	s18 =	sor.u32 $0x1C05, s18  }
0xc8: {  	[hbm:s20], [sflag:s18] =	dma.local [spmem:s19], $0x2800  }
0xc9: {  	_ =	swait.ge [sflag:s1], $0x2800  }
0xca: {  	s17 =	sadd.s32 $0x1, s17;
	s24 =	rddreg [dreg:$0x5]  }
0xcb: {  	p0 =	sne.s32 s17, s24  }
.Ltmp4:
0xcc: {  	_ = 	snop;
	(pc) =	sbr.rel @p0 .LBB2_1-.Ltmp4, $3  }
0xcd: {  	_ =	sdelay $0x1  }
0xce: {  	[sflag:s1] =	ssyncset.done $0x0  }
0xcf: {  	[sflag:s1] =	ssyncadd.s32 $0xFFFFD800  }
0xd0: {  	_ =	sfence.sel $0x180000  }
0xd1: {  	[bflag:$0x0] =	sbarrier.arrive $0xFFFF  }
0xd2: {  	_ =	strace $0x9000004A  }
0xd3: {  	s0 =	stileid.u32;
	[bflag:$0x2] =	sbarrier.arrive $0xFFFF  }
0xd4: {  	p0 =	sne.s32 s0, $0x0;
	s0 =	rddreg [dreg:$0x3]  }
0xd5: {  	s0 =	sadd.s32 @!p0 $0x100000, s0  }
0xd6: {  	[sflag:s0] =	ssyncadd.tile.s32 @!p0 $0x1;
	_ =	shalt  }
.Lfunc_end2:
_tile_overlayer_lowered:
.L_overlay_start_2:
0xd7: {  	(tag) =	ssettag $0x2  }
0xd8: {  	s0 =	rddreg [dreg:$0x0];
	s2 =	stileid.u32  }
0xd9: {  	s1 =	rddreg [dreg:$0x1];
	p0 =	sne.s32 s2, $0x0  }
0xda: {  	s3 =	rddreg [dreg:$0x2];
	[bflag:$0x3] =	sbarrier.arrive $0xFFFF;
	s2 =	simm.s32 @!p0 $0x1C05  }
0xdb: {  	[timem:s3], [sflag:s2] =	dma.local @!p0 [hbm:s0], s1  }
0xdc: {  	s0 =	simm.s32 @!p0 $0x5  }
0xdd: {  	_ =	swait.ge @!p0 [sflag:s0], s1  }
0xde: {  	s1 =	ssub.s32 @!p0 $0x0, s1;
	[sflag:s0] =	ssyncset.done @!p0 $0x0  }
0xdf: {  	[sflag:s0] =	ssyncadd.s32 @!p0 s1  }
0xe0: {  	[bflag:$0x3] =	sbarrier.arrive $0xFFFF  }
0xe1: {  	_ =	shalt  }

// kernel: kernel.15.cloned.1.call-start
scs
__scs_entry_jumppad:
0x0: {  	(pc) =	sbr.rel $0x88, $3  }
0x1: {  	(tag) =	ssettag $0x0;
	lr =	simm.s32 $0x1  }
0x2: {  	[smem:$0x3F95] =	sst lr;
	_ =	strace $0xD0000000  }
0x3: {  	_ = 	snop  }
0x4: {  	_ = 	snop  }
0x5: {  	_ = 	snop  }
0x6: {  	_ = 	snop  }
0x7: {  	_ = 	snop  }
__scs_overlays_trampoline_lowered:
0x8: {  	[smem:$0x3FA4] =	sst s0  }
0x9: {  	[smem:$0x3FA5] =	sst s1  }
0xa: {  	[smem:$0x3FA6] =	sst s2  }
0xb: {  	[smem:$0x3FA7] =	sst s3  }
0xc: {  	[smem:$0x3FA8] =	sst s4  }
0xd: {  	[smem:$0x3FA9] =	sst s5  }
0xe: {  	[smem:$0x3FAA] =	sst s6  }
0xf: {  	[smem:$0x3FAB] =	sst s7  }
0x10: {  	[smem:$0x3FAC] =	sst s8  }
0x11: {  	[smem:$0x3FAD] =	sst s9;
	s0 =	simm.s32 @!p0 $0x0  }
0x12: {  	s1 =	sld [smem:$0x3F93];
	s0 =	simm.s32 @p0 $0x1  }
0x13: {  	[smem:$0x3FAE] =	sst s0;
	s0 =	simm.s32 @!p1 $0x0  }
0x14: {  	s2 =	sld [smem:$0x3F92];
	s0 =	simm.s32 @p1 $0x1  }
0x15: {  	[smem:$0x3FAF] =	sst s0;
	s0 =	simm.s32 @!p2 $0x0  }
0x16: {  	s3 =	sld [smem:$0x3FDB];
	s0 =	simm.s32 @p2 $0x1  }
0x17: {  	s4 =	simm.s32 $0x1BF5;
	[smem:$0x3FB1] =	sst s0  }
0x18: {  	s0 =	sld [smem:$0x3F94];
	_ =	swait.ge [sflag:s4], $0x0  }
0x19: {  	s7 =	sld [smem:$0x3F95]  }
0x1a: {  	s8 =	sadd.s32 $0xFFFFE003, lr  }
0x1b: {  	s9 =	sadd.s32 $0xFFFFFEF7, lr;
	s5 =	simm.s32 $0xFFFFFFFF;
	p2 =	slt.u32 s8, $0xFFFFF086  }
0x1c: {  	p1 =	slt.u32 s9, $0xF7A;
	s5 =	simm.s32 @!p2 $0x0  }
0x1d: {  	s5 =	simm.s32 @p1 $0x1;
	p0 =	seq.s32 s7, s2  }
0x1e: {  	s7 =	smul.u32 @!p0 $0xF7A, s2;
	p2 =	seq.s32 @!p0 s5, $0x0  }
0x1f: {  	s9 =	smul.u32 $0xF7A, s1;
	s8 =	simm.s32 @!p0 $0x1BF5;
	p2 =	por !p2, p0  }
0x20: {  	[sflag:s8] =	ssyncset.s32 @!p0 $0xFFFFF086;
	s6 =	sadd.s32 @!p0 s3, s7;
	s7 =	simm.s32 @!p0 $0x108  }
0x21: {  	s3 =	sadd.s32 s3, s9;
	s6 =	sadd.s32 @!p0 $0x88, s6;
	s7 =	simm.s32 @p2 $0x1082  }
0x22: {  	[simem:s7], [sflag:s8] =	dma.local @!p0 [hbm:s6], $0xF7A  }
0x23: {  	s9 =	sor.u32 $0xD0000000, s2;
	s6 =	simm.s32 $0x108;
	_ =	swait.ge @!p0 [sflag:s8], $0x0  }
0x24: {  	s3 =	sadd.s32 $0x88, s3;
	s6 =	simm.s32 @!p1 $0x1082;
	[sflag:s4] =	ssyncset.s32 $0xFFFFF086  }
0x25: {  	[simem:s6], [sflag:s4] =	dma.local [hbm:s3], $0xF7A  }
0x26: {  	[smem:$0x3F95] =	sst s1;
	(tag) =	ssettag s2;
	_ =	strace s9  }
0x27: {  	s1 =	sld [smem:$0x3FA5]  }
0x28: {  	s2 =	sld [smem:$0x3FA6]  }
0x29: {  	s4 =	sld [smem:$0x3FA8]  }
0x2a: {  	p0 =	seq.s32 s5, $0x0;
	s5 =	sld [smem:$0x3FA9]  }
0x2b: {  	s6 =	sld [smem:$0x3FAA]  }
0x2c: {  	s7 =	sld [smem:$0x3FAB]  }
0x2d: {  	s3 =	simm.s32 $0x108;
	s8 =	sld [smem:$0x3FAC]  }
0x2e: {  	s3 =	simm.s32 @!p0 $0x1082;
	s9 =	sld [smem:$0x3FAD]  }
0x2f: {  	lr =	sadd.s32 s0, s3;
	s0 =	sld [smem:$0x3FA4]  }
0x30: {  	s3 =	sld [smem:$0x3FA7]  }
0x31: {  	[smem:$0x3FB0] =	sst s10  }
0x32: {  	s10 =	sld [smem:$0x3FAE];
	_ =	sdelay $0x3  }
0x33: {  	p0 =	seq.s32 s10, $0x1;
	s10 =	sld [smem:$0x3FB0];
	_ =	sdelay $0x3  }
0x34: {  	[smem:$0x3FB0] =	sst s10  }
0x35: {  	s10 =	sld [smem:$0x3FAF];
	_ =	sdelay $0x3  }
0x36: {  	p1 =	seq.s32 s10, $0x1;
	s10 =	sld [smem:$0x3FB0];
	_ =	sdelay $0x3  }
0x37: {  	[smem:$0x3FB0] =	sst s10  }
0x38: {  	s10 =	sld [smem:$0x3FB1]  }
0x39: {  	_ = 	snop;
	(pc) =	sbr.ind lr, $3  }
0x3a: {  	_ = 	snop  }
0x3b: {  	_ = 	snop  }
0x3c: {  	p2 =	seq.s32 s10, $0x1;
	s10 =	sld [smem:$0x3FB0]  }
0x3d: {  	_ =	shalt  }
0x3e: {  	_ =	shalt  }
0x3f: {  	_ =	shalt  }
0x40: {  	_ =	shalt  }
0x41: {  	_ =	shalt  }
0x42: {  	_ =	shalt  }
0x43: {  	_ =	shalt  }
0x44: {  	_ =	shalt  }
0x45: {  	_ =	shalt  }
0x46: {  	_ =	shalt  }
0x47: {  	_ =	shalt  }
0x48: {  	_ =	shalt  }
0x49: {  	_ =	shalt  }
0x4a: {  	_ =	shalt  }
0x4b: {  	_ =	shalt  }
0x4c: {  	_ =	shalt  }
0x4d: {  	_ =	shalt  }
0x4e: {  	_ =	shalt  }
0x4f: {  	_ =	shalt  }
0x50: {  	_ =	shalt  }
0x51: {  	_ =	shalt  }
0x52: {  	_ =	shalt  }
0x53: {  	_ =	shalt  }
0x54: {  	_ =	shalt  }
0x55: {  	_ =	shalt  }
0x56: {  	_ =	shalt  }
0x57: {  	_ =	shalt  }
0x58: {  	_ =	shalt  }
0x59: {  	_ =	shalt  }
0x5a: {  	_ =	shalt  }
0x5b: {  	_ =	shalt  }
0x5c: {  	_ =	shalt  }
0x5d: {  	_ =	shalt  }
0x5e: {  	_ =	shalt  }
0x5f: {  	_ =	shalt  }
0x60: {  	_ =	shalt  }
0x61: {  	_ =	shalt  }
0x62: {  	_ =	shalt  }
0x63: {  	_ =	shalt  }
0x64: {  	_ =	shalt  }
0x65: {  	_ =	shalt  }
0x66: {  	_ =	shalt  }
0x67: {  	_ =	shalt  }
0x68: {  	_ =	shalt  }
0x69: {  	_ =	shalt  }
0x6a: {  	_ =	shalt  }
0x6b: {  	_ =	shalt  }
0x6c: {  	_ =	shalt  }
0x6d: {  	_ =	shalt  }
0x6e: {  	_ =	shalt  }
0x6f: {  	_ =	shalt  }
0x70: {  	_ =	shalt  }
0x71: {  	_ =	shalt  }
0x72: {  	_ =	shalt  }
0x73: {  	_ =	shalt  }
0x74: {  	_ =	shalt  }
0x75: {  	_ =	shalt  }
0x76: {  	_ =	shalt  }
0x77: {  	_ =	shalt  }
0x78: {  	_ =	shalt  }
0x79: {  	_ =	shalt  }
0x7a: {  	_ =	shalt  }
0x7b: {  	_ =	shalt  }
0x7c: {  	_ =	shalt  }
0x7d: {  	_ =	shalt  }
0x7e: {  	_ =	shalt  }
0x7f: {  	_ =	shalt  }
0x80: {  	_ =	shalt  }
0x81: {  	_ =	shalt  }
0x82: {  	_ =	shalt  }
0x83: {  	_ =	shalt  }
0x84: {  	_ =	shalt  }
0x85: {  	_ =	shalt  }
0x86: {  	_ =	shalt  }
0x87: {  	_ =	shalt  }
.Lfunc_end0:
.L_simem_size_0:
called_computation.2_lowered:
.L_overlay_start_0:
0x88: {  	s2 =	sld [smem:$0x3FD9]  }
0x89: {  	s3 =	sld [smem:$0x3FFE];
	_ =	sdelay $0x1  }
0x8a: {  	s1 =	srdreg.scid  }
0x8b: {  	s0 =	sand.u32 $0x1, s1  }
0x8c: {  	s14 =	sshll.u32 s0, $0xA;
	s2 =	sadd.s32 s3, s2  }
0x8d: {  	s2 =	sadd.s32 s2, s14  }
0x8e: {  	[smem:$0x3FBC] =	sst s2  }
0x8f: {  	_ = 	snop  }
0x90: {  	s2 =	sld [smem:$0x3FD0];
	_ =	sdelay $0x2  }
0x91: {  	s15 =	simm.s32 $0xA;
	s4 =	simm.s32 $0x10  }
0x92: {  	[smem:s4], [sflag:s15] =	dma.local [hbm:s2], $0x1  }
0x93: {  	_ =	swait.eq [sflag:s15], $0x1  }
0x94: {  	[sflag:s15] =	ssyncset.done $0x0  }
0x95: {  	[sflag:s15] =	ssyncadd.s32 $0xFFFFFFFF  }
0x96: {  	s16 =	sld [smem:$0x10];
	(tm) =	ssettm $0x1  }
0x97: {  	s17 =	sld [smem:$0x3FFB];
	_ =	sdelay $0x3  }
0x98: {  	_ =	strace s17  }
0x99: {  	s3 =	sld [smem:$0x3FFC];
	_ =	sdelay $0x3  }
0x9a: {  	_ =	strace s3  }
0x9b: {  	s3 =	sld [smem:$0x3FFD];
	_ =	sdelay $0x3  }
0x9c: {  	_ =	strace s3  }
0x9d: {  	_ =	strace $0x8FFFFFFF  }
0x9e: {  	s18 =	sld [smem:$0x3FDB];
	_ =	sdelay $0x1  }
0x9f: {  	s19 =	simm.s32 $_scs_section_size  }
0xa0: {  	s5 =	simm.s32 $_size__tile_overlayer_lowered;
	s6 =	simm.s32 $_tile_overlayer_lowered  }
0xa1: {  	s22 =	simm.s32 $0x1BFF;
	s21 =	sshll.u32 s6, $0x1;
	s3 =	sadd.s32 s19, s18  }
0xa2: {  	s7 =	simm.s32 $0x0;
	s20 =	sshll.u32 s5, $0x1;
	s5 =	sadd.s32 s21, s3  }
0xa3: {  	[timem:s7], [sflag:s22] =	dma.local [hbm:s5], s20  }
0xa4: {  	_ =	swait.ge [sflag:s22], s20  }
0xa5: {  	s4 =	ssub.s32 $0x0, s20;
	[sflag:s22] =	ssyncset.done $0x0  }
0xa6: {  	[sflag:s22] =	ssyncadd.s32 s4;
	_ =	sdelay $0x1  }
0xa7: {  	s23 =	simm.s32 $0x1B8B  }
0xa8: {  	_ =	swait.ge [sflag:s23], $0x1  }
0xa9: {  	[sflag:s23] =	ssyncset.done $0x0  }
0xaa: {  	s25 =	simm.s32 $0x1B8E;
	s24 =	sld [smem:$0x3FFE];
	[sflag:s23] =	ssyncadd.s32 $0xFFFFFFFF  }
0xab: {  	s26 =	simm.s32 $execute0_lowered;
	[smem:$0x3FD2] =	sst s25  }
0xac: {  	s5 =	sshll.u32 s26, $0x1;
	_ =	strace $0x8000004C;
	[dreg:$0x1] =	wrdreg $0xFFFFFFFF  }
0xad: {  	s28 =	simm.s32 $_size_execute0_lowered;
	s3 =	sadd.s32 s3, s5;
	[dreg:$0x0] =	wrdreg $0x0  }
0xae: {  	s5 =	sshll.u32 s28, $0x1;
	[dreg:$0x2] =	wrdreg s3  }
0xaf: {  	[dreg:$0x3] =	wrdreg s5  }
0xb0: {  	[dreg:$0x4] =	wrdreg $0xC0  }
0xb1: {  	_ =	task [dreg:s7], $0x5FFFF  }
0xb2: {  	[dreg:$0x1] =	wrdreg $0xFFFFFFFF  }
0xb3: {  	[dreg:$0x0] =	wrdreg $0x60  }
0xb4: {  	[dreg:$0x2] =	wrdreg s16  }
0xb5: {  	[dreg:$0x3] =	wrdreg s24  }
0xb6: {  	[dreg:$0x4] =	wrdreg $0xA0000  }
0xb7: {  	[dreg:$0x5] =	wrdreg $0x9  }
0xb8: {  	_ =	task.clear_ibuf [dreg:s7], $0x6FFFF;
	_ =	strace $0x9000004C  }
0xb9: {  	s29 =	simm.s32 $0x9;
	_ =	strace $0x8000004E  }
0xba: {  	_ =	swait.ge [sflag:s29], $0x1  }
0xbb: {  	[sflag:s29] =	ssyncadd.s32 $0xFFFFFFFF  }
0xbc: {  	_ =	strace $0x9000004E  }
0xbd: {  	_ =	sfence  }
0xbe: {  	s30 =	sld [smem:$0x0];
	_ =	sdelay $0x2  }
0xbf: {  	s31 =	sshll.u32 s1, $0xD;
	s1 =	sshrl.u32 s1, $0x2  }
0xc0: {  	s3 =	sand.u32 $0x4000, s31;
	s1 =	sadd.s32 s1, s30  }
0xc1: {  	s0 =	sor.u32 s3, s0;
	s1 =	sshll.u32 s1, $0x11  }
0xc2: {  	s0 =	sor.u32 s1, s0  }
0xc3: {  	s0 =	sadd.s32 $0x8F2B, s0  }
0xc4: {  	[sflag:s0] =	ssyncadd.remote.s32 $0x1  }
0xc5: {  	_ =	sfence.sel $0xFFFF  }
0xc6: {  	[dreg:$0x0] =	wrdreg $0xFFFFFFFF;
	(pc) =	sbr.abs _section_cstart, $3  }
0xc7: {  	[dreg:$0x1] =	wrdreg $0xFFFFFFFF  }
0xc8: {  	_ =	task.clear_ibuf [dreg:s7], $0x2FFFF;
	_ =	strace $0x9FFFFFFF  }
0xc9: {  	(tm) =	ssettm $0x7FFFFFFF  }
tec
execute0_lowered:
.L_overlay_start_1:
0x0: {  	(tag) =	ssettag $0x1  }
0x1: {  	s0 =	rddreg [dreg:$0x0]  }
0x2: {  	s5 =	rddreg [dreg:$0x1]  }
0x3: {  	s1 =	srdreg.scid;
	s2 =	rddreg [dreg:$0x2];
	s3 =	simm.s32 $0x0  }
0x4: {  	s10 =	stileid.u32;
	s20 =	simm.s32 $0x880;
	[smem:$0x7FF] =	sst s3  }
0x5: {  	s22 =	simm.s32 $0x100;
	_ =	strace $0x8000004D;
	[dreg:$0x6] =	wrdreg s20  }
0x6: {  	s24 =	simm.s32 $0x180;
	s6 =	smul.u32 $0x2800, s10;
	[dreg:$0x7] =	wrdreg s22  }
0x7: {  	s26 =	simm.s32 $0x900;
	s13 =	smul.u32 $0x14000, s10;
	[dreg:$0x8] =	wrdreg s24  }
0x8: {  	s14 =	smul.u32 $0x50000, s10;
	s10 =	simm.s32 $0x280;
	[dreg:$0x9] =	wrdreg s26  }
0x9: {  	s12 =	simm.s32 $0xA00;
	s1 =	sand.u32 $0x1, s1;
	[dreg:$0xc] =	wrdreg s10  }
0xa: {  	s4 =	smul.u32 $0x28000, s1;
	[dreg:$0xd] =	wrdreg s12;
	s20 =	simm.s32 $0xB00  }
0xb: {  	s7 =	smul.u32 $0x140000, s1;
	s22 =	simm.s32 $0xB80;
	[dreg:$0x11] =	wrdreg s20  }
0xc: {  	s1 =	ssub.s32 $0x2, s1;
	s24 =	simm.s32 $0x400;
	[dreg:$0x12] =	wrdreg s22  }
0xd: {  	s15 =	sshrl.u32 s1, $0x1;
	[dreg:$0x13] =	wrdreg s24  }
0xe: {  	s4 =	sadd.s32 s6, s4;
	s6 =	sadd.s32 s13, s7;
	s7 =	sshrl.u32 s14, $0x2  }
0xf: {  	s1 =	ssub.s32 s1, s15;
	s14 =	simm.s32 $0xA80;
	s8 =	sshrl.u32 s4, $0x3  }
0x10: {  	s4 =	sadd.s32 $0xA800, s5;
	s1 =	smax.u32 s1, $0x1;
	[dreg:$0xe] =	wrdreg s14  }
0x11: {  	s6 =	sshrl.u32 s6, $0x3;
	[dreg:$0x16] =	wrdreg s1;
	s0 =	sadd.s32 s8, s0  }
0x12: {  	s9 =	sadd.s32 s8, s5;
	s8 =	simm.s32 $0x200;
	[dreg:$0x5] =	wrdreg s0  }
0x13: {  	s5 =	sadd.s32 s6, s5;
	s6 =	sadd.s32 s7, s2;
	[dreg:$0xb] =	wrdreg s8  }
0x14: {  	s5 =	sadd.s32 $0x32800, s5;
	[dreg:$0x14] =	wrdreg s6  }
0x15: {  	s16 =	sadd.s32 $0x1000, s6;
	[dreg:$0x15] =	wrdreg s5  }
0x16: {  	s18 =	sadd.s32 $0x2000, s6;
	[dreg:$0x17] =	wrdreg s16  }
0x17: {  	s17 =	sadd.s32 $0x800, s9;
	[dreg:$0x18] =	wrdreg s18  }
0x18: {  	s19 =	sadd.s32 $0x3000, s6;
	[dreg:$0x4] =	wrdreg s17  }
0x19: {  	s21 =	sadd.s32 $0x4000, s6;
	[dreg:$0x19] =	wrdreg s19  }
0x1a: {  	s23 =	sadd.s32 $0x5000, s6;
	[dreg:$0x1a] =	wrdreg s21  }
0x1b: {  	s29 =	simm.s32 $0x5;
	s25 =	sadd.s32 $0x6000, s6;
	[dreg:$0x1b] =	wrdreg s23  }
0x1c: {  	s30 =	simm.s32 $0x800;
	s28 =	sadd.s32 $0x7000, s6;
	[dreg:$0x1c] =	wrdreg s25  }
0x1d: {  	s31 =	simm.s32 $0x80;
	s7 =	sadd.s32 $0x8000, s6;
	[dreg:$0x1d] =	wrdreg s28  }
0x1e: {  	s10 =	simm.s32 $0x480;
	s9 =	sadd.s32 $0x9000, s6;
	[dreg:$0x1e] =	wrdreg s7  }
0x1f: {  	s12 =	simm.s32 $0xC80;
	s11 =	sadd.s32 $0xA000, s6;
	[dreg:$0x1f] =	wrdreg s9  }
0x20: {  	s20 =	simm.s32 $0xE80;
	s13 =	sadd.s32 $0xB000, s6;
	[smem:$0x7F4] =	sst s11  }
0x21: {  	s22 =	simm.s32 $0x780;
	s15 =	sadd.s32 $0xC000, s6;
	[smem:$0x7F5] =	sst s13  }
0x22: {  	s24 =	simm.s32 $0xF80;
	s26 =	sadd.s32 $0x12000, s6;
	[smem:$0x7F6] =	sst s15  }
0x23: {  	s14 =	simm.s32 $0x580;
	s5 =	simm.s32 $0x980;
	[smem:$0x7FC] =	sst s26  }
0x24: {  	s1 =	simm.s32 $0x1000;
	s17 =	sadd.s32 $0xD000, s6;
	[dreg:$0xa] =	wrdreg s5  }
0x25: {  	s0 =	simm.s32 $0x5000;
	s16 =	simm.s32 $0x300;
	[smem:$0x7F7] =	sst s17  }
0x26: {  	s8 =	simm.s32 $0x3;
	s19 =	sadd.s32 $0xE000, s6;
	[dreg:$0xf] =	wrdreg s16  }
0x27: {  	s18 =	simm.s32 $0x380;
	s21 =	sadd.s32 $0xF000, s6;
	[smem:$0x7F8] =	sst s19  }
0x28: {  	s23 =	sadd.s32 $0x10000, s6;
	s25 =	sadd.s32 $0x11000, s6;
	[dreg:$0x10] =	wrdreg s18  }
0x29: {  	s28 =	sadd.s32 $0x13000, s6;
	s6 =	simm.s32 $0x1;
	[smem:$0x7F9] =	sst s21  }
0x2a: {  	s7 =	simm.s32 $0x2;
	s9 =	simm.s32 $0x4;
	[smem:$0x7FA] =	sst s23  }
0x2b: {  	s11 =	simm.s32 $0xC00;
	s13 =	simm.s32 $0x500;
	[smem:$0x7FB] =	sst s25  }
0x2c: {  	s15 =	simm.s32 $0xD00;
	[smem:$0x7FD] =	sst s28;
	s16 =	simm.s32 $0xD80  }
0x2d: {  	s17 =	simm.s32 $0x600;
	s18 =	simm.s32 $0x680;
	s19 =	simm.s32 $0xE00  }
0x2e: {  	v0 =	vimm.f32 $0.0e+00;
	s21 =	simm.s32 $0x700;
	s23 =	simm.s32 $0xF00;
	s25 =	simm.s32 $0x0  }
.LBB2_1:
0x2f: {  	s5 =	sand.u32 $0x3E00, s3  }
0x30: {  	[smem:$0x7F3] =	sst s25;
	s28 =	sand.u32 $0x70, s3;
	s26 =	sshrl.u32 s5, $0x2  }
0x31: {  	s5 =	simm.s32 $0x40;
	s25 =	sor.u32 s28, s26;
	s26 =	simm.s32 $0x0  }
.LBB2_2:
0x32: {  	p0 =	sne.s32 s5, $0x3FC0  }
0x33: {  	[tilespmem:s25+$0x9000] =	vst v0;
	s26 =	sadd.s32 $0x10, s26;
	s25 =	smov.u32 s5;
	s5 =	sadd.s32 $0x40, s5  }
.Ltmp0:
0x34: {  	(pc) =	sbr.rel @p0 .LBB2_2-.Ltmp0, $4  }
0x35: {  	_ = 	snop  }
0x36: {  	s25 =	sand.u32 $0x3E00, s25  }
0x37: {  	s28 =	sand.u32 $0x70, s26;
	s25 =	sshrl.u32 s25, $0x2  }
0x38: {  	s25 =	sor.u32 s28, s25  }
0x39: {  	[tilespmem:s25+$0x9000] =	vst v0;
	s5 =	rddreg [dreg:$0x14];
	s25 =	simm.s32 $0x9000  }
0x3a: {  	[spmem:s5] =	stream.linear.scatter [tilespmem:s25], [sflag:$0x5], $0x1000, $0x38;
	[tilespmem:$0x1E000] =	vst v63  }
0x3b: {  	_ =	swait.ge [sflag:s29], $0x1000  }
0x3c: {  	[sflag:s29] =	ssyncset.done $0x0  }
0x3d: {  	s26 =	rddreg [dreg:$0x17];
	[sflag:s29] =	ssyncadd.s32 $0xFFFFF000  }
0x3e: {  	[spmem:s26] =	stream.linear.scatter [tilespmem:s25], [sflag:$0x5], $0x1000, $0x38;
	[tilespmem:$0x1E000] =	vst v63  }
0x3f: {  	_ =	swait.ge [sflag:s29], $0x1000  }
0x40: {  	[sflag:s29] =	ssyncset.done $0x0  }
0x41: {  	s28 =	rddreg [dreg:$0x18];
	[sflag:s29] =	ssyncadd.s32 $0xFFFFF000  }
0x42: {  	[spmem:s28] =	stream.linear.scatter [tilespmem:s25], [sflag:$0x5], $0x1000, $0x38;
	[tilespmem:$0x1E000] =	vst v63  }
0x43: {  	_ =	swait.ge [sflag:s29], $0x1000  }
0x44: {  	[sflag:s29] =	ssyncset.done $0x0  }
0x45: {  	s26 =	rddreg [dreg:$0x19];
	[sflag:s29] =	ssyncadd.s32 $0xFFFFF000  }
0x46: {  	[spmem:s26] =	stream.linear.scatter [tilespmem:s25], [sflag:$0x5], $0x1000, $0x38;
	[tilespmem:$0x1E000] =	vst v63  }
0x47: {  	_ =	swait.ge [sflag:s29], $0x1000  }
0x48: {  	[sflag:s29] =	ssyncset.done $0x0  }
0x49: {  	s28 =	rddreg [dreg:$0x1a];
	[sflag:s29] =	ssyncadd.s32 $0xFFFFF000  }
0x4a: {  	[spmem:s28] =	stream.linear.scatter [tilespmem:s25], [sflag:$0x5], $0x1000, $0x38;
	[tilespmem:$0x1E000] =	vst v63  }
0x4b: {  	_ =	swait.ge [sflag:s29], $0x1000  }
0x4c: {  	[sflag:s29] =	ssyncset.done $0x0  }
0x4d: {  	s26 =	rddreg [dreg:$0x1b];
	[sflag:s29] =	ssyncadd.s32 $0xFFFFF000  }
0x4e: {  	[spmem:s26] =	stream.linear.scatter [tilespmem:s25], [sflag:$0x5], $0x1000, $0x38;
	[tilespmem:$0x1E000] =	vst v63  }
0x4f: {  	_ =	swait.ge [sflag:s29], $0x1000  }
0x50: {  	[sflag:s29] =	ssyncset.done $0x0  }
0x51: {  	s28 =	rddreg [dreg:$0x1c];
	[sflag:s29] =	ssyncadd.s32 $0xFFFFF000  }
0x52: {  	[spmem:s28] =	stream.linear.scatter [tilespmem:s25], [sflag:$0x5], $0x1000, $0x38;
	[tilespmem:$0x1E000] =	vst v63  }
0x53: {  	_ =	swait.ge [sflag:s29], $0x1000  }
0x54: {  	[sflag:s29] =	ssyncset.done $0x0  }
0x55: {  	s26 =	rddreg [dreg:$0x1d];
	[sflag:s29] =	ssyncadd.s32 $0xFFFFF000  }
0x56: {  	[spmem:s26] =	stream.linear.scatter [tilespmem:s25], [sflag:$0x5], $0x1000, $0x38;
	[tilespmem:$0x1E000] =	vst v63  }
0x57: {  	_ =	swait.ge [sflag:s29], $0x1000  }
0x58: {  	[sflag:s29] =	ssyncset.done $0x0  }
0x59: {  	s28 =	rddreg [dreg:$0x1e];
	[sflag:s29] =	ssyncadd.s32 $0xFFFFF000  }
0x5a: {  	[spmem:s28] =	stream.linear.scatter [tilespmem:s25], [sflag:$0x5], $0x1000, $0x38;
	[tilespmem:$0x1E000] =	vst v63  }
0x5b: {  	_ =	swait.ge [sflag:s29], $0x1000  }
0x5c: {  	[sflag:s29] =	ssyncset.done $0x0  }
0x5d: {  	s26 =	rddreg [dreg:$0x1f];
	[sflag:s29] =	ssyncadd.s32 $0xFFFFF000  }
0x5e: {  	[spmem:s26] =	stream.linear.scatter [tilespmem:s25], [sflag:$0x5], $0x1000, $0x38;
	[tilespmem:$0x1E000] =	vst v63  }
0x5f: {  	_ =	swait.ge [sflag:s29], $0x1000  }
0x60: {  	s28 =	sld [smem:$0x7F4]  }
0x61: {  	[sflag:s29] =	ssyncset.done $0x0  }
0x62: {  	[sflag:s29] =	ssyncadd.s32 $0xFFFFF000  }
0x63: {  	[spmem:s28] =	stream.linear.scatter [tilespmem:s25], [sflag:$0x5], $0x1000, $0x38;
	[tilespmem:$0x1E000] =	vst v63  }
0x64: {  	_ =	swait.ge [sflag:s29], $0x1000  }
0x65: {  	s26 =	sld [smem:$0x7F5]  }
0x66: {  	[sflag:s29] =	ssyncset.done $0x0  }
0x67: {  	[sflag:s29] =	ssyncadd.s32 $0xFFFFF000  }
0x68: {  	[spmem:s26] =	stream.linear.scatter [tilespmem:s25], [sflag:$0x5], $0x1000, $0x38;
	[tilespmem:$0x1E000] =	vst v63  }
0x69: {  	_ =	swait.ge [sflag:s29], $0x1000  }
0x6a: {  	s28 =	sld [smem:$0x7F6]  }
0x6b: {  	[sflag:s29] =	ssyncset.done $0x0  }
0x6c: {  	[sflag:s29] =	ssyncadd.s32 $0xFFFFF000  }
0x6d: {  	[spmem:s28] =	stream.linear.scatter [tilespmem:s25], [sflag:$0x5], $0x1000, $0x38;
	[tilespmem:$0x1E000] =	vst v63  }
0x6e: {  	_ =	swait.ge [sflag:s29], $0x1000  }
0x6f: {  	s26 =	sld [smem:$0x7F7]  }
0x70: {  	[sflag:s29] =	ssyncset.done $0x0  }
0x71: {  	[sflag:s29] =	ssyncadd.s32 $0xFFFFF000  }
0x72: {  	[spmem:s26] =	stream.linear.scatter [tilespmem:s25], [sflag:$0x5], $0x1000, $0x38;
	[tilespmem:$0x1E000] =	vst v63  }
0x73: {  	_ =	swait.ge [sflag:s29], $0x1000  }
0x74: {  	s28 =	sld [smem:$0x7F8]  }
0x75: {  	[sflag:s29] =	ssyncset.done $0x0  }
0x76: {  	[sflag:s29] =	ssyncadd.s32 $0xFFFFF000  }
0x77: {  	[spmem:s28] =	stream.linear.scatter [tilespmem:s25], [sflag:$0x5], $0x1000, $0x38;
	[tilespmem:$0x1E000] =	vst v63  }
0x78: {  	_ =	swait.ge [sflag:s29], $0x1000  }
0x79: {  	s26 =	sld [smem:$0x7F9]  }
0x7a: {  	[sflag:s29] =	ssyncset.done $0x0  }
0x7b: {  	[sflag:s29] =	ssyncadd.s32 $0xFFFFF000  }
0x7c: {  	[spmem:s26] =	stream.linear.scatter [tilespmem:s25], [sflag:$0x5], $0x1000, $0x38;
	[tilespmem:$0x1E000] =	vst v63  }
0x7d: {  	_ =	swait.ge [sflag:s29], $0x1000  }
0x7e: {  	s28 =	sld [smem:$0x7FA]  }
0x7f: {  	[sflag:s29] =	ssyncset.done $0x0  }
0x80: {  	[sflag:s29] =	ssyncadd.s32 $0xFFFFF000  }
0x81: {  	[spmem:s28] =	stream.linear.scatter [tilespmem:s25], [sflag:$0x5], $0x1000, $0x38;
	[tilespmem:$0x1E000] =	vst v63  }
0x82: {  	_ =	swait.ge [sflag:s29], $0x1000  }
0x83: {  	s26 =	sld [smem:$0x7FB]  }
0x84: {  	[sflag:s29] =	ssyncset.done $0x0  }
0x85: {  	[sflag:s29] =	ssyncadd.s32 $0xFFFFF000  }
0x86: {  	[spmem:s26] =	stream.linear.scatter [tilespmem:s25], [sflag:$0x5], $0x1000, $0x38;
	[tilespmem:$0x1E000] =	vst v63  }
0x87: {  	_ =	swait.ge [sflag:s29], $0x1000  }
0x88: {  	s28 =	sld [smem:$0x7FC]  }
0x89: {  	[sflag:s29] =	ssyncset.done $0x0  }
0x8a: {  	[sflag:s29] =	ssyncadd.s32 $0xFFFFF000  }
0x8b: {  	[spmem:s28] =	stream.linear.scatter [tilespmem:s25], [sflag:$0x5], $0x1000, $0x38;
	[tilespmem:$0x1E000] =	vst v63  }
0x8c: {  	_ =	swait.ge [sflag:s29], $0x1000  }
0x8d: {  	s26 =	sld [smem:$0x7FD]  }
0x8e: {  	[sflag:s29] =	ssyncset.done $0x0  }
0x8f: {  	[sflag:s29] =	ssyncadd.s32 $0xFFFFF000  }
0x90: {  	[spmem:s26] =	stream.linear.scatter [tilespmem:s25], [sflag:$0x5], $0x1000, $0x38;
	[tilespmem:$0x1E000] =	vst v63  }
0x91: {  	_ =	swait.ge [sflag:s29], $0x1000  }
0x92: {  	[sflag:s29] =	ssyncset.done $0x0  }
0x93: {  	[sflag:s29] =	ssyncadd.s32 $0xFFFFF000  }
0x94: {  	[bflag:$0x0] =	sbarrier.arrive $0xFFFF  }
0x95: {  	s28 =	rddreg [dreg:$0x5]  }
0x96: {  	s5 =	sadd.s32 $0x0, s28  }
0x97: {  	[tilespmem:s3], [sflag:$0x5] =	stream.linear.gather [hbm4b:s5+s3], $0x800, $0x38;
	[tilespmem:$0x1E000] =	vst v63  }
0x98: {  	_ =	swait.ge [sflag:s29], $0x800  }
0x99: {  	s25 =	rddreg [dreg:$0x4];
	[sflag:s29] =	ssyncset.done $0x0  }
0x9a: {  	[sflag:s29] =	ssyncadd.s32 $0xFFFFF800;
	s5 =	sadd.s32 $0x0, s25  }
0x9b: {  	[tilespmem:s30], [sflag:$0x5] =	stream.linear.gather [hbm4b:s5+s3], $0x800, $0x38;
	[tilespmem:$0x1E000] =	vst v63  }
0x9c: {  	_ =	swait.ge [sflag:s29], $0x800  }
0x9d: {  	[sflag:s29] =	ssyncset.done $0x0  }
0x9e: {  	[sflag:s29] =	ssyncadd.s32 $0xFFFFF800  }
0x9f: {  	[tilespmem:s1], [sflag:$0x1] =	stream.indirect.gather [hbm4b:s4+s31], $0x80, s3, s31, $0xb8;
	[tilespmem:$0x1E000] =	vst v63  }
0xa0: {  	_ = 	snop  }
0xa1: {  	[tilespmem:s0], [sflag:$0x2] =	stream.indirect.gather [hbm4b:s4+s31], $0x80, s31, s31, $0xb8;
	[tilespmem:$0x1E000] =	vst v63  }
0xa2: {  	_ =	swait.ge [sflag:s6], $0x4000  }
0xa3: {  	[sflag:s6] =	ssyncset.done $0x0  }
0xa4: {  	[sflag:s6] =	ssyncadd.s32 $0xFFFFC000  }
0xa5: {  	[spmem:s2] =	stream.indirect.scatter.add.f32 [tilespmem:s1], [sflag:$0x3], $0x80, s30, s31, $0xb8;
	[tilespmem:$0x1E000] =	vst v63  }
0xa6: {  	_ =	swait.ge [sflag:s7], $0x4000  }
0xa7: {  	[sflag:s7] =	ssyncset.done $0x0  }
0xa8: {  	s26 =	rddreg [dreg:$0x6];
	[sflag:s7] =	ssyncadd.s32 $0xFFFFC000  }
0xa9: {  	[spmem:s2] =	stream.indirect.scatter.add.f32 [tilespmem:s0], [sflag:$0x4], $0x80, s26, s31, $0xb8;
	[tilespmem:$0x1E000] =	vst v63  }
0xaa: {  	_ =	swait.ge [sflag:s8], $0x4000  }
0xab: {  	[sflag:s8] =	ssyncset.done $0x0  }
0xac: {  	s28 =	rddreg [dreg:$0x7];
	[sflag:s8] =	ssyncadd.s32 $0xFFFFC000  }
0xad: {  	[tilespmem:s1], [sflag:$0x1] =	stream.indirect.gather [hbm4b:s4+s31], $0x80, s28, s31, $0xb8;
	[tilespmem:$0x1E000] =	vst v63  }
0xae: {  	_ =	swait.ge [sflag:s9], $0x4000  }
0xaf: {  	[sflag:s9] =	ssyncset.done $0x0  }
0xb0: {  	s25 =	rddreg [dreg:$0x8];
	[sflag:s9] =	ssyncadd.s32 $0xFFFFC000  }
0xb1: {  	[tilespmem:s0], [sflag:$0x2] =	stream.indirect.gather [hbm4b:s4+s31], $0x80, s25, s31, $0xb8;
	[tilespmem:$0x1E000] =	vst v63  }
0xb2: {  	_ =	swait.ge [sflag:s6], $0x4000  }
0xb3: {  	[sflag:s6] =	ssyncset.done $0x0  }
0xb4: {  	s26 =	rddreg [dreg:$0x9];
	[sflag:s6] =	ssyncadd.s32 $0xFFFFC000  }
0xb5: {  	[spmem:s2] =	stream.indirect.scatter.add.f32 [tilespmem:s1], [sflag:$0x3], $0x80, s26, s31, $0xb8;
	[tilespmem:$0x1E000] =	vst v63  }
0xb6: {  	_ =	swait.ge [sflag:s7], $0x4000  }
0xb7: {  	[sflag:s7] =	ssyncset.done $0x0  }
0xb8: {  	s28 =	rddreg [dreg:$0xa];
	[sflag:s7] =	ssyncadd.s32 $0xFFFFC000  }
0xb9: {  	[spmem:s2] =	stream.indirect.scatter.add.f32 [tilespmem:s0], [sflag:$0x4], $0x80, s28, s31, $0xb8;
	[tilespmem:$0x1E000] =	vst v63  }
0xba: {  	_ =	swait.ge [sflag:s8], $0x4000  }
0xbb: {  	[sflag:s8] =	ssyncset.done $0x0  }
0xbc: {  	s25 =	rddreg [dreg:$0xb];
	[sflag:s8] =	ssyncadd.s32 $0xFFFFC000  }
0xbd: {  	[tilespmem:s1], [sflag:$0x1] =	stream.indirect.gather [hbm4b:s4+s31], $0x80, s25, s31, $0xb8;
	[tilespmem:$0x1E000] =	vst v63  }
0xbe: {  	_ =	swait.ge [sflag:s9], $0x4000  }
0xbf: {  	[sflag:s9] =	ssyncset.done $0x0  }
0xc0: {  	s26 =	rddreg [dreg:$0xc];
	[sflag:s9] =	ssyncadd.s32 $0xFFFFC000  }
0xc1: {  	[tilespmem:s0], [sflag:$0x2] =	stream.indirect.gather [hbm4b:s4+s31], $0x80, s26, s31, $0xb8;
	[tilespmem:$0x1E000] =	vst v63  }
0xc2: {  	_ =	swait.ge [sflag:s6], $0x4000  }
0xc3: {  	[sflag:s6] =	ssyncset.done $0x0  }
0xc4: {  	s28 =	rddreg [dreg:$0xd];
	[sflag:s6] =	ssyncadd.s32 $0xFFFFC000  }
0xc5: {  	[spmem:s2] =	stream.indirect.scatter.add.f32 [tilespmem:s1], [sflag:$0x3], $0x80, s28, s31, $0xb8;
	[tilespmem:$0x1E000] =	vst v63  }
0xc6: {  	_ =	swait.ge [sflag:s7], $0x4000  }
0xc7: {  	[sflag:s7] =	ssyncset.done $0x0  }
0xc8: {  	s25 =	rddreg [dreg:$0xe];
	[sflag:s7] =	ssyncadd.s32 $0xFFFFC000  }
0xc9: {  	[spmem:s2] =	stream.indirect.scatter.add.f32 [tilespmem:s0], [sflag:$0x4], $0x80, s25, s31, $0xb8;
	[tilespmem:$0x1E000] =	vst v63  }
0xca: {  	_ =	swait.ge [sflag:s8], $0x4000  }
0xcb: {  	[sflag:s8] =	ssyncset.done $0x0  }
0xcc: {  	s26 =	rddreg [dreg:$0xf];
	[sflag:s8] =	ssyncadd.s32 $0xFFFFC000  }
0xcd: {  	[tilespmem:s1], [sflag:$0x1] =	stream.indirect.gather [hbm4b:s4+s31], $0x80, s26, s31, $0xb8;
	[tilespmem:$0x1E000] =	vst v63  }
0xce: {  	_ =	swait.ge [sflag:s9], $0x4000  }
0xcf: {  	[sflag:s9] =	ssyncset.done $0x0  }
0xd0: {  	s28 =	rddreg [dreg:$0x10];
	[sflag:s9] =	ssyncadd.s32 $0xFFFFC000  }
0xd1: {  	[tilespmem:s0], [sflag:$0x2] =	stream.indirect.gather [hbm4b:s4+s31], $0x80, s28, s31, $0xb8;
	[tilespmem:$0x1E000] =	vst v63  }
0xd2: {  	_ =	swait.ge [sflag:s6], $0x4000  }
0xd3: {  	[sflag:s6] =	ssyncset.done $0x0  }
0xd4: {  	s25 =	rddreg [dreg:$0x11];
	[sflag:s6] =	ssyncadd.s32 $0xFFFFC000  }
0xd5: {  	[spmem:s2] =	stream.indirect.scatter.add.f32 [tilespmem:s1], [sflag:$0x3], $0x80, s25, s31, $0xb8;
	[tilespmem:$0x1E000] =	vst v63  }
0xd6: {  	_ =	swait.ge [sflag:s7], $0x4000  }
0xd7: {  	[sflag:s7] =	ssyncset.done $0x0  }
0xd8: {  	s26 =	rddreg [dreg:$0x12];
	[sflag:s7] =	ssyncadd.s32 $0xFFFFC000  }
0xd9: {  	[spmem:s2] =	stream.indirect.scatter.add.f32 [tilespmem:s0], [sflag:$0x4], $0x80, s26, s31, $0xb8;
	[tilespmem:$0x1E000] =	vst v63  }
0xda: {  	_ =	swait.ge [sflag:s8], $0x4000  }
0xdb: {  	[sflag:s8] =	ssyncset.done $0x0  }
0xdc: {  	s28 =	rddreg [dreg:$0x13];
	[sflag:s8] =	ssyncadd.s32 $0xFFFFC000  }
0xdd: {  	[tilespmem:s1], [sflag:$0x1] =	stream.indirect.gather [hbm4b:s4+s31], $0x80, s28, s31, $0xb8;
	[tilespmem:$0x1E000] =	vst v63  }
0xde: {  	_ =	swait.ge [sflag:s9], $0x4000  }
0xdf: {  	[sflag:s9] =	ssyncset.done $0x0  }
0xe0: {  	[sflag:s9] =	ssyncadd.s32 $0xFFFFC000  }
0xe1: {  	[tilespmem:s0], [sflag:$0x2] =	stream.indirect.gather [hbm4b:s4+s31], $0x80, s10, s31, $0xb8;
	[tilespmem:$0x1E000] =	vst v63  }
0xe2: {  	_ =	swait.ge [sflag:s6], $0x4000  }
0xe3: {  	[sflag:s6] =	ssyncset.done $0x0  }
0xe4: {  	[sflag:s6] =	ssyncadd.s32 $0xFFFFC000  }
0xe5: {  	[spmem:s2] =	stream.indirect.scatter.add.f32 [tilespmem:s1], [sflag:$0x3], $0x80, s11, s31, $0xb8;
	[tilespmem:$0x1E000] =	vst v63  }
0xe6: {  	_ =	swait.ge [sflag:s7], $0x4000  }
0xe7: {  	[sflag:s7] =	ssyncset.done $0x0  }
0xe8: {  	[sflag:s7] =	ssyncadd.s32 $0xFFFFC000  }
0xe9: {  	[spmem:s2] =	stream.indirect.scatter.add.f32 [tilespmem:s0], [sflag:$0x4], $0x80, s12, s31, $0xb8;
	[tilespmem:$0x1E000] =	vst v63  }
0xea: {  	_ =	swait.ge [sflag:s8], $0x4000  }
0xeb: {  	[sflag:s8] =	ssyncset.done $0x0  }
0xec: {  	[sflag:s8] =	ssyncadd.s32 $0xFFFFC000  }
0xed: {  	[tilespmem:s1], [sflag:$0x1] =	stream.indirect.gather [hbm4b:s4+s31], $0x80, s13, s31, $0xb8;
	[tilespmem:$0x1E000] =	vst v63  }
0xee: {  	_ =	swait.ge [sflag:s9], $0x4000  }
0xef: {  	[sflag:s9] =	ssyncset.done $0x0  }
0xf0: {  	[sflag:s9] =	ssyncadd.s32 $0xFFFFC000  }
0xf1: {  	[tilespmem:s0], [sflag:$0x2] =	stream.indirect.gather [hbm4b:s4+s31], $0x80, s14, s31, $0xb8;
	[tilespmem:$0x1E000] =	vst v63  }
0xf2: {  	_ =	swait.ge [sflag:s6], $0x4000  }
0xf3: {  	[sflag:s6] =	ssyncset.done $0x0  }
0xf4: {  	[sflag:s6] =	ssyncadd.s32 $0xFFFFC000  }
0xf5: {  	[spmem:s2] =	stream.indirect.scatter.add.f32 [tilespmem:s1], [sflag:$0x3], $0x80, s15, s31, $0xb8;
	[tilespmem:$0x1E000] =	vst v63  }
0xf6: {  	_ =	swait.ge [sflag:s7], $0x4000  }
0xf7: {  	[sflag:s7] =	ssyncset.done $0x0  }
0xf8: {  	[sflag:s7] =	ssyncadd.s32 $0xFFFFC000  }
0xf9: {  	[spmem:s2] =	stream.indirect.scatter.add.f32 [tilespmem:s0], [sflag:$0x4], $0x80, s16, s31, $0xb8;
	[tilespmem:$0x1E000] =	vst v63  }
0xfa: {  	_ =	swait.ge [sflag:s8], $0x4000  }
0xfb: {  	[sflag:s8] =	ssyncset.done $0x0  }
0xfc: {  	[sflag:s8] =	ssyncadd.s32 $0xFFFFC000  }
0xfd: {  	[tilespmem:s1], [sflag:$0x1] =	stream.indirect.gather [hbm4b:s4+s31], $0x80, s17, s31, $0xb8;
	[tilespmem:$0x1E000] =	vst v63  }
0xfe: {  	_ =	swait.ge [sflag:s9], $0x4000  }
0xff: {  	[sflag:s9] =	ssyncset.done $0x0  }
0x100: {  	[sflag:s9] =	ssyncadd.s32 $0xFFFFC000  }
0x101: {  	[tilespmem:s0], [sflag:$0x2] =	stream.indirect.gather [hbm4b:s4+s31], $0x80, s18, s31, $0xb8;
	[tilespmem:$0x1E000] =	vst v63  }
0x102: {  	_ =	swait.ge [sflag:s6], $0x4000  }
0x103: {  	[sflag:s6] =	ssyncset.done $0x0  }
0x104: {  	[sflag:s6] =	ssyncadd.s32 $0xFFFFC000  }
0x105: {  	[spmem:s2] =	stream.indirect.scatter.add.f32 [tilespmem:s1], [sflag:$0x3], $0x80, s19, s31, $0xb8;
	[tilespmem:$0x1E000] =	vst v63  }
0x106: {  	_ =	swait.ge [sflag:s7], $0x4000  }
0x107: {  	[sflag:s7] =	ssyncset.done $0x0  }
0x108: {  	[sflag:s7] =	ssyncadd.s32 $0xFFFFC000  }
0x109: {  	[spmem:s2] =	stream.indirect.scatter.add.f32 [tilespmem:s0], [sflag:$0x4], $0x80, s20, s31, $0xb8;
	[tilespmem:$0x1E000] =	vst v63  }
0x10a: {  	_ =	swait.ge [sflag:s8], $0x4000  }
0x10b: {  	[sflag:s8] =	ssyncset.done $0x0  }
0x10c: {  	[sflag:s8] =	ssyncadd.s32 $0xFFFFC000  }
0x10d: {  	[tilespmem:s1], [sflag:$0x1] =	stream.indirect.gather [hbm4b:s4+s31], $0x80, s21, s31, $0xb8;
	[tilespmem:$0x1E000] =	vst v63  }
0x10e: {  	_ =	swait.ge [sflag:s9], $0x4000  }
0x10f: {  	[sflag:s9] =	ssyncset.done $0x0  }
0x110: {  	[sflag:s9] =	ssyncadd.s32 $0xFFFFC000  }
0x111: {  	[tilespmem:s0], [sflag:$0x2] =	stream.indirect.gather [hbm4b:s4+s31], $0x80, s22, s31, $0xb8;
	[tilespmem:$0x1E000] =	vst v63  }
0x112: {  	_ =	swait.ge [sflag:s6], $0x4000  }
0x113: {  	[sflag:s6] =	ssyncset.done $0x0  }
0x114: {  	[sflag:s6] =	ssyncadd.s32 $0xFFFFC000  }
0x115: {  	[spmem:s2] =	stream.indirect.scatter.add.f32 [tilespmem:s1], [sflag:$0x3], $0x80, s23, s31, $0xb8;
	[tilespmem:$0x1E000] =	vst v63  }
0x116: {  	_ =	swait.ge [sflag:s7], $0x4000  }
0x117: {  	[sflag:s7] =	ssyncset.done $0x0  }
0x118: {  	[sflag:s7] =	ssyncadd.s32 $0xFFFFC000  }
0x119: {  	[spmem:s2] =	stream.indirect.scatter.add.f32 [tilespmem:s0], [sflag:$0x4], $0x80, s24, s31, $0xb8;
	[tilespmem:$0x1E000] =	vst v63  }
0x11a: {  	_ =	swait.ge [sflag:s8], $0x4000  }
0x11b: {  	[sflag:s8] =	ssyncset.done $0x0  }
0x11c: {  	[sflag:s8] =	ssyncadd.s32 $0xFFFFC000  }
0x11d: {  	s5 =	simm.s32 $0x200;
	_ =	swait.ge [sflag:s9], $0x4000  }
0x11e: {  	s26 =	simm.s32 $0x100;
	s25 =	rddreg [dreg:$0x5];
	[sflag:s9] =	ssyncset.done $0x0  }
.LBB2_4:
0x11f: {  	[sflag:s9] =	ssyncadd.s32 $0xFFFFC000;
	s25 =	sadd.s32 s26, s25  }
0x120: {  	[tilespmem:s3], [sflag:$0x5] =	stream.linear.gather [hbm4b:s25+s3], $0x800, $0x38;
	[tilespmem:$0x1E000] =	vst v63  }
0x121: {  	_ =	swait.ge [sflag:s29], $0x800  }
0x122: {  	s25 =	rddreg [dreg:$0x4];
	[sflag:s29] =	ssyncset.done $0x0  }
0x123: {  	[sflag:s29] =	ssyncadd.s32 $0xFFFFF800;
	s25 =	sadd.s32 s26, s25  }
0x124: {  	[tilespmem:s30], [sflag:$0x5] =	stream.linear.gather [hbm4b:s25+s3], $0x800, $0x38;
	[tilespmem:$0x1E000] =	vst v63  }
0x125: {  	_ =	swait.ge [sflag:s29], $0x800  }
0x126: {  	[sflag:s29] =	ssyncset.done $0x0  }
0x127: {  	[sflag:s29] =	ssyncadd.s32 $0xFFFFF800  }
0x128: {  	[tilespmem:s1], [sflag:$0x1] =	stream.indirect.gather [hbm4b:s4+s31], $0x80, s3, s31, $0xb8;
	[tilespmem:$0x1E000] =	vst v63  }
0x129: {  	_ = 	snop  }
0x12a: {  	[tilespmem:s0], [sflag:$0x2] =	stream.indirect.gather [hbm4b:s4+s31], $0x80, s31, s31, $0xb8;
	[tilespmem:$0x1E000] =	vst v63  }
0x12b: {  	_ =	swait.ge [sflag:s6], $0x4000  }
0x12c: {  	[sflag:s6] =	ssyncset.done $0x0  }
0x12d: {  	[sflag:s6] =	ssyncadd.s32 $0xFFFFC000  }
0x12e: {  	[spmem:s2] =	stream.indirect.scatter.add.f32 [tilespmem:s1], [sflag:$0x3], $0x80, s30, s31, $0xb8;
	[tilespmem:$0x1E000] =	vst v63  }
0x12f: {  	_ =	swait.ge [sflag:s7], $0x4000  }
0x130: {  	s28 =	smov.u32 s5;
	[sflag:s7] =	ssyncset.done $0x0  }
0x131: {  	s26 =	smov.u32 s28;
	s28 =	rddreg [dreg:$0x6];
	[sflag:s7] =	ssyncadd.s32 $0xFFFFC000  }
0x132: {  	[spmem:s2] =	stream.indirect.scatter.add.f32 [tilespmem:s0], [sflag:$0x4], $0x80, s28, s31, $0xb8;
	[tilespmem:$0x1E000] =	vst v63  }
0x133: {  	_ =	swait.ge [sflag:s8], $0x4000  }
0x134: {  	[sflag:s8] =	ssyncset.done $0x0  }
0x135: {  	s28 =	rddreg [dreg:$0x7];
	[sflag:s8] =	ssyncadd.s32 $0xFFFFC000  }
0x136: {  	[tilespmem:s1], [sflag:$0x1] =	stream.indirect.gather [hbm4b:s4+s31], $0x80, s28, s31, $0xb8;
	[tilespmem:$0x1E000] =	vst v63  }
0x137: {  	_ =	swait.ge [sflag:s9], $0x4000  }
0x138: {  	[sflag:s9] =	ssyncset.done $0x0  }
0x139: {  	s28 =	rddreg [dreg:$0x8];
	[sflag:s9] =	ssyncadd.s32 $0xFFFFC000  }
0x13a: {  	[tilespmem:s0], [sflag:$0x2] =	stream.indirect.gather [hbm4b:s4+s31], $0x80, s28, s31, $0xb8;
	[tilespmem:$0x1E000] =	vst v63  }
0x13b: {  	_ =	swait.ge [sflag:s6], $0x4000  }
0x13c: {  	[sflag:s6] =	ssyncset.done $0x0  }
0x13d: {  	s28 =	rddreg [dreg:$0x9];
	[sflag:s6] =	ssyncadd.s32 $0xFFFFC000  }
0x13e: {  	[spmem:s2] =	stream.indirect.scatter.add.f32 [tilespmem:s1], [sflag:$0x3], $0x80, s28, s31, $0xb8;
	[tilespmem:$0x1E000] =	vst v63  }
0x13f: {  	_ =	swait.ge [sflag:s7], $0x4000  }
0x140: {  	[sflag:s7] =	ssyncset.done $0x0  }
0x141: {  	s28 =	rddreg [dreg:$0xa];
	[sflag:s7] =	ssyncadd.s32 $0xFFFFC000  }
0x142: {  	[spmem:s2] =	stream.indirect.scatter.add.f32 [tilespmem:s0], [sflag:$0x4], $0x80, s28, s31, $0xb8;
	[tilespmem:$0x1E000] =	vst v63  }
0x143: {  	_ =	swait.ge [sflag:s8], $0x4000  }
0x144: {  	[sflag:s8] =	ssyncset.done $0x0  }
0x145: {  	s28 =	rddreg [dreg:$0xb];
	[sflag:s8] =	ssyncadd.s32 $0xFFFFC000  }
0x146: {  	[tilespmem:s1], [sflag:$0x1] =	stream.indirect.gather [hbm4b:s4+s31], $0x80, s28, s31, $0xb8;
	[tilespmem:$0x1E000] =	vst v63  }
0x147: {  	_ =	swait.ge [sflag:s9], $0x4000  }
0x148: {  	[sflag:s9] =	ssyncset.done $0x0  }
0x149: {  	s28 =	rddreg [dreg:$0xc];
	[sflag:s9] =	ssyncadd.s32 $0xFFFFC000  }
0x14a: {  	[tilespmem:s0], [sflag:$0x2] =	stream.indirect.gather [hbm4b:s4+s31], $0x80, s28, s31, $0xb8;
	[tilespmem:$0x1E000] =	vst v63  }
0x14b: {  	_ =	swait.ge [sflag:s6], $0x4000  }
0x14c: {  	[sflag:s6] =	ssyncset.done $0x0  }
0x14d: {  	s28 =	rddreg [dreg:$0xd];
	[sflag:s6] =	ssyncadd.s32 $0xFFFFC000  }
0x14e: {  	[spmem:s2] =	stream.indirect.scatter.add.f32 [tilespmem:s1], [sflag:$0x3], $0x80, s28, s31, $0xb8;
	[tilespmem:$0x1E000] =	vst v63  }
0x14f: {  	_ =	swait.ge [sflag:s7], $0x4000  }
0x150: {  	[sflag:s7] =	ssyncset.done $0x0  }
0x151: {  	s28 =	rddreg [dreg:$0xe];
	[sflag:s7] =	ssyncadd.s32 $0xFFFFC000  }
0x152: {  	[spmem:s2] =	stream.indirect.scatter.add.f32 [tilespmem:s0], [sflag:$0x4], $0x80, s28, s31, $0xb8;
	[tilespmem:$0x1E000] =	vst v63  }
0x153: {  	_ =	swait.ge [sflag:s8], $0x4000  }
0x154: {  	[sflag:s8] =	ssyncset.done $0x0  }
0x155: {  	s28 =	rddreg [dreg:$0xf];
	[sflag:s8] =	ssyncadd.s32 $0xFFFFC000  }
0x156: {  	[tilespmem:s1], [sflag:$0x1] =	stream.indirect.gather [hbm4b:s4+s31], $0x80, s28, s31, $0xb8;
	[tilespmem:$0x1E000] =	vst v63  }
0x157: {  	_ =	swait.ge [sflag:s9], $0x4000  }
0x158: {  	[sflag:s9] =	ssyncset.done $0x0  }
0x159: {  	s28 =	rddreg [dreg:$0x10];
	[sflag:s9] =	ssyncadd.s32 $0xFFFFC000  }
0x15a: {  	[tilespmem:s0], [sflag:$0x2] =	stream.indirect.gather [hbm4b:s4+s31], $0x80, s28, s31, $0xb8;
	[tilespmem:$0x1E000] =	vst v63  }
0x15b: {  	_ =	swait.ge [sflag:s6], $0x4000  }
0x15c: {  	[sflag:s6] =	ssyncset.done $0x0  }
0x15d: {  	s28 =	rddreg [dreg:$0x11];
	[sflag:s6] =	ssyncadd.s32 $0xFFFFC000  }
0x15e: {  	[spmem:s2] =	stream.indirect.scatter.add.f32 [tilespmem:s1], [sflag:$0x3], $0x80, s28, s31, $0xb8;
	[tilespmem:$0x1E000] =	vst v63  }
0x15f: {  	_ =	swait.ge [sflag:s7], $0x4000  }
0x160: {  	[sflag:s7] =	ssyncset.done $0x0  }
0x161: {  	s28 =	rddreg [dreg:$0x12];
	[sflag:s7] =	ssyncadd.s32 $0xFFFFC000  }
0x162: {  	[spmem:s2] =	stream.indirect.scatter.add.f32 [tilespmem:s0], [sflag:$0x4], $0x80, s28, s31, $0xb8;
	[tilespmem:$0x1E000] =	vst v63  }
0x163: {  	_ =	swait.ge [sflag:s8], $0x4000  }
0x164: {  	[sflag:s8] =	ssyncset.done $0x0  }
0x165: {  	s28 =	rddreg [dreg:$0x13];
	[sflag:s8] =	ssyncadd.s32 $0xFFFFC000  }
0x166: {  	[tilespmem:s1], [sflag:$0x1] =	stream.indirect.gather [hbm4b:s4+s31], $0x80, s28, s31, $0xb8;
	[tilespmem:$0x1E000] =	vst v63  }
0x167: {  	_ =	swait.ge [sflag:s9], $0x4000  }
0x168: {  	[sflag:s9] =	ssyncset.done $0x0  }
0x169: {  	[sflag:s9] =	ssyncadd.s32 $0xFFFFC000  }
0x16a: {  	[tilespmem:s0], [sflag:$0x2] =	stream.indirect.gather [hbm4b:s4+s31], $0x80, s10, s31, $0xb8;
	[tilespmem:$0x1E000] =	vst v63  }
0x16b: {  	_ =	swait.ge [sflag:s6], $0x4000  }
0x16c: {  	[sflag:s6] =	ssyncset.done $0x0  }
0x16d: {  	[sflag:s6] =	ssyncadd.s32 $0xFFFFC000  }
0x16e: {  	[spmem:s2] =	stream.indirect.scatter.add.f32 [tilespmem:s1], [sflag:$0x3], $0x80, s11, s31, $0xb8;
	[tilespmem:$0x1E000] =	vst v63  }
0x16f: {  	_ =	swait.ge [sflag:s7], $0x4000  }
0x170: {  	[sflag:s7] =	ssyncset.done $0x0  }
0x171: {  	[sflag:s7] =	ssyncadd.s32 $0xFFFFC000  }
0x172: {  	[spmem:s2] =	stream.indirect.scatter.add.f32 [tilespmem:s0], [sflag:$0x4], $0x80, s12, s31, $0xb8;
	[tilespmem:$0x1E000] =	vst v63  }
0x173: {  	_ =	swait.ge [sflag:s8], $0x4000  }
0x174: {  	[sflag:s8] =	ssyncset.done $0x0  }
0x175: {  	[sflag:s8] =	ssyncadd.s32 $0xFFFFC000  }
0x176: {  	[tilespmem:s1], [sflag:$0x1] =	stream.indirect.gather [hbm4b:s4+s31], $0x80, s13, s31, $0xb8;
	[tilespmem:$0x1E000] =	vst v63  }
0x177: {  	_ =	swait.ge [sflag:s9], $0x4000  }
0x178: {  	[sflag:s9] =	ssyncset.done $0x0  }
0x179: {  	[sflag:s9] =	ssyncadd.s32 $0xFFFFC000  }
0x17a: {  	[tilespmem:s0], [sflag:$0x2] =	stream.indirect.gather [hbm4b:s4+s31], $0x80, s14, s31, $0xb8;
	[tilespmem:$0x1E000] =	vst v63  }
0x17b: {  	_ =	swait.ge [sflag:s6], $0x4000  }
0x17c: {  	[sflag:s6] =	ssyncset.done $0x0  }
0x17d: {  	[sflag:s6] =	ssyncadd.s32 $0xFFFFC000  }
0x17e: {  	[spmem:s2] =	stream.indirect.scatter.add.f32 [tilespmem:s1], [sflag:$0x3], $0x80, s15, s31, $0xb8;
	[tilespmem:$0x1E000] =	vst v63  }
0x17f: {  	_ =	swait.ge [sflag:s7], $0x4000  }
0x180: {  	[sflag:s7] =	ssyncset.done $0x0  }
0x181: {  	[sflag:s7] =	ssyncadd.s32 $0xFFFFC000  }
0x182: {  	[spmem:s2] =	stream.indirect.scatter.add.f32 [tilespmem:s0], [sflag:$0x4], $0x80, s16, s31, $0xb8;
	[tilespmem:$0x1E000] =	vst v63  }
0x183: {  	_ =	swait.ge [sflag:s8], $0x4000  }
0x184: {  	[sflag:s8] =	ssyncset.done $0x0  }
0x185: {  	[sflag:s8] =	ssyncadd.s32 $0xFFFFC000  }
0x186: {  	[tilespmem:s1], [sflag:$0x1] =	stream.indirect.gather [hbm4b:s4+s31], $0x80, s17, s31, $0xb8;
	[tilespmem:$0x1E000] =	vst v63  }
0x187: {  	_ =	swait.ge [sflag:s9], $0x4000  }
0x188: {  	[sflag:s9] =	ssyncset.done $0x0  }
0x189: {  	[sflag:s9] =	ssyncadd.s32 $0xFFFFC000  }
0x18a: {  	[tilespmem:s0], [sflag:$0x2] =	stream.indirect.gather [hbm4b:s4+s31], $0x80, s18, s31, $0xb8;
	[tilespmem:$0x1E000] =	vst v63  }
0x18b: {  	_ =	swait.ge [sflag:s6], $0x4000  }
0x18c: {  	[sflag:s6] =	ssyncset.done $0x0  }
0x18d: {  	[sflag:s6] =	ssyncadd.s32 $0xFFFFC000  }
0x18e: {  	[spmem:s2] =	stream.indirect.scatter.add.f32 [tilespmem:s1], [sflag:$0x3], $0x80, s19, s31, $0xb8;
	[tilespmem:$0x1E000] =	vst v63  }
0x18f: {  	_ =	swait.ge [sflag:s7], $0x4000  }
0x190: {  	[sflag:s7] =	ssyncset.done $0x0  }
0x191: {  	[sflag:s7] =	ssyncadd.s32 $0xFFFFC000  }
0x192: {  	[spmem:s2] =	stream.indirect.scatter.add.f32 [tilespmem:s0], [sflag:$0x4], $0x80, s20, s31, $0xb8;
	[tilespmem:$0x1E000] =	vst v63  }
0x193: {  	_ =	swait.ge [sflag:s8], $0x4000  }
0x194: {  	[sflag:s8] =	ssyncset.done $0x0  }
0x195: {  	[sflag:s8] =	ssyncadd.s32 $0xFFFFC000  }
0x196: {  	[tilespmem:s1], [sflag:$0x1] =	stream.indirect.gather [hbm4b:s4+s31], $0x80, s21, s31, $0xb8;
	[tilespmem:$0x1E000] =	vst v63  }
0x197: {  	_ =	swait.ge [sflag:s9], $0x4000  }
0x198: {  	[sflag:s9] =	ssyncset.done $0x0  }
0x199: {  	[sflag:s9] =	ssyncadd.s32 $0xFFFFC000  }
0x19a: {  	[tilespmem:s0], [sflag:$0x2] =	stream.indirect.gather [hbm4b:s4+s31], $0x80, s22, s31, $0xb8;
	[tilespmem:$0x1E000] =	vst v63  }
0x19b: {  	_ =	swait.ge [sflag:s6], $0x4000  }
0x19c: {  	[sflag:s6] =	ssyncset.done $0x0  }
0x19d: {  	[sflag:s6] =	ssyncadd.s32 $0xFFFFC000  }
0x19e: {  	[spmem:s2] =	stream.indirect.scatter.add.f32 [tilespmem:s1], [sflag:$0x3], $0x80, s23, s31, $0xb8;
	[tilespmem:$0x1E000] =	vst v63  }
0x19f: {  	_ =	swait.ge [sflag:s7], $0x4000  }
0x1a0: {  	[sflag:s7] =	ssyncset.done $0x0  }
0x1a1: {  	p0 =	sne.s32 s5, $0x400;
	[sflag:s7] =	ssyncadd.s32 $0xFFFFC000  }
0x1a2: {  	[spmem:s2] =	stream.indirect.scatter.add.f32 [tilespmem:s0], [sflag:$0x4], $0x80, s24, s31, $0xb8;
	[tilespmem:$0x1E000] =	vst v63  }
.Ltmp1:
0x1a3: {  	_ =	swait.ge [sflag:s8], $0x4000;
	(pc) =	sbr.rel @p0 .LBB2_4-.Ltmp1, $4  }
0x1a4: {  	[sflag:s8] =	ssyncset.done $0x0  }
0x1a5: {  	[sflag:s8] =	ssyncadd.s32 $0xFFFFC000  }
0x1a6: {  	_ =	swait.ge [sflag:s9], $0x4000  }
0x1a7: {  	s5 =	sadd.s32 $0x100, s5;
	s25 =	rddreg [dreg:$0x5];
	[sflag:s9] =	ssyncset.done $0x0  }
0x1a8: {  	[sflag:s9] =	ssyncadd.s32 $0xFFFFC000;
	s5 =	sadd.s32 s26, s25  }
0x1a9: {  	[tilespmem:s3], [sflag:$0x5] =	stream.linear.gather [hbm4b:s5+s3], $0x800, $0x38;
	[tilespmem:$0x1E000] =	vst v63  }
0x1aa: {  	_ =	swait.ge [sflag:s29], $0x800  }
0x1ab: {  	s25 =	rddreg [dreg:$0x4];
	[sflag:s29] =	ssyncset.done $0x0  }
0x1ac: {  	[sflag:s29] =	ssyncadd.s32 $0xFFFFF800;
	s5 =	sadd.s32 s26, s25  }
0x1ad: {  	[tilespmem:s30], [sflag:$0x5] =	stream.linear.gather [hbm4b:s5+s3], $0x800, $0x38;
	[tilespmem:$0x1E000] =	vst v63  }
0x1ae: {  	_ =	swait.ge [sflag:s29], $0x800  }
0x1af: {  	[sflag:s29] =	ssyncset.done $0x0  }
0x1b0: {  	[sflag:s29] =	ssyncadd.s32 $0xFFFFF800  }
0x1b1: {  	[tilespmem:s1], [sflag:$0x1] =	stream.indirect.gather [hbm4b:s4+s31], $0x80, s3, s31, $0xb8;
	[tilespmem:$0x1E000] =	vst v63  }
0x1b2: {  	_ = 	snop  }
0x1b3: {  	[tilespmem:s0], [sflag:$0x2] =	stream.indirect.gather [hbm4b:s4+s31], $0x80, s31, s31, $0xb8;
	[tilespmem:$0x1E000] =	vst v63  }
0x1b4: {  	_ =	swait.ge [sflag:s6], $0x4000  }
0x1b5: {  	[sflag:s6] =	ssyncset.done $0x0  }
0x1b6: {  	[sflag:s6] =	ssyncadd.s32 $0xFFFFC000  }
0x1b7: {  	[spmem:s2] =	stream.indirect.scatter.add.f32 [tilespmem:s1], [sflag:$0x3], $0x80, s30, s31, $0xb8;
	[tilespmem:$0x1E000] =	vst v63  }
0x1b8: {  	_ =	swait.ge [sflag:s7], $0x4000  }
0x1b9: {  	[sflag:s7] =	ssyncset.done $0x0  }
0x1ba: {  	s26 =	rddreg [dreg:$0x6];
	[sflag:s7] =	ssyncadd.s32 $0xFFFFC000  }
0x1bb: {  	[spmem:s2] =	stream.indirect.scatter.add.f32 [tilespmem:s0], [sflag:$0x4], $0x80, s26, s31, $0xb8;
	[tilespmem:$0x1E000] =	vst v63  }
0x1bc: {  	_ =	swait.ge [sflag:s8], $0x4000  }
0x1bd: {  	[sflag:s8] =	ssyncset.done $0x0  }
0x1be: {  	s28 =	rddreg [dreg:$0x7];
	[sflag:s8] =	ssyncadd.s32 $0xFFFFC000  }
0x1bf: {  	[tilespmem:s1], [sflag:$0x1] =	stream.indirect.gather [hbm4b:s4+s31], $0x80, s28, s31, $0xb8;
	[tilespmem:$0x1E000] =	vst v63  }
0x1c0: {  	_ =	swait.ge [sflag:s9], $0x4000  }
0x1c1: {  	[sflag:s9] =	ssyncset.done $0x0  }
0x1c2: {  	s25 =	rddreg [dreg:$0x8];
	[sflag:s9] =	ssyncadd.s32 $0xFFFFC000  }
0x1c3: {  	[tilespmem:s0], [sflag:$0x2] =	stream.indirect.gather [hbm4b:s4+s31], $0x80, s25, s31, $0xb8;
	[tilespmem:$0x1E000] =	vst v63  }
0x1c4: {  	_ =	swait.ge [sflag:s6], $0x4000  }
0x1c5: {  	[sflag:s6] =	ssyncset.done $0x0  }
0x1c6: {  	s26 =	rddreg [dreg:$0x9];
	[sflag:s6] =	ssyncadd.s32 $0xFFFFC000  }
0x1c7: {  	[spmem:s2] =	stream.indirect.scatter.add.f32 [tilespmem:s1], [sflag:$0x3], $0x80, s26, s31, $0xb8;
	[tilespmem:$0x1E000] =	vst v63  }
0x1c8: {  	_ =	swait.ge [sflag:s7], $0x4000  }
0x1c9: {  	[sflag:s7] =	ssyncset.done $0x0  }
0x1ca: {  	s28 =	rddreg [dreg:$0xa];
	[sflag:s7] =	ssyncadd.s32 $0xFFFFC000  }
0x1cb: {  	[spmem:s2] =	stream.indirect.scatter.add.f32 [tilespmem:s0], [sflag:$0x4], $0x80, s28, s31, $0xb8;
	[tilespmem:$0x1E000] =	vst v63  }
0x1cc: {  	_ =	swait.ge [sflag:s8], $0x4000  }
0x1cd: {  	[sflag:s8] =	ssyncset.done $0x0  }
0x1ce: {  	s25 =	rddreg [dreg:$0xb];
	[sflag:s8] =	ssyncadd.s32 $0xFFFFC000  }
0x1cf: {  	[tilespmem:s1], [sflag:$0x1] =	stream.indirect.gather [hbm4b:s4+s31], $0x80, s25, s31, $0xb8;
	[tilespmem:$0x1E000] =	vst v63  }
0x1d0: {  	_ =	swait.ge [sflag:s9], $0x4000  }
0x1d1: {  	[sflag:s9] =	ssyncset.done $0x0  }
0x1d2: {  	s26 =	rddreg [dreg:$0xc];
	[sflag:s9] =	ssyncadd.s32 $0xFFFFC000  }
0x1d3: {  	[tilespmem:s0], [sflag:$0x2] =	stream.indirect.gather [hbm4b:s4+s31], $0x80, s26, s31, $0xb8;
	[tilespmem:$0x1E000] =	vst v63  }
0x1d4: {  	_ =	swait.ge [sflag:s6], $0x4000  }
0x1d5: {  	[sflag:s6] =	ssyncset.done $0x0  }
0x1d6: {  	s28 =	rddreg [dreg:$0xd];
	[sflag:s6] =	ssyncadd.s32 $0xFFFFC000  }
0x1d7: {  	[spmem:s2] =	stream.indirect.scatter.add.f32 [tilespmem:s1], [sflag:$0x3], $0x80, s28, s31, $0xb8;
	[tilespmem:$0x1E000] =	vst v63  }
0x1d8: {  	_ =	swait.ge [sflag:s7], $0x4000  }
0x1d9: {  	[sflag:s7] =	ssyncset.done $0x0  }
0x1da: {  	s25 =	rddreg [dreg:$0xe];
	[sflag:s7] =	ssyncadd.s32 $0xFFFFC000  }
0x1db: {  	[spmem:s2] =	stream.indirect.scatter.add.f32 [tilespmem:s0], [sflag:$0x4], $0x80, s25, s31, $0xb8;
	[tilespmem:$0x1E000] =	vst v63  }
0x1dc: {  	_ =	swait.ge [sflag:s8], $0x4000  }
0x1dd: {  	[sflag:s8] =	ssyncset.done $0x0  }
0x1de: {  	s26 =	rddreg [dreg:$0xf];
	[sflag:s8] =	ssyncadd.s32 $0xFFFFC000  }
0x1df: {  	[tilespmem:s1], [sflag:$0x1] =	stream.indirect.gather [hbm4b:s4+s31], $0x80, s26, s31, $0xb8;
	[tilespmem:$0x1E000] =	vst v63  }
0x1e0: {  	_ =	swait.ge [sflag:s9], $0x4000  }
0x1e1: {  	[sflag:s9] =	ssyncset.done $0x0  }
0x1e2: {  	s28 =	rddreg [dreg:$0x10];
	[sflag:s9] =	ssyncadd.s32 $0xFFFFC000  }
0x1e3: {  	[tilespmem:s0], [sflag:$0x2] =	stream.indirect.gather [hbm4b:s4+s31], $0x80, s28, s31, $0xb8;
	[tilespmem:$0x1E000] =	vst v63  }
0x1e4: {  	_ =	swait.ge [sflag:s6], $0x4000  }
0x1e5: {  	[sflag:s6] =	ssyncset.done $0x0  }
0x1e6: {  	s25 =	rddreg [dreg:$0x11];
	[sflag:s6] =	ssyncadd.s32 $0xFFFFC000  }
0x1e7: {  	[spmem:s2] =	stream.indirect.scatter.add.f32 [tilespmem:s1], [sflag:$0x3], $0x80, s25, s31, $0xb8;
	[tilespmem:$0x1E000] =	vst v63  }
0x1e8: {  	_ =	swait.ge [sflag:s7], $0x4000  }
0x1e9: {  	[sflag:s7] =	ssyncset.done $0x0  }
0x1ea: {  	s26 =	rddreg [dreg:$0x12];
	[sflag:s7] =	ssyncadd.s32 $0xFFFFC000  }
0x1eb: {  	[spmem:s2] =	stream.indirect.scatter.add.f32 [tilespmem:s0], [sflag:$0x4], $0x80, s26, s31, $0xb8;
	[tilespmem:$0x1E000] =	vst v63  }
0x1ec: {  	_ =	swait.ge [sflag:s8], $0x4000  }
0x1ed: {  	[sflag:s8] =	ssyncset.done $0x0  }
0x1ee: {  	s28 =	rddreg [dreg:$0x13];
	[sflag:s8] =	ssyncadd.s32 $0xFFFFC000  }
0x1ef: {  	[tilespmem:s1], [sflag:$0x1] =	stream.indirect.gather [hbm4b:s4+s31], $0x80, s28, s31, $0xb8;
	[tilespmem:$0x1E000] =	vst v63  }
0x1f0: {  	_ =	swait.ge [sflag:s9], $0x4000  }
0x1f1: {  	[sflag:s9] =	ssyncset.done $0x0  }
0x1f2: {  	[sflag:s9] =	ssyncadd.s32 $0xFFFFC000  }
0x1f3: {  	[tilespmem:s0], [sflag:$0x2] =	stream.indirect.gather [hbm4b:s4+s31], $0x80, s10, s31, $0xb8;
	[tilespmem:$0x1E000] =	vst v63  }
0x1f4: {  	_ =	swait.ge [sflag:s6], $0x4000  }
0x1f5: {  	[sflag:s6] =	ssyncset.done $0x0  }
0x1f6: {  	[sflag:s6] =	ssyncadd.s32 $0xFFFFC000  }
0x1f7: {  	[spmem:s2] =	stream.indirect.scatter.add.f32 [tilespmem:s1], [sflag:$0x3], $0x80, s11, s31, $0xb8;
	[tilespmem:$0x1E000] =	vst v63  }
0x1f8: {  	_ =	swait.ge [sflag:s7], $0x4000  }
0x1f9: {  	[sflag:s7] =	ssyncset.done $0x0  }
0x1fa: {  	[sflag:s7] =	ssyncadd.s32 $0xFFFFC000  }
0x1fb: {  	[spmem:s2] =	stream.indirect.scatter.add.f32 [tilespmem:s0], [sflag:$0x4], $0x80, s12, s31, $0xb8;
	[tilespmem:$0x1E000] =	vst v63  }
0x1fc: {  	_ =	swait.ge [sflag:s8], $0x4000  }
0x1fd: {  	[sflag:s8] =	ssyncset.done $0x0  }
0x1fe: {  	[sflag:s8] =	ssyncadd.s32 $0xFFFFC000  }
0x1ff: {  	[tilespmem:s1], [sflag:$0x1] =	stream.indirect.gather [hbm4b:s4+s31], $0x80, s13, s31, $0xb8;
	[tilespmem:$0x1E000] =	vst v63  }
0x200: {  	_ =	swait.ge [sflag:s9], $0x4000  }
0x201: {  	[sflag:s9] =	ssyncset.done $0x0  }
0x202: {  	[sflag:s9] =	ssyncadd.s32 $0xFFFFC000  }
0x203: {  	[tilespmem:s0], [sflag:$0x2] =	stream.indirect.gather [hbm4b:s4+s31], $0x80, s14, s31, $0xb8;
	[tilespmem:$0x1E000] =	vst v63  }
0x204: {  	_ =	swait.ge [sflag:s6], $0x4000  }
0x205: {  	[sflag:s6] =	ssyncset.done $0x0  }
0x206: {  	[sflag:s6] =	ssyncadd.s32 $0xFFFFC000  }
0x207: {  	[spmem:s2] =	stream.indirect.scatter.add.f32 [tilespmem:s1], [sflag:$0x3], $0x80, s15, s31, $0xb8;
	[tilespmem:$0x1E000] =	vst v63  }
0x208: {  	_ =	swait.ge [sflag:s7], $0x4000  }
0x209: {  	[sflag:s7] =	ssyncset.done $0x0  }
0x20a: {  	[sflag:s7] =	ssyncadd.s32 $0xFFFFC000  }
0x20b: {  	[spmem:s2] =	stream.indirect.scatter.add.f32 [tilespmem:s0], [sflag:$0x4], $0x80, s16, s31, $0xb8;
	[tilespmem:$0x1E000] =	vst v63  }
0x20c: {  	_ =	swait.ge [sflag:s8], $0x4000  }
0x20d: {  	[sflag:s8] =	ssyncset.done $0x0  }
0x20e: {  	[sflag:s8] =	ssyncadd.s32 $0xFFFFC000  }
0x20f: {  	[tilespmem:s1], [sflag:$0x1] =	stream.indirect.gather [hbm4b:s4+s31], $0x80, s17, s31, $0xb8;
	[tilespmem:$0x1E000] =	vst v63  }
0x210: {  	_ =	swait.ge [sflag:s9], $0x4000  }
0x211: {  	[sflag:s9] =	ssyncset.done $0x0  }
0x212: {  	[sflag:s9] =	ssyncadd.s32 $0xFFFFC000  }
0x213: {  	[tilespmem:s0], [sflag:$0x2] =	stream.indirect.gather [hbm4b:s4+s31], $0x80, s18, s31, $0xb8;
	[tilespmem:$0x1E000] =	vst v63  }
0x214: {  	_ =	swait.ge [sflag:s6], $0x4000  }
0x215: {  	[sflag:s6] =	ssyncset.done $0x0  }
0x216: {  	[sflag:s6] =	ssyncadd.s32 $0xFFFFC000  }
0x217: {  	[spmem:s2] =	stream.indirect.scatter.add.f32 [tilespmem:s1], [sflag:$0x3], $0x80, s19, s31, $0xb8;
	[tilespmem:$0x1E000] =	vst v63  }
0x218: {  	_ =	swait.ge [sflag:s7], $0x4000  }
0x219: {  	[sflag:s7] =	ssyncset.done $0x0  }
0x21a: {  	[sflag:s7] =	ssyncadd.s32 $0xFFFFC000  }
0x21b: {  	[spmem:s2] =	stream.indirect.scatter.add.f32 [tilespmem:s0], [sflag:$0x4], $0x80, s20, s31, $0xb8;
	[tilespmem:$0x1E000] =	vst v63  }
0x21c: {  	_ =	swait.ge [sflag:s8], $0x4000  }
0x21d: {  	[sflag:s8] =	ssyncset.done $0x0  }
0x21e: {  	[sflag:s8] =	ssyncadd.s32 $0xFFFFC000  }
0x21f: {  	[tilespmem:s1], [sflag:$0x1] =	stream.indirect.gather [hbm4b:s4+s31], $0x80, s21, s31, $0xb8;
	[tilespmem:$0x1E000] =	vst v63  }
0x220: {  	_ =	swait.ge [sflag:s9], $0x4000  }
0x221: {  	[sflag:s9] =	ssyncset.done $0x0  }
0x222: {  	[sflag:s9] =	ssyncadd.s32 $0xFFFFC000  }
0x223: {  	[tilespmem:s0], [sflag:$0x2] =	stream.indirect.gather [hbm4b:s4+s31], $0x80, s22, s31, $0xb8;
	[tilespmem:$0x1E000] =	vst v63  }
0x224: {  	_ =	swait.ge [sflag:s6], $0x4000  }
0x225: {  	[sflag:s6] =	ssyncset.done $0x0  }
0x226: {  	[sflag:s6] =	ssyncadd.s32 $0xFFFFC000  }
0x227: {  	[spmem:s2] =	stream.indirect.scatter.add.f32 [tilespmem:s1], [sflag:$0x3], $0x80, s23, s31, $0xb8;
	[tilespmem:$0x1E000] =	vst v63  }
0x228: {  	_ =	swait.ge [sflag:s7], $0x4000  }
0x229: {  	[sflag:s7] =	ssyncset.done $0x0  }
0x22a: {  	[sflag:s7] =	ssyncadd.s32 $0xFFFFC000  }
0x22b: {  	[spmem:s2] =	stream.indirect.scatter.add.f32 [tilespmem:s0], [sflag:$0x4], $0x80, s24, s31, $0xb8;
	[tilespmem:$0x1E000] =	vst v63  }
0x22c: {  	_ =	swait.ge [sflag:s8], $0x4000  }
0x22d: {  	[sflag:s8] =	ssyncset.done $0x0  }
0x22e: {  	[sflag:s8] =	ssyncadd.s32 $0xFFFFC000  }
0x22f: {  	_ =	swait.ge [sflag:s9], $0x4000  }
0x230: {  	[sflag:s9] =	ssyncset.done $0x0  }
0x231: {  	[sflag:s9] =	ssyncadd.s32 $0xFFFFC000  }
0x232: {  	s25 =	stileid.u32;
	[bflag:$0x0] =	sbarrier.arrive $0xFFFF  }
0x233: {  	s5 =	sshll.u32 s25, $0x6;
	s26 =	rddreg [dreg:$0x14]  }
0x234: {  	s5 =	sor.u32 $0x1C05, s5;
	s28 =	rddreg [dreg:$0x15];
	s25 =	sshrl.u32 s26, $0x3  }
0x235: {  	[hbm:s28], [sflag:s5] =	dma.local [spmem:s25], $0x2800  }
0x236: {  	_ =	swait.ge [sflag:s29], $0x2800  }
0x237: {  	s26 =	sld [smem:$0x7F3];
	_ =	sdelay $0x2  }
0x238: {  	s28 =	rddreg [dreg:$0x16];
	s25 =	sadd.s32 $0x1, s26  }
0x239: {  	p0 =	sne.s32 s25, s28  }
.Ltmp2:
0x23a: {  	_ = 	snop;
	(pc) =	sbr.rel @p0 .LBB2_1-.Ltmp2, $3  }
0x23b: {  	_ =	sdelay $0x1  }
0x23c: {  	[sflag:s29] =	ssyncset.done $0x0  }
0x23d: {  	[sflag:s29] =	ssyncadd.s32 $0xFFFFD800  }
0x23e: {  	_ =	sfence.sel $0x180000  }
0x23f: {  	[bflag:$0x0] =	sbarrier.arrive $0xFFFF  }
0x240: {  	_ =	strace $0x9000004D  }
0x241: {  	s0 =	stileid.u32;
	[bflag:$0x2] =	sbarrier.arrive $0xFFFF  }
0x242: {  	p0 =	sne.s32 s0, $0x0;
	s0 =	rddreg [dreg:$0x3]  }
0x243: {  	s0 =	sadd.s32 @!p0 $0x100000, s0  }
0x244: {  	[sflag:s0] =	ssyncadd.tile.s32 @!p0 $0x1;
	_ =	shalt  }
.Lfunc_end2:
_tile_overlayer_lowered:
.L_overlay_start_2:
0x245: {  	(tag) =	ssettag $0x2  }
0x246: {  	s0 =	rddreg [dreg:$0x0];
	s2 =	stileid.u32  }
0x247: {  	s1 =	rddreg [dreg:$0x1];
	p0 =	sne.s32 s2, $0x0  }
0x248: {  	s3 =	rddreg [dreg:$0x2];
	[bflag:$0x3] =	sbarrier.arrive $0xFFFF;
	s2 =	simm.s32 @!p0 $0x1C05  }
0x249: {  	[timem:s3], [sflag:s2] =	dma.local @!p0 [hbm:s0], s1  }
0x24a: {  	s0 =	simm.s32 @!p0 $0x5  }
0x24b: {  	_ =	swait.ge @!p0 [sflag:s0], s1  }
0x24c: {  	s1 =	ssub.s32 @!p0 $0x0, s1;
	[sflag:s0] =	ssyncset.done @!p0 $0x0  }
0x24d: {  	[sflag:s0] =	ssyncadd.s32 @!p0 s1  }
0x24e: {  	[bflag:$0x3] =	sbarrier.arrive $0xFFFF  }
0x24f: {  	_ =	shalt  }

// kernel: kernel.18.cloned.1.call-start
scs
__scs_entry_jumppad:
0x0: {  	(pc) =	sbr.rel $0x88, $3  }
0x1: {  	(tag) =	ssettag $0x0;
	lr =	simm.s32 $0x1  }
0x2: {  	[smem:$0x3F95] =	sst lr;
	_ =	strace $0xD0000000  }
0x3: {  	_ = 	snop  }
0x4: {  	_ = 	snop  }
0x5: {  	_ = 	snop  }
0x6: {  	_ = 	snop  }
0x7: {  	_ = 	snop  }
__scs_overlays_trampoline_lowered:
0x8: {  	[smem:$0x3FA4] =	sst s0  }
0x9: {  	[smem:$0x3FA5] =	sst s1  }
0xa: {  	[smem:$0x3FA6] =	sst s2  }
0xb: {  	[smem:$0x3FA7] =	sst s3  }
0xc: {  	[smem:$0x3FA8] =	sst s4  }
0xd: {  	[smem:$0x3FA9] =	sst s5  }
0xe: {  	[smem:$0x3FAA] =	sst s6  }
0xf: {  	[smem:$0x3FAB] =	sst s7  }
0x10: {  	[smem:$0x3FAC] =	sst s8  }
0x11: {  	[smem:$0x3FAD] =	sst s9;
	s0 =	simm.s32 @!p0 $0x0  }
0x12: {  	s1 =	sld [smem:$0x3F93];
	s0 =	simm.s32 @p0 $0x1  }
0x13: {  	[smem:$0x3FAE] =	sst s0;
	s0 =	simm.s32 @!p1 $0x0  }
0x14: {  	s2 =	sld [smem:$0x3F92];
	s0 =	simm.s32 @p1 $0x1  }
0x15: {  	[smem:$0x3FAF] =	sst s0;
	s0 =	simm.s32 @!p2 $0x0  }
0x16: {  	s3 =	sld [smem:$0x3FDB];
	s0 =	simm.s32 @p2 $0x1  }
0x17: {  	s4 =	simm.s32 $0x1BF5;
	[smem:$0x3FB1] =	sst s0  }
0x18: {  	s0 =	sld [smem:$0x3F94];
	_ =	swait.ge [sflag:s4], $0x0  }
0x19: {  	s7 =	sld [smem:$0x3F95]  }
0x1a: {  	s8 =	sadd.s32 $0xFFFFE003, lr  }
0x1b: {  	s9 =	sadd.s32 $0xFFFFFEF7, lr;
	s5 =	simm.s32 $0xFFFFFFFF;
	p2 =	slt.u32 s8, $0xFFFFF086  }
0x1c: {  	p1 =	slt.u32 s9, $0xF7A;
	s5 =	simm.s32 @!p2 $0x0  }
0x1d: {  	s5 =	simm.s32 @p1 $0x1;
	p0 =	seq.s32 s7, s2  }
0x1e: {  	s7 =	smul.u32 @!p0 $0xF7A, s2;
	p2 =	seq.s32 @!p0 s5, $0x0  }
0x1f: {  	s9 =	smul.u32 $0xF7A, s1;
	s8 =	simm.s32 @!p0 $0x1BF5;
	p2 =	por !p2, p0  }
0x20: {  	[sflag:s8] =	ssyncset.s32 @!p0 $0xFFFFF086;
	s6 =	sadd.s32 @!p0 s3, s7;
	s7 =	simm.s32 @!p0 $0x108  }
0x21: {  	s3 =	sadd.s32 s3, s9;
	s6 =	sadd.s32 @!p0 $0x88, s6;
	s7 =	simm.s32 @p2 $0x1082  }
0x22: {  	[simem:s7], [sflag:s8] =	dma.local @!p0 [hbm:s6], $0xF7A  }
0x23: {  	s9 =	sor.u32 $0xD0000000, s2;
	s6 =	simm.s32 $0x108;
	_ =	swait.ge @!p0 [sflag:s8], $0x0  }
0x24: {  	s3 =	sadd.s32 $0x88, s3;
	s6 =	simm.s32 @!p1 $0x1082;
	[sflag:s4] =	ssyncset.s32 $0xFFFFF086  }
0x25: {  	[simem:s6], [sflag:s4] =	dma.local [hbm:s3], $0xF7A  }
0x26: {  	[smem:$0x3F95] =	sst s1;
	(tag) =	ssettag s2;
	_ =	strace s9  }
0x27: {  	s1 =	sld [smem:$0x3FA5]  }
0x28: {  	s2 =	sld [smem:$0x3FA6]  }
0x29: {  	s4 =	sld [smem:$0x3FA8]  }
0x2a: {  	p0 =	seq.s32 s5, $0x0;
	s5 =	sld [smem:$0x3FA9]  }
0x2b: {  	s6 =	sld [smem:$0x3FAA]  }
0x2c: {  	s7 =	sld [smem:$0x3FAB]  }
0x2d: {  	s3 =	simm.s32 $0x108;
	s8 =	sld [smem:$0x3FAC]  }
0x2e: {  	s3 =	simm.s32 @!p0 $0x1082;
	s9 =	sld [smem:$0x3FAD]  }
0x2f: {  	lr =	sadd.s32 s0, s3;
	s0 =	sld [smem:$0x3FA4]  }
0x30: {  	s3 =	sld [smem:$0x3FA7]  }
0x31: {  	[smem:$0x3FB0] =	sst s10  }
0x32: {  	s10 =	sld [smem:$0x3FAE];
	_ =	sdelay $0x3  }
0x33: {  	p0 =	seq.s32 s10, $0x1;
	s10 =	sld [smem:$0x3FB0];
	_ =	sdelay $0x3  }
0x34: {  	[smem:$0x3FB0] =	sst s10  }
0x35: {  	s10 =	sld [smem:$0x3FAF];
	_ =	sdelay $0x3  }
0x36: {  	p1 =	seq.s32 s10, $0x1;
	s10 =	sld [smem:$0x3FB0];
	_ =	sdelay $0x3  }
0x37: {  	[smem:$0x3FB0] =	sst s10  }
0x38: {  	s10 =	sld [smem:$0x3FB1]  }
0x39: {  	_ = 	snop;
	(pc) =	sbr.ind lr, $3  }
0x3a: {  	_ = 	snop  }
0x3b: {  	_ = 	snop  }
0x3c: {  	p2 =	seq.s32 s10, $0x1;
	s10 =	sld [smem:$0x3FB0]  }
0x3d: {  	_ =	shalt  }
0x3e: {  	_ =	shalt  }
0x3f: {  	_ =	shalt  }
0x40: {  	_ =	shalt  }
0x41: {  	_ =	shalt  }
0x42: {  	_ =	shalt  }
0x43: {  	_ =	shalt  }
0x44: {  	_ =	shalt  }
0x45: {  	_ =	shalt  }
0x46: {  	_ =	shalt  }
0x47: {  	_ =	shalt  }
0x48: {  	_ =	shalt  }
0x49: {  	_ =	shalt  }
0x4a: {  	_ =	shalt  }
0x4b: {  	_ =	shalt  }
0x4c: {  	_ =	shalt  }
0x4d: {  	_ =	shalt  }
0x4e: {  	_ =	shalt  }
0x4f: {  	_ =	shalt  }
0x50: {  	_ =	shalt  }
0x51: {  	_ =	shalt  }
0x52: {  	_ =	shalt  }
0x53: {  	_ =	shalt  }
0x54: {  	_ =	shalt  }
0x55: {  	_ =	shalt  }
0x56: {  	_ =	shalt  }
0x57: {  	_ =	shalt  }
0x58: {  	_ =	shalt  }
0x59: {  	_ =	shalt  }
0x5a: {  	_ =	shalt  }
0x5b: {  	_ =	shalt  }
0x5c: {  	_ =	shalt  }
0x5d: {  	_ =	shalt  }
0x5e: {  	_ =	shalt  }
0x5f: {  	_ =	shalt  }
0x60: {  	_ =	shalt  }
0x61: {  	_ =	shalt  }
0x62: {  	_ =	shalt  }
0x63: {  	_ =	shalt  }
0x64: {  	_ =	shalt  }
0x65: {  	_ =	shalt  }
0x66: {  	_ =	shalt  }
0x67: {  	_ =	shalt  }
0x68: {  	_ =	shalt  }
0x69: {  	_ =	shalt  }
0x6a: {  	_ =	shalt  }
0x6b: {  	_ =	shalt  }
0x6c: {  	_ =	shalt  }
0x6d: {  	_ =	shalt  }
0x6e: {  	_ =	shalt  }
0x6f: {  	_ =	shalt  }
0x70: {  	_ =	shalt  }
0x71: {  	_ =	shalt  }
0x72: {  	_ =	shalt  }
0x73: {  	_ =	shalt  }
0x74: {  	_ =	shalt  }
0x75: {  	_ =	shalt  }
0x76: {  	_ =	shalt  }
0x77: {  	_ =	shalt  }
0x78: {  	_ =	shalt  }
0x79: {  	_ =	shalt  }
0x7a: {  	_ =	shalt  }
0x7b: {  	_ =	shalt  }
0x7c: {  	_ =	shalt  }
0x7d: {  	_ =	shalt  }
0x7e: {  	_ =	shalt  }
0x7f: {  	_ =	shalt  }
0x80: {  	_ =	shalt  }
0x81: {  	_ =	shalt  }
0x82: {  	_ =	shalt  }
0x83: {  	_ =	shalt  }
0x84: {  	_ =	shalt  }
0x85: {  	_ =	shalt  }
0x86: {  	_ =	shalt  }
0x87: {  	_ =	shalt  }
.Lfunc_end0:
.L_simem_size_0:
called_computation.3_lowered:
.L_overlay_start_0:
0x88: {  	s2 =	sld [smem:$0x3FD9]  }
0x89: {  	s3 =	sld [smem:$0x3FFE];
	_ =	sdelay $0x1  }
0x8a: {  	s1 =	srdreg.scid  }
0x8b: {  	s0 =	sand.u32 $0x1, s1  }
0x8c: {  	s14 =	sshll.u32 s0, $0xA;
	s2 =	sadd.s32 s3, s2  }
0x8d: {  	s2 =	sadd.s32 s2, s14  }
0x8e: {  	[smem:$0x3FBC] =	sst s2  }
0x8f: {  	_ = 	snop  }
0x90: {  	s2 =	sld [smem:$0x3FD0];
	_ =	sdelay $0x2  }
0x91: {  	s15 =	simm.s32 $0xA;
	s4 =	simm.s32 $0x10  }
0x92: {  	[smem:s4], [sflag:s15] =	dma.local [hbm:s2], $0x1  }
0x93: {  	_ =	swait.eq [sflag:s15], $0x1  }
0x94: {  	[sflag:s15] =	ssyncset.done $0x0  }
0x95: {  	[sflag:s15] =	ssyncadd.s32 $0xFFFFFFFF  }
0x96: {  	s16 =	sld [smem:$0x12];
	(tm) =	ssettm $0x1  }
0x97: {  	s17 =	sld [smem:$0x3FFB];
	_ =	sdelay $0x3  }
0x98: {  	_ =	strace s17  }
0x99: {  	s3 =	sld [smem:$0x3FFC];
	_ =	sdelay $0x3  }
0x9a: {  	_ =	strace s3  }
0x9b: {  	s3 =	sld [smem:$0x3FFD];
	_ =	sdelay $0x3  }
0x9c: {  	_ =	strace s3  }
0x9d: {  	_ =	strace $0x8FFFFFFF  }
0x9e: {  	s18 =	sld [smem:$0x3FDB];
	_ =	sdelay $0x1  }
0x9f: {  	s19 =	simm.s32 $_scs_section_size  }
0xa0: {  	s5 =	simm.s32 $_size__tile_overlayer_lowered;
	s6 =	simm.s32 $_tile_overlayer_lowered  }
0xa1: {  	s22 =	simm.s32 $0x1BFF;
	s21 =	sshll.u32 s6, $0x1;
	s3 =	sadd.s32 s19, s18  }
0xa2: {  	s7 =	simm.s32 $0x0;
	s20 =	sshll.u32 s5, $0x1;
	s5 =	sadd.s32 s21, s3  }
0xa3: {  	[timem:s7], [sflag:s22] =	dma.local [hbm:s5], s20  }
0xa4: {  	_ =	swait.ge [sflag:s22], s20  }
0xa5: {  	s4 =	ssub.s32 $0x0, s20;
	[sflag:s22] =	ssyncset.done $0x0  }
0xa6: {  	[sflag:s22] =	ssyncadd.s32 s4;
	_ =	sdelay $0x1  }
0xa7: {  	s23 =	simm.s32 $0x1B8B  }
0xa8: {  	_ =	swait.ge [sflag:s23], $0x1  }
0xa9: {  	[sflag:s23] =	ssyncset.done $0x0  }
0xaa: {  	s25 =	simm.s32 $0x1B8E;
	s24 =	sld [smem:$0x3FFE];
	[sflag:s23] =	ssyncadd.s32 $0xFFFFFFFF  }
0xab: {  	s26 =	simm.s32 $execute0_lowered;
	[smem:$0x3FD2] =	sst s25  }
0xac: {  	s5 =	sshll.u32 s26, $0x1;
	_ =	strace $0x8000004F;
	[dreg:$0x1] =	wrdreg $0xFFFFFFFF  }
0xad: {  	s28 =	simm.s32 $_size_execute0_lowered;
	s3 =	sadd.s32 s3, s5;
	[dreg:$0x0] =	wrdreg $0x0  }
0xae: {  	s5 =	sshll.u32 s28, $0x1;
	[dreg:$0x2] =	wrdreg s3  }
0xaf: {  	[dreg:$0x3] =	wrdreg s5  }
0xb0: {  	[dreg:$0x4] =	wrdreg $0xC0  }
0xb1: {  	_ =	task [dreg:s7], $0x5FFFF  }
0xb2: {  	[dreg:$0x1] =	wrdreg $0xFFFFFFFF  }
0xb3: {  	[dreg:$0x0] =	wrdreg $0x60  }
0xb4: {  	[dreg:$0x2] =	wrdreg s24  }
0xb5: {  	[dreg:$0x3] =	wrdreg s16  }
0xb6: {  	[dreg:$0x4] =	wrdreg $0x9  }
0xb7: {  	_ =	task.clear_ibuf [dreg:s7], $0x5FFFF;
	_ =	strace $0x9000004F  }
0xb8: {  	s29 =	simm.s32 $0x9;
	_ =	strace $0x80000051  }
0xb9: {  	_ =	swait.ge [sflag:s29], $0x1  }
0xba: {  	[sflag:s29] =	ssyncadd.s32 $0xFFFFFFFF  }
0xbb: {  	_ =	strace $0x90000051  }
0xbc: {  	_ =	sfence  }
0xbd: {  	s30 =	sld [smem:$0x0];
	_ =	sdelay $0x2  }
0xbe: {  	s31 =	sshll.u32 s1, $0xD;
	s1 =	sshrl.u32 s1, $0x2  }
0xbf: {  	s3 =	sand.u32 $0x4000, s31;
	s1 =	sadd.s32 s1, s30  }
0xc0: {  	s0 =	sor.u32 s3, s0;
	s1 =	sshll.u32 s1, $0x11  }
0xc1: {  	s0 =	sor.u32 s1, s0  }
0xc2: {  	s0 =	sadd.s32 $0x8F2B, s0  }
0xc3: {  	[sflag:s0] =	ssyncadd.remote.s32 $0x1  }
0xc4: {  	_ =	sfence.sel $0xFFFF  }
0xc5: {  	[dreg:$0x0] =	wrdreg $0xFFFFFFFF;
	(pc) =	sbr.abs _section_cstart, $3  }
0xc6: {  	[dreg:$0x1] =	wrdreg $0xFFFFFFFF  }
0xc7: {  	_ =	task.clear_ibuf [dreg:s7], $0x2FFFF;
	_ =	strace $0x9FFFFFFF  }
0xc8: {  	(tm) =	ssettm $0x7FFFFFFF  }
0xc9: {  	_ =	shalt  }
tec
execute0_lowered:
.L_overlay_start_1:
0x0: {  	(tag) =	ssettag $0x1  }
0x1: {  	s0 =	srdreg.scid;
	s1 =	rddreg [dreg:$0x0]  }
0x2: {  	s2 =	stileid.u32;
	s3 =	simm.s32 $0x0;
	s13 =	simm.s32 $0x5  }
0x3: {  	s15 =	simm.s32 $0x2800;
	s16 =	simm.s32 $0x80;
	s17 =	simm.s32 $0x5000  }
0x4: {  	s18 =	simm.s32 $0x9000;
	s19 =	simm.s32 $0xD000;
	s20 =	simm.s32 $0x11000  }
0x5: {  	s21 =	simm.s32 $0x1;
	s22 =	simm.s32 $0x2;
	s23 =	simm.s32 $0x3  }
0x6: {  	s24 =	simm.s32 $0x4;
	s25 =	simm.s32 $0x0;
	s0 =	sand.u32 $0x1, s0  }
0x7: {  	[smem:$0x7FF] =	sst s3;
	s5 =	sadd.s32 $0x28800, s1;
	s4 =	sshll.u32 s0, $0x4  }
0x8: {  	s7 =	sadd.s32 $0x50A00, s1;
	s0 =	ssub.s32 $0x2, s0;
	s6 =	sor.u32 s2, s4  }
0x9: {  	_ =	strace $0x80000050;
	s8 =	sshrl.u32 s0, $0x1;
	s4 =	smul.u32 $0x500, s6  }
0xa: {  	s10 =	smul.u32 $0x2800, s6;
	s6 =	sadd.s32 $0x50800, s1;
	s0 =	ssub.s32 s0, s8  }
0xb: {  	s11 =	smax.u32 s0, $0x1;
	s9 =	sadd.s32 s4, s1;
	s4 =	sadd.s32 $0x800, s1  }
0xc: {  	v0 =	vimm.bf16 $0.0e+00;
	v7 =	vlaneseq.u32;
	s10 =	sadd.s32 $0xFFFFF900, s10;
	s8 =	sadd.s32 $0x8C800, s9;
	s9 =	sadd.s32 $0x82800, s9  }
.LBB2_1:
0xd: {  	s0 =	rddreg [dreg:$0x1];
	s1 =	simm.s32 $0x15000  }
0xe: {  	[tilespmem:s1], [sflag:$0x5] =	stream.linear.gather [hbm4b:s0+s3], $0x800, $0x38;
	[tilespmem:$0x16080] =	vst v63  }
0xf: {  	_ =	swait.ge [sflag:s13], $0x800  }
0x10: {  	[sflag:s13] =	ssyncset.done $0x0  }
0x11: {  	s31 =	simm.s32 $0x15800;
	[sflag:s13] =	ssyncadd.s32 $0xFFFFF800  }
0x12: {  	[tilespmem:s31], [sflag:$0x5] =	stream.linear.gather [hbm4b:s6+s3], $0x80, $0x38;
	[tilespmem:$0x16080] =	vst v63  }
0x13: {  	_ =	swait.ge [sflag:s13], $0x80  }
0x14: {  	[sflag:s13] =	ssyncset.done $0x0  }
0x15: {  	[sflag:s13] =	ssyncadd.s32 $0xFFFFFF80  }
0x16: {  	[tilespmem:s3], [sflag:$0x5] =	stream.linear.gather [hbm4b:s8+s3], $0x2800, $0x38;
	[tilespmem:$0x16080] =	vst v63  }
0x17: {  	_ =	swait.ge [sflag:s13], $0x2800  }
0x18: {  	[sflag:s13] =	ssyncset.done $0x0  }
0x19: {  	[sflag:s13] =	ssyncadd.s32 $0xFFFFD800  }
0x1a: {  	[tilespmem:s15], [sflag:$0x5] =	stream.linear.gather [hbm4b:s9+s3], $0x2800, $0x38;
	[tilespmem:$0x16080] =	vst v63  }
0x1b: {  	_ =	swait.ge [sflag:s13], $0x2800  }
0x1c: {  	[sflag:s13] =	ssyncset.done $0x0  }
0x1d: {  	[sflag:s13] =	ssyncadd.s32 $0xFFFFD800  }
0x1e: {  	v2 =	vld [tilespmem:$0x15800]  }
0x1f: {  	v6 =	vld [tilespmem:$0x15000]  }
0x20: {  	v8 =	vld [tilespmem:$0x15100]  }
0x21: {  	v9 =	vld [tilespmem:$0x15200]  }
0x22: {  	v17 =	vld [tilespmem:$0x15300]  }
0x23: {  	v60 =	vld [tilespmem:$0x15400]  }
0x24: {  	v57 =	vld [tilespmem:$0x15500]  }
0x25: {  	v58 =	vld [tilespmem:$0x15600]  }
0x26: {  	v59 =	vld [tilespmem:$0x15700]  }
0x27: {  	v1 =	vld [tilespmem:$0x15080]  }
0x28: {  	v5 =	vld [tilespmem:$0x15180]  }
0x29: {  	v3 =	vld [tilespmem:$0x15280]  }
0x2a: {  	v61 =	vld [tilespmem:$0x15380]  }
0x2b: {  	v62 =	vld [tilespmem:$0x15480]  }
0x2c: {  	v63 =	vld [tilespmem:$0x15580]  }
0x2d: {  	v51 =	vld [tilespmem:$0x15680]  }
0x2e: {  	v45 =	vld [tilespmem:$0x15780];
	[tilespmem:s17], [sflag:$0x1] =	stream.indirect.gather [hbm4b:s4+s16], $0x80, s3, s16, $0xb8  }
0x2f: {  	_ = 	snop  }
0x30: {  	[tilespmem:s18], [sflag:$0x2] =	stream.indirect.gather [hbm4b:s5+s16], $0x80, s15, s16, $0xb8;
	[tilespmem:$0x16080] =	vst v63  }
0x31: {  	[tilespmem:$0x1FEF0] =	vst v2  }
0x32: {  	[tilespmem:$0x1FF00] =	vst v60  }
0x33: {  	[tilespmem:$0x1FF10] =	vst v57  }
0x34: {  	[tilespmem:$0x1FF20] =	vst v58  }
0x35: {  	[tilespmem:$0x1FF30] =	vst v59  }
0x36: {  	[tilespmem:$0x1FF40] =	vst v61  }
0x37: {  	[tilespmem:$0x1FF50] =	vst v62  }
0x38: {  	[tilespmem:$0x1FF60] =	vst v63  }
0x39: {  	[tilespmem:$0x1FF70] =	vst v51  }
0x3a: {  	[tilespmem:$0x1FF80] =	vst v45  }
0x3b: {  	[tilespmem:$0x1FF90] =	vst v1  }
0x3c: {  	[tilespmem:$0x1FFA0] =	vst v3  }
0x3d: {  	[tilespmem:$0x1FFB0] =	vst v5  }
0x3e: {  	[tilespmem:$0x1FFC0] =	vst v6  }
0x3f: {  	[tilespmem:$0x1FFD0] =	vst v8  }
0x40: {  	[tilespmem:$0x1FFE0] =	vst v9  }
0x41: {  	s26 =	simm.s32 $0x0;
	[tilespmem:$0x1FFF0] =	vst v17  }
.LBB2_2:
0x42: {  	s28 =	sshll.u32 s26, $0x8  }
0x43: {  	s29 =	sor.u32 $0x80, s28  }
0x44: {  	[tilespmem:s19], [sflag:$0x3] =	stream.indirect.gather [hbm4b:s4+s16], $0x80, s29, s16, $0xb8;
	[tilespmem:$0x16080] =	vst v63  }
0x45: {  	s0 =	sadd.s32 $0x2880, s28  }
0x46: {  	[tilespmem:s20], [sflag:$0x4] =	stream.indirect.gather [hbm4b:s5+s16], $0x80, s0, s16, $0xb8;
	[tilespmem:$0x16080] =	vst v63  }
0x47: {  	_ =	swait.ge [sflag:s21], $0x4000  }
0x48: {  	[sflag:s21] =	ssyncset.done $0x0  }
0x49: {  	[sflag:s21] =	ssyncadd.s32 $0xFFFFC000  }
0x4a: {  	_ =	swait.ge [sflag:s22], $0x4000  }
0x4b: {  	[sflag:s22] =	ssyncset.done $0x0  }
0x4c: {  	s1 =	simm.s32 $0x9100;
	[sflag:s22] =	ssyncadd.s32 $0xFFFFC000  }
0x4d: {  	s30 =	simm.s32 $0x5100;
	v4 =	vld [tilespmem:s1+$0xF0]  }
0x4e: {  	v10 =	vld [tilespmem:s30+$0xF0]  }
0x4f: {  	v21 =	vld [tilespmem:s1+$0x70]  }
0x50: {  	v22 =	vld [tilespmem:s30+$0x70]  }
0x51: {  	v23 =	vld [tilespmem:s1+$0xFFFFFFF0]  }
0x52: {  	v24 =	vld [tilespmem:s30+$0xFFFFFFF0]  }
0x53: {  	v25 =	vld [tilespmem:s1+$0xE0]  }
0x54: {  	v26 =	vld [tilespmem:s30+$0xE0]  }
0x55: {  	v27 =	vld [tilespmem:s1+$0xFFFFFF70]  }
0x56: {  	v28 =	vld [tilespmem:s30+$0xFFFFFF70]  }
0x57: {  	v29 =	vld [tilespmem:s1+$0x60]  }
0x58: {  	v30 =	vld [tilespmem:s30+$0x60]  }
0x59: {  	v31 =	vld [tilespmem:s1+$0xFFFFFFE0]  }
0x5a: {  	v32 =	vld [tilespmem:s30+$0xFFFFFFE0]  }
0x5b: {  	v33 =	vld [tilespmem:s1+$0xD0]  }
0x5c: {  	v34 =	vld [tilespmem:s30+$0xD0]  }
0x5d: {  	v35 =	vld [tilespmem:s1+$0xFFFFFF60]  }
0x5e: {  	v36 =	vld [tilespmem:s30+$0xFFFFFF60]  }
0x5f: {  	v37 =	vld [tilespmem:s1+$0x50]  }
0x60: {  	v38 =	vld [tilespmem:s30+$0x50]  }
0x61: {  	v39 =	vld [tilespmem:s1+$0xFFFFFFD0]  }
0x62: {  	v40 =	vld [tilespmem:s30+$0xFFFFFFD0]  }
0x63: {  	v41 =	vld [tilespmem:s1+$0xC0]  }
0x64: {  	v42 =	vld [tilespmem:s30+$0xC0]  }
0x65: {  	v43 =	vld [tilespmem:s1+$0xFFFFFF50]  }
0x66: {  	v44 =	vld [tilespmem:s30+$0xFFFFFF50]  }
0x67: {  	v45 =	vld [tilespmem:s1+$0x40]  }
0x68: {  	v46 =	vld [tilespmem:s30+$0x40]  }
0x69: {  	v47 =	vld [tilespmem:s1+$0xFFFFFFC0]  }
0x6a: {  	v48 =	vld [tilespmem:s30+$0xFFFFFFC0]  }
0x6b: {  	v49 =	vld [tilespmem:s1+$0xB0]  }
0x6c: {  	v50 =	vld [tilespmem:s30+$0xB0]  }
0x6d: {  	v51 =	vld [tilespmem:s1+$0xFFFFFF40]  }
0x6e: {  	v52 =	vld [tilespmem:s30+$0xFFFFFF40]  }
0x6f: {  	v53 =	vld [tilespmem:s1+$0x30]  }
0x70: {  	v54 =	vld [tilespmem:s30+$0x30]  }
0x71: {  	v55 =	vld [tilespmem:s1+$0xFFFFFFB0]  }
0x72: {  	v56 =	vld [tilespmem:s30+$0xFFFFFFB0]  }
0x73: {  	v57 =	vld [tilespmem:s1+$0xA0]  }
0x74: {  	v58 =	vld [tilespmem:s30+$0xA0]  }
0x75: {  	v59 =	vld [tilespmem:s1+$0xFFFFFF30]  }
0x76: {  	v60 =	vld [tilespmem:s30+$0xFFFFFF30]  }
0x77: {  	v61 =	vld [tilespmem:s1+$0x20];
	v21 =	vadd.bf16 v21, v22;
	v10 =	vadd.bf16 v4, v10  }
0x78: {  	v62 =	vld [tilespmem:s30+$0x20];
	v22 =	vadd.bf16 v23, v24;
	v11 =	vadd.bf16 v25, v26  }
0x79: {  	v63 =	vld [tilespmem:s1+$0xFFFFFFA0];
	v12 =	vadd.bf16 v27, v28;
	v26 =	vadd.bf16 v29, v30  }
0x7a: {  	v20 =	vld [tilespmem:s30+$0xFFFFFFA0];
	v25 =	vadd.bf16 v31, v32;
	v32 =	vadd.bf16 v33, v34  }
0x7b: {  	v19 =	vld [tilespmem:s1+$0x90];
	v33 =	vadd.bf16 v35, v36;
	v36 =	vadd.bf16 v37, v38  }
0x7c: {  	v13 =	vld [tilespmem:s1+$0x0];
	v27 =	vadd.bf16 v39, v40;
	v38 =	vadd.bf16 v41, v42  }
0x7d: {  	v14 =	vld [tilespmem:s30+$0x0];
	v34 =	vadd.bf16 v43, v44;
	v40 =	vadd.bf16 v45, v46  }
0x7e: {  	v23 =	vld [tilespmem:s30+$0x90];
	v29 =	vadd.bf16 v47, v48;
	v42 =	vadd.bf16 v49, v50  }
0x7f: {  	v24 =	vld [tilespmem:s1+$0xFFFFFF20];
	v35 =	vadd.bf16 v51, v52;
	v44 =	vadd.bf16 v53, v54  }
0x80: {  	v31 =	vld [tilespmem:s30+$0xFFFFFF20];
	v30 =	vadd.bf16 v55, v56;
	v52 =	vadd.bf16 v57, v58  }
0x81: {  	v28 =	vld [tilespmem:s1+$0x80];
	v53 =	vadd.bf16 v61, v62;
	v20 =	vadd.bf16 v63, v20  }
0x82: {  	v4 =	vld [tilespmem:s30+$0x80];
	v61 =	vadd.bf16 v13, v14;
	v48 =	vmax.bf16 v52, v0;
	v42 =	vmax.bf16 v42, v0  }
0x83: {  	v39 =	vld [tilespmem:s1+$0x10];
	v52 =	vmax.bf16 v53, v0;
	v38 =	vmax.bf16 v38, v0;
	v44 =	vmax.bf16 v44, v0  }
0x84: {  	v41 =	vld [tilespmem:s30+$0x10];
	v40 =	vmax.bf16 v40, v0;
	v36 =	vmax.bf16 v36, v0;
	v21 =	vmax.bf16 v21, v0  }
0x85: {  	v54 =	vld [tilespmem:s1+$0xFFFFFF90];
	v26 =	vmax.bf16 v26, v0;
	v20 =	vmax.bf16 v20, v0;
	v29 =	vmax.bf16 v29, v0  }
0x86: {  	v55 =	vld [tilespmem:s30+$0xFFFFFF90];
	v30 =	vmax.bf16 v30, v0;
	v27 =	vmax.bf16 v27, v0;
	v25 =	vmax.bf16 v25, v0  }
0x87: {  	v22 =	vmax.bf16 v22, v0;
	v33 =	vmax.bf16 v33, v0;
	v49 =	vshll.u32 v48, $0x10  }
0x88: {  	v50 =	vshll.u32 v42, $0x10;
	v42 =	vand.u32 $0xFFFF0000, v42;
	v53 =	vshll.u32 v52, $0x10  }
0x89: {  	v62 =	vld [tilespmem:$0x1FF50];
	v46 =	vand.u32 $0xFFFF0000, v52;
	v37 =	vadd.bf16 v28, v4;
	v28 =	vadd.bf16 v59, v60  }
0x8a: {  	v46 =	vmul.f32 v46, v3;
	v19 =	vadd.bf16 v19, v23;
	v39 =	vadd.bf16 v39, v41  }
0x8b: {  	v31 =	vadd.bf16 v24, v31;
	v23 =	vadd.bf16 v54, v55;
	v41 =	vmax.bf16 v61, v0  }
0x8c: {  	v55 =	vshll.u32 v44, $0x10;
	v44 =	vand.u32 $0xFFFF0000, v44;
	v61 =	vshll.u32 v38, $0x10  }
0x8d: {  	v38 =	vand.u32 $0xFFFF0000, v38;
	v14 =	vshll.u32 v41, $0x10;
	v41 =	vand.u32 $0xFFFF0000, v41  }
0x8e: {  	v38 =	vmul.f32 v38, v62;
	v37 =	vmax.bf16 v37, v0;
	v19 =	vmax.bf16 v19, v0  }
0x8f: {  	v39 =	vmax.bf16 v39, v0;
	v41 =	vmul.f32 v41, v1;
	v23 =	vmax.bf16 v23, v0  }
0x90: {  	v4 =	vld [tilespmem:$0x1FF40];
	v31 =	vmax.bf16 v31, v0;
	v28 =	vmax.bf16 v28, v0;
	v56 =	vshll.u32 v37, $0x10  }
0x91: {  	v13 =	vshll.u32 v19, $0x10;
	v19 =	vand.u32 $0xFFFF0000, v19;
	v37 =	vand.u32 $0xFFFF0000, v37  }
0x92: {  	v45 =	vshll.u32 v39, $0x10;
	v24 =	vmul.f32 v56, v6;
	v43 =	vmul.f32 v13, v8  }
0x93: {  	v39 =	vand.u32 $0xFFFF0000, v39;
	v37 =	vmul.f32 v37, v1;
	v19 =	vmul.f32 v19, v5  }
0x94: {  	v51 =	vld [tilespmem:$0x1FF70];
	v41 =	vadd.f32 $0.0e+00, v41;
	v39 =	vmul.f32 v39, v5;
	v24 =	vadd.f32 $0.0e+00, v24  }
0x95: {  	v54 =	vld [tilespmem:s1+$0xFFFFFF10];
	v42 =	vmul.f32 v42, v4;
	v44 =	vmul.f32 v44, v4;
	v37 =	vadd.f32 $0.0e+00, v37  }
0x96: {  	v56 =	vld [tilespmem:s30+$0xFFFFFF10];
	v39 =	vadd.f32 v39, v41;
	v24 =	vadd.f32 v43, v24;
	v43 =	vmul.f32 v14, v6  }
0x97: {  	v58 =	vld [tilespmem:$0x1FF20];
	v19 =	vadd.f32 v19, v37;
	v37 =	vmul.f32 v45, v8;
	v45 =	vand.u32 $0xFFFF0000, v48  }
0x98: {  	v57 =	vld [tilespmem:$0x1FF10];
	v41 =	vmul.f32 v50, v17;
	v39 =	vadd.f32 v46, v39;
	v45 =	vmul.f32 v45, v3  }
0x99: {  	v13 =	vld [tilespmem:s1+$0xFFFFFF80];
	v14 =	vshll.u32 v40, $0x10;
	v40 =	vand.u32 $0xFFFF0000, v40;
	v43 =	vadd.f32 $0.0e+00, v43  }
0x9a: {  	v48 =	vld [tilespmem:s30+$0xFFFFFF80];
	v40 =	vmul.f32 v40, v62;
	v39 =	vadd.f32 v44, v39;
	v19 =	vadd.f32 v45, v19  }
0x9b: {  	v63 =	vld [tilespmem:$0x1FF60];
	v45 =	vadd.bf16 v54, v56;
	v54 =	vshll.u32 v26, $0x10;
	v26 =	vand.u32 $0xFFFF0000, v26  }
0x9c: {  	v37 =	vadd.f32 v37, v43;
	v43 =	vmul.f32 v49, v9;
	v49 =	vshll.u32 v36, $0x10  }
0x9d: {  	v59 =	vld [tilespmem:$0x1FF30];
	v39 =	vadd.f32 v40, v39;
	v36 =	vand.u32 $0xFFFF0000, v36;
	v40 =	vmul.f32 v54, v58  }
0x9e: {  	v46 =	vld [tilespmem:$0x1FF80];
	v26 =	vmul.f32 v26, v51;
	v54 =	vshll.u32 v30, $0x10;
	v30 =	vand.u32 $0xFFFF0000, v30  }
0x9f: {  	v19 =	vadd.f32 v42, v19;
	v50 =	vmul.f32 v49, v57;
	v52 =	vadd.bf16 v13, v48  }
0xa0: {  	v60 =	vld [tilespmem:$0x1FF00];
	v36 =	vmul.f32 v36, v63;
	v48 =	vshll.u32 v20, $0x10;
	v20 =	vand.u32 $0xFFFF0000, v20  }
0xa1: {  	v30 =	vmul.f32 v30, v4;
	v24 =	vadd.f32 v43, v24;
	v43 =	vmul.f32 v53, v9  }
0xa2: {  	v53 =	vshll.u32 v21, $0x10;
	v21 =	vand.u32 $0xFFFF0000, v21;
	v20 =	vmul.f32 v20, v3  }
0xa3: {  	v42 =	vmul.f32 v53, v59;
	v36 =	vadd.f32 v36, v39;
	v21 =	vmul.f32 v21, v46  }
0xa4: {  	v37 =	vadd.f32 v43, v37;
	v43 =	vmul.f32 v55, v17;
	v24 =	vadd.f32 v41, v24  }
0xa5: {  	v41 =	vmul.f32 v61, v60;
	v61 =	vmax.bf16 v52, v0;
	v52 =	vmax.bf16 v45, v0  }
0xa6: {  	v56 =	vld [tilespmem:s30+$0xFFFFFF00];
	v26 =	vadd.f32 v26, v36;
	v13 =	vshll.u32 v61, $0x10;
	v44 =	vand.u32 $0xFFFF0000, v61  }
0xa7: {  	v55 =	vld [tilespmem:s1+$0xFFFFFF00];
	v53 =	vshll.u32 v52, $0x10;
	v37 =	vadd.f32 v43, v37;
	v43 =	vmul.f32 v14, v60  }
0xa8: {  	v24 =	vadd.f32 v41, v24;
	v14 =	vmul.f32 v13, v6;
	v47 =	vmul.f32 v44, v1  }
0xa9: {  	v13 =	vshll.u32 v25, $0x10;
	v25 =	vand.u32 $0xFFFF0000, v25;
	v21 =	vadd.f32 v21, v26  }
0xaa: {  	v25 =	vmul.f32 v25, v51;
	v37 =	vadd.f32 v43, v37;
	v43 =	vmax.bf16 v32, v0  }
0xab: {  	v32 =	vadd.f32 v38, v19;
	v36 =	vadd.f32 $0.0e+00, v47;
	v19 =	vshll.u32 v43, $0x10  }
0xac: {  	v38 =	vadd.bf16 v55, v56;
	v55 =	vshll.u32 v31, $0x10;
	v31 =	vand.u32 $0xFFFF0000, v31  }
0xad: {  	v56 =	vshll.u32 v29, $0x10;
	v37 =	vadd.f32 v50, v37;
	v19 =	vmul.f32 v19, v57  }
0xae: {  	v29 =	vand.u32 $0xFFFF0000, v29;
	v31 =	vmul.f32 v31, v3;
	v61 =	vmul.f32 v56, v60  }
0xaf: {  	v29 =	vmul.f32 v29, v62;
	v49 =	vmax.bf16 v38, v0;
	v37 =	vadd.f32 v40, v37  }
0xb0: {  	v38 =	vmax.bf16 v12, v0;
	v19 =	vadd.f32 v19, v24;
	v24 =	vadd.f32 $0.0e+00, v14  }
0xb1: {  	v50 =	vshll.u32 v49, $0x10;
	v14 =	vmax.bf16 v34, v0;
	v34 =	vshll.u32 v33, $0x10  }
0xb2: {  	v40 =	vshll.u32 v38, $0x10;
	v41 =	vadd.f32 v42, v37;
	v42 =	vshll.u32 v23, $0x10  }
0xb3: {  	v23 =	vand.u32 $0xFFFF0000, v23;
	v37 =	vand.u32 $0xFFFF0000, v49;
	v26 =	vmul.f32 v42, v8  }
0xb4: {  	v23 =	vmul.f32 v23, v5;
	v37 =	vmul.f32 v37, v1;
	v21 =	vadd.f32 v21, v41  }
0xb5: {  	v41 =	vand.u32 $0xFFFF0000, v43;
	v43 =	vmax.bf16 v10, v0;
	v24 =	vadd.f32 v26, v24  }
0xb6: {  	v26 =	vmul.f32 v48, v9;
	v23 =	vadd.f32 v23, v36;
	v36 =	vmul.f32 v50, v6  }
0xb7: {  	v6 =	vshll.u32 v27, $0x10;
	v27 =	vand.u32 $0xFFFF0000, v27;
	v44 =	vshll.u32 v43, $0x10  }
0xb8: {  	v37 =	vadd.f32 $0.0e+00, v37;
	v27 =	vmul.f32 v27, v63;
	v47 =	vmul.f32 v44, v59  }
0xb9: {  	v24 =	vadd.f32 v26, v24;
	v20 =	vadd.f32 v20, v23;
	v23 =	vmul.f32 v53, v8  }
0xba: {  	v36 =	vadd.f32 $0.0e+00, v36;
	v26 =	vand.u32 $0xFFFF0000, v52;
	v8 =	vmax.bf16 v35, v0  }
0xbb: {  	v26 =	vmul.f32 v26, v5;
	v5 =	vshll.u32 v28, $0x10;
	v28 =	vand.u32 $0xFFFF0000, v28  }
0xbc: {  	v23 =	vadd.f32 v23, v36;
	v36 =	vmul.f32 v54, v17;
	v20 =	vadd.f32 v30, v20  }
0xbd: {  	v30 =	vmul.f32 v5, v17;
	v26 =	vadd.f32 v26, v37;
	v37 =	vmul.f32 v55, v9  }
0xbe: {  	v28 =	vmul.f32 v28, v4;
	v9 =	vshll.u32 v8, $0x10;
	v24 =	vadd.f32 v36, v24  }
0xbf: {  	v20 =	vadd.f32 v29, v20;
	v29 =	vmul.f32 v6, v57;
	v23 =	vadd.f32 v37, v23  }
0xc0: {  	v26 =	vadd.f32 v31, v26;
	v31 =	vshll.u32 v22, $0x10;
	v22 =	vand.u32 $0xFFFF0000, v22  }
0xc1: {  	v37 =	vmax.bf16 v11, v0;
	v24 =	vadd.f32 v61, v24;
	v20 =	vadd.f32 v27, v20  }
0xc2: {  	v27 =	vmul.f32 v13, v58;
	v22 =	vmul.f32 v22, v46;
	v39 =	vshll.u32 v37, $0x10  }
0xc3: {  	v23 =	vadd.f32 v30, v23;
	v26 =	vadd.f32 v28, v26;
	v28 =	vand.u32 $0xFFFF0000, v8  }
0xc4: {  	v30 =	vshll.u32 v14, $0x10;
	v24 =	vadd.f32 v29, v24;
	v29 =	vmul.f32 v9, v60  }
0xc5: {  	v28 =	vmul.f32 v28, v62;
	v20 =	vadd.f32 v25, v20;
	v25 =	vmul.f32 v31, v59  }
0xc6: {  	v23 =	vadd.f32 v29, v23;
	v24 =	vadd.f32 v27, v24;
	v27 =	vmul.f32 v30, v57  }
0xc7: {  	v26 =	vadd.f32 v28, v26;
	v28 =	vand.u32 $0xFFFF0000, v14;
	v29 =	vand.u32 $0xFFFF0000, v33  }
0xc8: {  	v28 =	vmul.f32 v28, v63;
	v23 =	vadd.f32 v27, v23;
	v27 =	vmul.f32 v34, v58  }
0xc9: {  	v20 =	vadd.f32 v22, v20;
	v35 =	vmul.f32 v29, v51;
	v24 =	vadd.f32 v25, v24  }
0xca: {  	v26 =	vadd.f32 v28, v26;
	v28 =	vmul.f32 v41, v63;
	v36 =	vadd.f32 v27, v23  }
0xcb: {  	v20 =	vadd.f32 v20, v24;
	v27 =	vand.u32 $0xFFFF0000, v38;
	v24 =	vmul.f32 v40, v59  }
0xcc: {  	v23 =	vand.u32 $0xFFFF0000, v37;
	v25 =	vadd.f32 v35, v26;
	v27 =	vmul.f32 v27, v46  }
0xcd: {  	v26 =	vmul.f32 v39, v58;
	v28 =	vadd.f32 v28, v32;
	v23 =	vmul.f32 v23, v51  }
0xce: {  	v22 =	vadd.f32 v24, v36;
	v42 =	vadd.f32 v27, v25;
	v25 =	vand.u32 $0xFFFF0000, v43  }
0xcf: {  	v19 =	vadd.f32 v26, v19;
	v23 =	vadd.f32 v23, v28;
	v48 =	vmul.f32 v25, v46  }
0xd0: {  	(xrf2) =	vadd.scan.msk.f32 $0xffff, v21;
	v45 =	vadd.f32 v42, v22  }
0xd1: {  	(xrf2) =	vadd.scan.msk.f32 $0xffff, v20;
	v19 =	vadd.f32 v47, v19;
	v49 =	vadd.f32 v48, v23  }
0xd2: {  	(xrf2) =	vadd.scan.msk.f32 $0xffff, v45  }
0xd3: {  	v19 =	vadd.f32 v49, v19;
	_ =	sdelay $0x1  }
0xd4: {  	(xrf2) =	vadd.scan.msk.f32 $0xffff, v19;
	_ =	sdelay $0x4  }
0xd5: {  	s0 =	simm.s32 $0x0;
	v19, _, _ =	vpop (xrf2)  }
0xd6: {  	s31 =	simm.s32 $0x1;
	s1 =	sand.u32 $0xC, s0;
	v50, _, _ =	vpop (xrf2)  }
0xd7: {  	s2 =	sand.u32 $0xD, s31;
	s31 =	simm.s32 $0x2;
	v52 =	vimm.f32 $0.0e+00;
	v53 =	vmov s1;
	v21, _, _ =	vpop (xrf2)  }
0xd8: {  	s31 =	sand.u32 $0xE, s31;
	vm0 =	veq.s32 v53, v7;
	v54 =	vmov s2;
	v21 =	vbroadcast v21, $0xF  }
0xd9: {  	s12 =	simm.s32 $0x3;
	vm13 =	veq.s32 v54, v7;
	v55 =	vmov s31;
	v20 =	vbroadcast v50, $0xF  }
0xda: {  	s1 =	sand.u32 $0xF, s12;
	vm14 =	veq.s32 v55, v7;
	v19 =	vbroadcast v19, $0xF;
	v21 =	vsel vm0, v21, v52;
	v56, _, _ =	vpop (xrf2)  }
0xdb: {  	v61 =	vmov s1;
	v20 =	vsel vm13, v20, v21;
	v21 =	vbroadcast v56, $0xF  }
0xdc: {  	vm15 =	veq.s32 v61, v7;
	v19 =	vsel vm14, v19, v20  }
0xdd: {  	p0 =	sne.s32 s1, $0xF;
	v38 =	vsel vm15, v21, v19  }
0xde: {  	v19 =	vadd.f32 @!p0 v38, v2;
	_ =	sdelay $0x1  }
0xdf: {  	v19 =	vsub.f32 @!p0 $0.0e+00, v19;
	_ =	sdelay $0x1  }
0xe0: {  	v19 =	vmul.f32 @!p0 $1.442695020e+00, v19;
	_ =	sdelay $0x1  }
0xe1: {  	(erf) = vpow2.f32 @!p0 v19;
	_ =	sdelay $0x8  }
0xe2: {  	v19 =	vpop @!p0 (erf)  }
0xe3: {  	v19 =	vadd.f32 @!p0 $1.000000000e+00, v19;
	_ =	sdelay $0x1  }
0xe4: {  	(erf) = vrcp.f32 @!p0 v19;
	_ =	sdelay $0x2  }
0xe5: {  	s14 =	sand.u32 $0x700, s28  }
0xe6: {  	s1 =	sor.u32 $0x15880, s14  }
0xe7: {  	v1 =	vmov s1;
	_ =	sdelay $0x3  }
0xe8: {  	s0 =	sand.u32 @!p0 $0x70, s0;
	[tilespmem:$0x1FEE0] =	vst v1;
	v21 =	vpop @!p0 (erf)  }
0xe9: {  	s31 =	simm.s32 $0x4;
	[tilespmem:v1+s0+$0x0 ss:$0x1] =	vst.idx.msk @!p0 $0xffff, v21;
	s0 =	simm.s32 $0x9300  }
.LBB2_3:
0xea: {  	v21 =	vld [tilespmem:s0+$0xF0]  }
0xeb: {  	v23 =	vld [tilespmem:s0+$0x70]  }
0xec: {  	v25 =	vld [tilespmem:s0+$0xFFFFFFF0]  }
0xed: {  	v27 =	vld [tilespmem:s0+$0xE0]  }
0xee: {  	v29 =	vld [tilespmem:s0+$0xFFFFFF70]  }
0xef: {  	v31 =	vld [tilespmem:s0+$0x60]  }
0xf0: {  	v35 =	vld [tilespmem:s0+$0xFFFFFFE0]  }
0xf1: {  	v37 =	vld [tilespmem:s0+$0xD0]  }
0xf2: {  	v41 =	vld [tilespmem:s0+$0xFFFFFF60]  }
0xf3: {  	v43 =	vld [tilespmem:s0+$0x50]  }
0xf4: {  	v45 =	vld [tilespmem:s0+$0xFFFFFFD0]  }
0xf5: {  	v47 =	vld [tilespmem:s0+$0xC0]  }
0xf6: {  	v49 =	vld [tilespmem:s0+$0xFFFFFF50]  }
0xf7: {  	v50 =	vld [tilespmem:s0+$0x40]  }
0xf8: {  	v20 =	vld [tilespmem:s0+$0xB0]  }
0xf9: {  	v2 =	vld [tilespmem:s0+$0xFFFFFFA0]  }
0xfa: {  	v16 =	vld [tilespmem:$0x1FFE0]  }
0xfb: {  	v15 =	vld [tilespmem:$0x1FFD0]  }
0xfc: {  	s30 =	sadd.s32 $0x200, s30;
	v18 =	vld [tilespmem:$0x1FFB0]  }
0xfd: {  	v22 =	vld [tilespmem:s30+$0xF0]  }
0xfe: {  	v24 =	vld [tilespmem:s30+$0x70]  }
0xff: {  	v26 =	vld [tilespmem:s30+$0xFFFFFFF0]  }
0x100: {  	v28 =	vld [tilespmem:s30+$0xE0]  }
0x101: {  	v30 =	vld [tilespmem:s30+$0xFFFFFF70]  }
0x102: {  	v34 =	vld [tilespmem:s30+$0x60]  }
0x103: {  	v36 =	vld [tilespmem:s30+$0xFFFFFFE0]  }
0x104: {  	v44 =	vld [tilespmem:s30+$0x50];
	v21 =	vadd.bf16 v21, v22  }
0x105: {  	v48 =	vld [tilespmem:s30+$0xC0]  }
0x106: {  	v39 =	vld [tilespmem:s30+$0xD0];
	v23 =	vadd.bf16 v23, v24;
	v54 =	vadd.bf16 v25, v26;
	v53 =	vmax.bf16 v21, v0  }
0x107: {  	v11 =	vld [tilespmem:s30+$0xFFFFFF50];
	v4 =	vadd.bf16 v27, v28;
	v5 =	vadd.bf16 v29, v30;
	v1 =	vshll.u32 v53, $0x10  }
0x108: {  	v42 =	vld [tilespmem:s30+$0xFFFFFF60];
	v7 =	vadd.bf16 v31, v34;
	v52 =	vmax.bf16 v23, v0;
	[tilespmem:$0x1FEC0] =	vst v1;
	v1 =	vand.u32 $0xFFFF0000, v53  }
0x109: {  	v10 =	vadd.bf16 v35, v36;
	v12 =	vadd.bf16 v43, v44;
	v56 =	vand.u32 $0xFFFF0000, v52;
	[tilespmem:$0x1FED0] =	vst v1;
	v1 =	vld [tilespmem:$0x1FF80]  }
0x10a: {  	v47 =	vadd.bf16 v47, v48;
	v61 =	vmax.bf16 v54, v0;
	v22 =	vmul.f32 v56, v46;
	v46 =	vld [tilespmem:s30+$0xFFFFFFD0]  }
0x10b: {  	v33 =	vld [tilespmem:s30+$0x20];
	v6 =	vmax.bf16 v4, v0;
	v27 =	vmax.bf16 v5, v0;
	v29 =	vmax.bf16 v7, v0  }
0x10c: {  	v19 =	vld [tilespmem:s30+$0xFFFFFFA0];
	v31 =	vmax.bf16 v10, v0;
	v47 =	vmax.bf16 v47, v0;
	v54 =	vadd.bf16 v49, v11  }
0x10d: {  	v3 =	vld [tilespmem:s30+$0x90];
	v55 =	vshll.u32 v52, $0x10;
	v24 =	vshll.u32 v61, $0x10;
	v23 =	vand.u32 $0xFFFF0000, v61  }
0x10e: {  	v8 =	vshll.u32 v6, $0x10;
	v9 =	vshll.u32 v27, $0x10;
	v25 =	vmul.f32 v23, v1;
	v1 =	vld [tilespmem:$0x1FF10]  }
0x10f: {  	v5 =	vld [tilespmem:s30+$0x40];
	v26 =	vand.u32 $0xFFFF0000, v6;
	v28 =	vand.u32 $0xFFFF0000, v27;
	v6 =	vadd.bf16 v45, v46  }
0x110: {  	v48 =	vld [tilespmem:s30+$0xFFFFFF40];
	v4 =	vshll.u32 v31, $0x10;
	v10 =	vshll.u32 v47, $0x10;
	v47 =	vand.u32 $0xFFFF0000, v47  }
0x111: {  	v11 =	vld [tilespmem:s0+$0xFFFFFFB0];
	v32 =	vmul.f32 v55, v59;
	v24 =	vmul.f32 v24, v59;
	v36 =	vmax.bf16 v6, v0  }
0x112: {  	v61 =	vld [tilespmem:s0+$0xFFFFFFC0];
	v27 =	vmul.f32 v9, v59;
	v23 =	vmul.f32 v8, v58;
	v8 =	vshll.u32 v36, $0x10  }
0x113: {  	v55 =	vshll.u32 v29, $0x10;
	v9 =	vand.u32 $0xFFFF0000, v36;
	v36 =	vmul.f32 v8, v1;
	v1 =	vld [tilespmem:$0x1FF00]  }
0x114: {  	v52 =	vld [tilespmem:s30+$0xFFFFFFC0];
	v56 =	vadd.bf16 v37, v39;
	v37 =	vmax.bf16 v12, v0;
	v39 =	vadd.bf16 v50, v5  }
0x115: {  	v29 =	vand.u32 $0xFFFF0000, v29;
	v59 =	vadd.bf16 v41, v42;
	v53 =	vld [tilespmem:s30+$0xB0];
	v7 =	vshll.u32 v37, $0x10  }
0x116: {  	v49 =	vmul.f32 v47, v62;
	v62 =	vld [tilespmem:s0+$0xFFFFFF30];
	v45 =	vmul.f32 v7, v57;
	v7 =	vmax.bf16 v39, v0  }
0x117: {  	v40 =	vmul.f32 v29, v51;
	v29 =	vmul.f32 v4, v58;
	v4 =	vld [tilespmem:s30+$0xFFFFFFB0];
	v12 =	vshll.u32 v7, $0x10  }
0x118: {  	v5 =	vmax.bf16 v54, v0;
	v54 =	vmul.f32 v12, v1;
	v1 =	vld [tilespmem:$0x1FF50]  }
0x119: {  	v30 =	vmax.bf16 v56, v0;
	v14 =	vmax.bf16 v59, v0;
	v56 =	vld [tilespmem:s0+$0xFFFFFF40]  }
0x11a: {  	v13 =	vshll.u32 v30, $0x10;
	v34 =	vshll.u32 v14, $0x10;
	v35 =	vand.u32 $0xFFFF0000, v14;
	v14 =	vld [tilespmem:s0+$0x20]  }
0x11b: {  	v42 =	vmul.f32 v13, v57;
	v57 =	vld [tilespmem:s0+$0x30]  }
0x11c: {  	v44 =	vadd.bf16 v20, v53;
	v53 =	vld [tilespmem:s30+$0xFFFFFF30];
	v6 =	vadd.bf16 v61, v52;
	v52 =	vand.u32 $0xFFFF0000, v7  }
0x11d: {  	v21 =	vmul.f32 v55, v58;
	v55 =	vmul.f32 v52, v1;
	v1 =	vld [tilespmem:$0x1FF00]  }
0x11e: {  	v58 =	vld [tilespmem:s30+$0x30]  }
0x11f: {  	v50 =	vadd.bf16 v11, v4;
	v4 =	vld [tilespmem:s0+$0xFFFFFF20]  }
0x120: {  	v2 =	vadd.bf16 v2, v19;
	v31 =	vand.u32 $0xFFFF0000, v31;
	v61 =	vld [tilespmem:s30+$0xA0];
	v47 =	vmax.bf16 v6, v0  }
0x121: {  	v31 =	vmul.f32 v31, v51;
	v37 =	vand.u32 $0xFFFF0000, v37;
	v7 =	vld [tilespmem:$0x1FF40];
	v13 =	vshll.u32 v47, $0x10  }
0x122: {  	v46 =	vmul.f32 v37, v63;
	v20 =	vmax.bf16 v44, v0;
	v43 =	vmul.f32 v13, v1;
	v1 =	vld [tilespmem:$0x1FF50]  }
0x123: {  	v37 =	vmul.f32 v9, v63;
	v9 =	vshll.u32 v20, $0x10;
	v8 =	vld [tilespmem:s0+$0xA0];
	v57 =	vadd.bf16 v57, v58  }
0x124: {  	v2 =	vmax.bf16 v2, v0;
	v51 =	vmul.f32 v10, v60;
	v58 =	vmul.f32 v9, v17;
	v9 =	vld [tilespmem:s0+$0x0]  }
0x125: {  	v30 =	vand.u32 $0xFFFF0000, v30;
	v48 =	vadd.bf16 v56, v48;
	v11 =	vmax.bf16 v57, v0;
	v57 =	vld [tilespmem:s30+$0x0]  }
0x126: {  	v41 =	vshll.u32 v5, $0x10;
	v39 =	vand.u32 $0xFFFF0000, v5;
	v47 =	vand.u32 $0xFFFF0000, v47;
	v12 =	vld [tilespmem:s0+$0x90]  }
0x127: {  	v50 =	vmax.bf16 v50, v0;
	v10 =	vmax.bf16 v48, v0;
	v44 =	vmul.f32 v47, v1;
	v1 =	vld [tilespmem:$0x1FF40]  }
0x128: {  	v5 =	vshll.u32 v50, $0x10;
	v63 =	vadd.bf16 v14, v33;
	v53 =	vadd.bf16 v62, v53;
	v13 =	vld [tilespmem:$0x1FF40]  }
0x129: {  	v6 =	vand.u32 $0xFFFF0000, v50;
	v48 =	vshll.u32 v10, $0x10;
	v60 =	vadd.bf16 v8, v61;
	v61 =	vld [tilespmem:s30+$0xFFFFFF20]  }
0x12a: {  	v33 =	vld [tilespmem:$0x1FFA0];
	v50 =	vmul.f32 v5, v17;
	v19 =	vmax.bf16 v63, v0;
	v53 =	vmax.bf16 v53, v0  }
0x12b: {  	v62 =	vld [tilespmem:s30+$0x10];
	v56 =	vshll.u32 v53, $0x10;
	v53 =	vand.u32 $0xFFFF0000, v53;
	v52 =	vand.u32 $0xFFFF0000, v20  }
0x12c: {  	v63 =	vld [tilespmem:s30+$0x80];
	v60 =	vmax.bf16 v60, v0;
	v59 =	vmul.f32 v52, v1;
	v52 =	vand.u32 $0xFFFF0000, v11  }
0x12d: {  	v3 =	vadd.bf16 v12, v3;
	v5 =	vmul.f32 v52, v13;
	v52 =	vmul.f32 v6, v7;
	v7 =	vld [tilespmem:s0+$0x80]  }
0x12e: {  	v9 =	vadd.bf16 v9, v57;
	v14 =	vshll.u32 v60, $0x10;
	v4 =	vadd.bf16 v4, v61;
	v61 =	vld [tilespmem:s30+$0xFFFFFF90]  }
0x12f: {  	v60 =	vand.u32 $0xFFFF0000, v60;
	v8 =	vmul.f32 v14, v16;
	v3 =	vmax.bf16 v3, v0;
	v6 =	vld [tilespmem:s0+$0x10]  }
0x130: {  	v60 =	vmul.f32 v60, v33;
	v9 =	vmax.bf16 v9, v0;
	v12 =	vshll.u32 v3, $0x10;
	v13 =	vld [tilespmem:s0+$0xFFFFFF90]  }
0x131: {  	v14 =	vld [tilespmem:$0x1FFC0];
	v4 =	vmax.bf16 v4, v0;
	v3 =	vand.u32 $0xFFFF0000, v3;
	v12 =	vmul.f32 v12, v15  }
0x132: {  	v47 =	vand.u32 $0xFFFF0000, v10;
	v10 =	vshll.u32 v19, $0x10;
	v7 =	vadd.bf16 v7, v63  }
0x133: {  	v3 =	vmul.f32 v3, v18;
	v19 =	vand.u32 $0xFFFF0000, v19;
	v10 =	vmul.f32 v10, v16  }
0x134: {  	v19 =	vmul.f32 v19, v33;
	v6 =	vadd.bf16 v6, v62;
	v7 =	vmax.bf16 v7, v0  }
0x135: {  	v63 =	vshll.u32 v9, $0x10;
	v13 =	vadd.bf16 v13, v61;
	v20 =	vshll.u32 v7, $0x10  }
0x136: {  	v61 =	vmul.f32 v63, v14;
	v6 =	vmax.bf16 v6, v0;
	v62 =	vmul.f32 v20, v14;
	v20 =	vld [tilespmem:$0x1FF90]  }
0x137: {  	v1 =	vshll.u32 v11, $0x10;
	v11 =	vshll.u32 v2, $0x10;
	v57 =	vshll.u32 v6, $0x10  }
0x138: {  	v2 =	vand.u32 $0xFFFF0000, v2;
	v61 =	vadd.f32 $0.0e+00, v61;
	v57 =	vmul.f32 v57, v15  }
0x139: {  	v1 =	vmul.f32 v1, v17;
	v11 =	vmul.f32 v11, v16;
	v62 =	vadd.f32 $0.0e+00, v62  }
0x13a: {  	v2 =	vmul.f32 v2, v33;
	v9 =	vand.u32 $0xFFFF0000, v9;
	v57 =	vadd.f32 v57, v61  }
0x13b: {  	v7 =	vand.u32 $0xFFFF0000, v7;
	v12 =	vadd.f32 v12, v62;
	v9 =	vmul.f32 v9, v20  }
0x13c: {  	v6 =	vand.u32 $0xFFFF0000, v6;
	v10 =	vadd.f32 v10, v57;
	v7 =	vmul.f32 v7, v20  }
0x13d: {  	v6 =	vmul.f32 v6, v18;
	v61 =	vld [tilespmem:s0+$0xFFFFFF80];
	v8 =	vadd.f32 v8, v12;
	v9 =	vadd.f32 $0.0e+00, v9  }
0x13e: {  	v13 =	vmax.bf16 v13, v0;
	v12 =	vld [tilespmem:s30+$0xFFFFFF80];
	v1 =	vadd.f32 v1, v10;
	v7 =	vadd.f32 $0.0e+00, v7  }
0x13f: {  	v63 =	vld [tilespmem:s0+$0xFFFFFF10];
	v10 =	vand.u32 $0xFFFF0000, v13;
	v8 =	vadd.f32 v58, v8;
	v6 =	vadd.f32 v6, v9  }
0x140: {  	v10 =	vmul.f32 v10, v18;
	v1 =	vadd.f32 v54, v1;
	v3 =	vadd.f32 v3, v7;
	v7 =	vld [tilespmem:s30+$0xFFFFFF10]  }
0x141: {  	v9 =	vshll.u32 v4, $0x10;
	v8 =	vadd.f32 v51, v8;
	v6 =	vadd.f32 v19, v6  }
0x142: {  	v1 =	vadd.f32 v45, v1;
	v3 =	vadd.f32 v60, v3;
	v19 =	vshll.u32 v13, $0x10;
	v13 =	vld [tilespmem:s30+$0xFFFFFF00]  }
0x143: {  	v4 =	vand.u32 $0xFFFF0000, v4;
	v12 =	vadd.bf16 v61, v12;
	v5 =	vadd.f32 v5, v6;
	v6 =	vld [tilespmem:s0+$0xFFFFFF00]  }
0x144: {  	v9 =	vmul.f32 v9, v16;
	v8 =	vadd.f32 v42, v8;
	v1 =	vadd.f32 v21, v1  }
0x145: {  	v3 =	vadd.f32 v59, v3;
	v12 =	vmax.bf16 v12, v0;
	v7 =	vadd.bf16 v63, v7  }
0x146: {  	v5 =	vadd.f32 v55, v5;
	v55 =	vshll.u32 v12, $0x10;
	v12 =	vand.u32 $0xFFFF0000, v12  }
0x147: {  	v1 =	vadd.f32 v32, v1;
	v42 =	vmul.f32 v55, v14;
	v12 =	vmul.f32 v12, v20  }
0x148: {  	v19 =	vmul.f32 v19, v15;
	v5 =	vadd.f32 v46, v5;
	v6 =	vadd.bf16 v6, v13  }
0x149: {  	v7 =	vmax.bf16 v7, v0;
	v13 =	vadd.f32 $0.0e+00, v42;
	v12 =	vadd.f32 $0.0e+00, v12  }
0x14a: {  	v3 =	vadd.f32 v49, v3;
	v54 =	vshll.u32 v7, $0x10;
	v5 =	vadd.f32 v40, v5  }
0x14b: {  	v6 =	vmax.bf16 v6, v0;
	v13 =	vadd.f32 v19, v13;
	v10 =	vadd.f32 v10, v12  }
0x14c: {  	v7 =	vand.u32 $0xFFFF0000, v7;
	v5 =	vadd.f32 v22, v5;
	v49 =	vshll.u32 v6, $0x10  }
0x14d: {  	v62 =	vld [tilespmem:$0x1FF50];
	v6 =	vand.u32 $0xFFFF0000, v6;
	v11 =	vadd.f32 v11, v13;
	v2 =	vadd.f32 v2, v10  }
0x14e: {  	v61 =	vld [tilespmem:$0x1FF40];
	v32 =	vmul.f32 v49, v14;
	v6 =	vmul.f32 v6, v20;
	v1 =	vadd.f32 v5, v1  }
0x14f: {  	v54 =	vmul.f32 v54, v15;
	v21 =	vadd.f32 v50, v11;
	v2 =	vadd.f32 v52, v2  }
0x150: {  	v57 =	vld [tilespmem:$0x1FF10];
	v7 =	vmul.f32 v7, v18;
	v55 =	vadd.f32 $0.0e+00, v32;
	v6 =	vadd.f32 $0.0e+00, v6  }
0x151: {  	v4 =	vmul.f32 v4, v33;
	v60 =	vld [tilespmem:$0x1FF00];
	v10 =	vadd.f32 v43, v21;
	v2 =	vadd.f32 v44, v2  }
0x152: {  	v33 =	vmul.f32 v47, v62;
	v63 =	vld [tilespmem:$0x1FF60];
	v5 =	vadd.f32 v54, v55;
	v6 =	vadd.f32 v7, v6  }
0x153: {  	v22 =	vmul.f32 v53, v61;
	v10 =	vadd.f32 v36, v10;
	v2 =	vadd.f32 v37, v2  }
0x154: {  	v51 =	vld [tilespmem:$0x1FF70];
	v20 =	vmul.f32 v56, v17;
	v5 =	vadd.f32 v9, v5;
	v4 =	vadd.f32 v4, v6  }
0x155: {  	v58 =	vld [tilespmem:$0x1FF20];
	v40 =	vmul.f32 v41, v57;
	v10 =	vadd.f32 v29, v10;
	v2 =	vadd.f32 v31, v2  }
0x156: {  	v32 =	vmul.f32 v48, v60;
	v5 =	vadd.f32 v20, v5;
	v4 =	vadd.f32 v22, v4  }
0x157: {  	v45 =	vmul.f32 v30, v63;
	v44 =	vadd.f32 v24, v10;
	v2 =	vadd.f32 v25, v2  }
0x158: {  	v46 =	vld [tilespmem:$0x1FF80];
	v41 =	vmul.f32 v39, v63;
	v5 =	vadd.f32 v32, v5;
	v4 =	vadd.f32 v33, v4  }
0x159: {  	v59 =	vld [tilespmem:$0x1FF30];
	(xrf2) =	vadd.scan.msk.f32 $0xffff, v1;
	v1 =	vadd.f32 v2, v44;
	v2 =	vadd.f32 v45, v3;
	v3 =	vmul.f32 v26, v51  }
0x15a: {  	v42 =	vmul.f32 v34, v58;
	v48 =	vld [tilespmem:$0x1FEC0];
	v5 =	vadd.f32 v40, v5  }
0x15b: {  	v43 =	vmul.f32 v35, v51;
	v4 =	vadd.f32 v41, v4;
	v2 =	vadd.f32 v3, v2;
	v3 =	vld [tilespmem:$0x1FED0];
	_ =	sdelay $0x1  }
0x15c: {  	v47 =	vmul.f32 v28, v46;
	v5 =	vadd.f32 v42, v5;
	v4 =	vadd.f32 v43, v4;
	_ =	sdelay $0x1  }
0x15d: {  	v5 =	vadd.f32 v27, v5;
	v4 =	vadd.f32 v47, v4  }
0x15e: {  	v49 =	vadd.f32 v23, v8;
	v6 =	vmul.f32 v48, v59;
	v3 =	vmul.f32 v3, v46  }
0x15f: {  	(xrf2) =	vadd.scan.msk.f32 $0xffff, v1;
	v1 =	vadd.f32 v4, v5  }
0x160: {  	v50 =	vadd.f32 v6, v49;
	v2 =	vadd.f32 v3, v2  }
0x161: {  	(xrf2) =	vadd.scan.msk.f32 $0xffff, v1  }
0x162: {  	v2 =	vadd.f32 v2, v50;
	_ =	sdelay $0x1  }
0x163: {  	(xrf2) =	vadd.scan.msk.f32 $0xffff, v2;
	_ =	sdelay $0x3  }
0x164: {  	s1 =	smov.u32 s31  }
0x165: {  	s12 =	sadd.s32 $0x2, s1;
	v1, _, _ =	vpop (xrf2)  }
0x166: {  	s2 =	sand.u32 $0xC, s1;
	s14 =	sadd.s32 $0x3, s1;
	s12 =	sand.u32 $0xE, s12;
	v2, _, _ =	vpop (xrf2)  }
0x167: {  	s14 =	sand.u32 $0xF, s14;
	v53 =	vmov s12;
	v3 =	vmov s2;
	s2 =	sadd.s32 $0x1, s1;
	v52, _, _ =	vpop (xrf2)  }
0x168: {  	v54 =	vmov s14;
	v55 =	vlaneseq.u32;
	s2 =	sand.u32 $0xD, s2;
	v4 =	vbroadcast v52, $0xF  }
0x169: {  	vm0 =	veq.s32 v3, v55;
	v56 =	vmov s2;
	v2 =	vbroadcast v2, $0xF  }
0x16a: {  	v1 =	vbroadcast v1, $0xF;
	vm13 =	veq.s32 v56, v55;
	v4 =	vsel vm0, v4, v38;
	v3, _, _ =	vpop (xrf2)  }
0x16b: {  	vm14 =	veq.s32 v53, v55;
	v2 =	vsel vm13, v2, v4;
	v3 =	vbroadcast v3, $0xF  }
0x16c: {  	vm15 =	veq.s32 v54, v55;
	v1 =	vsel vm14, v1, v2  }
0x16d: {  	v38 =	vsel vm15, v3, v1;
	v1 =	vld [tilespmem:$0x1FEF0];
	_ =	sdelay $0x3  }
0x16e: {  	p1 =	sne.s32 s14, $0xF  }
0x16f: {  	v1 =	vadd.f32 @!p1 v38, v1;
	_ =	sdelay $0x1  }
0x170: {  	v1 =	vsub.f32 @!p1 $0.0e+00, v1;
	_ =	sdelay $0x1  }
0x171: {  	v1 =	vmul.f32 @!p1 $1.442695020e+00, v1;
	_ =	sdelay $0x1  }
0x172: {  	(erf) = vpow2.f32 @!p1 v1;
	_ =	sdelay $0x8  }
0x173: {  	v1 =	vpop @!p1 (erf)  }
0x174: {  	v1 =	vadd.f32 @!p1 $1.000000000e+00, v1;
	_ =	sdelay $0x1  }
0x175: {  	(erf) = vrcp.f32 @!p1 v1;
	_ =	sdelay $0x1  }
0x176: {  	v2 =	vld [tilespmem:$0x1FEE0];
	_ =	sdelay $0x1  }
0x177: {  	s31 =	sadd.s32 $0x4, s31  }
0x178: {  	p0 =	sne.s32 s31, $0x80  }
.Ltmp0:
0x179: {  	_ = 	snop;
	(pc) =	sbr.rel @p0 .LBB2_3-.Ltmp0, $3  }
0x17a: {  	_ =	sdelay $0x1  }
0x17b: {  	s1 =	sand.u32 @!p1 $0x70, s1;
	v1 =	vpop @!p1 (erf)  }
0x17c: {  	s0 =	sadd.s32 $0x200, s0;
	[tilespmem:v2+s1+$0x0 ss:$0x1] =	vst.idx.msk @!p1 $0xffff, v1  }
0x17d: {  	p0 =	seq.s32 s26, $0x27  }
0x17e: {  	s0 =	sadd.s32 @!p0 $0x100, s28;
	s1 =	simm.s32 @!p0 $0x80;
	s2 =	simm.s32 @!p0 $0x5000  }
0x17f: {  	[tilespmem:s2], [sflag:$0x1] =	stream.indirect.gather @!p0 [hbm4b:s4+s1], $0x80, s0, s1, $0xb8;
	[tilespmem:$0x16080] =	vst v63  }
0x180: {  	s0 =	sadd.s32 @!p0 $0x2900, s28;
	s2 =	simm.s32 @!p0 $0x9000  }
0x181: {  	[tilespmem:s2], [sflag:$0x2] =	stream.indirect.gather @!p0 [hbm4b:s5+s1], $0x80, s0, s1, $0xb8;
	[tilespmem:$0x16080] =	vst v63  }
0x182: {  	_ =	swait.ge [sflag:s23], $0x4000  }
0x183: {  	[sflag:s23] =	ssyncset.done $0x0  }
0x184: {  	[sflag:s23] =	ssyncadd.s32 $0xFFFFC000  }
0x185: {  	_ =	swait.ge [sflag:s24], $0x4000  }
0x186: {  	[sflag:s24] =	ssyncset.done $0x0  }
0x187: {  	s12 =	simm.s32 $0x11100;
	[sflag:s24] =	ssyncadd.s32 $0xFFFFC000  }
0x188: {  	s30 =	simm.s32 $0xD100;
	v1 =	vld [tilespmem:s12+$0xF0]  }
0x189: {  	v2 =	vld [tilespmem:s30+$0xF0]  }
0x18a: {  	v3 =	vld [tilespmem:s12+$0x70]  }
0x18b: {  	v4 =	vld [tilespmem:s30+$0x70]  }
0x18c: {  	v5 =	vld [tilespmem:s12+$0xFFFFFFF0]  }
0x18d: {  	v6 =	vld [tilespmem:s30+$0xFFFFFFF0]  }
0x18e: {  	v7 =	vld [tilespmem:s12+$0xE0]  }
0x18f: {  	v8 =	vld [tilespmem:s30+$0xE0]  }
0x190: {  	v9 =	vld [tilespmem:s12+$0xFFFFFF70]  }
0x191: {  	v10 =	vld [tilespmem:s30+$0xFFFFFF70]  }
0x192: {  	v11 =	vld [tilespmem:s12+$0x60]  }
0x193: {  	v12 =	vld [tilespmem:s30+$0x60]  }
0x194: {  	v13 =	vld [tilespmem:s12+$0xFFFFFFE0]  }
0x195: {  	v23 =	vld [tilespmem:s30+$0xFFFFFFE0]  }
0x196: {  	v24 =	vld [tilespmem:s12+$0xD0]  }
0x197: {  	v26 =	vld [tilespmem:s30+$0xD0]  }
0x198: {  	v27 =	vld [tilespmem:s12+$0xFFFFFF60]  }
0x199: {  	v28 =	vld [tilespmem:s30+$0xFFFFFF60]  }
0x19a: {  	v29 =	vld [tilespmem:s12+$0x50]  }
0x19b: {  	v30 =	vld [tilespmem:s30+$0x50]  }
0x19c: {  	v31 =	vld [tilespmem:s12+$0xFFFFFFD0]  }
0x19d: {  	v32 =	vld [tilespmem:s30+$0xFFFFFFD0]  }
0x19e: {  	v33 =	vld [tilespmem:s12+$0xC0]  }
0x19f: {  	v34 =	vld [tilespmem:s30+$0xC0]  }
0x1a0: {  	v35 =	vld [tilespmem:s12+$0xFFFFFF50]  }
0x1a1: {  	v36 =	vld [tilespmem:s30+$0xFFFFFF50]  }
0x1a2: {  	v37 =	vld [tilespmem:s12+$0x40]  }
0x1a3: {  	v38 =	vld [tilespmem:s30+$0x40]  }
0x1a4: {  	v39 =	vld [tilespmem:s12+$0xFFFFFFC0]  }
0x1a5: {  	v40 =	vld [tilespmem:s30+$0xFFFFFFC0]  }
0x1a6: {  	v41 =	vld [tilespmem:s12+$0xB0]  }
0x1a7: {  	v42 =	vld [tilespmem:s30+$0xB0]  }
0x1a8: {  	v43 =	vld [tilespmem:s12+$0xFFFFFF40]  }
0x1a9: {  	v44 =	vld [tilespmem:s30+$0xFFFFFF40]  }
0x1aa: {  	v45 =	vld [tilespmem:s12+$0x30]  }
0x1ab: {  	v46 =	vld [tilespmem:s30+$0x30]  }
0x1ac: {  	v47 =	vld [tilespmem:s12+$0xFFFFFFB0]  }
0x1ad: {  	v48 =	vld [tilespmem:s30+$0xFFFFFFB0]  }
0x1ae: {  	v49 =	vld [tilespmem:s12+$0xA0]  }
0x1af: {  	v50 =	vld [tilespmem:s30+$0xA0]  }
0x1b0: {  	v51 =	vld [tilespmem:s12+$0xFFFFFF30];
	v3 =	vadd.bf16 v3, v4  }
0x1b1: {  	v52 =	vld [tilespmem:s30+$0xFFFFFF30];
	v1 =	vadd.bf16 v1, v2;
	v22 =	vadd.bf16 v5, v6  }
0x1b2: {  	v53 =	vld [tilespmem:s12+$0x20];
	v20 =	vadd.bf16 v7, v8;
	v21 =	vadd.bf16 v9, v10  }
0x1b3: {  	v54 =	vld [tilespmem:s30+$0x20];
	v5 =	vadd.bf16 v11, v12;
	v25 =	vadd.bf16 v13, v23  }
0x1b4: {  	v16 =	vld [tilespmem:s12+$0x80];
	v7 =	vadd.bf16 v24, v26;
	v23 =	vadd.bf16 v27, v28  }
0x1b5: {  	v19 =	vmov v17;
	v17 =	vld [tilespmem:s30+$0x80];
	v9 =	vadd.bf16 v29, v30;
	v27 =	vadd.bf16 v31, v32  }
0x1b6: {  	v55 =	vld [tilespmem:s12+$0xFFFFFFA0];
	v11 =	vadd.bf16 v33, v34;
	v24 =	vadd.bf16 v35, v36  }
0x1b7: {  	v56 =	vld [tilespmem:s30+$0xFFFFFFA0];
	v13 =	vadd.bf16 v37, v38;
	v29 =	vadd.bf16 v39, v40  }
0x1b8: {  	v15 =	vld [tilespmem:$0x1FFC0];
	v41 =	vadd.bf16 v41, v42;
	v26 =	vadd.bf16 v43, v44  }
0x1b9: {  	v18 =	vld [tilespmem:s12+$0x10];
	v43 =	vadd.bf16 v45, v46;
	v30 =	vadd.bf16 v47, v48  }
0x1ba: {  	v4 =	vld [tilespmem:s12+$0x90];
	v47 =	vadd.bf16 v49, v50;
	v8 =	vadd.bf16 v16, v17  }
0x1bb: {  	v2 =	vld [tilespmem:s12+$0xFFFFFF20];
	v28 =	vadd.bf16 v51, v52;
	v53 =	vadd.bf16 v53, v54  }
0x1bc: {  	v6 =	vld [tilespmem:s30+$0xFFFFFF20];
	v38 =	vadd.bf16 v55, v56;
	v8 =	vmax.bf16 v8, v0;
	v36 =	vmax.bf16 v47, v0  }
0x1bd: {  	v40 =	vld [tilespmem:s30+$0x10];
	v32 =	vmax.bf16 v41, v0;
	v10 =	vmax.bf16 v53, v0;
	v11 =	vmax.bf16 v11, v0  }
0x1be: {  	v42 =	vld [tilespmem:s12+$0x0];
	v34 =	vmax.bf16 v43, v0;
	v13 =	vmax.bf16 v13, v0;
	v9 =	vmax.bf16 v9, v0  }
0x1bf: {  	v45 =	vld [tilespmem:$0x1FF80];
	v3 =	vmax.bf16 v3, v0;
	v5 =	vmax.bf16 v5, v0;
	v7 =	vmax.bf16 v7, v0  }
0x1c0: {  	v46 =	vld [tilespmem:s30+$0x0];
	v39 =	vshll.u32 v36, $0x10;
	v41 =	vshll.u32 v10, $0x10;
	v10 =	vand.u32 $0xFFFF0000, v10  }
0x1c1: {  	v54 =	vld [tilespmem:s12+$0xFFFFFF90];
	v43 =	vshll.u32 v34, $0x10;
	v34 =	vand.u32 $0xFFFF0000, v34;
	v48 =	vshll.u32 v13, $0x10  }
0x1c2: {  	v55 =	vld [tilespmem:s30+$0xFFFFFF90];
	v13 =	vand.u32 $0xFFFF0000, v13;
	v50 =	vshll.u32 v9, $0x10;
	v53 =	vshll.u32 v3, $0x10  }
0x1c3: {  	v49 =	vld [tilespmem:s30+$0xFFFFFF80];
	v3 =	vand.u32 $0xFFFF0000, v3;
	v9 =	vand.u32 $0xFFFF0000, v9;
	v34 =	vmul.f32 v34, v61  }
0x1c4: {  	[tilespmem:$0x1FEA0] =	vst v1;
	v1 =	vld [tilespmem:s30+$0x90];
	v13 =	vmul.f32 v13, v62;
	v9 =	vmul.f32 v9, v63;
	v12 =	vadd.bf16 v18, v40  }
0x1c5: {  	v47 =	vld [tilespmem:s12+$0xFFFFFF80];
	v31 =	vadd.bf16 v2, v6;
	v2 =	vshll.u32 v8, $0x10;
	v56 =	vadd.bf16 v42, v46  }
0x1c6: {  	v40 =	vshll.u32 v32, $0x10;
	v32 =	vand.u32 $0xFFFF0000, v32;
	v46 =	vshll.u32 v11, $0x10  }
0x1c7: {  	v16 =	vld [tilespmem:$0x1FFD0];
	v11 =	vand.u32 $0xFFFF0000, v11;
	v3 =	vmul.f32 v3, v45;
	v2 =	vmul.f32 v2, v15  }
0x1c8: {  	v8 =	vand.u32 $0xFFFF0000, v8;
	v18 =	vld [tilespmem:$0x1FF90];
	v32 =	vmul.f32 v32, v61;
	v11 =	vmul.f32 v11, v62  }
0x1c9: {  	v1 =	vadd.bf16 v4, v1;
	v4 =	vadd.bf16 v54, v55;
	v6 =	vmax.bf16 v56, v0  }
0x1ca: {  	v37 =	vld [tilespmem:$0x1FFB0];
	v12 =	vmax.bf16 v12, v0;
	v52 =	vadd.bf16 v47, v49;
	v54 =	vmul.f32 v53, v59  }
0x1cb: {  	v55 =	vshll.u32 v5, $0x10;
	v2 =	vadd.f32 $0.0e+00, v2;
	v1 =	vmax.bf16 v1, v0  }
0x1cc: {  	v51 =	vld [tilespmem:$0x1FF70];
	v17 =	vshll.u32 v6, $0x10;
	v6 =	vand.u32 $0xFFFF0000, v6;
	v14 =	vshll.u32 v1, $0x10  }
0x1cd: {  	v35 =	vshll.u32 v12, $0x10;
	v8 =	vmul.f32 v8, v18;
	v33 =	vmul.f32 v14, v16;
	v14 =	vld [tilespmem:$0x1FFA0]  }
0x1ce: {  	v44 =	vld [tilespmem:s30+$0xFFFFFF10];
	v12 =	vand.u32 $0xFFFF0000, v12;
	v1 =	vand.u32 $0xFFFF0000, v1;
	v6 =	vmul.f32 v6, v18  }
0x1cf: {  	v42 =	vld [tilespmem:s12+$0xFFFFFF10];
	v12 =	vmul.f32 v12, v37;
	v1 =	vmul.f32 v1, v37;
	v8 =	vadd.f32 $0.0e+00, v8  }
0x1d0: {  	v6 =	vadd.f32 $0.0e+00, v6;
	v2 =	vadd.f32 v33, v2;
	v33 =	vmul.f32 v17, v15;
	v17 =	vld [tilespmem:$0x1FFE0]  }
0x1d1: {  	v1 =	vadd.f32 v1, v8;
	v8 =	vmul.f32 v35, v16;
	v35 =	vand.u32 $0xFFFF0000, v36  }
0x1d2: {  	v5 =	vand.u32 $0xFFFF0000, v5;
	v33 =	vadd.f32 $0.0e+00, v33;
	v35 =	vmul.f32 v35, v14  }
0x1d3: {  	v5 =	vmul.f32 v5, v51;
	v6 =	vadd.f32 v12, v6;
	v10 =	vmul.f32 v10, v14  }
0x1d4: {  	v12 =	vmul.f32 v40, v19;
	v8 =	vadd.f32 v8, v33;
	v1 =	vadd.f32 v35, v1  }
0x1d5: {  	v33 =	vmul.f32 v39, v17;
	v6 =	vadd.f32 v10, v6;
	v10 =	vadd.bf16 v42, v44  }
0x1d6: {  	v35 =	vmax.bf16 v52, v0;
	v44 =	vmax.bf16 v38, v0;
	v52 =	vmax.bf16 v30, v0  }
0x1d7: {  	v36 =	vshll.u32 v35, $0x10;
	v2 =	vadd.f32 v33, v2;
	v33 =	vmul.f32 v41, v17  }
0x1d8: {  	v42 =	vand.u32 $0xFFFF0000, v35;
	v53 =	vshll.u32 v52, $0x10;
	v1 =	vadd.f32 v32, v1  }
0x1d9: {  	v6 =	vadd.f32 v34, v6;
	v39 =	vmul.f32 v36, v15;
	v8 =	vadd.f32 v33, v8  }
0x1da: {  	v56 =	vld [tilespmem:s12+$0xFFFFFF00];
	v33 =	vmul.f32 v43, v19;
	v2 =	vadd.f32 v12, v2;
	v12 =	vmul.f32 v46, v60  }
0x1db: {  	v34 =	vld [tilespmem:s30+$0xFFFFFF00];
	v6 =	vadd.f32 v13, v6;
	v32 =	vadd.f32 v11, v1;
	v1 =	vshll.u32 v7, $0x10  }
0x1dc: {  	v43 =	vmul.f32 v42, v18;
	v46 =	vshll.u32 v44, $0x10;
	v11 =	vand.u32 $0xFFFF0000, v52  }
0x1dd: {  	v7 =	vand.u32 $0xFFFF0000, v7;
	v1 =	vmul.f32 v1, v57;
	v11 =	vmul.f32 v11, v61  }
0x1de: {  	v8 =	vadd.f32 v33, v8;
	v33 =	vmul.f32 v48, v60;
	v2 =	vadd.f32 v12, v2  }
0x1df: {  	v12 =	vmul.f32 v50, v57;
	v6 =	vadd.f32 v9, v6;
	v48 =	vmax.bf16 v10, v0  }
0x1e0: {  	v50 =	vmax.bf16 v29, v0;
	v9 =	vadd.bf16 v56, v34;
	v49 =	vshll.u32 v48, $0x10  }
0x1e1: {  	v56 =	vshll.u32 v50, $0x10;
	v34 =	vmax.bf16 v24, v0;
	v8 =	vadd.f32 v33, v8  }
0x1e2: {  	v5 =	vadd.f32 v5, v6;
	v1 =	vadd.f32 v1, v2;
	v2 =	vmax.bf16 v4, v0  }
0x1e3: {  	v4 =	vadd.f32 $0.0e+00, v39;
	v6 =	vadd.f32 $0.0e+00, v43;
	v33 =	vmax.bf16 v22, v0  }
0x1e4: {  	v35 =	vshll.u32 v34, $0x10;
	v41 =	vshll.u32 v2, $0x10;
	v2 =	vand.u32 $0xFFFF0000, v2  }
0x1e5: {  	v9 =	vmax.bf16 v9, v0;
	v36 =	vshll.u32 v33, $0x10;
	v8 =	vadd.f32 v12, v8  }
0x1e6: {  	v12 =	vmul.f32 v55, v58;
	v3 =	vadd.f32 v3, v5;
	v5 =	vmul.f32 v41, v16  }
0x1e7: {  	v2 =	vmul.f32 v2, v37;
	v47 =	vshll.u32 v9, $0x10;
	v9 =	vand.u32 $0xFFFF0000, v9  }
0x1e8: {  	v41 =	vmax.bf16 v21, v0;
	v9 =	vmul.f32 v9, v18;
	v8 =	vadd.f32 v12, v8  }
0x1e9: {  	v4 =	vadd.f32 v5, v4;
	v5 =	vmul.f32 v46, v17;
	v2 =	vadd.f32 v2, v6  }
0x1ea: {  	v6 =	vmul.f32 v47, v15;
	v15 =	vmax.bf16 v28, v0;
	v28 =	vmax.bf16 v25, v0  }
0x1eb: {  	v9 =	vadd.f32 $0.0e+00, v9;
	v10 =	vand.u32 $0xFFFF0000, v15;
	v30 =	vshll.u32 v28, $0x10  }
0x1ec: {  	v40 =	vadd.f32 v54, v8;
	v8 =	vand.u32 $0xFFFF0000, v44;
	v4 =	vadd.f32 v5, v4  }
0x1ed: {  	v6 =	vadd.f32 $0.0e+00, v6;
	v5 =	vand.u32 $0xFFFF0000, v48;
	v10 =	vmul.f32 v10, v61  }
0x1ee: {  	v54 =	vmax.bf16 v31, v0;
	v8 =	vmul.f32 v8, v14;
	v5 =	vmul.f32 v5, v37  }
0x1ef: {  	v55 =	vshll.u32 v54, $0x10;
	v12 =	vand.u32 $0xFFFF0000, v54;
	v37 =	vmax.bf16 v23, v0  }
0x1f0: {  	v12 =	vmul.f32 v12, v14;
	v14 =	vand.u32 $0xFFFF0000, v50;
	v38 =	vshll.u32 v37, $0x10  }
0x1f1: {  	v2 =	vadd.f32 v8, v2;
	v8 =	vmul.f32 v49, v16;
	v5 =	vadd.f32 v5, v9  }
0x1f2: {  	v9 =	vmul.f32 v55, v17;
	v17 =	vmax.bf16 v27, v0;
	v27 =	vmax.bf16 v26, v0  }
0x1f3: {  	v16 =	vshll.u32 v15, $0x10;
	v18 =	vshll.u32 v17, $0x10;
	v29 =	vshll.u32 v27, $0x10  }
0x1f4: {  	v6 =	vadd.f32 v8, v6;
	v8 =	vmul.f32 v53, v19;
	v2 =	vadd.f32 v11, v2  }
0x1f5: {  	v5 =	vadd.f32 v12, v5;
	v11 =	vand.u32 $0xFFFF0000, v28;
	v12 =	vand.u32 $0xFFFF0000, v37  }
0x1f6: {  	v31 =	vmul.f32 v11, v51;
	v4 =	vadd.f32 v8, v4;
	v8 =	vmul.f32 v56, v60  }
0x1f7: {  	v11 =	vand.u32 $0xFFFF0000, v34;
	v6 =	vadd.f32 v9, v6;
	v9 =	vmul.f32 v14, v62  }
0x1f8: {  	v5 =	vadd.f32 v10, v5;
	v4 =	vadd.f32 v8, v4;
	v8 =	vmul.f32 v16, v19  }
0x1f9: {  	v2 =	vadd.f32 v9, v2;
	v19 =	vand.u32 $0xFFFF0000, v17;
	v9 =	vmul.f32 v18, v57  }
0x1fa: {  	v10 =	vand.u32 $0xFFFF0000, v27;
	v6 =	vadd.f32 v8, v6;
	v8 =	vmul.f32 v19, v63  }
0x1fb: {  	v39 =	vmul.f32 v12, v51;
	v10 =	vmul.f32 v10, v62;
	v4 =	vadd.f32 v9, v4  }
0x1fc: {  	v9 =	vmul.f32 v29, v60;
	v2 =	vadd.f32 v8, v2;
	v8 =	vmul.f32 v30, v58  }
0x1fd: {  	v11 =	vmul.f32 v11, v63;
	v5 =	vadd.f32 v10, v5;
	v10 =	vand.u32 $0xFFFF0000, v33  }
0x1fe: {  	v6 =	vadd.f32 v9, v6;
	v4 =	vadd.f32 v8, v4;
	v8 =	vmul.f32 v35, v57  }
0x1ff: {  	v10 =	vmul.f32 v10, v45;
	v9 =	vmul.f32 v36, v59;
	v2 =	vadd.f32 v31, v2  }
0x200: {  	v5 =	vadd.f32 v11, v5;
	v6 =	vadd.f32 v8, v6;
	v8 =	vmul.f32 v38, v58  }
0x201: {  	v4 =	vadd.f32 v9, v4;
	v2 =	vadd.f32 v10, v2;
	v10 =	vand.u32 $0xFFFF0000, v41  }
0x202: {  	v43 =	vshll.u32 v41, $0x10;
	v46 =	vld [tilespmem:$0x1FEA0];
	v5 =	vadd.f32 v39, v5;
	v10 =	vmul.f32 v10, v45  }
0x203: {  	v6 =	vadd.f32 v8, v6;
	v2 =	vadd.f32 v2, v4;
	v4 =	vmul.f32 v43, v59  }
0x204: {  	v7 =	vmul.f32 v7, v63;
	v3 =	vadd.f32 v3, v40;
	v40 =	vmax.bf16 v20, v0  }
0x205: {  	v42 =	vshll.u32 v40, $0x10;
	v5 =	vadd.f32 v10, v5;
	v4 =	vadd.f32 v4, v6  }
0x206: {  	v7 =	vadd.f32 v7, v32;
	v9 =	vmul.f32 v42, v58;
	v8 =	vand.u32 $0xFFFF0000, v40  }
0x207: {  	(xrf2) =	vadd.scan.msk.f32 $0xffff, v3;
	v44 =	vmul.f32 v8, v51;
	v8 =	vmax.bf16 v46, v0;
	v3 =	vadd.f32 v5, v4  }
0x208: {  	v1 =	vadd.f32 v9, v1;
	v47 =	vshll.u32 v8, $0x10;
	v8 =	vand.u32 $0xFFFF0000, v8;
	(xrf2) =	vadd.scan.msk.f32 $0xffff, v2  }
0x209: {  	v6 =	vadd.f32 v44, v7;
	v48 =	vmul.f32 v47, v59;
	v49 =	vmul.f32 v8, v45;
	(xrf2) =	vadd.scan.msk.f32 $0xffff, v3;
	_ =	sdelay $0x1  }
0x20a: {  	v1 =	vadd.f32 v48, v1;
	v2 =	vadd.f32 v49, v6;
	_ =	sdelay $0x1  }
0x20b: {  	v1 =	vadd.f32 v2, v1;
	_ =	sdelay $0x1  }
0x20c: {  	(xrf2) =	vadd.scan.msk.f32 $0xffff, v1;
	_ =	sdelay $0x1  }
0x20d: {  	s31 =	simm.s32 $0x1;
	s0 =	simm.s32 $0x0;
	v1, _, _ =	vpop (xrf2)  }
0x20e: {  	s2 =	sand.u32 $0xD, s31;
	s14 =	sand.u32 $0xC, s0;
	v2, _, _ =	vpop (xrf2)  }
0x20f: {  	s12 =	simm.s32 $0x2;
	v52 =	vmov s14;
	v54 =	vmov s2;
	v3, _, _ =	vpop (xrf2)  }
0x210: {  	s2 =	sand.u32 $0xE, s12;
	v50 =	vimm.f32 $0.0e+00;
	v53 =	vlaneseq.u32;
	v3 =	vbroadcast v3, $0xF  }
0x211: {  	v55 =	vmov s2;
	vm0 =	veq.s32 v52, v53;
	v2 =	vbroadcast v2, $0xF  }
0x212: {  	vm13 =	veq.s32 v54, v53;
	v1 =	vbroadcast v1, $0xF;
	v3 =	vsel vm0, v3, v50  }
0x213: {  	vm14 =	veq.s32 v55, v53;
	v2 =	vsel vm13, v2, v3  }
0x214: {  	s14 =	simm.s32 $0x3;
	v1 =	vsel vm14, v1, v2;
	v2 =	vld [tilespmem:$0x1FEF0]  }
0x215: {  	s1 =	sand.u32 $0xF, s14;
	v3, _, _ =	vpop (xrf2)  }
0x216: {  	v56 =	vmov s1;
	v3 =	vbroadcast v3, $0xF  }
0x217: {  	vm15 =	veq.s32 v56, v53  }
0x218: {  	p0 =	sne.s32 s1, $0xF;
	v22 =	vsel vm15, v3, v1  }
0x219: {  	v1 =	vadd.f32 @!p0 v22, v2;
	_ =	sdelay $0x1  }
0x21a: {  	v1 =	vsub.f32 @!p0 $0.0e+00, v1;
	_ =	sdelay $0x1  }
0x21b: {  	v1 =	vmul.f32 @!p0 $1.442695020e+00, v1;
	_ =	sdelay $0x1  }
0x21c: {  	(erf) = vpow2.f32 @!p0 v1;
	_ =	sdelay $0x8  }
0x21d: {  	v1 =	vpop @!p0 (erf)  }
0x21e: {  	v1 =	vadd.f32 @!p0 $1.000000000e+00, v1;
	_ =	sdelay $0x1  }
0x21f: {  	(erf) = vrcp.f32 @!p0 v1;
	_ =	sdelay $0x2  }
0x220: {  	s31 =	sand.u32 $0x780, s29  }
0x221: {  	s1 =	sadd.s32 $0x15880, s31  }
0x222: {  	v3 =	vmov s1;
	_ =	sdelay $0x3  }
0x223: {  	s0 =	sand.u32 @!p0 $0x70, s0;
	[tilespmem:$0x1FEB0] =	vst v3;
	v1 =	vpop @!p0 (erf)  }
0x224: {  	s29 =	simm.s32 $0x4;
	[tilespmem:v3+s0+$0x0 ss:$0x1] =	vst.idx.msk @!p0 $0xffff, v1;
	s0 =	simm.s32 $0x11300  }
.LBB2_5:
0x225: {  	v1 =	vld [tilespmem:s0+$0xF0]  }
0x226: {  	v3 =	vld [tilespmem:s0+$0x70]  }
0x227: {  	v5 =	vld [tilespmem:s0+$0xFFFFFFF0]  }
0x228: {  	v7 =	vld [tilespmem:s0+$0xE0]  }
0x229: {  	v9 =	vld [tilespmem:s0+$0xFFFFFF70]  }
0x22a: {  	v11 =	vld [tilespmem:s0+$0x60]  }
0x22b: {  	v13 =	vld [tilespmem:s0+$0xFFFFFFE0]  }
0x22c: {  	v29 =	vld [tilespmem:s0+$0xFFFFFF60]  }
0x22d: {  	v34 =	vld [tilespmem:s0+$0x50]  }
0x22e: {  	v16 =	vld [tilespmem:s0+$0x40]  }
0x22f: {  	v39 =	vld [tilespmem:s0+$0xFFFFFFC0]  }
0x230: {  	v43 =	vld [tilespmem:s0+$0xB0]  }
0x231: {  	s30 =	sadd.s32 $0x200, s30;
	v21 =	vld [tilespmem:$0x1FFE0]  }
0x232: {  	v2 =	vld [tilespmem:s30+$0xF0]  }
0x233: {  	v4 =	vld [tilespmem:s30+$0x70]  }
0x234: {  	v6 =	vld [tilespmem:s30+$0xFFFFFFF0]  }
0x235: {  	v8 =	vld [tilespmem:s30+$0xE0]  }
0x236: {  	v10 =	vld [tilespmem:s30+$0xFFFFFF70]  }
0x237: {  	v12 =	vld [tilespmem:s30+$0x60]  }
0x238: {  	v27 =	vld [tilespmem:s30+$0xFFFFFFE0];
	v3 =	vadd.bf16 v3, v4;
	v1 =	vadd.bf16 v1, v2  }
0x239: {  	v4 =	vld [tilespmem:s0+$0xD0]  }
0x23a: {  	v2 =	vld [tilespmem:s30+$0xD0];
	v3 =	vmax.bf16 v3, v0;
	v1 =	vmax.bf16 v1, v0  }
0x23b: {  	v30 =	vld [tilespmem:s30+$0xFFFFFF60];
	v5 =	vadd.bf16 v5, v6;
	v6 =	vshll.u32 v3, $0x10;
	v14 =	vshll.u32 v1, $0x10  }
0x23c: {  	v17 =	vld [tilespmem:s30+$0x40];
	v3 =	vand.u32 $0xFFFF0000, v3;
	v1 =	vand.u32 $0xFFFF0000, v1;
	v32 =	vmul.f32 v6, v59  }
0x23d: {  	v52 =	vld [tilespmem:s30+$0xFFFFFFD0];
	[tilespmem:$0x1FE90] =	vst v1;
	v1 =	vmax.bf16 v5, v0;
	v33 =	vmul.f32 v3, v45;
	v3 =	vadd.bf16 v7, v8  }
0x23e: {  	v55 =	vld [tilespmem:s30+$0xC0];
	v6 =	vadd.bf16 v9, v10;
	v8 =	vshll.u32 v1, $0x10;
	v1 =	vand.u32 $0xFFFF0000, v1  }
0x23f: {  	v56 =	vld [tilespmem:s30+$0xFFFFFF50];
	v2 =	vadd.bf16 v4, v2;
	v24 =	vmul.f32 v8, v59;
	v25 =	vmul.f32 v1, v45  }
0x240: {  	v5 =	vld [tilespmem:s30+$0x50];
	v1 =	vmax.bf16 v3, v0;
	v3 =	vmax.bf16 v6, v0;
	v6 =	vadd.bf16 v11, v12  }
0x241: {  	v7 =	vld [tilespmem:s0+$0xFFFFFFD0];
	v11 =	vadd.bf16 v16, v17;
	v53 =	vshll.u32 v1, $0x10;
	v54 =	vshll.u32 v3, $0x10  }
0x242: {  	v8 =	vld [tilespmem:s0+$0xC0];
	v26 =	vand.u32 $0xFFFF0000, v1;
	v28 =	vand.u32 $0xFFFF0000, v3;
	v3 =	vadd.bf16 v13, v27  }
0x243: {  	v12 =	vld [tilespmem:s0+$0xFFFFFFA0];
	v2 =	vmax.bf16 v2, v0;
	v23 =	vmul.f32 v53, v58;
	v6 =	vmax.bf16 v6, v0  }
0x244: {  	v16 =	vld [tilespmem:s30+$0xFFFFFFA0];
	v27 =	vmul.f32 v54, v59;
	v59 =	vshll.u32 v6, $0x10;
	v3 =	vmax.bf16 v3, v0  }
0x245: {  	v1 =	vld [tilespmem:s0+$0xFFFFFF50];
	v6 =	vand.u32 $0xFFFF0000, v6;
	v38 =	vmul.f32 v59, v58;
	v4 =	vshll.u32 v3, $0x10  }
0x246: {  	v19 =	vld [tilespmem:s30+$0xFFFFFF40];
	v3 =	vand.u32 $0xFFFF0000, v3;
	v40 =	vmul.f32 v6, v51;
	v6 =	vadd.bf16 v29, v30  }
0x247: {  	[tilespmem:$0x1FE80] =	vst v14;
	v14 =	vld [tilespmem:$0x1FFA0];
	v30 =	vand.u32 $0xFFFF0000, v2;
	v29 =	vmul.f32 v4, v58;
	v31 =	vmul.f32 v3, v51  }
0x248: {  	v17 =	vld [tilespmem:$0x1FFF0];
	v3 =	vadd.bf16 v34, v5;
	v5 =	vshll.u32 v2, $0x10;
	v2 =	vadd.bf16 v7, v52  }
0x249: {  	v59 =	vld [tilespmem:s0+$0xFFFFFFB0];
	v8 =	vadd.bf16 v8, v55;
	v9 =	vadd.bf16 v12, v16;
	v6 =	vmax.bf16 v6, v0  }
0x24a: {  	v4 =	vld [tilespmem:s30+$0xFFFFFFC0];
	v42 =	vmul.f32 v5, v57;
	v1 =	vadd.bf16 v1, v56;
	v34 =	vshll.u32 v6, $0x10  }
0x24b: {  	v7 =	vld [tilespmem:s0+$0xFFFFFF40];
	v3 =	vmax.bf16 v3, v0;
	v2 =	vmax.bf16 v2, v0;
	v8 =	vmax.bf16 v8, v0  }
0x24c: {  	v58 =	vld [tilespmem:s0+$0x30];
	v35 =	vand.u32 $0xFFFF0000, v6;
	v9 =	vmax.bf16 v9, v0;
	v18 =	vshll.u32 v3, $0x10  }
0x24d: {  	v5 =	vld [tilespmem:s30+$0xB0];
	v3 =	vand.u32 $0xFFFF0000, v3;
	v1 =	vmax.bf16 v1, v0;
	v45 =	vmul.f32 v18, v57  }
0x24e: {  	v6 =	vld [tilespmem:s30+$0xFFFFFFB0];
	v46 =	vmul.f32 v3, v63;
	v3 =	vshll.u32 v2, $0x10;
	v2 =	vand.u32 $0xFFFF0000, v2  }
0x24f: {  	v52 =	vld [tilespmem:s30+$0xFFFFFF30];
	v41 =	vshll.u32 v1, $0x10;
	v36 =	vmul.f32 v3, v57;
	v3 =	vshll.u32 v8, $0x10  }
0x250: {  	v12 =	vld [tilespmem:s30+$0x80];
	v37 =	vmul.f32 v2, v63;
	v8 =	vand.u32 $0xFFFF0000, v8;
	v51 =	vmul.f32 v3, v60  }
0x251: {  	v2 =	vld [tilespmem:s30+$0x30];
	v49 =	vmul.f32 v8, v62;
	v3 =	vadd.bf16 v39, v4;
	v4 =	vmax.bf16 v11, v0  }
0x252: {  	v63 =	vld [tilespmem:s0+$0xFFFFFF30];
	v39 =	vand.u32 $0xFFFF0000, v1;
	v5 =	vadd.bf16 v43, v5;
	v1 =	vshll.u32 v4, $0x10  }
0x253: {  	v57 =	vld [tilespmem:s30+$0x0];
	v4 =	vand.u32 $0xFFFF0000, v4;
	v6 =	vadd.bf16 v59, v6;
	v3 =	vmax.bf16 v3, v0  }
0x254: {  	v8 =	vld [tilespmem:s0+$0xA0];
	v54 =	vmul.f32 v1, v60;
	v55 =	vmul.f32 v4, v62;
	v4 =	vmax.bf16 v5, v0  }
0x255: {  	v11 =	vld [tilespmem:s30+$0xA0];
	v5 =	vadd.bf16 v7, v19;
	v15 =	vshll.u32 v3, $0x10;
	v1 =	vand.u32 $0xFFFF0000, v3  }
0x256: {  	v59 =	vld [tilespmem:s30+$0x10];
	v7 =	vshll.u32 v4, $0x10;
	v4 =	vand.u32 $0xFFFF0000, v4;
	v6 =	vmax.bf16 v6, v0  }
0x257: {  	v19 =	vld [tilespmem:s30+$0x90];
	v43 =	vmul.f32 v15, v60;
	v44 =	vmul.f32 v1, v62;
	v2 =	vadd.bf16 v58, v2  }
0x258: {  	v3 =	vld [tilespmem:s0+$0x20];
	v7 =	vmul.f32 v7, v17;
	v5 =	vmax.bf16 v5, v0;
	v4 =	vmul.f32 v4, v61  }
0x259: {  	v1 =	vld [tilespmem:s30+$0x20];
	v50 =	vshll.u32 v6, $0x10;
	v6 =	vand.u32 $0xFFFF0000, v6;
	v13 =	vadd.bf16 v63, v52  }
0x25a: {  	v58 =	vld [tilespmem:s0+$0xFFFFFF20];
	v48 =	vshll.u32 v5, $0x10;
	v47 =	vand.u32 $0xFFFF0000, v5;
	v8 =	vadd.bf16 v8, v11  }
0x25b: {  	v60 =	vld [tilespmem:s0+$0x80];
	v50 =	vmul.f32 v50, v17;
	v52 =	vmul.f32 v6, v61;
	v2 =	vmax.bf16 v2, v0  }
0x25c: {  	v5 =	vld [tilespmem:s0+$0x90];
	v13 =	vmax.bf16 v13, v0;
	v18 =	vshll.u32 v2, $0x10;
	v2 =	vand.u32 $0xFFFF0000, v2  }
0x25d: {  	v6 =	vld [tilespmem:s0+$0x10];
	v8 =	vmax.bf16 v8, v0;
	v56 =	vshll.u32 v13, $0x10;
	v53 =	vand.u32 $0xFFFF0000, v13  }
0x25e: {  	v11 =	vld [tilespmem:s30+$0xFFFFFF20];
	v10 =	vmul.f32 v18, v17;
	v2 =	vmul.f32 v2, v61;
	v18 =	vshll.u32 v9, $0x10  }
0x25f: {  	v13 =	vld [tilespmem:s0+$0x0];
	v9 =	vand.u32 $0xFFFF0000, v9;
	v1 =	vadd.bf16 v3, v1;
	v3 =	vshll.u32 v8, $0x10  }
0x260: {  	v8 =	vand.u32 $0xFFFF0000, v8;
	v62 =	vmul.f32 v18, v21;
	v9 =	vmul.f32 v9, v14  }
0x261: {  	v20 =	vld [tilespmem:$0x1FFD0];
	v12 =	vadd.bf16 v60, v12;
	v3 =	vmul.f32 v3, v21;
	v8 =	vmul.f32 v8, v14  }
0x262: {  	v15 =	vld [tilespmem:$0x1FFB0];
	v5 =	vadd.bf16 v5, v19;
	v6 =	vadd.bf16 v6, v59;
	v1 =	vmax.bf16 v1, v0  }
0x263: {  	v18 =	vld [tilespmem:$0x1FF90];
	v11 =	vadd.bf16 v58, v11;
	v12 =	vmax.bf16 v12, v0;
	v16 =	vshll.u32 v1, $0x10  }
0x264: {  	v19 =	vld [tilespmem:s0+$0xFFFFFF90];
	v1 =	vand.u32 $0xFFFF0000, v1;
	v5 =	vmax.bf16 v5, v0;
	v13 =	vadd.bf16 v13, v57  }
0x265: {  	v58 =	vld [tilespmem:s30+$0xFFFFFF90];
	v6 =	vmax.bf16 v6, v0;
	v60 =	vshll.u32 v12, $0x10;
	v12 =	vand.u32 $0xFFFF0000, v12  }
0x266: {  	v11 =	vmax.bf16 v11, v0;
	v61 =	vmul.f32 v16, v21;
	v1 =	vmul.f32 v1, v14;
	v16 =	vld [tilespmem:$0x1FFC0]  }
0x267: {  	v63 =	vshll.u32 v5, $0x10;
	v5 =	vand.u32 $0xFFFF0000, v5;
	v57 =	vshll.u32 v6, $0x10  }
0x268: {  	v6 =	vand.u32 $0xFFFF0000, v6;
	v13 =	vmax.bf16 v13, v0;
	v12 =	vmul.f32 v12, v18  }
0x269: {  	v59 =	vmul.f32 v63, v20;
	v63 =	vshll.u32 v13, $0x10;
	v13 =	vand.u32 $0xFFFF0000, v13  }
0x26a: {  	v5 =	vmul.f32 v5, v15;
	v13 =	vmul.f32 v13, v18;
	v12 =	vadd.f32 $0.0e+00, v12  }
0x26b: {  	v19 =	vadd.bf16 v19, v58;
	v60 =	vmul.f32 v60, v16;
	v58 =	vmul.f32 v63, v16;
	v63 =	vld [tilespmem:s0+$0xFFFFFF10]  }
0x26c: {  	v6 =	vmul.f32 v6, v15;
	v13 =	vadd.f32 $0.0e+00, v13;
	v5 =	vadd.f32 v5, v12;
	v12 =	vld [tilespmem:s30+$0xFFFFFF10]  }
0x26d: {  	v57 =	vmul.f32 v57, v20;
	v60 =	vadd.f32 $0.0e+00, v60;
	v58 =	vadd.f32 $0.0e+00, v58  }
0x26e: {  	v6 =	vadd.f32 v6, v13;
	v13 =	vshll.u32 v11, $0x10;
	v5 =	vadd.f32 v8, v5  }
0x26f: {  	v8 =	vand.u32 $0xFFFF0000, v11;
	v11 =	vld [tilespmem:s30+$0xFFFFFF80];
	v59 =	vadd.f32 v59, v60;
	v57 =	vadd.f32 v57, v58  }
0x270: {  	v58 =	vld [tilespmem:s0+$0xFFFFFF80];
	v1 =	vadd.f32 v1, v6;
	v6 =	vmax.bf16 v19, v0;
	v4 =	vadd.f32 v4, v5  }
0x271: {  	v5 =	vshll.u32 v6, $0x10;
	v19 =	vadd.bf16 v63, v12;
	v12 =	vld [tilespmem:s30+$0xFFFFFF00];
	v3 =	vadd.f32 v3, v59  }
0x272: {  	v6 =	vand.u32 $0xFFFF0000, v6;
	v57 =	vadd.f32 v61, v57;
	v1 =	vadd.f32 v2, v1;
	v2 =	vld [tilespmem:s0+$0xFFFFFF00]  }
0x273: {  	v5 =	vmul.f32 v5, v20;
	v4 =	vadd.f32 v49, v4;
	v3 =	vadd.f32 v7, v3  }
0x274: {  	v6 =	vmul.f32 v6, v15;
	v7 =	vadd.f32 v10, v57;
	v1 =	vadd.f32 v55, v1  }
0x275: {  	v10 =	vmax.bf16 v19, v0;
	v11 =	vadd.bf16 v58, v11;
	v3 =	vadd.f32 v51, v3  }
0x276: {  	v7 =	vadd.f32 v54, v7;
	v1 =	vadd.f32 v46, v1;
	v54 =	vshll.u32 v10, $0x10  }
0x277: {  	v10 =	vand.u32 $0xFFFF0000, v10;
	v11 =	vmax.bf16 v11, v0;
	v2 =	vadd.bf16 v2, v12  }
0x278: {  	v7 =	vadd.f32 v45, v7;
	v55 =	vshll.u32 v11, $0x10;
	v11 =	vand.u32 $0xFFFF0000, v11  }
0x279: {  	v3 =	vadd.f32 v42, v3;
	v1 =	vadd.f32 v40, v1;
	v11 =	vmul.f32 v11, v18  }
0x27a: {  	v2 =	vmax.bf16 v2, v0;
	v7 =	vadd.f32 v38, v7;
	v38 =	vmul.f32 v55, v16  }
0x27b: {  	v40 =	vshll.u32 v2, $0x10;
	v2 =	vand.u32 $0xFFFF0000, v2;
	v11 =	vadd.f32 $0.0e+00, v11  }
0x27c: {  	v1 =	vadd.f32 v33, v1;
	v2 =	vmul.f32 v2, v18;
	v12 =	vadd.f32 $0.0e+00, v38  }
0x27d: {  	v7 =	vadd.f32 v32, v7;
	v32 =	vmul.f32 v40, v16;
	v6 =	vadd.f32 v6, v11  }
0x27e: {  	v10 =	vmul.f32 v10, v15;
	v2 =	vadd.f32 $0.0e+00, v2;
	v5 =	vadd.f32 v5, v12  }
0x27f: {  	v60 =	vld [tilespmem:$0x1FF00];
	v1 =	vadd.f32 v1, v7;
	v7 =	vmul.f32 v54, v20;
	v42 =	vadd.f32 $0.0e+00, v32  }
0x280: {  	v8 =	vmul.f32 v8, v14;
	v61 =	vld [tilespmem:$0x1FF40];
	v6 =	vadd.f32 v9, v6;
	v5 =	vadd.f32 v62, v5  }
0x281: {  	v57 =	vld [tilespmem:$0x1FF10];
	v46 =	vmul.f32 v13, v21;
	v2 =	vadd.f32 v10, v2;
	v7 =	vadd.f32 v7, v42  }
0x282: {  	v62 =	vld [tilespmem:$0x1FF50];
	v6 =	vadd.f32 v52, v6;
	v5 =	vadd.f32 v50, v5  }
0x283: {  	v49 =	vmul.f32 v56, v17;
	v58 =	vld [tilespmem:$0x1FF20];
	v2 =	vadd.f32 v8, v2;
	v7 =	vadd.f32 v46, v7  }
0x284: {  	v63 =	vld [tilespmem:$0x1FF60];
	v6 =	vadd.f32 v44, v6;
	v5 =	vadd.f32 v43, v5  }
0x285: {  	v8 =	vmul.f32 v53, v61;
	v53 =	vmul.f32 v48, v60;
	v7 =	vadd.f32 v49, v7  }
0x286: {  	v51 =	vld [tilespmem:$0x1FF70];
	v54 =	vmul.f32 v41, v57;
	v6 =	vadd.f32 v37, v6;
	v5 =	vadd.f32 v36, v5  }
0x287: {  	v2 =	vadd.f32 v8, v2;
	v8 =	vmul.f32 v47, v62;
	v7 =	vadd.f32 v53, v7  }
0x288: {  	v45 =	vld [tilespmem:$0x1FF80];
	v55 =	vmul.f32 v34, v58;
	v6 =	vadd.f32 v31, v6;
	v5 =	vadd.f32 v29, v5  }
0x289: {  	v2 =	vadd.f32 v8, v2;
	v8 =	vmul.f32 v39, v63;
	v7 =	vadd.f32 v54, v7  }
0x28a: {  	v56 =	vmul.f32 v30, v63;
	v6 =	vadd.f32 v25, v6;
	v5 =	vadd.f32 v24, v5  }
0x28b: {  	v2 =	vadd.f32 v8, v2;
	v8 =	vmul.f32 v35, v51;
	v7 =	vadd.f32 v55, v7  }
0x28c: {  	v59 =	vld [tilespmem:$0x1FF30];
	v4 =	vadd.f32 v56, v4;
	(xrf2) =	vadd.scan.msk.f32 $0xffff, v1;
	v1 =	vadd.f32 v6, v5;
	v5 =	vmul.f32 v26, v51  }
0x28d: {  	v2 =	vadd.f32 v8, v2;
	v8 =	vmul.f32 v28, v45;
	v6 =	vadd.f32 v27, v7;
	v7 =	vld [tilespmem:$0x1FE80]  }
0x28e: {  	v4 =	vadd.f32 v5, v4;
	v5 =	vld [tilespmem:$0x1FE90]  }
0x28f: {  	v2 =	vadd.f32 v8, v2;
	_ =	sdelay $0x1  }
0x290: {  	(xrf2) =	vadd.scan.msk.f32 $0xffff, v1;
	v1 =	vadd.f32 v2, v6;
	_ =	sdelay $0x1  }
0x291: {  	v3 =	vadd.f32 v23, v3;
	v7 =	vmul.f32 v7, v59;
	(xrf2) =	vadd.scan.msk.f32 $0xffff, v1;
	v5 =	vmul.f32 v5, v45;
	_ =	sdelay $0x1  }
0x292: {  	v2 =	vadd.f32 v7, v3;
	v3 =	vadd.f32 v5, v4;
	_ =	sdelay $0x1  }
0x293: {  	v2 =	vadd.f32 v3, v2;
	_ =	sdelay $0x1  }
0x294: {  	(xrf2) =	vadd.scan.msk.f32 $0xffff, v2;
	_ =	sdelay $0x1  }
0x295: {  	v1, _, _ =	vpop (xrf2)  }
0x296: {  	s1 =	smov.u32 s29;
	v2, _, _ =	vpop (xrf2)  }
0x297: {  	s2 =	sand.u32 $0xC, s1;
	s31 =	sadd.s32 $0x1, s1;
	v7 =	vlaneseq.u32;
	v4, _, _ =	vpop (xrf2)  }
0x298: {  	s12 =	sadd.s32 $0x2, s1;
	v1 =	vbroadcast v1, $0xF;
	v3 =	vmov s2;
	s2 =	sand.u32 $0xD, s31;
	v4 =	vbroadcast v4, $0xF  }
0x299: {  	s12 =	sand.u32 $0xE, s12;
	vm0 =	veq.s32 v3, v7;
	v8 =	vmov s2;
	v2 =	vbroadcast v2, $0xF  }
0x29a: {  	v5 =	vmov s12;
	vm13 =	veq.s32 v8, v7;
	v4 =	vsel vm0, v4, v22  }
0x29b: {  	vm14 =	veq.s32 v5, v7;
	v2 =	vsel vm13, v2, v4  }
0x29c: {  	s14 =	sadd.s32 $0x3, s1;
	v1 =	vsel vm14, v1, v2;
	v2 =	vld [tilespmem:$0x1FEF0]  }
0x29d: {  	s14 =	sand.u32 $0xF, s14;
	v3, _, _ =	vpop (xrf2)  }
0x29e: {  	v6 =	vmov s14;
	v3 =	vbroadcast v3, $0xF  }
0x29f: {  	vm15 =	veq.s32 v6, v7  }
0x2a0: {  	p1 =	sne.s32 s14, $0xF;
	v22 =	vsel vm15, v3, v1  }
0x2a1: {  	v1 =	vadd.f32 @!p1 v22, v2;
	_ =	sdelay $0x1  }
0x2a2: {  	v1 =	vsub.f32 @!p1 $0.0e+00, v1;
	_ =	sdelay $0x1  }
0x2a3: {  	v1 =	vmul.f32 @!p1 $1.442695020e+00, v1;
	_ =	sdelay $0x1  }
0x2a4: {  	(erf) = vpow2.f32 @!p1 v1;
	_ =	sdelay $0x8  }
0x2a5: {  	v1 =	vpop @!p1 (erf)  }
0x2a6: {  	v1 =	vadd.f32 @!p1 $1.000000000e+00, v1;
	_ =	sdelay $0x1  }
0x2a7: {  	(erf) = vrcp.f32 @!p1 v1;
	_ =	sdelay $0x1  }
0x2a8: {  	v3 =	vld [tilespmem:$0x1FEB0];
	_ =	sdelay $0x1  }
0x2a9: {  	s29 =	sadd.s32 $0x4, s29  }
0x2aa: {  	p0 =	sne.s32 s29, $0x80  }
.Ltmp1:
0x2ab: {  	_ = 	snop;
	(pc) =	sbr.rel @p0 .LBB2_5-.Ltmp1, $3  }
0x2ac: {  	_ =	sdelay $0x1  }
0x2ad: {  	s1 =	sand.u32 @!p1 $0x70, s1;
	v1 =	vpop @!p1 (erf)  }
0x2ae: {  	s0 =	sadd.s32 $0x200, s0;
	[tilespmem:v3+s1+$0x0 ss:$0x1] =	vst.idx.msk @!p1 $0xffff, v1  }
0x2af: {  	s0 =	sand.u32 $0x7, s26  }
0x2b0: {  	p0 =	sne.s32 s0, $0x7  }
0x2b1: {  	s0 =	sadd.s32 @!p0 s28, s10  }
0x2b2: {  	s0 =	sshrl.u32 @!p0 s0, $0x3  }
0x2b3: {  	s1 =	simm.s32 @!p0 $0x0;
	s2 =	simm.s32 @!p0 $0x15880;
	s0 =	sadd.s32 @!p0 s7, s0  }
0x2b4: {  	[hbm4b:s0+s1] =	stream.linear.scatter @!p0 [tilespmem:s2], [sflag:$0x5], $0x800, $0x38;
	[tilespmem:$0x16080] =	vst v63  }
0x2b5: {  	s0 =	simm.s32 @!p0 $0x5  }
0x2b6: {  	_ =	swait.ge @!p0 [sflag:s0], $0x800  }
0x2b7: {  	s26 =	sadd.s32 $0x1, s26;
	v6 =	vld [tilespmem:$0x1FFC0]  }
0x2b8: {  	p1 =	sne.s32 s26, $0x28;
	v8 =	vld [tilespmem:$0x1FFD0]  }
.Ltmp2:
0x2b9: {  	v9 =	vld [tilespmem:$0x1FFE0];
	(pc) =	sbr.rel @p1 .LBB2_2-.Ltmp2, $4  }
0x2ba: {  	v17 =	vld [tilespmem:$0x1FFF0]  }
0x2bb: {  	v1 =	vld [tilespmem:$0x1FF90]  }
0x2bc: {  	[sflag:s0] =	ssyncset.done @!p0 $0x0;
	v5 =	vld [tilespmem:$0x1FFB0]  }
0x2bd: {  	v3 =	vld [tilespmem:$0x1FFA0];
	[sflag:s0] =	ssyncadd.s32 @!p0 $0xFFFFF800  }
0x2be: {  	s25 =	sadd.s32 $0x1, s25  }
0x2bf: {  	p0 =	sne.s32 s25, s11  }
.Ltmp3:
0x2c0: {  	_ = 	snop;
	(pc) =	sbr.rel @p0 .LBB2_1-.Ltmp3, $1  }
0x2c1: {  	_ =	sdelay $0x3  }
0x2c2: {  	_ =	sfence.sel $0x180000  }
0x2c3: {  	[bflag:$0x0] =	sbarrier.arrive $0xFFFF  }
0x2c4: {  	_ =	strace $0x90000050  }
0x2c5: {  	s0 =	stileid.u32;
	[bflag:$0x2] =	sbarrier.arrive $0xFFFF  }
0x2c6: {  	p0 =	sne.s32 s0, $0x0;
	s0 =	rddreg [dreg:$0x2]  }
0x2c7: {  	s0 =	sadd.s32 @!p0 $0x100000, s0  }
0x2c8: {  	[sflag:s0] =	ssyncadd.tile.s32 @!p0 $0x1;
	_ =	shalt  }
.Lfunc_end2:
_tile_overlayer_lowered:
.L_overlay_start_2:
0x2c9: {  	(tag) =	ssettag $0x2  }
0x2ca: {  	s0 =	rddreg [dreg:$0x0];
	s2 =	stileid.u32  }
0x2cb: {  	s1 =	rddreg [dreg:$0x1];
	p0 =	sne.s32 s2, $0x0  }
0x2cc: {  	s3 =	rddreg [dreg:$0x2];
	[bflag:$0x3] =	sbarrier.arrive $0xFFFF;
	s2 =	simm.s32 @!p0 $0x1C05  }
0x2cd: {  	[timem:s3], [sflag:s2] =	dma.local @!p0 [hbm:s0], s1  }
0x2ce: {  	s0 =	simm.s32 @!p0 $0x5  }
0x2cf: {  	_ =	swait.ge @!p0 [sflag:s0], s1  }
0x2d0: {  	s1 =	ssub.s32 @!p0 $0x0, s1;
	[sflag:s0] =	ssyncset.done @!p0 $0x0  }
0x2d1: {  	[sflag:s0] =	ssyncadd.s32 @!p0 s1  }
0x2d2: {  	[bflag:$0x3] =	sbarrier.arrive $0xFFFF  }
0x2d3: {  	_ =	shalt  }

// kernel: kernel.9.cloned.1.call-start
scs
__scs_entry_jumppad:
0x0: {  	(pc) =	sbr.rel $0x88, $3  }
0x1: {  	(tag) =	ssettag $0x0;
	lr =	simm.s32 $0x1  }
0x2: {  	[smem:$0x3F95] =	sst lr;
	_ =	strace $0xD0000000  }
0x3: {  	_ = 	snop  }
0x4: {  	_ = 	snop  }
0x5: {  	_ = 	snop  }
0x6: {  	_ = 	snop  }
0x7: {  	_ = 	snop  }
__scs_overlays_trampoline_lowered:
0x8: {  	[smem:$0x3FA4] =	sst s0  }
0x9: {  	[smem:$0x3FA5] =	sst s1  }
0xa: {  	[smem:$0x3FA6] =	sst s2  }
0xb: {  	[smem:$0x3FA7] =	sst s3  }
0xc: {  	[smem:$0x3FA8] =	sst s4  }
0xd: {  	[smem:$0x3FA9] =	sst s5  }
0xe: {  	[smem:$0x3FAA] =	sst s6  }
0xf: {  	[smem:$0x3FAB] =	sst s7  }
0x10: {  	[smem:$0x3FAC] =	sst s8  }
0x11: {  	[smem:$0x3FAD] =	sst s9;
	s0 =	simm.s32 @!p0 $0x0  }
0x12: {  	s1 =	sld [smem:$0x3F93];
	s0 =	simm.s32 @p0 $0x1  }
0x13: {  	[smem:$0x3FAE] =	sst s0;
	s0 =	simm.s32 @!p1 $0x0  }
0x14: {  	s2 =	sld [smem:$0x3F92];
	s0 =	simm.s32 @p1 $0x1  }
0x15: {  	[smem:$0x3FAF] =	sst s0;
	s0 =	simm.s32 @!p2 $0x0  }
0x16: {  	s3 =	sld [smem:$0x3FDB];
	s0 =	simm.s32 @p2 $0x1  }
0x17: {  	s4 =	simm.s32 $0x1BF5;
	[smem:$0x3FB1] =	sst s0  }
0x18: {  	s0 =	sld [smem:$0x3F94];
	_ =	swait.ge [sflag:s4], $0x0  }
0x19: {  	s7 =	sld [smem:$0x3F95]  }
0x1a: {  	s8 =	sadd.s32 $0xFFFFE003, lr  }
0x1b: {  	s9 =	sadd.s32 $0xFFFFFEF7, lr;
	s5 =	simm.s32 $0xFFFFFFFF;
	p2 =	slt.u32 s8, $0xFFFFF086  }
0x1c: {  	p1 =	slt.u32 s9, $0xF7A;
	s5 =	simm.s32 @!p2 $0x0  }
0x1d: {  	s5 =	simm.s32 @p1 $0x1;
	p0 =	seq.s32 s7, s2  }
0x1e: {  	s7 =	smul.u32 @!p0 $0xF7A, s2;
	p2 =	seq.s32 @!p0 s5, $0x0  }
0x1f: {  	s9 =	smul.u32 $0xF7A, s1;
	s8 =	simm.s32 @!p0 $0x1BF5;
	p2 =	por !p2, p0  }
0x20: {  	[sflag:s8] =	ssyncset.s32 @!p0 $0xFFFFF086;
	s6 =	sadd.s32 @!p0 s3, s7;
	s7 =	simm.s32 @!p0 $0x108  }
0x21: {  	s3 =	sadd.s32 s3, s9;
	s6 =	sadd.s32 @!p0 $0x88, s6;
	s7 =	simm.s32 @p2 $0x1082  }
0x22: {  	[simem:s7], [sflag:s8] =	dma.local @!p0 [hbm:s6], $0xF7A  }
0x23: {  	s9 =	sor.u32 $0xD0000000, s2;
	s6 =	simm.s32 $0x108;
	_ =	swait.ge @!p0 [sflag:s8], $0x0  }
0x24: {  	s3 =	sadd.s32 $0x88, s3;
	s6 =	simm.s32 @!p1 $0x1082;
	[sflag:s4] =	ssyncset.s32 $0xFFFFF086  }
0x25: {  	[simem:s6], [sflag:s4] =	dma.local [hbm:s3], $0xF7A  }
0x26: {  	[smem:$0x3F95] =	sst s1;
	(tag) =	ssettag s2;
	_ =	strace s9  }
0x27: {  	s1 =	sld [smem:$0x3FA5]  }
0x28: {  	s2 =	sld [smem:$0x3FA6]  }
0x29: {  	s4 =	sld [smem:$0x3FA8]  }
0x2a: {  	p0 =	seq.s32 s5, $0x0;
	s5 =	sld [smem:$0x3FA9]  }
0x2b: {  	s6 =	sld [smem:$0x3FAA]  }
0x2c: {  	s7 =	sld [smem:$0x3FAB]  }
0x2d: {  	s3 =	simm.s32 $0x108;
	s8 =	sld [smem:$0x3FAC]  }
0x2e: {  	s3 =	simm.s32 @!p0 $0x1082;
	s9 =	sld [smem:$0x3FAD]  }
0x2f: {  	lr =	sadd.s32 s0, s3;
	s0 =	sld [smem:$0x3FA4]  }
0x30: {  	s3 =	sld [smem:$0x3FA7]  }
0x31: {  	[smem:$0x3FB0] =	sst s10  }
0x32: {  	s10 =	sld [smem:$0x3FAE];
	_ =	sdelay $0x3  }
0x33: {  	p0 =	seq.s32 s10, $0x1;
	s10 =	sld [smem:$0x3FB0];
	_ =	sdelay $0x3  }
0x34: {  	[smem:$0x3FB0] =	sst s10  }
0x35: {  	s10 =	sld [smem:$0x3FAF];
	_ =	sdelay $0x3  }
0x36: {  	p1 =	seq.s32 s10, $0x1;
	s10 =	sld [smem:$0x3FB0];
	_ =	sdelay $0x3  }
0x37: {  	[smem:$0x3FB0] =	sst s10  }
0x38: {  	s10 =	sld [smem:$0x3FB1]  }
0x39: {  	_ = 	snop;
	(pc) =	sbr.ind lr, $3  }
0x3a: {  	_ = 	snop  }
0x3b: {  	_ = 	snop  }
0x3c: {  	p2 =	seq.s32 s10, $0x1;
	s10 =	sld [smem:$0x3FB0]  }
0x3d: {  	_ =	shalt  }
0x3e: {  	_ =	shalt  }
0x3f: {  	_ =	shalt  }
0x40: {  	_ =	shalt  }
0x41: {  	_ =	shalt  }
0x42: {  	_ =	shalt  }
0x43: {  	_ =	shalt  }
0x44: {  	_ =	shalt  }
0x45: {  	_ =	shalt  }
0x46: {  	_ =	shalt  }
0x47: {  	_ =	shalt  }
0x48: {  	_ =	shalt  }
0x49: {  	_ =	shalt  }
0x4a: {  	_ =	shalt  }
0x4b: {  	_ =	shalt  }
0x4c: {  	_ =	shalt  }
0x4d: {  	_ =	shalt  }
0x4e: {  	_ =	shalt  }
0x4f: {  	_ =	shalt  }
0x50: {  	_ =	shalt  }
0x51: {  	_ =	shalt  }
0x52: {  	_ =	shalt  }
0x53: {  	_ =	shalt  }
0x54: {  	_ =	shalt  }
0x55: {  	_ =	shalt  }
0x56: {  	_ =	shalt  }
0x57: {  	_ =	shalt  }
0x58: {  	_ =	shalt  }
0x59: {  	_ =	shalt  }
0x5a: {  	_ =	shalt  }
0x5b: {  	_ =	shalt  }
0x5c: {  	_ =	shalt  }
0x5d: {  	_ =	shalt  }
0x5e: {  	_ =	shalt  }
0x5f: {  	_ =	shalt  }
0x60: {  	_ =	shalt  }
0x61: {  	_ =	shalt  }
0x62: {  	_ =	shalt  }
0x63: {  	_ =	shalt  }
0x64: {  	_ =	shalt  }
0x65: {  	_ =	shalt  }
0x66: {  	_ =	shalt  }
0x67: {  	_ =	shalt  }
0x68: {  	_ =	shalt  }
0x69: {  	_ =	shalt  }
0x6a: {  	_ =	shalt  }
0x6b: {  	_ =	shalt  }
0x6c: {  	_ =	shalt  }
0x6d: {  	_ =	shalt  }
0x6e: {  	_ =	shalt  }
0x6f: {  	_ =	shalt  }
0x70: {  	_ =	shalt  }
0x71: {  	_ =	shalt  }
0x72: {  	_ =	shalt  }
0x73: {  	_ =	shalt  }
0x74: {  	_ =	shalt  }
0x75: {  	_ =	shalt  }
0x76: {  	_ =	shalt  }
0x77: {  	_ =	shalt  }
0x78: {  	_ =	shalt  }
0x79: {  	_ =	shalt  }
0x7a: {  	_ =	shalt  }
0x7b: {  	_ =	shalt  }
0x7c: {  	_ =	shalt  }
0x7d: {  	_ =	shalt  }
0x7e: {  	_ =	shalt  }
0x7f: {  	_ =	shalt  }
0x80: {  	_ =	shalt  }
0x81: {  	_ =	shalt  }
0x82: {  	_ =	shalt  }
0x83: {  	_ =	shalt  }
0x84: {  	_ =	shalt  }
0x85: {  	_ =	shalt  }
0x86: {  	_ =	shalt  }
0x87: {  	_ =	shalt  }
.Lfunc_end0:
.L_simem_size_0:
called_computation_lowered:
.L_overlay_start_0:
0x88: {  	s2 =	sld [smem:$0x3FD9]  }
0x89: {  	s3 =	sld [smem:$0x3FFE];
	_ =	sdelay $0x1  }
0x8a: {  	s1 =	srdreg.scid  }
0x8b: {  	s0 =	sand.u32 $0x1, s1  }
0x8c: {  	s14 =	sshll.u32 s0, $0xA;
	s2 =	sadd.s32 s3, s2  }
0x8d: {  	s2 =	sadd.s32 s2, s14  }
0x8e: {  	[smem:$0x3FBC] =	sst s2  }
0x8f: {  	_ = 	snop  }
0x90: {  	s2 =	sld [smem:$0x3FD0];
	_ =	sdelay $0x2  }
0x91: {  	s15 =	simm.s32 $0xA;
	s4 =	simm.s32 $0x10  }
0x92: {  	[smem:s4], [sflag:s15] =	dma.local [hbm:s2], $0x1  }
0x93: {  	_ =	swait.eq [sflag:s15], $0x1  }
0x94: {  	[sflag:s15] =	ssyncset.done $0x0  }
0x95: {  	s16 =	sld [smem:$0x11];
	[sflag:s15] =	ssyncadd.s32 $0xFFFFFFFF  }
0x96: {  	s17 =	sld [smem:$0x12];
	(tm) =	ssettm $0x1  }
0x97: {  	s18 =	sld [smem:$0x3FFB];
	_ =	sdelay $0x3  }
0x98: {  	_ =	strace s18  }
0x99: {  	s4 =	sld [smem:$0x3FFC];
	_ =	sdelay $0x3  }
0x9a: {  	_ =	strace s4  }
0x9b: {  	s4 =	sld [smem:$0x3FFD];
	_ =	sdelay $0x3  }
0x9c: {  	_ =	strace s4  }
0x9d: {  	_ =	strace $0x8FFFFFFF  }
0x9e: {  	s19 =	sld [smem:$0x3FDB];
	_ =	sdelay $0x1  }
0x9f: {  	s5 =	simm.s32 $_scs_section_size  }
0xa0: {  	s6 =	simm.s32 $_size__tile_overlayer_lowered;
	s7 =	simm.s32 $_tile_overlayer_lowered  }
0xa1: {  	s22 =	simm.s32 $0x1BFF;
	s21 =	sshll.u32 s7, $0x1;
	s4 =	sadd.s32 s5, s19  }
0xa2: {  	s8 =	simm.s32 $0x0;
	s20 =	sshll.u32 s6, $0x1;
	s6 =	sadd.s32 s21, s4  }
0xa3: {  	[timem:s8], [sflag:s22] =	dma.local [hbm:s6], s20  }
0xa4: {  	_ =	swait.ge [sflag:s22], s20  }
0xa5: {  	s5 =	ssub.s32 $0x0, s20;
	[sflag:s22] =	ssyncset.done $0x0  }
0xa6: {  	[sflag:s22] =	ssyncadd.s32 s5;
	_ =	sdelay $0x1  }
0xa7: {  	s23 =	simm.s32 $0x1B8B  }
0xa8: {  	_ =	swait.ge [sflag:s23], $0x1  }
0xa9: {  	[sflag:s23] =	ssyncset.done $0x0  }
0xaa: {  	s25 =	simm.s32 $0x1B8E;
	s24 =	sld [smem:$0x3FFE];
	[sflag:s23] =	ssyncadd.s32 $0xFFFFFFFF  }
0xab: {  	s26 =	simm.s32 $execute0_lowered;
	[smem:$0x3FD2] =	sst s25  }
0xac: {  	s6 =	sshll.u32 s26, $0x1;
	_ =	strace $0x80000046;
	[dreg:$0x1] =	wrdreg $0xFFFFFFFF  }
0xad: {  	s28 =	simm.s32 $_size_execute0_lowered;
	s4 =	sadd.s32 s4, s6;
	[dreg:$0x0] =	wrdreg $0x0  }
0xae: {  	s6 =	sshll.u32 s28, $0x1;
	[dreg:$0x2] =	wrdreg s4  }
0xaf: {  	[dreg:$0x3] =	wrdreg s6  }
0xb0: {  	[dreg:$0x4] =	wrdreg $0xC0  }
0xb1: {  	_ =	task [dreg:s8], $0x5FFFF  }
0xb2: {  	[dreg:$0x1] =	wrdreg $0xFFFFFFFF  }
0xb3: {  	[dreg:$0x0] =	wrdreg $0x60  }
0xb4: {  	[dreg:$0x2] =	wrdreg s24  }
0xb5: {  	[dreg:$0x3] =	wrdreg s16  }
0xb6: {  	[dreg:$0x4] =	wrdreg s17  }
0xb7: {  	[dreg:$0x5] =	wrdreg $0x64800  }
0xb8: {  	[dreg:$0x6] =	wrdreg $0x9  }
0xb9: {  	_ =	task.clear_ibuf [dreg:s8], $0x7FFFF;
	_ =	strace $0x90000046  }
0xba: {  	s29 =	simm.s32 $0x9;
	_ =	strace $0x80000048  }
0xbb: {  	_ =	swait.ge [sflag:s29], $0x1  }
0xbc: {  	[sflag:s29] =	ssyncadd.s32 $0xFFFFFFFF  }
0xbd: {  	_ =	strace $0x90000048  }
0xbe: {  	_ =	sfence  }
0xbf: {  	s30 =	sld [smem:$0x0];
	_ =	sdelay $0x2  }
0xc0: {  	s31 =	sshll.u32 s1, $0xD;
	s1 =	sshrl.u32 s1, $0x2  }
0xc1: {  	s3 =	sand.u32 $0x4000, s31;
	s1 =	sadd.s32 s1, s30  }
0xc2: {  	s0 =	sor.u32 s3, s0;
	s1 =	sshll.u32 s1, $0x11  }
0xc3: {  	s0 =	sor.u32 s1, s0  }
0xc4: {  	s0 =	sadd.s32 $0x8F2B, s0  }
0xc5: {  	[sflag:s0] =	ssyncadd.remote.s32 $0x1  }
0xc6: {  	_ =	sfence.sel $0xFFFF  }
0xc7: {  	[dreg:$0x0] =	wrdreg $0xFFFFFFFF;
	(pc) =	sbr.abs _section_cstart, $3  }
0xc8: {  	[dreg:$0x1] =	wrdreg $0xFFFFFFFF  }
0xc9: {  	_ =	task.clear_ibuf [dreg:s8], $0x2FFFF;
	_ =	strace $0x9FFFFFFF  }
0xca: {  	(tm) =	ssettm $0x7FFFFFFF  }
0xcb: {  	_ =	shalt  }
tec
execute0_lowered:
.L_overlay_start_1:
0x0: {  	(tag) =	ssettag $0x1  }
0x1: {  	s4 =	rddreg [dreg:$0x0]  }
0x2: {  	s1 =	rddreg [dreg:$0x1]  }
0x3: {  	s5 =	rddreg [dreg:$0x2]  }
0x4: {  	s2 =	rddreg [dreg:$0x3]  }
0x5: {  	s0 =	rddreg [dreg:$0x4]  }
0x6: {  	s8 =	stileid.u32;
	s6 =	srdreg.scid  }
0x7: {  	s3 =	simm.s32 $0x0;
	s12 =	simm.s32 $0x0;
	s7 =	smul.u32 $0xA00, s8  }
0x8: {  	s6 =	sand.u32 $0x1, s6;
	[smem:$0x7FF] =	sst s3;
	p0 =	sne.s32 s8, $0x0  }
0x9: {  	s8 =	simm.s32 $0x6400;
	s9 =	ssub.s32 $0x2, s6;
	s10 =	smul.u32 $0x1400, s6  }
0xa: {  	_ =	strace $0x80000047;
	s11 =	sshrl.u32 @!p0 s2, $0x3;
	s30 =	sshrl.u32 s9, $0x1  }
0xb: {  	s4 =	sadd.s32 s7, s4;
	s7 =	simm.s32 $0x1;
	s6 =	ssub.s32 s9, s30  }
0xc: {  	s4 =	sadd.s32 $0x800, s4;
	s31 =	sshrl.u32 s10, $0x3;
	s9 =	simm.s32 $0x5000  }
0xd: {  	v1 =	vimm.f32 $0.0e+00;
	v2 =	vimm.f32 $1.000000000e+00;
	v0 =	vmov s10;
	s10 =	simm.s32 $0x28;
	s5 =	sadd.s32 s5, s31;
	s6 =	smax.u32 s6, $0x1  }
.LBB2_1:
0xe: {  	[tilespmem:s3], [sflag:$0x1] =	stream.linear.gather [hbm4b:s4+s3], $0x5000, $0x38;
	[tilespmem:$0x65C0] =	vst v63  }
0xf: {  	s13 =	sand.u32 $0x7E00, s3;
	s14 =	sand.u32 $0x70, s3;
	_ =	swait.ge [sflag:s7], $0x5000  }
0x10: {  	s15 =	sshrl.u32 s13, $0x2;
	s13 =	simm.s32 $0x40;
	[sflag:s7] =	ssyncset.done $0x0  }
0x11: {  	s15 =	sor.u32 s14, s15;
	s14 =	simm.s32 $0x0;
	[sflag:s7] =	ssyncadd.s32 $0xFFFFB000  }
.LBB2_2:
0x12: {  	p1 =	sne.s32 s13, $0x4FC0  }
0x13: {  	[tilespmem:s15+$0x5000] =	vst v1;
	s14 =	sadd.s32 $0x10, s14;
	s15 =	smov.u32 s13;
	s13 =	sadd.s32 $0x40, s13  }
.Ltmp0:
0x14: {  	(pc) =	sbr.rel @p1 .LBB2_2-.Ltmp0, $4  }
0x15: {  	_ = 	snop  }
0x16: {  	s15 =	sand.u32 $0x7E00, s15  }
0x17: {  	s16 =	sand.u32 $0x70, s14;
	s15 =	sshrl.u32 s15, $0x2  }
0x18: {  	s15 =	sor.u32 s16, s15  }
0x19: {  	[tilespmem:s15+$0x5000] =	vst v1;
	s13 =	simm.s32 @!p0 $0x5000  }
0x1a: {  	[spmem:s2] =	stream.linear.scatter @!p0 [tilespmem:s13], [sflag:$0x1], $0x1400, $0x38;
	[tilespmem:$0x65C0] =	vst v63  }
0x1b: {  	s13 =	simm.s32 @!p0 $0x1  }
0x1c: {  	_ =	swait.ge @!p0 [sflag:s13], $0x1400  }
0x1d: {  	[sflag:s13] =	ssyncset.done @!p0 $0x0  }
0x1e: {  	s30 =	simm.s32 $0x0;
	[sflag:s13] =	ssyncadd.s32 @!p0 $0xFFFFEC00  }
0x1f: {  	[tilespmem:s8], [sflag:$0x1] =	stream.linear.gather [hbm4b:s1+s30], $0x80, $0x38;
	[tilespmem:$0x65C0] =	vst v63  }
0x20: {  	s14 =	sand.u32 $0x1FE00, s30;
	_ =	swait.ge [sflag:s7], $0x80  }
0x21: {  	s14 =	sshrl.u32 s14, $0x2;
	s13 =	sand.u32 $0x70, s30;
	[sflag:s7] =	ssyncset.done $0x0  }
0x22: {  	s13 =	sor.u32 s13, s14;
	[sflag:s7] =	ssyncadd.s32 $0xFFFFFF80  }
0x23: {  	v3 =	vld [tilespmem:s13+$0x0];
	_ =	sdelay $0x4  }
0x24: {  	v3 =	vsub.s32 v3, v0  }
0x25: {  	vm0 =	vlt.u32 v3, $0x1400  }
0x26: {  	v3 =	vnsel vm0, $0x0, v3;
	_ =	sdelay $0x1  }
0x27: {  	s31 =	simm.s32 $0x40  }
0x28: {  	s15 =	sand.u32 $0x1FE00, s31;
	s14 =	simm.s32 $0x80;
	s13 =	simm.s32 $0x10  }
.LBB2_4:
0x29: {  	p1 =	sne.s32 s14, $0x13FC0;
	s16 =	sand.u32 $0x70, s13;
	s15 =	sshrl.u32 s15, $0x2  }
0x2a: {  	s15 =	sor.u32 s16, s15;
	[tilespmem:v3+s9+$0x0] =	vst.idx.add.f32.msk vm0, v2  }
0x2b: {  	v3 =	vld [tilespmem:s15+$0x0];
	_ =	sdelay $0x4  }
0x2c: {  	v3 =	vsub.s32 v3, v0  }
.Ltmp1:
0x2d: {  	vm0 =	vlt.u32 v3, $0x1400;
	(pc) =	sbr.rel @p1 .LBB2_4-.Ltmp1, $2  }
0x2e: {  	v3 =	vnsel vm0, $0x0, v3;
	_ =	sdelay $0x2  }
0x2f: {  	s13 =	sadd.s32 $0x10, s13;
	s15 =	sand.u32 $0x1FE00, s14;
	s14 =	sadd.s32 $0x40, s14  }
0x30: {  	_ =	sdelay $0x3  }
0x31: {  	s13 =	sand.u32 $0x70, s13;
	s14 =	sshrl.u32 s15, $0x2  }
0x32: {  	[tilespmem:v3+s9+$0x0] =	vst.idx.add.f32.msk vm0, v2;
	s13 =	sor.u32 s13, s14  }
0x33: {  	v3 =	vld [tilespmem:s13+$0x0];
	_ =	sdelay $0x4  }
0x34: {  	v3 =	vsub.s32 v3, v0  }
0x35: {  	vm15 =	vlt.u32 v3, $0x1400  }
0x36: {  	v3 =	vnsel vm15, $0x0, v3;
	_ =	sdelay $0x4  }
0x37: {  	[tilespmem:v3+s9+$0x0] =	vst.idx.add.f32.msk vm15, v2  }
0x38: {  	[bflag:$0x0] =	sbarrier.arrive $0xFFFF  }
0x39: {  	[spmem:s2] =	stream.indirect.scatter.add.f32 [tilespmem:s9], [sflag:$0x1], $0x80, s8, s10, $0xb8;
	[tilespmem:$0x65C0] =	vst v63  }
0x3a: {  	_ =	swait.ge [sflag:s7], $0x1400  }
0x3b: {  	[sflag:s7] =	ssyncset.done $0x0  }
0x3c: {  	s12 =	sadd.s32 $0x1, s12;
	[sflag:s7] =	ssyncadd.s32 $0xFFFFEC00  }
0x3d: {  	p1 =	sne.s32 s12, s6;
	s13 =	simm.s32 @!p0 $0x1C01;
	[bflag:$0x0] =	sbarrier.arrive $0xFFFF  }
0x3e: {  	[hbm:s5], [sflag:s13] =	dma.local @!p0 [spmem:s11], $0x280  }
.Ltmp2:
0x3f: {  	_ = 	snop;
	(pc) =	sbr.rel @p1 .LBB2_1-.Ltmp2, $4  }
0x40: {  	s13 =	simm.s32 @!p0 $0x1  }
0x41: {  	_ =	swait.ge @!p0 [sflag:s13], $0x280  }
0x42: {  	[sflag:s13] =	ssyncset.done @!p0 $0x0  }
0x43: {  	[sflag:s13] =	ssyncadd.s32 @!p0 $0xFFFFFD80  }
0x44: {  	_ =	sfence.sel $0x180000  }
0x45: {  	[bflag:$0x0] =	sbarrier.arrive $0xFFFF  }
0x46: {  	_ =	strace $0x90000047  }
0x47: {  	s0 =	sadd.s32 @!p0 $0x100000, s0;
	[bflag:$0x2] =	sbarrier.arrive $0xFFFF  }
0x48: {  	[sflag:s0] =	ssyncadd.tile.s32 @!p0 $0x1;
	_ =	shalt  }
.Lfunc_end2:
_tile_overlayer_lowered:
.L_overlay_start_2:
0x49: {  	(tag) =	ssettag $0x2  }
0x4a: {  	s0 =	rddreg [dreg:$0x0];
	s2 =	stileid.u32  }
0x4b: {  	s1 =	rddreg [dreg:$0x1];
	p0 =	sne.s32 s2, $0x0  }
0x4c: {  	s3 =	rddreg [dreg:$0x2];
	[bflag:$0x3] =	sbarrier.arrive $0xFFFF;
	s2 =	simm.s32 @!p0 $0x1C01  }
0x4d: {  	[timem:s3], [sflag:s2] =	dma.local @!p0 [hbm:s0], s1  }
0x4e: {  	s0 =	simm.s32 @!p0 $0x1  }
0x4f: {  	_ =	swait.ge @!p0 [sflag:s0], s1  }
0x50: {  	s1 =	ssub.s32 @!p0 $0x0, s1;
	[sflag:s0] =	ssyncset.done @!p0 $0x0  }
0x51: {  	[sflag:s0] =	ssyncadd.s32 @!p0 s1  }
0x52: {  	[bflag:$0x3] =	sbarrier.arrive $0xFFFF  }
0x53: {  	_ =	shalt  }

</sc_bundles>
